<compile_context>
chip_gen: v7x
topology: tpu7x:2x2x1
jax: 0.10.2.dev20260603
libtpu: 0.0.44.dev20260713+nightly
codegen_flags: <defaults>
</compile_context>

<pallas_src>
import functools

import jax
import jax.numpy as jnp
from jax import lax
from jax.experimental import pallas as pl
from jax.experimental.pallas import tpu as pltpu
from jax.experimental.pallas import tpu_sc as plsc


def _make_gather(B, V, D, n_cores, n_subcores, chunk, nbuf):
    nw = n_cores * n_subcores
    assert B % nw == 0
    b_per_w = B // nw
    assert b_per_w % chunk == 0
    n_chunks = b_per_w // chunk
    mesh = plsc.VectorSubcoreMesh(core_axis_name="c", subcore_axis_name="s")

    @functools.partial(
        pl.kernel,
        mesh=mesh,
        out_type=jax.ShapeDtypeStruct((B, D), jnp.float32),
        scratch_types=[
            pltpu.VMEM((b_per_w,), jnp.int32),
            pltpu.VMEM((nbuf, chunk, D), jnp.float32),
            pltpu.SemaphoreType.DMA,
            pltpu.SemaphoreType.DMA,
        ],
    )
    def gather_kernel(idx_hbm, emb_hbm, out_hbm, idx_v, rows_v, gsem, osem):
        wid = lax.axis_index("s") * n_cores + lax.axis_index("c")
        base = wid * b_per_w
        pltpu.sync_copy(idx_hbm.at[pl.ds(base, b_per_w)], idx_v)
        def start_gather(ch, buf):
            return pltpu.async_copy(
                emb_hbm.at[idx_v.at[pl.ds(ch * chunk, chunk)]],
                rows_v.at[buf],
                gsem,
            )

        def start_out(ch, buf):
            return pltpu.async_copy(
                rows_v.at[buf],
                out_hbm.at[pl.ds(base + ch * chunk, chunk)],
                osem,
            )

        gathers = [None] * n_chunks
        outs = [None] * n_chunks
        out_waited = [False] * n_chunks
        for b in range(min(nbuf - 1, n_chunks)):
            gathers[b] = start_gather(b, b % nbuf)
        for ch in range(n_chunks):
            buf = ch % nbuf
            gathers[ch].wait()
            outs[ch] = start_out(ch, buf)
            nxt = ch + nbuf - 1
            if nxt < n_chunks:
                prev = nxt - nbuf
                if prev >= 0:
                    outs[prev].wait()
                    out_waited[prev] = True
                gathers[nxt] = start_gather(nxt, nxt % nbuf)
        for ch in range(n_chunks):
            if not out_waited[ch]:
                outs[ch].wait()

    return gather_kernel


def kernel(x, emb):
    B0, T = x.shape
    V, D = emb.shape
    B = B0 * T
    xf = x.T.reshape(B).astype(jnp.int32)
    info = plsc.get_sparse_core_info()
    fn = _make_gather(B, V, D, info.num_cores, info.num_subcores,
                      chunk=160, nbuf=5)
    out = fn(xf, emb)
    return out.reshape(T, B0, D).swapaxes(0, 1)

# --- scband reference (transcript-rebuilt; emitter-appended) ---
"""Pipeline reference for scband-codebook-36438502539360 (READ-ONLY COPY).

The authoritative reference and input builder live on the scoring server;
editing this copy changes nothing except your own understanding.
"""

import jax, jax.numpy as jnp
import numpy as np

VOCAB_SIZE = 100000
N_EMBD = 128
PAD_TOK_IDX = 0


def setup_inputs(seed: int = 0) -> dict:
    key = jax.random.key(seed)
    k_idx, k_emb = jax.random.split(key)
    x = jax.random.randint(k_idx, (4096, 50), 0, VOCAB_SIZE, dtype=jnp.int64)
    emb = jax.random.normal(k_emb, (VOCAB_SIZE, N_EMBD), dtype=jnp.float32)
    # nn.Embedding(padding_idx=...) zero-initializes the padding row
    emb = emb.at[PAD_TOK_IDX].set(0.0)
    return {"x": x, "emb": emb}


def reference(x, emb):
    # assert torch.all(x < vocab_size) -- indices guaranteed in range by setup
    # nn.Embedding forward: row gather from the table
    return jnp.take(emb, x, axis=0)

if __name__ == "__main__":
    import jax
    _d = setup_inputs()
    print(jax.jit(kernel)(*tuple(_d.values())))

</pallas_src>

<mosaic_0001>
#map = affine_map<(d0, d1) -> (0)>
#map1 = affine_map<(d0, d1) -> (0, 0)>
module attributes {stable_mosaic.version = 14 : i64} {
  func.func @gather_kernel(%arg0: i32, %arg1: i32, %arg2: memref<204800xi32, #tpu.memory_space<hbm>>, %arg3: memref<100000x128xf32, #tpu.memory_space<hbm>>, %arg4: memref<204800x128xf32, #tpu.memory_space<hbm>>, %arg5: memref<6400xi32, #tpu.memory_space<vmem>>, %arg6: memref<5x160x128xf32, #tpu.memory_space<vmem>>, %arg7: memref<!tpu.dma_semaphore, #tpu.memory_space<semaphore_mem>>, %arg8: memref<!tpu.dma_semaphore, #tpu.memory_space<semaphore_mem>>) attributes {dimension_semantics = [#tpu.dimension_semantics<core_parallel>, #tpu.dimension_semantics<subcore_parallel>], iteration_bounds = array<i64: 2, 16>, scalar_prefetch = 0 : i64, scratch_operands = 4 : i64, tpu.core_type = #tpu.core_type<sc_vector_subcore>, window_params = [{transform_indices = #map}, {transform_indices = #map1}, {transform_indices = #map1}]} {
    %mul3A = arith.constant 2 : i32
    %mul3A_0 = arith.muli %arg1, %mul3A : i32
    %add3A = arith.addi %mul3A_0, %arg0 : i32
    %mul3A_1 = arith.constant 6400 : i32
    %mul3A_2 = arith.muli %add3A, %mul3A_1 : i32
    "tpu.region"() ({
      %run_scoped3A = tpu.sem_alloc : memref<!tpu.dma_semaphore, #tpu.memory_space<semaphore_mem>>
      %dma_start3A_1921 = tpu.memref_slice %arg2[%mul3A_2] : memref<204800xi32, #tpu.memory_space<hbm>> -> memref<6400xi32, #tpu.memory_space<hbm>>
      %dma_start3A_1922 = tpu.memref_slice %arg2[%mul3A_2] : memref<204800xi32, #tpu.memory_space<hbm>> -> memref<6400xi32, #tpu.memory_space<hbm>>
      tpu.enqueue_dma source(%dma_start3A_1922 : memref<6400xi32, #tpu.memory_space<hbm>>) target(%arg5 : memref<6400xi32, #tpu.memory_space<vmem>>) target_semaphore(%run_scoped3A : memref<!tpu.dma_semaphore, #tpu.memory_space<semaphore_mem>>)
      %dma_wait3A_1923 = tpu.memref_slice %arg2[%mul3A_2] : memref<204800xi32, #tpu.memory_space<hbm>> -> memref<6400xi32, #tpu.memory_space<hbm>>
      %dma_wait3A_1924 = tpu.memref_slice %arg2[%mul3A_2] : memref<204800xi32, #tpu.memory_space<hbm>> -> memref<6400xi32, #tpu.memory_space<hbm>>
      tpu.wait_dma2 semaphore(%run_scoped3A : memref<!tpu.dma_semaphore, #tpu.memory_space<semaphore_mem>>) src(%dma_wait3A_1924 : memref<6400xi32, #tpu.memory_space<hbm>>) dst(%arg5 : memref<6400xi32, #tpu.memory_space<vmem>>)
      tpu.yield
    }) : () -> ()
    %dma_start3A = arith.constant 0 : i32
    %dma_start3A_3 = arith.constant 0 : i32
    %dma_start3A_4 = arith.constant 0 : i32
    %dma_start3A_5 = tpu.memref_slice %arg6[%dma_start3A, %dma_start3A_3, %dma_start3A_4] : memref<5x160x128xf32, #tpu.memory_space<vmem>> -> memref<1x160x128xf32, #tpu.memory_space<vmem>>
    %dma_start3A_6 = tpu.memref_squeeze %dma_start3A_5 : memref<1x160x128xf32, #tpu.memory_space<vmem>> -> memref<160x128xf32, #tpu.memory_space<vmem>>
    %dma_start3A_7 = arith.constant 0 : i32
    %dma_start3A_8 = tpu.memref_slice %arg5[%dma_start3A_7] : memref<6400xi32, #tpu.memory_space<vmem>> -> memref<160xi32, #tpu.memory_space<vmem>>
    %dma_start3A_9 = arith.constant 0 : i32
    %dma_start3A_10 = arith.constant 0 : i32
    %dma_start3A_11 = tpu.memref_slice %arg3[%dma_start3A_9, %dma_start3A_10] : memref<100000x128xf32, #tpu.memory_space<hbm>> -> memref<100000x128xf32, #tpu.memory_space<hbm>>
    tpu.enqueue_indirect_dma source(%dma_start3A_11 : memref<100000x128xf32, #tpu.memory_space<hbm>>) target(%dma_start3A_6 : memref<160x128xf32, #tpu.memory_space<vmem>>) offsets(%dma_start3A_8 : memref<160xi32, #tpu.memory_space<vmem>>) semaphore(%arg7 : memref<!tpu.dma_semaphore, #tpu.memory_space<semaphore_mem>>)
    %dma_start3A_12 = arith.constant 1 : i32
    %dma_start3A_13 = arith.constant 0 : i32
    %dma_start3A_14 = arith.constant 0 : i32
    %dma_start3A_15 = tpu.memref_slice %arg6[%dma_start3A_12, %dma_start3A_13, %dma_start3A_14] : memref<5x160x128xf32, #tpu.memory_space<vmem>> -> memref<1x160x128xf32, #tpu.memory_space<vmem>>
    %dma_start3A_16 = tpu.memref_squeeze %dma_start3A_15 : memref<1x160x128xf32, #tpu.memory_space<vmem>> -> memref<160x128xf32, #tpu.memory_space<vmem>>
    %dma_start3A_17 = arith.constant 160 : i32
    %dma_start3A_18 = tpu.memref_slice %arg5[%dma_start3A_17] : memref<6400xi32, #tpu.memory_space<vmem>> -> memref<160xi32, #tpu.memory_space<vmem>>
    %dma_start3A_19 = arith.constant 0 : i32
    %dma_start3A_20 = arith.constant 0 : i32
    %dma_start3A_21 = tpu.memref_slice %arg3[%dma_start3A_19, %dma_start3A_20] : memref<100000x128xf32, #tpu.memory_space<hbm>> -> memref<100000x128xf32, #tpu.memory_space<hbm>>
    tpu.enqueue_indirect_dma source(%dma_start3A_21 : memref<100000x128xf32, #tpu.memory_space<hbm>>) target(%dma_start3A_16 : memref<160x128xf32, #tpu.memory_space<vmem>>) offsets(%dma_start3A_18 : memref<160xi32, #tpu.memory_space<vmem>>) semaphore(%arg7 : memref<!tpu.dma_semaphore, #tpu.memory_space<semaphore_mem>>)
    %dma_start3A_22 = arith.constant 2 : i32
    %dma_start3A_23 = arith.constant 0 : i32
    %dma_start3A_24 = arith.constant 0 : i32
    %dma_start3A_25 = tpu.memref_slice %arg6[%dma_start3A_22, %dma_start3A_23, %dma_start3A_24] : memref<5x160x128xf32, #tpu.memory_space<vmem>> -> memref<1x160x128xf32, #tpu.memory_space<vmem>>
    %dma_start3A_26 = tpu.memref_squeeze %dma_start3A_25 : memref<1x160x128xf32, #tpu.memory_space<vmem>> -> memref<160x128xf32, #tpu.memory_space<vmem>>
    %dma_start3A_27 = arith.constant 320 : i32
    %dma_start3A_28 = tpu.memref_slice %arg5[%dma_start3A_27] : memref<6400xi32, #tpu.memory_space<vmem>> -> memref<160xi32, #tpu.memory_space<vmem>>
    %dma_start3A_29 = arith.constant 0 : i32
    %dma_start3A_30 = arith.constant 0 : i32
    %dma_start3A_31 = tpu.memref_slice %arg3[%dma_start3A_29, %dma_start3A_30] : memref<100000x128xf32, #tpu.memory_space<hbm>> -> memref<100000x128xf32, #tpu.memory_space<hbm>>
    tpu.enqueue_indirect_dma source(%dma_start3A_31 : memref<100000x128xf32, #tpu.memory_space<hbm>>) target(%dma_start3A_26 : memref<160x128xf32, #tpu.memory_space<vmem>>) offsets(%dma_start3A_28 : memref<160xi32, #tpu.memory_space<vmem>>) semaphore(%arg7 : memref<!tpu.dma_semaphore, #tpu.memory_space<semaphore_mem>>)
    %dma_start3A_32 = arith.constant 3 : i32
    %dma_start3A_33 = arith.constant 0 : i32
    %dma_start3A_34 = arith.constant 0 : i32
    %dma_start3A_35 = tpu.memref_slice %arg6[%dma_start3A_32, %dma_start3A_33, %dma_start3A_34] : memref<5x160x128xf32, #tpu.memory_space<vmem>> -> memref<1x160x128xf32, #tpu.memory_space<vmem>>
    %dma_start3A_36 = tpu.memref_squeeze %dma_start3A_35 : memref<1x160x128xf32, #tpu.memory_space<vmem>> -> memref<160x128xf32, #tpu.memory_space<vmem>>
    %dma_start3A_37 = arith.constant 480 : i32
    %dma_start3A_38 = tpu.memref_slice %arg5[%dma_start3A_37] : memref<6400xi32, #tpu.memory_space<vmem>> -> memref<160xi32, #tpu.memory_space<vmem>>
    %dma_start3A_39 = arith.constant 0 : i32
    %dma_start3A_40 = arith.constant 0 : i32
    %dma_start3A_41 = tpu.memref_slice %arg3[%dma_start3A_39, %dma_start3A_40] : memref<100000x128xf32, #tpu.memory_space<hbm>> -> memref<100000x128xf32, #tpu.memory_space<hbm>>
    tpu.enqueue_indirect_dma source(%dma_start3A_41 : memref<100000x128xf32, #tpu.memory_space<hbm>>) target(%dma_start3A_36 : memref<160x128xf32, #tpu.memory_space<vmem>>) offsets(%dma_start3A_38 : memref<160xi32, #tpu.memory_space<vmem>>) semaphore(%arg7 : memref<!tpu.dma_semaphore, #tpu.memory_space<semaphore_mem>>)
    %dma_wait3A = arith.constant 0 : i32
    %dma_wait3A_42 = arith.constant 0 : i32
    %dma_wait3A_43 = arith.constant 0 : i32
    %dma_wait3A_44 = tpu.memref_slice %arg6[%dma_wait3A, %dma_wait3A_42, %dma_wait3A_43] : memref<5x160x128xf32, #tpu.memory_space<vmem>> -> memref<1x160x128xf32, #tpu.memory_space<vmem>>
    %dma_wait3A_45 = tpu.memref_squeeze %dma_wait3A_44 : memref<1x160x128xf32, #tpu.memory_space<vmem>> -> memref<160x128xf32, #tpu.memory_space<vmem>>
    %dma_wait3A_46 = arith.constant 0 : i32
    %dma_wait3A_47 = tpu.memref_slice %arg5[%dma_wait3A_46] : memref<6400xi32, #tpu.memory_space<vmem>> -> memref<160xi32, #tpu.memory_space<vmem>>
    %dma_wait3A_48 = arith.constant 0 : i32
    %dma_wait3A_49 = arith.constant 0 : i32
    %dma_wait3A_50 = tpu.memref_slice %arg3[%dma_wait3A_48, %dma_wait3A_49] : memref<100000x128xf32, #tpu.memory_space<hbm>> -> memref<100000x128xf32, #tpu.memory_space<hbm>>
    tpu.wait_indirect_dma semaphore(%arg7 : memref<!tpu.dma_semaphore, #tpu.memory_space<semaphore_mem>>) src(%dma_wait3A_50 : memref<100000x128xf32, #tpu.memory_space<hbm>>) dst(%dma_wait3A_45 : memref<160x128xf32, #tpu.memory_space<vmem>>)
    %add3A_51 = arith.constant 0 : i32
    %add3A_52 = arith.addi %mul3A_2, %add3A_51 : i32
    %dma_start3A_53 = arith.constant 0 : i32
    %dma_start3A_54 = arith.constant 0 : i32
    %dma_start3A_55 = arith.constant 0 : i32
    %dma_start3A_56 = tpu.memref_slice %arg6[%dma_start3A_53, %dma_start3A_54, %dma_start3A_55] : memref<5x160x128xf32, #tpu.memory_space<vmem>> -> memref<1x160x128xf32, #tpu.memory_space<vmem>>
    %dma_start3A_57 = tpu.memref_squeeze %dma_start3A_56 : memref<1x160x128xf32, #tpu.memory_space<vmem>> -> memref<160x128xf32, #tpu.memory_space<vmem>>
    %dma_start3A_58 = arith.constant 0 : i32
    %dma_start3A_59 = tpu.memref_slice %arg4[%add3A_52, %dma_start3A_58] : memref<204800x128xf32, #tpu.memory_space<hbm>> -> memref<160x128xf32, #tpu.memory_space<hbm>>
    %dma_start3A_60 = arith.constant 0 : i32
    %dma_start3A_61 = tpu.memref_slice %arg4[%add3A_52, %dma_start3A_60] : memref<204800x128xf32, #tpu.memory_space<hbm>> -> memref<160x128xf32, #tpu.memory_space<hbm>>
    %dma_start3A_62 = arith.constant 0 : i32
    %dma_start3A_63 = arith.constant 0 : i32
    %dma_start3A_64 = tpu.memref_slice %arg6[%dma_start3A_53, %dma_start3A_62, %dma_start3A_63] : memref<5x160x128xf32, #tpu.memory_space<vmem>> -> memref<1x160x128xf32, #tpu.memory_space<vmem>>
    %dma_start3A_65 = tpu.memref_squeeze %dma_start3A_64 : memref<1x160x128xf32, #tpu.memory_space<vmem>> -> memref<160x128xf32, #tpu.memory_space<vmem>>
    tpu.enqueue_dma source(%dma_start3A_65 : memref<160x128xf32, #tpu.memory_space<vmem>>) target(%dma_start3A_61 : memref<160x128xf32, #tpu.memory_space<hbm>>) target_semaphore(%arg8 : memref<!tpu.dma_semaphore, #tpu.memory_space<semaphore_mem>>)
    %dma_start3A_66 = arith.constant 4 : i32
    %dma_start3A_67 = arith.constant 0 : i32
    %dma_start3A_68 = arith.constant 0 : i32
    %dma_start3A_69 = tpu.memref_slice %arg6[%dma_start3A_66, %dma_start3A_67, %dma_start3A_68] : memref<5x160x128xf32, #tpu.memory_space<vmem>> -> memref<1x160x128xf32, #tpu.memory_space<vmem>>
    %dma_start3A_70 = tpu.memref_squeeze %dma_start3A_69 : memref<1x160x128xf32, #tpu.memory_space<vmem>> -> memref<160x128xf32, #tpu.memory_space<vmem>>
    %dma_start3A_71 = arith.constant 640 : i32
    %dma_start3A_72 = tpu.memref_slice %arg5[%dma_start3A_71] : memref<6400xi32, #tpu.memory_space<vmem>> -> memref<160xi32, #tpu.memory_space<vmem>>
    %dma_start3A_73 = arith.constant 0 : i32
    %dma_start3A_74 = arith.constant 0 : i32
    %dma_start3A_75 = tpu.memref_slice %arg3[%dma_start3A_73, %dma_start3A_74] : memref<100000x128xf32, #tpu.memory_space<hbm>> -> memref<100000x128xf32, #tpu.memory_space<hbm>>
    tpu.enqueue_indirect_dma source(%dma_start3A_75 : memref<100000x128xf32, #tpu.memory_space<hbm>>) target(%dma_start3A_70 : memref<160x128xf32, #tpu.memory_space<vmem>>) offsets(%dma_start3A_72 : memref<160xi32, #tpu.memory_space<vmem>>) semaphore(%arg7 : memref<!tpu.dma_semaphore, #tpu.memory_space<semaphore_mem>>)
    %dma_wait3A_76 = arith.constant 1 : i32
    %dma_wait3A_77 = arith.constant 0 : i32
    %dma_wait3A_78 = arith.constant 0 : i32
    %dma_wait3A_79 = tpu.memref_slice %arg6[%dma_wait3A_76, %dma_wait3A_77, %dma_wait3A_78] : memref<5x160x128xf32, #tpu.memory_space<vmem>> -> memref<1x160x128xf32, #tpu.memory_space<vmem>>
    %dma_wait3A_80 = tpu.memref_squeeze %dma_wait3A_79 : memref<1x160x128xf32, #tpu.memory_space<vmem>> -> memref<160x128xf32, #tpu.memory_space<vmem>>
    %dma_wait3A_81 = arith.constant 160 : i32
    %dma_wait3A_82 = tpu.memref_slice %arg5[%dma_wait3A_81] : memref<6400xi32, #tpu.memory_space<vmem>> -> memref<160xi32, #tpu.memory_space<vmem>>
    %dma_wait3A_83 = arith.constant 0 : i32
    %dma_wait3A_84 = arith.constant 0 : i32
    %dma_wait3A_85 = tpu.memref_slice %arg3[%dma_wait3A_83, %dma_wait3A_84] : memref<100000x128xf32, #tpu.memory_space<hbm>> -> memref<100000x128xf32, #tpu.memory_space<hbm>>
    tpu.wait_indirect_dma semaphore(%arg7 : memref<!tpu.dma_semaphore, #tpu.memory_space<semaphore_mem>>) src(%dma_wait3A_85 : memref<100000x128xf32, #tpu.memory_space<hbm>>) dst(%dma_wait3A_80 : memref<160x128xf32, #tpu.memory_space<vmem>>)
    %add3A_86 = arith.constant 160 : i32
    %add3A_87 = arith.addi %mul3A_2, %add3A_86 : i32
    %dma_start3A_88 = arith.constant 1 : i32
    %dma_start3A_89 = arith.constant 0 : i32
    %dma_start3A_90 = arith.constant 0 : i32
    %dma_start3A_91 = tpu.memref_slice %arg6[%dma_start3A_88, %dma_start3A_89, %dma_start3A_90] : memref<5x160x128xf32, #tpu.memory_space<vmem>> -> memref<1x160x128xf32, #tpu.memory_space<vmem>>
    %dma_start3A_92 = tpu.memref_squeeze %dma_start3A_91 : memref<1x160x128xf32, #tpu.memory_space<vmem>> -> memref<160x128xf32, #tpu.memory_space<vmem>>
    %dma_start3A_93 = arith.constant 0 : i32
    %dma_start3A_94 = tpu.memref_slice %arg4[%add3A_87, %dma_start3A_93] : memref<204800x128xf32, #tpu.memory_space<hbm>> -> memref<160x128xf32, #tpu.memory_space<hbm>>
    %dma_start3A_95 = arith.constant 0 : i32
    %dma_start3A_96 = tpu.memref_slice %arg4[%add3A_87, %dma_start3A_95] : memref<204800x128xf32, #tpu.memory_space<hbm>> -> memref<160x128xf32, #tpu.memory_space<hbm>>
    %dma_start3A_97 = arith.constant 0 : i32
    %dma_start3A_98 = arith.constant 0 : i32
    %dma_start3A_99 = tpu.memref_slice %arg6[%dma_start3A_88, %dma_start3A_97, %dma_start3A_98] : memref<5x160x128xf32, #tpu.memory_space<vmem>> -> memref<1x160x128xf32, #tpu.memory_space<vmem>>
    %dma_start3A_100 = tpu.memref_squeeze %dma_start3A_99 : memref<1x160x128xf32, #tpu.memory_space<vmem>> -> memref<160x128xf32, #tpu.memory_space<vmem>>
    tpu.enqueue_dma source(%dma_start3A_100 : memref<160x128xf32, #tpu.memory_space<vmem>>) target(%dma_start3A_96 : memref<160x128xf32, #tpu.memory_space<hbm>>) target_semaphore(%arg8 : memref<!tpu.dma_semaphore, #tpu.memory_space<semaphore_mem>>)
    %dma_wait3A_101 = arith.constant 0 : i32
    %dma_wait3A_102 = arith.constant 0 : i32
    %dma_wait3A_103 = arith.constant 0 : i32
    %dma_wait3A_104 = tpu.memref_slice %arg6[%dma_wait3A_101, %dma_wait3A_102, %dma_wait3A_103] : memref<5x160x128xf32, #tpu.memory_space<vmem>> -> memref<1x160x128xf32, #tpu.memory_space<vmem>>
    %dma_wait3A_105 = tpu.memref_squeeze %dma_wait3A_104 : memref<1x160x128xf32, #tpu.memory_space<vmem>> -> memref<160x128xf32, #tpu.memory_space<vmem>>
    %dma_wait3A_106 = arith.constant 0 : i32
    %dma_wait3A_107 = tpu.memref_slice %arg4[%add3A_52, %dma_wait3A_106] : memref<204800x128xf32, #tpu.memory_space<hbm>> -> memref<160x128xf32, #tpu.memory_space<hbm>>
    %dma_wait3A_108 = arith.constant 0 : i32
    %dma_wait3A_109 = tpu.memref_slice %arg4[%add3A_52, %dma_wait3A_108] : memref<204800x128xf32, #tpu.memory_space<hbm>> -> memref<160x128xf32, #tpu.memory_space<hbm>>
    %dma_wait3A_110 = arith.constant 0 : i32
    %dma_wait3A_111 = arith.constant 0 : i32
    %dma_wait3A_112 = tpu.memref_slice %arg6[%dma_wait3A_101, %dma_wait3A_110, %dma_wait3A_111] : memref<5x160x128xf32, #tpu.memory_space<vmem>> -> memref<1x160x128xf32, #tpu.memory_space<vmem>>
    %dma_wait3A_113 = tpu.memref_squeeze %dma_wait3A_112 : memref<1x160x128xf32, #tpu.memory_space<vmem>> -> memref<160x128xf32, #tpu.memory_space<vmem>>
    tpu.wait_dma2 semaphore(%arg8 : memref<!tpu.dma_semaphore, #tpu.memory_space<semaphore_mem>>) src(%dma_wait3A_113 : memref<160x128xf32, #tpu.memory_space<vmem>>) dst(%dma_wait3A_109 : memref<160x128xf32, #tpu.memory_space<hbm>>)
    %dma_start3A_114 = arith.constant 0 : i32
    %dma_start3A_115 = arith.constant 0 : i32
    %dma_start3A_116 = arith.constant 0 : i32
    %dma_start3A_117 = tpu.memref_slice %arg6[%dma_start3A_114, %dma_start3A_115, %dma_start3A_116] : memref<5x160x128xf32, #tpu.memory_space<vmem>> -> memref<1x160x128xf32, #tpu.memory_space<vmem>>
    %dma_start3A_118 = tpu.memref_squeeze %dma_start3A_117 : memref<1x160x128xf32, #tpu.memory_space<vmem>> -> memref<160x128xf32, #tpu.memory_space<vmem>>
    %dma_start3A_119 = arith.constant 800 : i32
    %dma_start3A_120 = tpu.memref_slice %arg5[%dma_start3A_119] : memref<6400xi32, #tpu.memory_space<vmem>> -> memref<160xi32, #tpu.memory_space<vmem>>
    %dma_start3A_121 = arith.constant 0 : i32
    %dma_start3A_122 = arith.constant 0 : i32
    %dma_start3A_123 = tpu.memref_slice %arg3[%dma_start3A_121, %dma_start3A_122] : memref<100000x128xf32, #tpu.memory_space<hbm>> -> memref<100000x128xf32, #tpu.memory_space<hbm>>
    tpu.enqueue_indirect_dma source(%dma_start3A_123 : memref<100000x128xf32, #tpu.memory_space<hbm>>) target(%dma_start3A_118 : memref<160x128xf32, #tpu.memory_space<vmem>>) offsets(%dma_start3A_120 : memref<160xi32, #tpu.memory_space<vmem>>) semaphore(%arg7 : memref<!tpu.dma_semaphore, #tpu.memory_space<semaphore_mem>>)
    %dma_wait3A_124 = arith.constant 2 : i32
    %dma_wait3A_125 = arith.constant 0 : i32
    %dma_wait3A_126 = arith.constant 0 : i32
    %dma_wait3A_127 = tpu.memref_slice %arg6[%dma_wait3A_124, %dma_wait3A_125, %dma_wait3A_126] : memref<5x160x128xf32, #tpu.memory_space<vmem>> -> memref<1x160x128xf32, #tpu.memory_space<vmem>>
    %dma_wait3A_128 = tpu.memref_squeeze %dma_wait3A_127 : memref<1x160x128xf32, #tpu.memory_space<vmem>> -> memref<160x128xf32, #tpu.memory_space<vmem>>
    %dma_wait3A_129 = arith.constant 320 : i32
    %dma_wait3A_130 = tpu.memref_slice %arg5[%dma_wait3A_129] : memref<6400xi32, #tpu.memory_space<vmem>> -> memref<160xi32, #tpu.memory_space<vmem>>
    %dma_wait3A_131 = arith.constant 0 : i32
    %dma_wait3A_132 = arith.constant 0 : i32
    %dma_wait3A_133 = tpu.memref_slice %arg3[%dma_wait3A_131, %dma_wait3A_132] : memref<100000x128xf32, #tpu.memory_space<hbm>> -> memref<100000x128xf32, #tpu.memory_space<hbm>>
    tpu.wait_indirect_dma semaphore(%arg7 : memref<!tpu.dma_semaphore, #tpu.memory_space<semaphore_mem>>) src(%dma_wait3A_133 : memref<100000x128xf32, #tpu.memory_space<hbm>>) dst(%dma_wait3A_128 : memref<160x128xf32, #tpu.memory_space<vmem>>)
    %add3A_134 = arith.constant 320 : i32
    %add3A_135 = arith.addi %mul3A_2, %add3A_134 : i32
    %dma_start3A_136 = arith.constant 2 : i32
    %dma_start3A_137 = arith.constant 0 : i32
    %dma_start3A_138 = arith.constant 0 : i32
    %dma_start3A_139 = tpu.memref_slice %arg6[%dma_start3A_136, %dma_start3A_137, %dma_start3A_138] : memref<5x160x128xf32, #tpu.memory_space<vmem>> -> memref<1x160x128xf32, #tpu.memory_space<vmem>>
    %dma_start3A_140 = tpu.memref_squeeze %dma_start3A_139 : memref<1x160x128xf32, #tpu.memory_space<vmem>> -> memref<160x128xf32, #tpu.memory_space<vmem>>
    %dma_start3A_141 = arith.constant 0 : i32
    %dma_start3A_142 = tpu.memref_slice %arg4[%add3A_135, %dma_start3A_141] : memref<204800x128xf32, #tpu.memory_space<hbm>> -> memref<160x128xf32, #tpu.memory_space<hbm>>
    %dma_start3A_143 = arith.constant 0 : i32
    %dma_start3A_144 = tpu.memref_slice %arg4[%add3A_135, %dma_start3A_143] : memref<204800x128xf32, #tpu.memory_space<hbm>> -> memref<160x128xf32, #tpu.memory_space<hbm>>
    %dma_start3A_145 = arith.constant 0 : i32
    %dma_start3A_146 = arith.constant 0 : i32
    %dma_start3A_147 = tpu.memref_slice %arg6[%dma_start3A_136, %dma_start3A_145, %dma_start3A_146] : memref<5x160x128xf32, #tpu.memory_space<vmem>> -> memref<1x160x128xf32, #tpu.memory_space<vmem>>
    %dma_start3A_148 = tpu.memref_squeeze %dma_start3A_147 : memref<1x160x128xf32, #tpu.memory_space<vmem>> -> memref<160x128xf32, #tpu.memory_space<vmem>>
    tpu.enqueue_dma source(%dma_start3A_148 : memref<160x128xf32, #tpu.memory_space<vmem>>) target(%dma_start3A_144 : memref<160x128xf32, #tpu.memory_space<hbm>>) target_semaphore(%arg8 : memref<!tpu.dma_semaphore, #tpu.memory_space<semaphore_mem>>)
    %dma_wait3A_149 = arith.constant 1 : i32
    %dma_wait3A_150 = arith.constant 0 : i32
    %dma_wait3A_151 = arith.constant 0 : i32
    %dma_wait3A_152 = tpu.memref_slice %arg6[%dma_wait3A_149, %dma_wait3A_150, %dma_wait3A_151] : memref<5x160x128xf32, #tpu.memory_space<vmem>> -> memref<1x160x128xf32, #tpu.memory_space<vmem>>
    %dma_wait3A_153 = tpu.memref_squeeze %dma_wait3A_152 : memref<1x160x128xf32, #tpu.memory_space<vmem>> -> memref<160x128xf32, #tpu.memory_space<vmem>>
    %dma_wait3A_154 = arith.constant 0 : i32
    %dma_wait3A_155 = tpu.memref_slice %arg4[%add3A_87, %dma_wait3A_154] : memref<204800x128xf32, #tpu.memory_space<hbm>> -> memref<160x128xf32, #tpu.memory_space<hbm>>
    %dma_wait3A_156 = arith.constant 0 : i32
    %dma_wait3A_157 = tpu.memref_slice %arg4[%add3A_87, %dma_wait3A_156] : memref<204800x128xf32, #tpu.memory_space<hbm>> -> memref<160x128xf32, #tpu.memory_space<hbm>>
    %dma_wait3A_158 = arith.constant 0 : i32
    %dma_wait3A_159 = arith.constant 0 : i32
    %dma_wait3A_160 = tpu.memref_slice %arg6[%dma_wait3A_149, %dma_wait3A_158, %dma_wait3A_159] : memref<5x160x128xf32, #tpu.memory_space<vmem>> -> memref<1x160x128xf32, #tpu.memory_space<vmem>>
    %dma_wait3A_161 = tpu.memref_squeeze %dma_wait3A_160 : memref<1x160x128xf32, #tpu.memory_space<vmem>> -> memref<160x128xf32, #tpu.memory_space<vmem>>
    tpu.wait_dma2 semaphore(%arg8 : memref<!tpu.dma_semaphore, #tpu.memory_space<semaphore_mem>>) src(%dma_wait3A_161 : memref<160x128xf32, #tpu.memory_space<vmem>>) dst(%dma_wait3A_157 : memref<160x128xf32, #tpu.memory_space<hbm>>)
    %dma_start3A_162 = arith.constant 1 : i32
    %dma_start3A_163 = arith.constant 0 : i32
    %dma_start3A_164 = arith.constant 0 : i32
    %dma_start3A_165 = tpu.memref_slice %arg6[%dma_start3A_162, %dma_start3A_163, %dma_start3A_164] : memref<5x160x128xf32, #tpu.memory_space<vmem>> -> memref<1x160x128xf32, #tpu.memory_space<vmem>>
    %dma_start3A_166 = tpu.memref_squeeze %dma_start3A_165 : memref<1x160x128xf32, #tpu.memory_space<vmem>> -> memref<160x128xf32, #tpu.memory_space<vmem>>
    %dma_start3A_167 = arith.constant 960 : i32
    %dma_start3A_168 = tpu.memref_slice %arg5[%dma_start3A_167] : memref<6400xi32, #tpu.memory_space<vmem>> -> memref<160xi32, #tpu.memory_space<vmem>>
    %dma_start3A_169 = arith.constant 0 : i32
    %dma_start3A_170 = arith.constant 0 : i32
    %dma_start3A_171 = tpu.memref_slice %arg3[%dma_start3A_169, %dma_start3A_170] : memref<100000x128xf32, #tpu.memory_space<hbm>> -> memref<100000x128xf32, #tpu.memory_space<hbm>>
    tpu.enqueue_indirect_dma source(%dma_start3A_171 : memref<100000x128xf32, #tpu.memory_space<hbm>>) target(%dma_start3A_166 : memref<160x128xf32, #tpu.memory_space<vmem>>) offsets(%dma_start3A_168 : memref<160xi32, #tpu.memory_space<vmem>>) semaphore(%arg7 : memref<!tpu.dma_semaphore, #tpu.memory_space<semaphore_mem>>)
    %dma_wait3A_172 = arith.constant 3 : i32
    %dma_wait3A_173 = arith.constant 0 : i32
    %dma_wait3A_174 = arith.constant 0 : i32
    %dma_wait3A_175 = tpu.memref_slice %arg6[%dma_wait3A_172, %dma_wait3A_173, %dma_wait3A_174] : memref<5x160x128xf32, #tpu.memory_space<vmem>> -> memref<1x160x128xf32, #tpu.memory_space<vmem>>
    %dma_wait3A_176 = tpu.memref_squeeze %dma_wait3A_175 : memref<1x160x128xf32, #tpu.memory_space<vmem>> -> memref<160x128xf32, #tpu.memory_space<vmem>>
    %dma_wait3A_177 = arith.constant 480 : i32
    %dma_wait3A_178 = tpu.memref_slice %arg5[%dma_wait3A_177] : memref<6400xi32, #tpu.memory_space<vmem>> -> memref<160xi32, #tpu.memory_space<vmem>>
    %dma_wait3A_179 = arith.constant 0 : i32
    %dma_wait3A_180 = arith.constant 0 : i32
    %dma_wait3A_181 = tpu.memref_slice %arg3[%dma_wait3A_179, %dma_wait3A_180] : memref<100000x128xf32, #tpu.memory_space<hbm>> -> memref<100000x128xf32, #tpu.memory_space<hbm>>
    tpu.wait_indirect_dma semaphore(%arg7 : memref<!tpu.dma_semaphore, #tpu.memory_space<semaphore_mem>>) src(%dma_wait3A_181 : memref<100000x128xf32, #tpu.memory_space<hbm>>) dst(%dma_wait3A_176 : memref<160x128xf32, #tpu.memory_space<vmem>>)
    %add3A_182 = arith.constant 480 : i32
    %add3A_183 = arith.addi %mul3A_2, %add3A_182 : i32
    %dma_start3A_184 = arith.constant 3 : i32
    %dma_start3A_185 = arith.constant 0 : i32
    %dma_start3A_186 = arith.constant 0 : i32
    %dma_start3A_187 = tpu.memref_slice %arg6[%dma_start3A_184, %dma_start3A_185, %dma_start3A_186] : memref<5x160x128xf32, #tpu.memory_space<vmem>> -> memref<1x160x128xf32, #tpu.memory_space<vmem>>
    %dma_start3A_188 = tpu.memref_squeeze %dma_start3A_187 : memref<1x160x128xf32, #tpu.memory_space<vmem>> -> memref<160x128xf32, #tpu.memory_space<vmem>>
    %dma_start3A_189 = arith.constant 0 : i32
    %dma_start3A_190 = tpu.memref_slice %arg4[%add3A_183, %dma_start3A_189] : memref<204800x128xf32, #tpu.memory_space<hbm>> -> memref<160x128xf32, #tpu.memory_space<hbm>>
    %dma_start3A_191 = arith.constant 0 : i32
    %dma_start3A_192 = tpu.memref_slice %arg4[%add3A_183, %dma_start3A_191] : memref<204800x128xf32, #tpu.memory_space<hbm>> -> memref<160x128xf32, #tpu.memory_space<hbm>>
    %dma_start3A_193 = arith.constant 0 : i32
    %dma_start3A_194 = arith.constant 0 : i32
    %dma_start3A_195 = tpu.memref_slice %arg6[%dma_start3A_184, %dma_start3A_193, %dma_start3A_194] : memref<5x160x128xf32, #tpu.memory_space<vmem>> -> memref<1x160x128xf32, #tpu.memory_space<vmem>>
    %dma_start3A_196 = tpu.memref_squeeze %dma_start3A_195 : memref<1x160x128xf32, #tpu.memory_space<vmem>> -> memref<160x128xf32, #tpu.memory_space<vmem>>
    tpu.enqueue_dma source(%dma_start3A_196 : memref<160x128xf32, #tpu.memory_space<vmem>>) target(%dma_start3A_192 : memref<160x128xf32, #tpu.memory_space<hbm>>) target_semaphore(%arg8 : memref<!tpu.dma_semaphore, #tpu.memory_space<semaphore_mem>>)
    %dma_wait3A_197 = arith.constant 2 : i32
    %dma_wait3A_198 = arith.constant 0 : i32
    %dma_wait3A_199 = arith.constant 0 : i32
    %dma_wait3A_200 = tpu.memref_slice %arg6[%dma_wait3A_197, %dma_wait3A_198, %dma_wait3A_199] : memref<5x160x128xf32, #tpu.memory_space<vmem>> -> memref<1x160x128xf32, #tpu.memory_space<vmem>>
    %dma_wait3A_201 = tpu.memref_squeeze %dma_wait3A_200 : memref<1x160x128xf32, #tpu.memory_space<vmem>> -> memref<160x128xf32, #tpu.memory_space<vmem>>
    %dma_wait3A_202 = arith.constant 0 : i32
    %dma_wait3A_203 = tpu.memref_slice %arg4[%add3A_135, %dma_wait3A_202] : memref<204800x128xf32, #tpu.memory_space<hbm>> -> memref<160x128xf32, #tpu.memory_space<hbm>>
    %dma_wait3A_204 = arith.constant 0 : i32
    %dma_wait3A_205 = tpu.memref_slice %arg4[%add3A_135, %dma_wait3A_204] : memref<204800x128xf32, #tpu.memory_space<hbm>> -> memref<160x128xf32, #tpu.memory_space<hbm>>
    %dma_wait3A_206 = arith.constant 0 : i32
    %dma_wait3A_207 = arith.constant 0 : i32
    %dma_wait3A_208 = tpu.memref_slice %arg6[%dma_wait3A_197, %dma_wait3A_206, %dma_wait3A_207] : memref<5x160x128xf32, #tpu.memory_space<vmem>> -> memref<1x160x128xf32, #tpu.memory_space<vmem>>
    %dma_wait3A_209 = tpu.memref_squeeze %dma_wait3A_208 : memref<1x160x128xf32, #tpu.memory_space<vmem>> -> memref<160x128xf32, #tpu.memory_space<vmem>>
    tpu.wait_dma2 semaphore(%arg8 : memref<!tpu.dma_semaphore, #tpu.memory_space<semaphore_mem>>) src(%dma_wait3A_209 : memref<160x128xf32, #tpu.memory_space<vmem>>) dst(%dma_wait3A_205 : memref<160x128xf32, #tpu.memory_space<hbm>>)
    %dma_start3A_210 = arith.constant 2 : i32
    %dma_start3A_211 = arith.constant 0 : i32
    %dma_start3A_212 = arith.constant 0 : i32
    %dma_start3A_213 = tpu.memref_slice %arg6[%dma_start3A_210, %dma_start3A_211, %dma_start3A_212] : memref<5x160x128xf32, #tpu.memory_space<vmem>> -> memref<1x160x128xf32, #tpu.memory_space<vmem>>
    %dma_start3A_214 = tpu.memref_squeeze %dma_start3A_213 : memref<1x160x128xf32, #tpu.memory_space<vmem>> -> memref<160x128xf32, #tpu.memory_space<vmem>>
    %dma_start3A_215 = arith.constant 1120 : i32
    %dma_start3A_216 = tpu.memref_slice %arg5[%dma_start3A_215] : memref<6400xi32, #tpu.memory_space<vmem>> -> memref<160xi32, #tpu.memory_space<vmem>>
    %dma_start3A_217 = arith.constant 0 : i32
    %dma_start3A_218 = arith.constant 0 : i32
    %dma_start3A_219 = tpu.memref_slice %arg3[%dma_start3A_217, %dma_start3A_218] : memref<100000x128xf32, #tpu.memory_space<hbm>> -> memref<100000x128xf32, #tpu.memory_space<hbm>>
    tpu.enqueue_indirect_dma source(%dma_start3A_219 : memref<100000x128xf32, #tpu.memory_space<hbm>>) target(%dma_start3A_214 : memref<160x128xf32, #tpu.memory_space<vmem>>) offsets(%dma_start3A_216 : memref<160xi32, #tpu.memory_space<vmem>>) semaphore(%arg7 : memref<!tpu.dma_semaphore, #tpu.memory_space<semaphore_mem>>)
    %dma_wait3A_220 = arith.constant 4 : i32
    %dma_wait3A_221 = arith.constant 0 : i32
    %dma_wait3A_222 = arith.constant 0 : i32
    %dma_wait3A_223 = tpu.memref_slice %arg6[%dma_wait3A_220, %dma_wait3A_221, %dma_wait3A_222] : memref<5x160x128xf32, #tpu.memory_space<vmem>> -> memref<1x160x128xf32, #tpu.memory_space<vmem>>
    %dma_wait3A_224 = tpu.memref_squeeze %dma_wait3A_223 : memref<1x160x128xf32, #tpu.memory_space<vmem>> -> memref<160x128xf32, #tpu.memory_space<vmem>>
    %dma_wait3A_225 = arith.constant 640 : i32
    %dma_wait3A_226 = tpu.memref_slice %arg5[%dma_wait3A_225] : memref<6400xi32, #tpu.memory_space<vmem>> -> memref<160xi32, #tpu.memory_space<vmem>>
    %dma_wait3A_227 = arith.constant 0 : i32
    %dma_wait3A_228 = arith.constant 0 : i32
    %dma_wait3A_229 = tpu.memref_slice %arg3[%dma_wait3A_227, %dma_wait3A_228] : memref<100000x128xf32, #tpu.memory_space<hbm>> -> memref<100000x128xf32, #tpu.memory_space<hbm>>
    tpu.wait_indirect_dma semaphore(%arg7 : memref<!tpu.dma_semaphore, #tpu.memory_space<semaphore_mem>>) src(%dma_wait3A_229 : memref<100000x128xf32, #tpu.memory_space<hbm>>) dst(%dma_wait3A_224 : memref<160x128xf32, #tpu.memory_space<vmem>>)
    %add3A_230 = arith.constant 640 : i32
    %add3A_231 = arith.addi %mul3A_2, %add3A_230 : i32
    %dma_start3A_232 = arith.constant 4 : i32
    %dma_start3A_233 = arith.constant 0 : i32
    %dma_start3A_234 = arith.constant 0 : i32
    %dma_start3A_235 = tpu.memref_slice %arg6[%dma_start3A_232, %dma_start3A_233, %dma_start3A_234] : memref<5x160x128xf32, #tpu.memory_space<vmem>> -> memref<1x160x128xf32, #tpu.memory_space<vmem>>
    %dma_start3A_236 = tpu.memref_squeeze %dma_start3A_235 : memref<1x160x128xf32, #tpu.memory_space<vmem>> -> memref<160x128xf32, #tpu.memory_space<vmem>>
    %dma_start3A_237 = arith.constant 0 : i32
    %dma_start3A_238 = tpu.memref_slice %arg4[%add3A_231, %dma_start3A_237] : memref<204800x128xf32, #tpu.memory_space<hbm>> -> memref<160x128xf32, #tpu.memory_space<hbm>>
    %dma_start3A_239 = arith.constant 0 : i32
    %dma_start3A_240 = tpu.memref_slice %arg4[%add3A_231, %dma_start3A_239] : memref<204800x128xf32, #tpu.memory_space<hbm>> -> memref<160x128xf32, #tpu.memory_space<hbm>>
    %dma_start3A_241 = arith.constant 0 : i32
    %dma_start3A_242 = arith.constant 0 : i32
    %dma_start3A_243 = tpu.memref_slice %arg6[%dma_start3A_232, %dma_start3A_241, %dma_start3A_242] : memref<5x160x128xf32, #tpu.memory_space<vmem>> -> memref<1x160x128xf32, #tpu.memory_space<vmem>>
    %dma_start3A_244 = tpu.memref_squeeze %dma_start3A_243 : memref<1x160x128xf32, #tpu.memory_space<vmem>> -> memref<160x128xf32, #tpu.memory_space<vmem>>
    tpu.enqueue_dma source(%dma_start3A_244 : memref<160x128xf32, #tpu.memory_space<vmem>>) target(%dma_start3A_240 : memref<160x128xf32, #tpu.memory_space<hbm>>) target_semaphore(%arg8 : memref<!tpu.dma_semaphore, #tpu.memory_space<semaphore_mem>>)
    %dma_wait3A_245 = arith.constant 3 : i32
    %dma_wait3A_246 = arith.constant 0 : i32
    %dma_wait3A_247 = arith.constant 0 : i32
    %dma_wait3A_248 = tpu.memref_slice %arg6[%dma_wait3A_245, %dma_wait3A_246, %dma_wait3A_247] : memref<5x160x128xf32, #tpu.memory_space<vmem>> -> memref<1x160x128xf32, #tpu.memory_space<vmem>>
    %dma_wait3A_249 = tpu.memref_squeeze %dma_wait3A_248 : memref<1x160x128xf32, #tpu.memory_space<vmem>> -> memref<160x128xf32, #tpu.memory_space<vmem>>
    %dma_wait3A_250 = arith.constant 0 : i32
    %dma_wait3A_251 = tpu.memref_slice %arg4[%add3A_183, %dma_wait3A_250] : memref<204800x128xf32, #tpu.memory_space<hbm>> -> memref<160x128xf32, #tpu.memory_space<hbm>>
    %dma_wait3A_252 = arith.constant 0 : i32
    %dma_wait3A_253 = tpu.memref_slice %arg4[%add3A_183, %dma_wait3A_252] : memref<204800x128xf32, #tpu.memory_space<hbm>> -> memref<160x128xf32, #tpu.memory_space<hbm>>
    %dma_wait3A_254 = arith.constant 0 : i32
    %dma_wait3A_255 = arith.constant 0 : i32
    %dma_wait3A_256 = tpu.memref_slice %arg6[%dma_wait3A_245, %dma_wait3A_254, %dma_wait3A_255] : memref<5x160x128xf32, #tpu.memory_space<vmem>> -> memref<1x160x128xf32, #tpu.memory_space<vmem>>
    %dma_wait3A_257 = tpu.memref_squeeze %dma_wait3A_256 : memref<1x160x128xf32, #tpu.memory_space<vmem>> -> memref<160x128xf32, #tpu.memory_space<vmem>>
    tpu.wait_dma2 semaphore(%arg8 : memref<!tpu.dma_semaphore, #tpu.memory_space<semaphore_mem>>) src(%dma_wait3A_257 : memref<160x128xf32, #tpu.memory_space<vmem>>) dst(%dma_wait3A_253 : memref<160x128xf32, #tpu.memory_space<hbm>>)
    %dma_start3A_258 = arith.constant 3 : i32
    %dma_start3A_259 = arith.constant 0 : i32
    %dma_start3A_260 = arith.constant 0 : i32
    %dma_start3A_261 = tpu.memref_slice %arg6[%dma_start3A_258, %dma_start3A_259, %dma_start3A_260] : memref<5x160x128xf32, #tpu.memory_space<vmem>> -> memref<1x160x128xf32, #tpu.memory_space<vmem>>
    %dma_start3A_262 = tpu.memref_squeeze %dma_start3A_261 : memref<1x160x128xf32, #tpu.memory_space<vmem>> -> memref<160x128xf32, #tpu.memory_space<vmem>>
    %dma_start3A_263 = arith.constant 1280 : i32
    %dma_start3A_264 = tpu.memref_slice %arg5[%dma_start3A_263] : memref<6400xi32, #tpu.memory_space<vmem>> -> memref<160xi32, #tpu.memory_space<vmem>>
    %dma_start3A_265 = arith.constant 0 : i32
    %dma_start3A_266 = arith.constant 0 : i32
    %dma_start3A_267 = tpu.memref_slice %arg3[%dma_start3A_265, %dma_start3A_266] : memref<100000x128xf32, #tpu.memory_space<hbm>> -> memref<100000x128xf32, #tpu.memory_space<hbm>>
    tpu.enqueue_indirect_dma source(%dma_start3A_267 : memref<100000x128xf32, #tpu.memory_space<hbm>>) target(%dma_start3A_262 : memref<160x128xf32, #tpu.memory_space<vmem>>) offsets(%dma_start3A_264 : memref<160xi32, #tpu.memory_space<vmem>>) semaphore(%arg7 : memref<!tpu.dma_semaphore, #tpu.memory_space<semaphore_mem>>)
    %dma_wait3A_268 = arith.constant 0 : i32
    %dma_wait3A_269 = arith.constant 0 : i32
    %dma_wait3A_270 = arith.constant 0 : i32
    %dma_wait3A_271 = tpu.memref_slice %arg6[%dma_wait3A_268, %dma_wait3A_269, %dma_wait3A_270] : memref<5x160x128xf32, #tpu.memory_space<vmem>> -> memref<1x160x128xf32, #tpu.memory_space<vmem>>
    %dma_wait3A_272 = tpu.memref_squeeze %dma_wait3A_271 : memref<1x160x128xf32, #tpu.memory_space<vmem>> -> memref<160x128xf32, #tpu.memory_space<vmem>>
    %dma_wait3A_273 = arith.constant 800 : i32
    %dma_wait3A_274 = tpu.memref_slice %arg5[%dma_wait3A_273] : memref<6400xi32, #tpu.memory_space<vmem>> -> memref<160xi32, #tpu.memory_space<vmem>>
    %dma_wait3A_275 = arith.constant 0 : i32
    %dma_wait3A_276 = arith.constant 0 : i32
    %dma_wait3A_277 = tpu.memref_slice %arg3[%dma_wait3A_275, %dma_wait3A_276] : memref<100000x128xf32, #tpu.memory_space<hbm>> -> memref<100000x128xf32, #tpu.memory_space<hbm>>
    tpu.wait_indirect_dma semaphore(%arg7 : memref<!tpu.dma_semaphore, #tpu.memory_space<semaphore_mem>>) src(%dma_wait3A_277 : memref<100000x128xf32, #tpu.memory_space<hbm>>) dst(%dma_wait3A_272 : memref<160x128xf32, #tpu.memory_space<vmem>>)
    %add3A_278 = arith.constant 800 : i32
    %add3A_279 = arith.addi %mul3A_2, %add3A_278 : i32
    %dma_start3A_280 = arith.constant 0 : i32
    %dma_start3A_281 = arith.constant 0 : i32
    %dma_start3A_282 = arith.constant 0 : i32
    %dma_start3A_283 = tpu.memref_slice %arg6[%dma_start3A_280, %dma_start3A_281, %dma_start3A_282] : memref<5x160x128xf32, #tpu.memory_space<vmem>> -> memref<1x160x128xf32, #tpu.memory_space<vmem>>
    %dma_start3A_284 = tpu.memref_squeeze %dma_start3A_283 : memref<1x160x128xf32, #tpu.memory_space<vmem>> -> memref<160x128xf32, #tpu.memory_space<vmem>>
    %dma_start3A_285 = arith.constant 0 : i32
    %dma_start3A_286 = tpu.memref_slice %arg4[%add3A_279, %dma_start3A_285] : memref<204800x128xf32, #tpu.memory_space<hbm>> -> memref<160x128xf32, #tpu.memory_space<hbm>>
    %dma_start3A_287 = arith.constant 0 : i32
    %dma_start3A_288 = tpu.memref_slice %arg4[%add3A_279, %dma_start3A_287] : memref<204800x128xf32, #tpu.memory_space<hbm>> -> memref<160x128xf32, #tpu.memory_space<hbm>>
    %dma_start3A_289 = arith.constant 0 : i32
    %dma_start3A_290 = arith.constant 0 : i32
    %dma_start3A_291 = tpu.memref_slice %arg6[%dma_start3A_280, %dma_start3A_289, %dma_start3A_290] : memref<5x160x128xf32, #tpu.memory_space<vmem>> -> memref<1x160x128xf32, #tpu.memory_space<vmem>>
    %dma_start3A_292 = tpu.memref_squeeze %dma_start3A_291 : memref<1x160x128xf32, #tpu.memory_space<vmem>> -> memref<160x128xf32, #tpu.memory_space<vmem>>
    tpu.enqueue_dma source(%dma_start3A_292 : memref<160x128xf32, #tpu.memory_space<vmem>>) target(%dma_start3A_288 : memref<160x128xf32, #tpu.memory_space<hbm>>) target_semaphore(%arg8 : memref<!tpu.dma_semaphore, #tpu.memory_space<semaphore_mem>>)
    %dma_wait3A_293 = arith.constant 4 : i32
    %dma_wait3A_294 = arith.constant 0 : i32
    %dma_wait3A_295 = arith.constant 0 : i32
    %dma_wait3A_296 = tpu.memref_slice %arg6[%dma_wait3A_293, %dma_wait3A_294, %dma_wait3A_295] : memref<5x160x128xf32, #tpu.memory_space<vmem>> -> memref<1x160x128xf32, #tpu.memory_space<vmem>>
    %dma_wait3A_297 = tpu.memref_squeeze %dma_wait3A_296 : memref<1x160x128xf32, #tpu.memory_space<vmem>> -> memref<160x128xf32, #tpu.memory_space<vmem>>
    %dma_wait3A_298 = arith.constant 0 : i32
    %dma_wait3A_299 = tpu.memref_slice %arg4[%add3A_231, %dma_wait3A_298] : memref<204800x128xf32, #tpu.memory_space<hbm>> -> memref<160x128xf32, #tpu.memory_space<hbm>>
    %dma_wait3A_300 = arith.constant 0 : i32
    %dma_wait3A_301 = tpu.memref_slice %arg4[%add3A_231, %dma_wait3A_300] : memref<204800x128xf32, #tpu.memory_space<hbm>> -> memref<160x128xf32, #tpu.memory_space<hbm>>
    %dma_wait3A_302 = arith.constant 0 : i32
    %dma_wait3A_303 = arith.constant 0 : i32
    %dma_wait3A_304 = tpu.memref_slice %arg6[%dma_wait3A_293, %dma_wait3A_302, %dma_wait3A_303] : memref<5x160x128xf32, #tpu.memory_space<vmem>> -> memref<1x160x128xf32, #tpu.memory_space<vmem>>
    %dma_wait3A_305 = tpu.memref_squeeze %dma_wait3A_304 : memref<1x160x128xf32, #tpu.memory_space<vmem>> -> memref<160x128xf32, #tpu.memory_space<vmem>>
    tpu.wait_dma2 semaphore(%arg8 : memref<!tpu.dma_semaphore, #tpu.memory_space<semaphore_mem>>) src(%dma_wait3A_305 : memref<160x128xf32, #tpu.memory_space<vmem>>) dst(%dma_wait3A_301 : memref<160x128xf32, #tpu.memory_space<hbm>>)
    %dma_start3A_306 = arith.constant 4 : i32
    %dma_start3A_307 = arith.constant 0 : i32
    %dma_start3A_308 = arith.constant 0 : i32
    %dma_start3A_309 = tpu.memref_slice %arg6[%dma_start3A_306, %dma_start3A_307, %dma_start3A_308] : memref<5x160x128xf32, #tpu.memory_space<vmem>> -> memref<1x160x128xf32, #tpu.memory_space<vmem>>
    %dma_start3A_310 = tpu.memref_squeeze %dma_start3A_309 : memref<1x160x128xf32, #tpu.memory_space<vmem>> -> memref<160x128xf32, #tpu.memory_space<vmem>>
    %dma_start3A_311 = arith.constant 1440 : i32
    %dma_start3A_312 = tpu.memref_slice %arg5[%dma_start3A_311] : memref<6400xi32, #tpu.memory_space<vmem>> -> memref<160xi32, #tpu.memory_space<vmem>>
    %dma_start3A_313 = arith.constant 0 : i32
    %dma_start3A_314 = arith.constant 0 : i32
    %dma_start3A_315 = tpu.memref_slice %arg3[%dma_start3A_313, %dma_start3A_314] : memref<100000x128xf32, #tpu.memory_space<hbm>> -> memref<100000x128xf32, #tpu.memory_space<hbm>>
    tpu.enqueue_indirect_dma source(%dma_start3A_315 : memref<100000x128xf32, #tpu.memory_space<hbm>>) target(%dma_start3A_310 : memref<160x128xf32, #tpu.memory_space<vmem>>) offsets(%dma_start3A_312 : memref<160xi32, #tpu.memory_space<vmem>>) semaphore(%arg7 : memref<!tpu.dma_semaphore, #tpu.memory_space<semaphore_mem>>)
    %dma_wait3A_316 = arith.constant 1 : i32
    %dma_wait3A_317 = arith.constant 0 : i32
    %dma_wait3A_318 = arith.constant 0 : i32
    %dma_wait3A_319 = tpu.memref_slice %arg6[%dma_wait3A_316, %dma_wait3A_317, %dma_wait3A_318] : memref<5x160x128xf32, #tpu.memory_space<vmem>> -> memref<1x160x128xf32, #tpu.memory_space<vmem>>
    %dma_wait3A_320 = tpu.memref_squeeze %dma_wait3A_319 : memref<1x160x128xf32, #tpu.memory_space<vmem>> -> memref<160x128xf32, #tpu.memory_space<vmem>>
    %dma_wait3A_321 = arith.constant 960 : i32
    %dma_wait3A_322 = tpu.memref_slice %arg5[%dma_wait3A_321] : memref<6400xi32, #tpu.memory_space<vmem>> -> memref<160xi32, #tpu.memory_space<vmem>>
    %dma_wait3A_323 = arith.constant 0 : i32
    %dma_wait3A_324 = arith.constant 0 : i32
    %dma_wait3A_325 = tpu.memref_slice %arg3[%dma_wait3A_323, %dma_wait3A_324] : memref<100000x128xf32, #tpu.memory_space<hbm>> -> memref<100000x128xf32, #tpu.memory_space<hbm>>
    tpu.wait_indirect_dma semaphore(%arg7 : memref<!tpu.dma_semaphore, #tpu.memory_space<semaphore_mem>>) src(%dma_wait3A_325 : memref<100000x128xf32, #tpu.memory_space<hbm>>) dst(%dma_wait3A_320 : memref<160x128xf32, #tpu.memory_space<vmem>>)
    %add3A_326 = arith.constant 960 : i32
    %add3A_327 = arith.addi %mul3A_2, %add3A_326 : i32
    %dma_start3A_328 = arith.constant 1 : i32
    %dma_start3A_329 = arith.constant 0 : i32
    %dma_start3A_330 = arith.constant 0 : i32
    %dma_start3A_331 = tpu.memref_slice %arg6[%dma_start3A_328, %dma_start3A_329, %dma_start3A_330] : memref<5x160x128xf32, #tpu.memory_space<vmem>> -> memref<1x160x128xf32, #tpu.memory_space<vmem>>
    %dma_start3A_332 = tpu.memref_squeeze %dma_start3A_331 : memref<1x160x128xf32, #tpu.memory_space<vmem>> -> memref<160x128xf32, #tpu.memory_space<vmem>>
    %dma_start3A_333 = arith.constant 0 : i32
    %dma_start3A_334 = tpu.memref_slice %arg4[%add3A_327, %dma_start3A_333] : memref<204800x128xf32, #tpu.memory_space<hbm>> -> memref<160x128xf32, #tpu.memory_space<hbm>>
    %dma_start3A_335 = arith.constant 0 : i32
    %dma_start3A_336 = tpu.memref_slice %arg4[%add3A_327, %dma_start3A_335] : memref<204800x128xf32, #tpu.memory_space<hbm>> -> memref<160x128xf32, #tpu.memory_space<hbm>>
    %dma_start3A_337 = arith.constant 0 : i32
    %dma_start3A_338 = arith.constant 0 : i32
    %dma_start3A_339 = tpu.memref_slice %arg6[%dma_start3A_328, %dma_start3A_337, %dma_start3A_338] : memref<5x160x128xf32, #tpu.memory_space<vmem>> -> memref<1x160x128xf32, #tpu.memory_space<vmem>>
    %dma_start3A_340 = tpu.memref_squeeze %dma_start3A_339 : memref<1x160x128xf32, #tpu.memory_space<vmem>> -> memref<160x128xf32, #tpu.memory_space<vmem>>
    tpu.enqueue_dma source(%dma_start3A_340 : memref<160x128xf32, #tpu.memory_space<vmem>>) target(%dma_start3A_336 : memref<160x128xf32, #tpu.memory_space<hbm>>) target_semaphore(%arg8 : memref<!tpu.dma_semaphore, #tpu.memory_space<semaphore_mem>>)
    %dma_wait3A_341 = arith.constant 0 : i32
    %dma_wait3A_342 = arith.constant 0 : i32
    %dma_wait3A_343 = arith.constant 0 : i32
    %dma_wait3A_344 = tpu.memref_slice %arg6[%dma_wait3A_341, %dma_wait3A_342, %dma_wait3A_343] : memref<5x160x128xf32, #tpu.memory_space<vmem>> -> memref<1x160x128xf32, #tpu.memory_space<vmem>>
    %dma_wait3A_345 = tpu.memref_squeeze %dma_wait3A_344 : memref<1x160x128xf32, #tpu.memory_space<vmem>> -> memref<160x128xf32, #tpu.memory_space<vmem>>
    %dma_wait3A_346 = arith.constant 0 : i32
    %dma_wait3A_347 = tpu.memref_slice %arg4[%add3A_279, %dma_wait3A_346] : memref<204800x128xf32, #tpu.memory_space<hbm>> -> memref<160x128xf32, #tpu.memory_space<hbm>>
    %dma_wait3A_348 = arith.constant 0 : i32
    %dma_wait3A_349 = tpu.memref_slice %arg4[%add3A_279, %dma_wait3A_348] : memref<204800x128xf32, #tpu.memory_space<hbm>> -> memref<160x128xf32, #tpu.memory_space<hbm>>
    %dma_wait3A_350 = arith.constant 0 : i32
    %dma_wait3A_351 = arith.constant 0 : i32
    %dma_wait3A_352 = tpu.memref_slice %arg6[%dma_wait3A_341, %dma_wait3A_350, %dma_wait3A_351] : memref<5x160x128xf32, #tpu.memory_space<vmem>> -> memref<1x160x128xf32, #tpu.memory_space<vmem>>
    %dma_wait3A_353 = tpu.memref_squeeze %dma_wait3A_352 : memref<1x160x128xf32, #tpu.memory_space<vmem>> -> memref<160x128xf32, #tpu.memory_space<vmem>>
    tpu.wait_dma2 semaphore(%arg8 : memref<!tpu.dma_semaphore, #tpu.memory_space<semaphore_mem>>) src(%dma_wait3A_353 : memref<160x128xf32, #tpu.memory_space<vmem>>) dst(%dma_wait3A_349 : memref<160x128xf32, #tpu.memory_space<hbm>>)
    %dma_start3A_354 = arith.constant 0 : i32
    %dma_start3A_355 = arith.constant 0 : i32
    %dma_start3A_356 = arith.constant 0 : i32
    %dma_start3A_357 = tpu.memref_slice %arg6[%dma_start3A_354, %dma_start3A_355, %dma_start3A_356] : memref<5x160x128xf32, #tpu.memory_space<vmem>> -> memref<1x160x128xf32, #tpu.memory_space<vmem>>
    %dma_start3A_358 = tpu.memref_squeeze %dma_start3A_357 : memref<1x160x128xf32, #tpu.memory_space<vmem>> -> memref<160x128xf32, #tpu.memory_space<vmem>>
    %dma_start3A_359 = arith.constant 1600 : i32
    %dma_start3A_360 = tpu.memref_slice %arg5[%dma_start3A_359] : memref<6400xi32, #tpu.memory_space<vmem>> -> memref<160xi32, #tpu.memory_space<vmem>>
    %dma_start3A_361 = arith.constant 0 : i32
    %dma_start3A_362 = arith.constant 0 : i32
    %dma_start3A_363 = tpu.memref_slice %arg3[%dma_start3A_361, %dma_start3A_362] : memref<100000x128xf32, #tpu.memory_space<hbm>> -> memref<100000x128xf32, #tpu.memory_space<hbm>>
    tpu.enqueue_indirect_dma source(%dma_start3A_363 : memref<100000x128xf32, #tpu.memory_space<hbm>>) target(%dma_start3A_358 : memref<160x128xf32, #tpu.memory_space<vmem>>) offsets(%dma_start3A_360 : memref<160xi32, #tpu.memory_space<vmem>>) semaphore(%arg7 : memref<!tpu.dma_semaphore, #tpu.memory_space<semaphore_mem>>)
    %dma_wait3A_364 = arith.constant 2 : i32
    %dma_wait3A_365 = arith.constant 0 : i32
    %dma_wait3A_366 = arith.constant 0 : i32
    %dma_wait3A_367 = tpu.memref_slice %arg6[%dma_wait3A_364, %dma_wait3A_365, %dma_wait3A_366] : memref<5x160x128xf32, #tpu.memory_space<vmem>> -> memref<1x160x128xf32, #tpu.memory_space<vmem>>
    %dma_wait3A_368 = tpu.memref_squeeze %dma_wait3A_367 : memref<1x160x128xf32, #tpu.memory_space<vmem>> -> memref<160x128xf32, #tpu.memory_space<vmem>>
    %dma_wait3A_369 = arith.constant 1120 : i32
    %dma_wait3A_370 = tpu.memref_slice %arg5[%dma_wait3A_369] : memref<6400xi32, #tpu.memory_space<vmem>> -> memref<160xi32, #tpu.memory_space<vmem>>
    %dma_wait3A_371 = arith.constant 0 : i32
    %dma_wait3A_372 = arith.constant 0 : i32
    %dma_wait3A_373 = tpu.memref_slice %arg3[%dma_wait3A_371, %dma_wait3A_372] : memref<100000x128xf32, #tpu.memory_space<hbm>> -> memref<100000x128xf32, #tpu.memory_space<hbm>>
    tpu.wait_indirect_dma semaphore(%arg7 : memref<!tpu.dma_semaphore, #tpu.memory_space<semaphore_mem>>) src(%dma_wait3A_373 : memref<100000x128xf32, #tpu.memory_space<hbm>>) dst(%dma_wait3A_368 : memref<160x128xf32, #tpu.memory_space<vmem>>)
    %add3A_374 = arith.constant 1120 : i32
    %add3A_375 = arith.addi %mul3A_2, %add3A_374 : i32
    %dma_start3A_376 = arith.constant 2 : i32
    %dma_start3A_377 = arith.constant 0 : i32
    %dma_start3A_378 = arith.constant 0 : i32
    %dma_start3A_379 = tpu.memref_slice %arg6[%dma_start3A_376, %dma_start3A_377, %dma_start3A_378] : memref<5x160x128xf32, #tpu.memory_space<vmem>> -> memref<1x160x128xf32, #tpu.memory_space<vmem>>
    %dma_start3A_380 = tpu.memref_squeeze %dma_start3A_379 : memref<1x160x128xf32, #tpu.memory_space<vmem>> -> memref<160x128xf32, #tpu.memory_space<vmem>>
    %dma_start3A_381 = arith.constant 0 : i32
    %dma_start3A_382 = tpu.memref_slice %arg4[%add3A_375, %dma_start3A_381] : memref<204800x128xf32, #tpu.memory_space<hbm>> -> memref<160x128xf32, #tpu.memory_space<hbm>>
    %dma_start3A_383 = arith.constant 0 : i32
    %dma_start3A_384 = tpu.memref_slice %arg4[%add3A_375, %dma_start3A_383] : memref<204800x128xf32, #tpu.memory_space<hbm>> -> memref<160x128xf32, #tpu.memory_space<hbm>>
    %dma_start3A_385 = arith.constant 0 : i32
    %dma_start3A_386 = arith.constant 0 : i32
    %dma_start3A_387 = tpu.memref_slice %arg6[%dma_start3A_376, %dma_start3A_385, %dma_start3A_386] : memref<5x160x128xf32, #tpu.memory_space<vmem>> -> memref<1x160x128xf32, #tpu.memory_space<vmem>>
    %dma_start3A_388 = tpu.memref_squeeze %dma_start3A_387 : memref<1x160x128xf32, #tpu.memory_space<vmem>> -> memref<160x128xf32, #tpu.memory_space<vmem>>
    tpu.enqueue_dma source(%dma_start3A_388 : memref<160x128xf32, #tpu.memory_space<vmem>>) target(%dma_start3A_384 : memref<160x128xf32, #tpu.memory_space<hbm>>) target_semaphore(%arg8 : memref<!tpu.dma_semaphore, #tpu.memory_space<semaphore_mem>>)
    %dma_wait3A_389 = arith.constant 1 : i32
    %dma_wait3A_390 = arith.constant 0 : i32
    %dma_wait3A_391 = arith.constant 0 : i32
    %dma_wait3A_392 = tpu.memref_slice %arg6[%dma_wait3A_389, %dma_wait3A_390, %dma_wait3A_391] : memref<5x160x128xf32, #tpu.memory_space<vmem>> -> memref<1x160x128xf32, #tpu.memory_space<vmem>>
    %dma_wait3A_393 = tpu.memref_squeeze %dma_wait3A_392 : memref<1x160x128xf32, #tpu.memory_space<vmem>> -> memref<160x128xf32, #tpu.memory_space<vmem>>
    %dma_wait3A_394 = arith.constant 0 : i32
    %dma_wait3A_395 = tpu.memref_slice %arg4[%add3A_327, %dma_wait3A_394] : memref<204800x128xf32, #tpu.memory_space<hbm>> -> memref<160x128xf32, #tpu.memory_space<hbm>>
    %dma_wait3A_396 = arith.constant 0 : i32
    %dma_wait3A_397 = tpu.memref_slice %arg4[%add3A_327, %dma_wait3A_396] : memref<204800x128xf32, #tpu.memory_space<hbm>> -> memref<160x128xf32, #tpu.memory_space<hbm>>
    %dma_wait3A_398 = arith.constant 0 : i32
    %dma_wait3A_399 = arith.constant 0 : i32
    %dma_wait3A_400 = tpu.memref_slice %arg6[%dma_wait3A_389, %dma_wait3A_398, %dma_wait3A_399] : memref<5x160x128xf32, #tpu.memory_space<vmem>> -> memref<1x160x128xf32, #tpu.memory_space<vmem>>
    %dma_wait3A_401 = tpu.memref_squeeze %dma_wait3A_400 : memref<1x160x128xf32, #tpu.memory_space<vmem>> -> memref<160x128xf32, #tpu.memory_space<vmem>>
    tpu.wait_dma2 semaphore(%arg8 : memref<!tpu.dma_semaphore, #tpu.memory_space<semaphore_mem>>) src(%dma_wait3A_401 : memref<160x128xf32, #tpu.memory_space<vmem>>) dst(%dma_wait3A_397 : memref<160x128xf32, #tpu.memory_space<hbm>>)
    %dma_start3A_402 = arith.constant 1 : i32
    %dma_start3A_403 = arith.constant 0 : i32
    %dma_start3A_404 = arith.constant 0 : i32
    %dma_start3A_405 = tpu.memref_slice %arg6[%dma_start3A_402, %dma_start3A_403, %dma_start3A_404] : memref<5x160x128xf32, #tpu.memory_space<vmem>> -> memref<1x160x128xf32, #tpu.memory_space<vmem>>
    %dma_start3A_406 = tpu.memref_squeeze %dma_start3A_405 : memref<1x160x128xf32, #tpu.memory_space<vmem>> -> memref<160x128xf32, #tpu.memory_space<vmem>>
    %dma_start3A_407 = arith.constant 1760 : i32
    %dma_start3A_408 = tpu.memref_slice %arg5[%dma_start3A_407] : memref<6400xi32, #tpu.memory_space<vmem>> -> memref<160xi32, #tpu.memory_space<vmem>>
    %dma_start3A_409 = arith.constant 0 : i32
    %dma_start3A_410 = arith.constant 0 : i32
    %dma_start3A_411 = tpu.memref_slice %arg3[%dma_start3A_409, %dma_start3A_410] : memref<100000x128xf32, #tpu.memory_space<hbm>> -> memref<100000x128xf32, #tpu.memory_space<hbm>>
    tpu.enqueue_indirect_dma source(%dma_start3A_411 : memref<100000x128xf32, #tpu.memory_space<hbm>>) target(%dma_start3A_406 : memref<160x128xf32, #tpu.memory_space<vmem>>) offsets(%dma_start3A_408 : memref<160xi32, #tpu.memory_space<vmem>>) semaphore(%arg7 : memref<!tpu.dma_semaphore, #tpu.memory_space<semaphore_mem>>)
    %dma_wait3A_412 = arith.constant 3 : i32
    %dma_wait3A_413 = arith.constant 0 : i32
    %dma_wait3A_414 = arith.constant 0 : i32
    %dma_wait3A_415 = tpu.memref_slice %arg6[%dma_wait3A_412, %dma_wait3A_413, %dma_wait3A_414] : memref<5x160x128xf32, #tpu.memory_space<vmem>> -> memref<1x160x128xf32, #tpu.memory_space<vmem>>
    %dma_wait3A_416 = tpu.memref_squeeze %dma_wait3A_415 : memref<1x160x128xf32, #tpu.memory_space<vmem>> -> memref<160x128xf32, #tpu.memory_space<vmem>>
    %dma_wait3A_417 = arith.constant 1280 : i32
    %dma_wait3A_418 = tpu.memref_slice %arg5[%dma_wait3A_417] : memref<6400xi32, #tpu.memory_space<vmem>> -> memref<160xi32, #tpu.memory_space<vmem>>
    %dma_wait3A_419 = arith.constant 0 : i32
    %dma_wait3A_420 = arith.constant 0 : i32
    %dma_wait3A_421 = tpu.memref_slice %arg3[%dma_wait3A_419, %dma_wait3A_420] : memref<100000x128xf32, #tpu.memory_space<hbm>> -> memref<100000x128xf32, #tpu.memory_space<hbm>>
    tpu.wait_indirect_dma semaphore(%arg7 : memref<!tpu.dma_semaphore, #tpu.memory_space<semaphore_mem>>) src(%dma_wait3A_421 : memref<100000x128xf32, #tpu.memory_space<hbm>>) dst(%dma_wait3A_416 : memref<160x128xf32, #tpu.memory_space<vmem>>)
    %add3A_422 = arith.constant 1280 : i32
    %add3A_423 = arith.addi %mul3A_2, %add3A_422 : i32
    %dma_start3A_424 = arith.constant 3 : i32
    %dma_start3A_425 = arith.constant 0 : i32
    %dma_start3A_426 = arith.constant 0 : i32
    %dma_start3A_427 = tpu.memref_slice %arg6[%dma_start3A_424, %dma_start3A_425, %dma_start3A_426] : memref<5x160x128xf32, #tpu.memory_space<vmem>> -> memref<1x160x128xf32, #tpu.memory_space<vmem>>
    %dma_start3A_428 = tpu.memref_squeeze %dma_start3A_427 : memref<1x160x128xf32, #tpu.memory_space<vmem>> -> memref<160x128xf32, #tpu.memory_space<vmem>>
    %dma_start3A_429 = arith.constant 0 : i32
    %dma_start3A_430 = tpu.memref_slice %arg4[%add3A_423, %dma_start3A_429] : memref<204800x128xf32, #tpu.memory_space<hbm>> -> memref<160x128xf32, #tpu.memory_space<hbm>>
    %dma_start3A_431 = arith.constant 0 : i32
    %dma_start3A_432 = tpu.memref_slice %arg4[%add3A_423, %dma_start3A_431] : memref<204800x128xf32, #tpu.memory_space<hbm>> -> memref<160x128xf32, #tpu.memory_space<hbm>>
    %dma_start3A_433 = arith.constant 0 : i32
    %dma_start3A_434 = arith.constant 0 : i32
    %dma_start3A_435 = tpu.memref_slice %arg6[%dma_start3A_424, %dma_start3A_433, %dma_start3A_434] : memref<5x160x128xf32, #tpu.memory_space<vmem>> -> memref<1x160x128xf32, #tpu.memory_space<vmem>>
    %dma_start3A_436 = tpu.memref_squeeze %dma_start3A_435 : memref<1x160x128xf32, #tpu.memory_space<vmem>> -> memref<160x128xf32, #tpu.memory_space<vmem>>
    tpu.enqueue_dma source(%dma_start3A_436 : memref<160x128xf32, #tpu.memory_space<vmem>>) target(%dma_start3A_432 : memref<160x128xf32, #tpu.memory_space<hbm>>) target_semaphore(%arg8 : memref<!tpu.dma_semaphore, #tpu.memory_space<semaphore_mem>>)
    %dma_wait3A_437 = arith.constant 2 : i32
    %dma_wait3A_438 = arith.constant 0 : i32
    %dma_wait3A_439 = arith.constant 0 : i32
    %dma_wait3A_440 = tpu.memref_slice %arg6[%dma_wait3A_437, %dma_wait3A_438, %dma_wait3A_439] : memref<5x160x128xf32, #tpu.memory_space<vmem>> -> memref<1x160x128xf32, #tpu.memory_space<vmem>>
    %dma_wait3A_441 = tpu.memref_squeeze %dma_wait3A_440 : memref<1x160x128xf32, #tpu.memory_space<vmem>> -> memref<160x128xf32, #tpu.memory_space<vmem>>
    %dma_wait3A_442 = arith.constant 0 : i32
    %dma_wait3A_443 = tpu.memref_slice %arg4[%add3A_375, %dma_wait3A_442] : memref<204800x128xf32, #tpu.memory_space<hbm>> -> memref<160x128xf32, #tpu.memory_space<hbm>>
    %dma_wait3A_444 = arith.constant 0 : i32
    %dma_wait3A_445 = tpu.memref_slice %arg4[%add3A_375, %dma_wait3A_444] : memref<204800x128xf32, #tpu.memory_space<hbm>> -> memref<160x128xf32, #tpu.memory_space<hbm>>
    %dma_wait3A_446 = arith.constant 0 : i32
    %dma_wait3A_447 = arith.constant 0 : i32
    %dma_wait3A_448 = tpu.memref_slice %arg6[%dma_wait3A_437, %dma_wait3A_446, %dma_wait3A_447] : memref<5x160x128xf32, #tpu.memory_space<vmem>> -> memref<1x160x128xf32, #tpu.memory_space<vmem>>
    %dma_wait3A_449 = tpu.memref_squeeze %dma_wait3A_448 : memref<1x160x128xf32, #tpu.memory_space<vmem>> -> memref<160x128xf32, #tpu.memory_space<vmem>>
    tpu.wait_dma2 semaphore(%arg8 : memref<!tpu.dma_semaphore, #tpu.memory_space<semaphore_mem>>) src(%dma_wait3A_449 : memref<160x128xf32, #tpu.memory_space<vmem>>) dst(%dma_wait3A_445 : memref<160x128xf32, #tpu.memory_space<hbm>>)
    %dma_start3A_450 = arith.constant 2 : i32
    %dma_start3A_451 = arith.constant 0 : i32
    %dma_start3A_452 = arith.constant 0 : i32
    %dma_start3A_453 = tpu.memref_slice %arg6[%dma_start3A_450, %dma_start3A_451, %dma_start3A_452] : memref<5x160x128xf32, #tpu.memory_space<vmem>> -> memref<1x160x128xf32, #tpu.memory_space<vmem>>
    %dma_start3A_454 = tpu.memref_squeeze %dma_start3A_453 : memref<1x160x128xf32, #tpu.memory_space<vmem>> -> memref<160x128xf32, #tpu.memory_space<vmem>>
    %dma_start3A_455 = arith.constant 1920 : i32
    %dma_start3A_456 = tpu.memref_slice %arg5[%dma_start3A_455] : memref<6400xi32, #tpu.memory_space<vmem>> -> memref<160xi32, #tpu.memory_space<vmem>>
    %dma_start3A_457 = arith.constant 0 : i32
    %dma_start3A_458 = arith.constant 0 : i32
    %dma_start3A_459 = tpu.memref_slice %arg3[%dma_start3A_457, %dma_start3A_458] : memref<100000x128xf32, #tpu.memory_space<hbm>> -> memref<100000x128xf32, #tpu.memory_space<hbm>>
    tpu.enqueue_indirect_dma source(%dma_start3A_459 : memref<100000x128xf32, #tpu.memory_space<hbm>>) target(%dma_start3A_454 : memref<160x128xf32, #tpu.memory_space<vmem>>) offsets(%dma_start3A_456 : memref<160xi32, #tpu.memory_space<vmem>>) semaphore(%arg7 : memref<!tpu.dma_semaphore, #tpu.memory_space<semaphore_mem>>)
    %dma_wait3A_460 = arith.constant 4 : i32
    %dma_wait3A_461 = arith.constant 0 : i32
    %dma_wait3A_462 = arith.constant 0 : i32
    %dma_wait3A_463 = tpu.memref_slice %arg6[%dma_wait3A_460, %dma_wait3A_461, %dma_wait3A_462] : memref<5x160x128xf32, #tpu.memory_space<vmem>> -> memref<1x160x128xf32, #tpu.memory_space<vmem>>
    %dma_wait3A_464 = tpu.memref_squeeze %dma_wait3A_463 : memref<1x160x128xf32, #tpu.memory_space<vmem>> -> memref<160x128xf32, #tpu.memory_space<vmem>>
    %dma_wait3A_465 = arith.constant 1440 : i32
    %dma_wait3A_466 = tpu.memref_slice %arg5[%dma_wait3A_465] : memref<6400xi32, #tpu.memory_space<vmem>> -> memref<160xi32, #tpu.memory_space<vmem>>
    %dma_wait3A_467 = arith.constant 0 : i32
    %dma_wait3A_468 = arith.constant 0 : i32
    %dma_wait3A_469 = tpu.memref_slice %arg3[%dma_wait3A_467, %dma_wait3A_468] : memref<100000x128xf32, #tpu.memory_space<hbm>> -> memref<100000x128xf32, #tpu.memory_space<hbm>>
    tpu.wait_indirect_dma semaphore(%arg7 : memref<!tpu.dma_semaphore, #tpu.memory_space<semaphore_mem>>) src(%dma_wait3A_469 : memref<100000x128xf32, #tpu.memory_space<hbm>>) dst(%dma_wait3A_464 : memref<160x128xf32, #tpu.memory_space<vmem>>)
    %add3A_470 = arith.constant 1440 : i32
    %add3A_471 = arith.addi %mul3A_2, %add3A_470 : i32
    %dma_start3A_472 = arith.constant 4 : i32
    %dma_start3A_473 = arith.constant 0 : i32
    %dma_start3A_474 = arith.constant 0 : i32
    %dma_start3A_475 = tpu.memref_slice %arg6[%dma_start3A_472, %dma_start3A_473, %dma_start3A_474] : memref<5x160x128xf32, #tpu.memory_space<vmem>> -> memref<1x160x128xf32, #tpu.memory_space<vmem>>
    %dma_start3A_476 = tpu.memref_squeeze %dma_start3A_475 : memref<1x160x128xf32, #tpu.memory_space<vmem>> -> memref<160x128xf32, #tpu.memory_space<vmem>>
    %dma_start3A_477 = arith.constant 0 : i32
    %dma_start3A_478 = tpu.memref_slice %arg4[%add3A_471, %dma_start3A_477] : memref<204800x128xf32, #tpu.memory_space<hbm>> -> memref<160x128xf32, #tpu.memory_space<hbm>>
    %dma_start3A_479 = arith.constant 0 : i32
    %dma_start3A_480 = tpu.memref_slice %arg4[%add3A_471, %dma_start3A_479] : memref<204800x128xf32, #tpu.memory_space<hbm>> -> memref<160x128xf32, #tpu.memory_space<hbm>>
    %dma_start3A_481 = arith.constant 0 : i32
    %dma_start3A_482 = arith.constant 0 : i32
    %dma_start3A_483 = tpu.memref_slice %arg6[%dma_start3A_472, %dma_start3A_481, %dma_start3A_482] : memref<5x160x128xf32, #tpu.memory_space<vmem>> -> memref<1x160x128xf32, #tpu.memory_space<vmem>>
    %dma_start3A_484 = tpu.memref_squeeze %dma_start3A_483 : memref<1x160x128xf32, #tpu.memory_space<vmem>> -> memref<160x128xf32, #tpu.memory_space<vmem>>
    tpu.enqueue_dma source(%dma_start3A_484 : memref<160x128xf32, #tpu.memory_space<vmem>>) target(%dma_start3A_480 : memref<160x128xf32, #tpu.memory_space<hbm>>) target_semaphore(%arg8 : memref<!tpu.dma_semaphore, #tpu.memory_space<semaphore_mem>>)
    %dma_wait3A_485 = arith.constant 3 : i32
    %dma_wait3A_486 = arith.constant 0 : i32
    %dma_wait3A_487 = arith.constant 0 : i32
    %dma_wait3A_488 = tpu.memref_slice %arg6[%dma_wait3A_485, %dma_wait3A_486, %dma_wait3A_487] : memref<5x160x128xf32, #tpu.memory_space<vmem>> -> memref<1x160x128xf32, #tpu.memory_space<vmem>>
    %dma_wait3A_489 = tpu.memref_squeeze %dma_wait3A_488 : memref<1x160x128xf32, #tpu.memory_space<vmem>> -> memref<160x128xf32, #tpu.memory_space<vmem>>
    %dma_wait3A_490 = arith.constant 0 : i32
    %dma_wait3A_491 = tpu.memref_slice %arg4[%add3A_423, %dma_wait3A_490] : memref<204800x128xf32, #tpu.memory_space<hbm>> -> memref<160x128xf32, #tpu.memory_space<hbm>>
    %dma_wait3A_492 = arith.constant 0 : i32
    %dma_wait3A_493 = tpu.memref_slice %arg4[%add3A_423, %dma_wait3A_492] : memref<204800x128xf32, #tpu.memory_space<hbm>> -> memref<160x128xf32, #tpu.memory_space<hbm>>
    %dma_wait3A_494 = arith.constant 0 : i32
    %dma_wait3A_495 = arith.constant 0 : i32
    %dma_wait3A_496 = tpu.memref_slice %arg6[%dma_wait3A_485, %dma_wait3A_494, %dma_wait3A_495] : memref<5x160x128xf32, #tpu.memory_space<vmem>> -> memref<1x160x128xf32, #tpu.memory_space<vmem>>
    %dma_wait3A_497 = tpu.memref_squeeze %dma_wait3A_496 : memref<1x160x128xf32, #tpu.memory_space<vmem>> -> memref<160x128xf32, #tpu.memory_space<vmem>>
    tpu.wait_dma2 semaphore(%arg8 : memref<!tpu.dma_semaphore, #tpu.memory_space<semaphore_mem>>) src(%dma_wait3A_497 : memref<160x128xf32, #tpu.memory_space<vmem>>) dst(%dma_wait3A_493 : memref<160x128xf32, #tpu.memory_space<hbm>>)
    %dma_start3A_498 = arith.constant 3 : i32
    %dma_start3A_499 = arith.constant 0 : i32
    %dma_start3A_500 = arith.constant 0 : i32
    %dma_start3A_501 = tpu.memref_slice %arg6[%dma_start3A_498, %dma_start3A_499, %dma_start3A_500] : memref<5x160x128xf32, #tpu.memory_space<vmem>> -> memref<1x160x128xf32, #tpu.memory_space<vmem>>
    %dma_start3A_502 = tpu.memref_squeeze %dma_start3A_501 : memref<1x160x128xf32, #tpu.memory_space<vmem>> -> memref<160x128xf32, #tpu.memory_space<vmem>>
    %dma_start3A_503 = arith.constant 2080 : i32
    %dma_start3A_504 = tpu.memref_slice %arg5[%dma_start3A_503] : memref<6400xi32, #tpu.memory_space<vmem>> -> memref<160xi32, #tpu.memory_space<vmem>>
    %dma_start3A_505 = arith.constant 0 : i32
    %dma_start3A_506 = arith.constant 0 : i32
    %dma_start3A_507 = tpu.memref_slice %arg3[%dma_start3A_505, %dma_start3A_506] : memref<100000x128xf32, #tpu.memory_space<hbm>> -> memref<100000x128xf32, #tpu.memory_space<hbm>>
    tpu.enqueue_indirect_dma source(%dma_start3A_507 : memref<100000x128xf32, #tpu.memory_space<hbm>>) target(%dma_start3A_502 : memref<160x128xf32, #tpu.memory_space<vmem>>) offsets(%dma_start3A_504 : memref<160xi32, #tpu.memory_space<vmem>>) semaphore(%arg7 : memref<!tpu.dma_semaphore, #tpu.memory_space<semaphore_mem>>)
    %dma_wait3A_508 = arith.constant 0 : i32
    %dma_wait3A_509 = arith.constant 0 : i32
    %dma_wait3A_510 = arith.constant 0 : i32
    %dma_wait3A_511 = tpu.memref_slice %arg6[%dma_wait3A_508, %dma_wait3A_509, %dma_wait3A_510] : memref<5x160x128xf32, #tpu.memory_space<vmem>> -> memref<1x160x128xf32, #tpu.memory_space<vmem>>
    %dma_wait3A_512 = tpu.memref_squeeze %dma_wait3A_511 : memref<1x160x128xf32, #tpu.memory_space<vmem>> -> memref<160x128xf32, #tpu.memory_space<vmem>>
    %dma_wait3A_513 = arith.constant 1600 : i32
    %dma_wait3A_514 = tpu.memref_slice %arg5[%dma_wait3A_513] : memref<6400xi32, #tpu.memory_space<vmem>> -> memref<160xi32, #tpu.memory_space<vmem>>
    %dma_wait3A_515 = arith.constant 0 : i32
    %dma_wait3A_516 = arith.constant 0 : i32
    %dma_wait3A_517 = tpu.memref_slice %arg3[%dma_wait3A_515, %dma_wait3A_516] : memref<100000x128xf32, #tpu.memory_space<hbm>> -> memref<100000x128xf32, #tpu.memory_space<hbm>>
    tpu.wait_indirect_dma semaphore(%arg7 : memref<!tpu.dma_semaphore, #tpu.memory_space<semaphore_mem>>) src(%dma_wait3A_517 : memref<100000x128xf32, #tpu.memory_space<hbm>>) dst(%dma_wait3A_512 : memref<160x128xf32, #tpu.memory_space<vmem>>)
    %add3A_518 = arith.constant 1600 : i32
    %add3A_519 = arith.addi %mul3A_2, %add3A_518 : i32
    %dma_start3A_520 = arith.constant 0 : i32
    %dma_start3A_521 = arith.constant 0 : i32
    %dma_start3A_522 = arith.constant 0 : i32
    %dma_start3A_523 = tpu.memref_slice %arg6[%dma_start3A_520, %dma_start3A_521, %dma_start3A_522] : memref<5x160x128xf32, #tpu.memory_space<vmem>> -> memref<1x160x128xf32, #tpu.memory_space<vmem>>
    %dma_start3A_524 = tpu.memref_squeeze %dma_start3A_523 : memref<1x160x128xf32, #tpu.memory_space<vmem>> -> memref<160x128xf32, #tpu.memory_space<vmem>>
    %dma_start3A_525 = arith.constant 0 : i32
    %dma_start3A_526 = tpu.memref_slice %arg4[%add3A_519, %dma_start3A_525] : memref<204800x128xf32, #tpu.memory_space<hbm>> -> memref<160x128xf32, #tpu.memory_space<hbm>>
    %dma_start3A_527 = arith.constant 0 : i32
    %dma_start3A_528 = tpu.memref_slice %arg4[%add3A_519, %dma_start3A_527] : memref<204800x128xf32, #tpu.memory_space<hbm>> -> memref<160x128xf32, #tpu.memory_space<hbm>>
    %dma_start3A_529 = arith.constant 0 : i32
    %dma_start3A_530 = arith.constant 0 : i32
    %dma_start3A_531 = tpu.memref_slice %arg6[%dma_start3A_520, %dma_start3A_529, %dma_start3A_530] : memref<5x160x128xf32, #tpu.memory_space<vmem>> -> memref<1x160x128xf32, #tpu.memory_space<vmem>>
    %dma_start3A_532 = tpu.memref_squeeze %dma_start3A_531 : memref<1x160x128xf32, #tpu.memory_space<vmem>> -> memref<160x128xf32, #tpu.memory_space<vmem>>
    tpu.enqueue_dma source(%dma_start3A_532 : memref<160x128xf32, #tpu.memory_space<vmem>>) target(%dma_start3A_528 : memref<160x128xf32, #tpu.memory_space<hbm>>) target_semaphore(%arg8 : memref<!tpu.dma_semaphore, #tpu.memory_space<semaphore_mem>>)
    %dma_wait3A_533 = arith.constant 4 : i32
    %dma_wait3A_534 = arith.constant 0 : i32
    %dma_wait3A_535 = arith.constant 0 : i32
    %dma_wait3A_536 = tpu.memref_slice %arg6[%dma_wait3A_533, %dma_wait3A_534, %dma_wait3A_535] : memref<5x160x128xf32, #tpu.memory_space<vmem>> -> memref<1x160x128xf32, #tpu.memory_space<vmem>>
    %dma_wait3A_537 = tpu.memref_squeeze %dma_wait3A_536 : memref<1x160x128xf32, #tpu.memory_space<vmem>> -> memref<160x128xf32, #tpu.memory_space<vmem>>
    %dma_wait3A_538 = arith.constant 0 : i32
    %dma_wait3A_539 = tpu.memref_slice %arg4[%add3A_471, %dma_wait3A_538] : memref<204800x128xf32, #tpu.memory_space<hbm>> -> memref<160x128xf32, #tpu.memory_space<hbm>>
    %dma_wait3A_540 = arith.constant 0 : i32
    %dma_wait3A_541 = tpu.memref_slice %arg4[%add3A_471, %dma_wait3A_540] : memref<204800x128xf32, #tpu.memory_space<hbm>> -> memref<160x128xf32, #tpu.memory_space<hbm>>
    %dma_wait3A_542 = arith.constant 0 : i32
    %dma_wait3A_543 = arith.constant 0 : i32
    %dma_wait3A_544 = tpu.memref_slice %arg6[%dma_wait3A_533, %dma_wait3A_542, %dma_wait3A_543] : memref<5x160x128xf32, #tpu.memory_space<vmem>> -> memref<1x160x128xf32, #tpu.memory_space<vmem>>
    %dma_wait3A_545 = tpu.memref_squeeze %dma_wait3A_544 : memref<1x160x128xf32, #tpu.memory_space<vmem>> -> memref<160x128xf32, #tpu.memory_space<vmem>>
    tpu.wait_dma2 semaphore(%arg8 : memref<!tpu.dma_semaphore, #tpu.memory_space<semaphore_mem>>) src(%dma_wait3A_545 : memref<160x128xf32, #tpu.memory_space<vmem>>) dst(%dma_wait3A_541 : memref<160x128xf32, #tpu.memory_space<hbm>>)
    %dma_start3A_546 = arith.constant 4 : i32
    %dma_start3A_547 = arith.constant 0 : i32
    %dma_start3A_548 = arith.constant 0 : i32
    %dma_start3A_549 = tpu.memref_slice %arg6[%dma_start3A_546, %dma_start3A_547, %dma_start3A_548] : memref<5x160x128xf32, #tpu.memory_space<vmem>> -> memref<1x160x128xf32, #tpu.memory_space<vmem>>
    %dma_start3A_550 = tpu.memref_squeeze %dma_start3A_549 : memref<1x160x128xf32, #tpu.memory_space<vmem>> -> memref<160x128xf32, #tpu.memory_space<vmem>>
    %dma_start3A_551 = arith.constant 2240 : i32
    %dma_start3A_552 = tpu.memref_slice %arg5[%dma_start3A_551] : memref<6400xi32, #tpu.memory_space<vmem>> -> memref<160xi32, #tpu.memory_space<vmem>>
    %dma_start3A_553 = arith.constant 0 : i32
    %dma_start3A_554 = arith.constant 0 : i32
    %dma_start3A_555 = tpu.memref_slice %arg3[%dma_start3A_553, %dma_start3A_554] : memref<100000x128xf32, #tpu.memory_space<hbm>> -> memref<100000x128xf32, #tpu.memory_space<hbm>>
    tpu.enqueue_indirect_dma source(%dma_start3A_555 : memref<100000x128xf32, #tpu.memory_space<hbm>>) target(%dma_start3A_550 : memref<160x128xf32, #tpu.memory_space<vmem>>) offsets(%dma_start3A_552 : memref<160xi32, #tpu.memory_space<vmem>>) semaphore(%arg7 : memref<!tpu.dma_semaphore, #tpu.memory_space<semaphore_mem>>)
    %dma_wait3A_556 = arith.constant 1 : i32
    %dma_wait3A_557 = arith.constant 0 : i32
    %dma_wait3A_558 = arith.constant 0 : i32
    %dma_wait3A_559 = tpu.memref_slice %arg6[%dma_wait3A_556, %dma_wait3A_557, %dma_wait3A_558] : memref<5x160x128xf32, #tpu.memory_space<vmem>> -> memref<1x160x128xf32, #tpu.memory_space<vmem>>
    %dma_wait3A_560 = tpu.memref_squeeze %dma_wait3A_559 : memref<1x160x128xf32, #tpu.memory_space<vmem>> -> memref<160x128xf32, #tpu.memory_space<vmem>>
    %dma_wait3A_561 = arith.constant 1760 : i32
    %dma_wait3A_562 = tpu.memref_slice %arg5[%dma_wait3A_561] : memref<6400xi32, #tpu.memory_space<vmem>> -> memref<160xi32, #tpu.memory_space<vmem>>
    %dma_wait3A_563 = arith.constant 0 : i32
    %dma_wait3A_564 = arith.constant 0 : i32
    %dma_wait3A_565 = tpu.memref_slice %arg3[%dma_wait3A_563, %dma_wait3A_564] : memref<100000x128xf32, #tpu.memory_space<hbm>> -> memref<100000x128xf32, #tpu.memory_space<hbm>>
    tpu.wait_indirect_dma semaphore(%arg7 : memref<!tpu.dma_semaphore, #tpu.memory_space<semaphore_mem>>) src(%dma_wait3A_565 : memref<100000x128xf32, #tpu.memory_space<hbm>>) dst(%dma_wait3A_560 : memref<160x128xf32, #tpu.memory_space<vmem>>)
    %add3A_566 = arith.constant 1760 : i32
    %add3A_567 = arith.addi %mul3A_2, %add3A_566 : i32
    %dma_start3A_568 = arith.constant 1 : i32
    %dma_start3A_569 = arith.constant 0 : i32
    %dma_start3A_570 = arith.constant 0 : i32
    %dma_start3A_571 = tpu.memref_slice %arg6[%dma_start3A_568, %dma_start3A_569, %dma_start3A_570] : memref<5x160x128xf32, #tpu.memory_space<vmem>> -> memref<1x160x128xf32, #tpu.memory_space<vmem>>
    %dma_start3A_572 = tpu.memref_squeeze %dma_start3A_571 : memref<1x160x128xf32, #tpu.memory_space<vmem>> -> memref<160x128xf32, #tpu.memory_space<vmem>>
    %dma_start3A_573 = arith.constant 0 : i32
    %dma_start3A_574 = tpu.memref_slice %arg4[%add3A_567, %dma_start3A_573] : memref<204800x128xf32, #tpu.memory_space<hbm>> -> memref<160x128xf32, #tpu.memory_space<hbm>>
    %dma_start3A_575 = arith.constant 0 : i32
    %dma_start3A_576 = tpu.memref_slice %arg4[%add3A_567, %dma_start3A_575] : memref<204800x128xf32, #tpu.memory_space<hbm>> -> memref<160x128xf32, #tpu.memory_space<hbm>>
    %dma_start3A_577 = arith.constant 0 : i32
    %dma_start3A_578 = arith.constant 0 : i32
    %dma_start3A_579 = tpu.memref_slice %arg6[%dma_start3A_568, %dma_start3A_577, %dma_start3A_578] : memref<5x160x128xf32, #tpu.memory_space<vmem>> -> memref<1x160x128xf32, #tpu.memory_space<vmem>>
    %dma_start3A_580 = tpu.memref_squeeze %dma_start3A_579 : memref<1x160x128xf32, #tpu.memory_space<vmem>> -> memref<160x128xf32, #tpu.memory_space<vmem>>
    tpu.enqueue_dma source(%dma_start3A_580 : memref<160x128xf32, #tpu.memory_space<vmem>>) target(%dma_start3A_576 : memref<160x128xf32, #tpu.memory_space<hbm>>) target_semaphore(%arg8 : memref<!tpu.dma_semaphore, #tpu.memory_space<semaphore_mem>>)
    %dma_wait3A_581 = arith.constant 0 : i32
    %dma_wait3A_582 = arith.constant 0 : i32
    %dma_wait3A_583 = arith.constant 0 : i32
    %dma_wait3A_584 = tpu.memref_slice %arg6[%dma_wait3A_581, %dma_wait3A_582, %dma_wait3A_583] : memref<5x160x128xf32, #tpu.memory_space<vmem>> -> memref<1x160x128xf32, #tpu.memory_space<vmem>>
    %dma_wait3A_585 = tpu.memref_squeeze %dma_wait3A_584 : memref<1x160x128xf32, #tpu.memory_space<vmem>> -> memref<160x128xf32, #tpu.memory_space<vmem>>
    %dma_wait3A_586 = arith.constant 0 : i32
    %dma_wait3A_587 = tpu.memref_slice %arg4[%add3A_519, %dma_wait3A_586] : memref<204800x128xf32, #tpu.memory_space<hbm>> -> memref<160x128xf32, #tpu.memory_space<hbm>>
    %dma_wait3A_588 = arith.constant 0 : i32
    %dma_wait3A_589 = tpu.memref_slice %arg4[%add3A_519, %dma_wait3A_588] : memref<204800x128xf32, #tpu.memory_space<hbm>> -> memref<160x128xf32, #tpu.memory_space<hbm>>
    %dma_wait3A_590 = arith.constant 0 : i32
    %dma_wait3A_591 = arith.constant 0 : i32
    %dma_wait3A_592 = tpu.memref_slice %arg6[%dma_wait3A_581, %dma_wait3A_590, %dma_wait3A_591] : memref<5x160x128xf32, #tpu.memory_space<vmem>> -> memref<1x160x128xf32, #tpu.memory_space<vmem>>
    %dma_wait3A_593 = tpu.memref_squeeze %dma_wait3A_592 : memref<1x160x128xf32, #tpu.memory_space<vmem>> -> memref<160x128xf32, #tpu.memory_space<vmem>>
    tpu.wait_dma2 semaphore(%arg8 : memref<!tpu.dma_semaphore, #tpu.memory_space<semaphore_mem>>) src(%dma_wait3A_593 : memref<160x128xf32, #tpu.memory_space<vmem>>) dst(%dma_wait3A_589 : memref<160x128xf32, #tpu.memory_space<hbm>>)
    %dma_start3A_594 = arith.constant 0 : i32
    %dma_start3A_595 = arith.constant 0 : i32
    %dma_start3A_596 = arith.constant 0 : i32
    %dma_start3A_597 = tpu.memref_slice %arg6[%dma_start3A_594, %dma_start3A_595, %dma_start3A_596] : memref<5x160x128xf32, #tpu.memory_space<vmem>> -> memref<1x160x128xf32, #tpu.memory_space<vmem>>
    %dma_start3A_598 = tpu.memref_squeeze %dma_start3A_597 : memref<1x160x128xf32, #tpu.memory_space<vmem>> -> memref<160x128xf32, #tpu.memory_space<vmem>>
    %dma_start3A_599 = arith.constant 2400 : i32
    %dma_start3A_600 = tpu.memref_slice %arg5[%dma_start3A_599] : memref<6400xi32, #tpu.memory_space<vmem>> -> memref<160xi32, #tpu.memory_space<vmem>>
    %dma_start3A_601 = arith.constant 0 : i32
    %dma_start3A_602 = arith.constant 0 : i32
    %dma_start3A_603 = tpu.memref_slice %arg3[%dma_start3A_601, %dma_start3A_602] : memref<100000x128xf32, #tpu.memory_space<hbm>> -> memref<100000x128xf32, #tpu.memory_space<hbm>>
    tpu.enqueue_indirect_dma source(%dma_start3A_603 : memref<100000x128xf32, #tpu.memory_space<hbm>>) target(%dma_start3A_598 : memref<160x128xf32, #tpu.memory_space<vmem>>) offsets(%dma_start3A_600 : memref<160xi32, #tpu.memory_space<vmem>>) semaphore(%arg7 : memref<!tpu.dma_semaphore, #tpu.memory_space<semaphore_mem>>)
    %dma_wait3A_604 = arith.constant 2 : i32
    %dma_wait3A_605 = arith.constant 0 : i32
    %dma_wait3A_606 = arith.constant 0 : i32
    %dma_wait3A_607 = tpu.memref_slice %arg6[%dma_wait3A_604, %dma_wait3A_605, %dma_wait3A_606] : memref<5x160x128xf32, #tpu.memory_space<vmem>> -> memref<1x160x128xf32, #tpu.memory_space<vmem>>
    %dma_wait3A_608 = tpu.memref_squeeze %dma_wait3A_607 : memref<1x160x128xf32, #tpu.memory_space<vmem>> -> memref<160x128xf32, #tpu.memory_space<vmem>>
    %dma_wait3A_609 = arith.constant 1920 : i32
    %dma_wait3A_610 = tpu.memref_slice %arg5[%dma_wait3A_609] : memref<6400xi32, #tpu.memory_space<vmem>> -> memref<160xi32, #tpu.memory_space<vmem>>
    %dma_wait3A_611 = arith.constant 0 : i32
    %dma_wait3A_612 = arith.constant 0 : i32
    %dma_wait3A_613 = tpu.memref_slice %arg3[%dma_wait3A_611, %dma_wait3A_612] : memref<100000x128xf32, #tpu.memory_space<hbm>> -> memref<100000x128xf32, #tpu.memory_space<hbm>>
    tpu.wait_indirect_dma semaphore(%arg7 : memref<!tpu.dma_semaphore, #tpu.memory_space<semaphore_mem>>) src(%dma_wait3A_613 : memref<100000x128xf32, #tpu.memory_space<hbm>>) dst(%dma_wait3A_608 : memref<160x128xf32, #tpu.memory_space<vmem>>)
    %add3A_614 = arith.constant 1920 : i32
    %add3A_615 = arith.addi %mul3A_2, %add3A_614 : i32
    %dma_start3A_616 = arith.constant 2 : i32
    %dma_start3A_617 = arith.constant 0 : i32
    %dma_start3A_618 = arith.constant 0 : i32
    %dma_start3A_619 = tpu.memref_slice %arg6[%dma_start3A_616, %dma_start3A_617, %dma_start3A_618] : memref<5x160x128xf32, #tpu.memory_space<vmem>> -> memref<1x160x128xf32, #tpu.memory_space<vmem>>
    %dma_start3A_620 = tpu.memref_squeeze %dma_start3A_619 : memref<1x160x128xf32, #tpu.memory_space<vmem>> -> memref<160x128xf32, #tpu.memory_space<vmem>>
    %dma_start3A_621 = arith.constant 0 : i32
    %dma_start3A_622 = tpu.memref_slice %arg4[%add3A_615, %dma_start3A_621] : memref<204800x128xf32, #tpu.memory_space<hbm>> -> memref<160x128xf32, #tpu.memory_space<hbm>>
    %dma_start3A_623 = arith.constant 0 : i32
    %dma_start3A_624 = tpu.memref_slice %arg4[%add3A_615, %dma_start3A_623] : memref<204800x128xf32, #tpu.memory_space<hbm>> -> memref<160x128xf32, #tpu.memory_space<hbm>>
    %dma_start3A_625 = arith.constant 0 : i32
    %dma_start3A_626 = arith.constant 0 : i32
    %dma_start3A_627 = tpu.memref_slice %arg6[%dma_start3A_616, %dma_start3A_625, %dma_start3A_626] : memref<5x160x128xf32, #tpu.memory_space<vmem>> -> memref<1x160x128xf32, #tpu.memory_space<vmem>>
    %dma_start3A_628 = tpu.memref_squeeze %dma_start3A_627 : memref<1x160x128xf32, #tpu.memory_space<vmem>> -> memref<160x128xf32, #tpu.memory_space<vmem>>
    tpu.enqueue_dma source(%dma_start3A_628 : memref<160x128xf32, #tpu.memory_space<vmem>>) target(%dma_start3A_624 : memref<160x128xf32, #tpu.memory_space<hbm>>) target_semaphore(%arg8 : memref<!tpu.dma_semaphore, #tpu.memory_space<semaphore_mem>>)
    %dma_wait3A_629 = arith.constant 1 : i32
    %dma_wait3A_630 = arith.constant 0 : i32
    %dma_wait3A_631 = arith.constant 0 : i32
    %dma_wait3A_632 = tpu.memref_slice %arg6[%dma_wait3A_629, %dma_wait3A_630, %dma_wait3A_631] : memref<5x160x128xf32, #tpu.memory_space<vmem>> -> memref<1x160x128xf32, #tpu.memory_space<vmem>>
    %dma_wait3A_633 = tpu.memref_squeeze %dma_wait3A_632 : memref<1x160x128xf32, #tpu.memory_space<vmem>> -> memref<160x128xf32, #tpu.memory_space<vmem>>
    %dma_wait3A_634 = arith.constant 0 : i32
    %dma_wait3A_635 = tpu.memref_slice %arg4[%add3A_567, %dma_wait3A_634] : memref<204800x128xf32, #tpu.memory_space<hbm>> -> memref<160x128xf32, #tpu.memory_space<hbm>>
    %dma_wait3A_636 = arith.constant 0 : i32
    %dma_wait3A_637 = tpu.memref_slice %arg4[%add3A_567, %dma_wait3A_636] : memref<204800x128xf32, #tpu.memory_space<hbm>> -> memref<160x128xf32, #tpu.memory_space<hbm>>
    %dma_wait3A_638 = arith.constant 0 : i32
    %dma_wait3A_639 = arith.constant 0 : i32
    %dma_wait3A_640 = tpu.memref_slice %arg6[%dma_wait3A_629, %dma_wait3A_638, %dma_wait3A_639] : memref<5x160x128xf32, #tpu.memory_space<vmem>> -> memref<1x160x128xf32, #tpu.memory_space<vmem>>
    %dma_wait3A_641 = tpu.memref_squeeze %dma_wait3A_640 : memref<1x160x128xf32, #tpu.memory_space<vmem>> -> memref<160x128xf32, #tpu.memory_space<vmem>>
    tpu.wait_dma2 semaphore(%arg8 : memref<!tpu.dma_semaphore, #tpu.memory_space<semaphore_mem>>) src(%dma_wait3A_641 : memref<160x128xf32, #tpu.memory_space<vmem>>) dst(%dma_wait3A_637 : memref<160x128xf32, #tpu.memory_space<hbm>>)
    %dma_start3A_642 = arith.constant 1 : i32
    %dma_start3A_643 = arith.constant 0 : i32
    %dma_start3A_644 = arith.constant 0 : i32
    %dma_start3A_645 = tpu.memref_slice %arg6[%dma_start3A_642, %dma_start3A_643, %dma_start3A_644] : memref<5x160x128xf32, #tpu.memory_space<vmem>> -> memref<1x160x128xf32, #tpu.memory_space<vmem>>
    %dma_start3A_646 = tpu.memref_squeeze %dma_start3A_645 : memref<1x160x128xf32, #tpu.memory_space<vmem>> -> memref<160x128xf32, #tpu.memory_space<vmem>>
    %dma_start3A_647 = arith.constant 2560 : i32
    %dma_start3A_648 = tpu.memref_slice %arg5[%dma_start3A_647] : memref<6400xi32, #tpu.memory_space<vmem>> -> memref<160xi32, #tpu.memory_space<vmem>>
    %dma_start3A_649 = arith.constant 0 : i32
    %dma_start3A_650 = arith.constant 0 : i32
    %dma_start3A_651 = tpu.memref_slice %arg3[%dma_start3A_649, %dma_start3A_650] : memref<100000x128xf32, #tpu.memory_space<hbm>> -> memref<100000x128xf32, #tpu.memory_space<hbm>>
    tpu.enqueue_indirect_dma source(%dma_start3A_651 : memref<100000x128xf32, #tpu.memory_space<hbm>>) target(%dma_start3A_646 : memref<160x128xf32, #tpu.memory_space<vmem>>) offsets(%dma_start3A_648 : memref<160xi32, #tpu.memory_space<vmem>>) semaphore(%arg7 : memref<!tpu.dma_semaphore, #tpu.memory_space<semaphore_mem>>)
    %dma_wait3A_652 = arith.constant 3 : i32
    %dma_wait3A_653 = arith.constant 0 : i32
    %dma_wait3A_654 = arith.constant 0 : i32
    %dma_wait3A_655 = tpu.memref_slice %arg6[%dma_wait3A_652, %dma_wait3A_653, %dma_wait3A_654] : memref<5x160x128xf32, #tpu.memory_space<vmem>> -> memref<1x160x128xf32, #tpu.memory_space<vmem>>
    %dma_wait3A_656 = tpu.memref_squeeze %dma_wait3A_655 : memref<1x160x128xf32, #tpu.memory_space<vmem>> -> memref<160x128xf32, #tpu.memory_space<vmem>>
    %dma_wait3A_657 = arith.constant 2080 : i32
    %dma_wait3A_658 = tpu.memref_slice %arg5[%dma_wait3A_657] : memref<6400xi32, #tpu.memory_space<vmem>> -> memref<160xi32, #tpu.memory_space<vmem>>
    %dma_wait3A_659 = arith.constant 0 : i32
    %dma_wait3A_660 = arith.constant 0 : i32
    %dma_wait3A_661 = tpu.memref_slice %arg3[%dma_wait3A_659, %dma_wait3A_660] : memref<100000x128xf32, #tpu.memory_space<hbm>> -> memref<100000x128xf32, #tpu.memory_space<hbm>>
    tpu.wait_indirect_dma semaphore(%arg7 : memref<!tpu.dma_semaphore, #tpu.memory_space<semaphore_mem>>) src(%dma_wait3A_661 : memref<100000x128xf32, #tpu.memory_space<hbm>>) dst(%dma_wait3A_656 : memref<160x128xf32, #tpu.memory_space<vmem>>)
    %add3A_662 = arith.constant 2080 : i32
    %add3A_663 = arith.addi %mul3A_2, %add3A_662 : i32
    %dma_start3A_664 = arith.constant 3 : i32
    %dma_start3A_665 = arith.constant 0 : i32
    %dma_start3A_666 = arith.constant 0 : i32
    %dma_start3A_667 = tpu.memref_slice %arg6[%dma_start3A_664, %dma_start3A_665, %dma_start3A_666] : memref<5x160x128xf32, #tpu.memory_space<vmem>> -> memref<1x160x128xf32, #tpu.memory_space<vmem>>
    %dma_start3A_668 = tpu.memref_squeeze %dma_start3A_667 : memref<1x160x128xf32, #tpu.memory_space<vmem>> -> memref<160x128xf32, #tpu.memory_space<vmem>>
    %dma_start3A_669 = arith.constant 0 : i32
    %dma_start3A_670 = tpu.memref_slice %arg4[%add3A_663, %dma_start3A_669] : memref<204800x128xf32, #tpu.memory_space<hbm>> -> memref<160x128xf32, #tpu.memory_space<hbm>>
    %dma_start3A_671 = arith.constant 0 : i32
    %dma_start3A_672 = tpu.memref_slice %arg4[%add3A_663, %dma_start3A_671] : memref<204800x128xf32, #tpu.memory_space<hbm>> -> memref<160x128xf32, #tpu.memory_space<hbm>>
    %dma_start3A_673 = arith.constant 0 : i32
    %dma_start3A_674 = arith.constant 0 : i32
    %dma_start3A_675 = tpu.memref_slice %arg6[%dma_start3A_664, %dma_start3A_673, %dma_start3A_674] : memref<5x160x128xf32, #tpu.memory_space<vmem>> -> memref<1x160x128xf32, #tpu.memory_space<vmem>>
    %dma_start3A_676 = tpu.memref_squeeze %dma_start3A_675 : memref<1x160x128xf32, #tpu.memory_space<vmem>> -> memref<160x128xf32, #tpu.memory_space<vmem>>
    tpu.enqueue_dma source(%dma_start3A_676 : memref<160x128xf32, #tpu.memory_space<vmem>>) target(%dma_start3A_672 : memref<160x128xf32, #tpu.memory_space<hbm>>) target_semaphore(%arg8 : memref<!tpu.dma_semaphore, #tpu.memory_space<semaphore_mem>>)
    %dma_wait3A_677 = arith.constant 2 : i32
    %dma_wait3A_678 = arith.constant 0 : i32
    %dma_wait3A_679 = arith.constant 0 : i32
    %dma_wait3A_680 = tpu.memref_slice %arg6[%dma_wait3A_677, %dma_wait3A_678, %dma_wait3A_679] : memref<5x160x128xf32, #tpu.memory_space<vmem>> -> memref<1x160x128xf32, #tpu.memory_space<vmem>>
    %dma_wait3A_681 = tpu.memref_squeeze %dma_wait3A_680 : memref<1x160x128xf32, #tpu.memory_space<vmem>> -> memref<160x128xf32, #tpu.memory_space<vmem>>
    %dma_wait3A_682 = arith.constant 0 : i32
    %dma_wait3A_683 = tpu.memref_slice %arg4[%add3A_615, %dma_wait3A_682] : memref<204800x128xf32, #tpu.memory_space<hbm>> -> memref<160x128xf32, #tpu.memory_space<hbm>>
    %dma_wait3A_684 = arith.constant 0 : i32
    %dma_wait3A_685 = tpu.memref_slice %arg4[%add3A_615, %dma_wait3A_684] : memref<204800x128xf32, #tpu.memory_space<hbm>> -> memref<160x128xf32, #tpu.memory_space<hbm>>
    %dma_wait3A_686 = arith.constant 0 : i32
    %dma_wait3A_687 = arith.constant 0 : i32
    %dma_wait3A_688 = tpu.memref_slice %arg6[%dma_wait3A_677, %dma_wait3A_686, %dma_wait3A_687] : memref<5x160x128xf32, #tpu.memory_space<vmem>> -> memref<1x160x128xf32, #tpu.memory_space<vmem>>
    %dma_wait3A_689 = tpu.memref_squeeze %dma_wait3A_688 : memref<1x160x128xf32, #tpu.memory_space<vmem>> -> memref<160x128xf32, #tpu.memory_space<vmem>>
    tpu.wait_dma2 semaphore(%arg8 : memref<!tpu.dma_semaphore, #tpu.memory_space<semaphore_mem>>) src(%dma_wait3A_689 : memref<160x128xf32, #tpu.memory_space<vmem>>) dst(%dma_wait3A_685 : memref<160x128xf32, #tpu.memory_space<hbm>>)
    %dma_start3A_690 = arith.constant 2 : i32
    %dma_start3A_691 = arith.constant 0 : i32
    %dma_start3A_692 = arith.constant 0 : i32
    %dma_start3A_693 = tpu.memref_slice %arg6[%dma_start3A_690, %dma_start3A_691, %dma_start3A_692] : memref<5x160x128xf32, #tpu.memory_space<vmem>> -> memref<1x160x128xf32, #tpu.memory_space<vmem>>
    %dma_start3A_694 = tpu.memref_squeeze %dma_start3A_693 : memref<1x160x128xf32, #tpu.memory_space<vmem>> -> memref<160x128xf32, #tpu.memory_space<vmem>>
    %dma_start3A_695 = arith.constant 2720 : i32
    %dma_start3A_696 = tpu.memref_slice %arg5[%dma_start3A_695] : memref<6400xi32, #tpu.memory_space<vmem>> -> memref<160xi32, #tpu.memory_space<vmem>>
    %dma_start3A_697 = arith.constant 0 : i32
    %dma_start3A_698 = arith.constant 0 : i32
    %dma_start3A_699 = tpu.memref_slice %arg3[%dma_start3A_697, %dma_start3A_698] : memref<100000x128xf32, #tpu.memory_space<hbm>> -> memref<100000x128xf32, #tpu.memory_space<hbm>>
    tpu.enqueue_indirect_dma source(%dma_start3A_699 : memref<100000x128xf32, #tpu.memory_space<hbm>>) target(%dma_start3A_694 : memref<160x128xf32, #tpu.memory_space<vmem>>) offsets(%dma_start3A_696 : memref<160xi32, #tpu.memory_space<vmem>>) semaphore(%arg7 : memref<!tpu.dma_semaphore, #tpu.memory_space<semaphore_mem>>)
    %dma_wait3A_700 = arith.constant 4 : i32
    %dma_wait3A_701 = arith.constant 0 : i32
    %dma_wait3A_702 = arith.constant 0 : i32
    %dma_wait3A_703 = tpu.memref_slice %arg6[%dma_wait3A_700, %dma_wait3A_701, %dma_wait3A_702] : memref<5x160x128xf32, #tpu.memory_space<vmem>> -> memref<1x160x128xf32, #tpu.memory_space<vmem>>
    %dma_wait3A_704 = tpu.memref_squeeze %dma_wait3A_703 : memref<1x160x128xf32, #tpu.memory_space<vmem>> -> memref<160x128xf32, #tpu.memory_space<vmem>>
    %dma_wait3A_705 = arith.constant 2240 : i32
    %dma_wait3A_706 = tpu.memref_slice %arg5[%dma_wait3A_705] : memref<6400xi32, #tpu.memory_space<vmem>> -> memref<160xi32, #tpu.memory_space<vmem>>
    %dma_wait3A_707 = arith.constant 0 : i32
    %dma_wait3A_708 = arith.constant 0 : i32
    %dma_wait3A_709 = tpu.memref_slice %arg3[%dma_wait3A_707, %dma_wait3A_708] : memref<100000x128xf32, #tpu.memory_space<hbm>> -> memref<100000x128xf32, #tpu.memory_space<hbm>>
    tpu.wait_indirect_dma semaphore(%arg7 : memref<!tpu.dma_semaphore, #tpu.memory_space<semaphore_mem>>) src(%dma_wait3A_709 : memref<100000x128xf32, #tpu.memory_space<hbm>>) dst(%dma_wait3A_704 : memref<160x128xf32, #tpu.memory_space<vmem>>)
    %add3A_710 = arith.constant 2240 : i32
    %add3A_711 = arith.addi %mul3A_2, %add3A_710 : i32
    %dma_start3A_712 = arith.constant 4 : i32
    %dma_start3A_713 = arith.constant 0 : i32
    %dma_start3A_714 = arith.constant 0 : i32
    %dma_start3A_715 = tpu.memref_slice %arg6[%dma_start3A_712, %dma_start3A_713, %dma_start3A_714] : memref<5x160x128xf32, #tpu.memory_space<vmem>> -> memref<1x160x128xf32, #tpu.memory_space<vmem>>
    %dma_start3A_716 = tpu.memref_squeeze %dma_start3A_715 : memref<1x160x128xf32, #tpu.memory_space<vmem>> -> memref<160x128xf32, #tpu.memory_space<vmem>>
    %dma_start3A_717 = arith.constant 0 : i32
    %dma_start3A_718 = tpu.memref_slice %arg4[%add3A_711, %dma_start3A_717] : memref<204800x128xf32, #tpu.memory_space<hbm>> -> memref<160x128xf32, #tpu.memory_space<hbm>>
    %dma_start3A_719 = arith.constant 0 : i32
    %dma_start3A_720 = tpu.memref_slice %arg4[%add3A_711, %dma_start3A_719] : memref<204800x128xf32, #tpu.memory_space<hbm>> -> memref<160x128xf32, #tpu.memory_space<hbm>>
    %dma_start3A_721 = arith.constant 0 : i32
    %dma_start3A_722 = arith.constant 0 : i32
    %dma_start3A_723 = tpu.memref_slice %arg6[%dma_start3A_712, %dma_start3A_721, %dma_start3A_722] : memref<5x160x128xf32, #tpu.memory_space<vmem>> -> memref<1x160x128xf32, #tpu.memory_space<vmem>>
    %dma_start3A_724 = tpu.memref_squeeze %dma_start3A_723 : memref<1x160x128xf32, #tpu.memory_space<vmem>> -> memref<160x128xf32, #tpu.memory_space<vmem>>
    tpu.enqueue_dma source(%dma_start3A_724 : memref<160x128xf32, #tpu.memory_space<vmem>>) target(%dma_start3A_720 : memref<160x128xf32, #tpu.memory_space<hbm>>) target_semaphore(%arg8 : memref<!tpu.dma_semaphore, #tpu.memory_space<semaphore_mem>>)
    %dma_wait3A_725 = arith.constant 3 : i32
    %dma_wait3A_726 = arith.constant 0 : i32
    %dma_wait3A_727 = arith.constant 0 : i32
    %dma_wait3A_728 = tpu.memref_slice %arg6[%dma_wait3A_725, %dma_wait3A_726, %dma_wait3A_727] : memref<5x160x128xf32, #tpu.memory_space<vmem>> -> memref<1x160x128xf32, #tpu.memory_space<vmem>>
    %dma_wait3A_729 = tpu.memref_squeeze %dma_wait3A_728 : memref<1x160x128xf32, #tpu.memory_space<vmem>> -> memref<160x128xf32, #tpu.memory_space<vmem>>
    %dma_wait3A_730 = arith.constant 0 : i32
    %dma_wait3A_731 = tpu.memref_slice %arg4[%add3A_663, %dma_wait3A_730] : memref<204800x128xf32, #tpu.memory_space<hbm>> -> memref<160x128xf32, #tpu.memory_space<hbm>>
    %dma_wait3A_732 = arith.constant 0 : i32
    %dma_wait3A_733 = tpu.memref_slice %arg4[%add3A_663, %dma_wait3A_732] : memref<204800x128xf32, #tpu.memory_space<hbm>> -> memref<160x128xf32, #tpu.memory_space<hbm>>
    %dma_wait3A_734 = arith.constant 0 : i32
    %dma_wait3A_735 = arith.constant 0 : i32
    %dma_wait3A_736 = tpu.memref_slice %arg6[%dma_wait3A_725, %dma_wait3A_734, %dma_wait3A_735] : memref<5x160x128xf32, #tpu.memory_space<vmem>> -> memref<1x160x128xf32, #tpu.memory_space<vmem>>
    %dma_wait3A_737 = tpu.memref_squeeze %dma_wait3A_736 : memref<1x160x128xf32, #tpu.memory_space<vmem>> -> memref<160x128xf32, #tpu.memory_space<vmem>>
    tpu.wait_dma2 semaphore(%arg8 : memref<!tpu.dma_semaphore, #tpu.memory_space<semaphore_mem>>) src(%dma_wait3A_737 : memref<160x128xf32, #tpu.memory_space<vmem>>) dst(%dma_wait3A_733 : memref<160x128xf32, #tpu.memory_space<hbm>>)
    %dma_start3A_738 = arith.constant 3 : i32
    %dma_start3A_739 = arith.constant 0 : i32
    %dma_start3A_740 = arith.constant 0 : i32
    %dma_start3A_741 = tpu.memref_slice %arg6[%dma_start3A_738, %dma_start3A_739, %dma_start3A_740] : memref<5x160x128xf32, #tpu.memory_space<vmem>> -> memref<1x160x128xf32, #tpu.memory_space<vmem>>
    %dma_start3A_742 = tpu.memref_squeeze %dma_start3A_741 : memref<1x160x128xf32, #tpu.memory_space<vmem>> -> memref<160x128xf32, #tpu.memory_space<vmem>>
    %dma_start3A_743 = arith.constant 2880 : i32
    %dma_start3A_744 = tpu.memref_slice %arg5[%dma_start3A_743] : memref<6400xi32, #tpu.memory_space<vmem>> -> memref<160xi32, #tpu.memory_space<vmem>>
    %dma_start3A_745 = arith.constant 0 : i32
    %dma_start3A_746 = arith.constant 0 : i32
    %dma_start3A_747 = tpu.memref_slice %arg3[%dma_start3A_745, %dma_start3A_746] : memref<100000x128xf32, #tpu.memory_space<hbm>> -> memref<100000x128xf32, #tpu.memory_space<hbm>>
    tpu.enqueue_indirect_dma source(%dma_start3A_747 : memref<100000x128xf32, #tpu.memory_space<hbm>>) target(%dma_start3A_742 : memref<160x128xf32, #tpu.memory_space<vmem>>) offsets(%dma_start3A_744 : memref<160xi32, #tpu.memory_space<vmem>>) semaphore(%arg7 : memref<!tpu.dma_semaphore, #tpu.memory_space<semaphore_mem>>)
    %dma_wait3A_748 = arith.constant 0 : i32
    %dma_wait3A_749 = arith.constant 0 : i32
    %dma_wait3A_750 = arith.constant 0 : i32
    %dma_wait3A_751 = tpu.memref_slice %arg6[%dma_wait3A_748, %dma_wait3A_749, %dma_wait3A_750] : memref<5x160x128xf32, #tpu.memory_space<vmem>> -> memref<1x160x128xf32, #tpu.memory_space<vmem>>
    %dma_wait3A_752 = tpu.memref_squeeze %dma_wait3A_751 : memref<1x160x128xf32, #tpu.memory_space<vmem>> -> memref<160x128xf32, #tpu.memory_space<vmem>>
    %dma_wait3A_753 = arith.constant 2400 : i32
    %dma_wait3A_754 = tpu.memref_slice %arg5[%dma_wait3A_753] : memref<6400xi32, #tpu.memory_space<vmem>> -> memref<160xi32, #tpu.memory_space<vmem>>
    %dma_wait3A_755 = arith.constant 0 : i32
    %dma_wait3A_756 = arith.constant 0 : i32
    %dma_wait3A_757 = tpu.memref_slice %arg3[%dma_wait3A_755, %dma_wait3A_756] : memref<100000x128xf32, #tpu.memory_space<hbm>> -> memref<100000x128xf32, #tpu.memory_space<hbm>>
    tpu.wait_indirect_dma semaphore(%arg7 : memref<!tpu.dma_semaphore, #tpu.memory_space<semaphore_mem>>) src(%dma_wait3A_757 : memref<100000x128xf32, #tpu.memory_space<hbm>>) dst(%dma_wait3A_752 : memref<160x128xf32, #tpu.memory_space<vmem>>)
    %add3A_758 = arith.constant 2400 : i32
    %add3A_759 = arith.addi %mul3A_2, %add3A_758 : i32
    %dma_start3A_760 = arith.constant 0 : i32
    %dma_start3A_761 = arith.constant 0 : i32
    %dma_start3A_762 = arith.constant 0 : i32
    %dma_start3A_763 = tpu.memref_slice %arg6[%dma_start3A_760, %dma_start3A_761, %dma_start3A_762] : memref<5x160x128xf32, #tpu.memory_space<vmem>> -> memref<1x160x128xf32, #tpu.memory_space<vmem>>
    %dma_start3A_764 = tpu.memref_squeeze %dma_start3A_763 : memref<1x160x128xf32, #tpu.memory_space<vmem>> -> memref<160x128xf32, #tpu.memory_space<vmem>>
    %dma_start3A_765 = arith.constant 0 : i32
    %dma_start3A_766 = tpu.memref_slice %arg4[%add3A_759, %dma_start3A_765] : memref<204800x128xf32, #tpu.memory_space<hbm>> -> memref<160x128xf32, #tpu.memory_space<hbm>>
    %dma_start3A_767 = arith.constant 0 : i32
    %dma_start3A_768 = tpu.memref_slice %arg4[%add3A_759, %dma_start3A_767] : memref<204800x128xf32, #tpu.memory_space<hbm>> -> memref<160x128xf32, #tpu.memory_space<hbm>>
    %dma_start3A_769 = arith.constant 0 : i32
    %dma_start3A_770 = arith.constant 0 : i32
    %dma_start3A_771 = tpu.memref_slice %arg6[%dma_start3A_760, %dma_start3A_769, %dma_start3A_770] : memref<5x160x128xf32, #tpu.memory_space<vmem>> -> memref<1x160x128xf32, #tpu.memory_space<vmem>>
    %dma_start3A_772 = tpu.memref_squeeze %dma_start3A_771 : memref<1x160x128xf32, #tpu.memory_space<vmem>> -> memref<160x128xf32, #tpu.memory_space<vmem>>
    tpu.enqueue_dma source(%dma_start3A_772 : memref<160x128xf32, #tpu.memory_space<vmem>>) target(%dma_start3A_768 : memref<160x128xf32, #tpu.memory_space<hbm>>) target_semaphore(%arg8 : memref<!tpu.dma_semaphore, #tpu.memory_space<semaphore_mem>>)
    %dma_wait3A_773 = arith.constant 4 : i32
    %dma_wait3A_774 = arith.constant 0 : i32
    %dma_wait3A_775 = arith.constant 0 : i32
    %dma_wait3A_776 = tpu.memref_slice %arg6[%dma_wait3A_773, %dma_wait3A_774, %dma_wait3A_775] : memref<5x160x128xf32, #tpu.memory_space<vmem>> -> memref<1x160x128xf32, #tpu.memory_space<vmem>>
    %dma_wait3A_777 = tpu.memref_squeeze %dma_wait3A_776 : memref<1x160x128xf32, #tpu.memory_space<vmem>> -> memref<160x128xf32, #tpu.memory_space<vmem>>
    %dma_wait3A_778 = arith.constant 0 : i32
    %dma_wait3A_779 = tpu.memref_slice %arg4[%add3A_711, %dma_wait3A_778] : memref<204800x128xf32, #tpu.memory_space<hbm>> -> memref<160x128xf32, #tpu.memory_space<hbm>>
    %dma_wait3A_780 = arith.constant 0 : i32
    %dma_wait3A_781 = tpu.memref_slice %arg4[%add3A_711, %dma_wait3A_780] : memref<204800x128xf32, #tpu.memory_space<hbm>> -> memref<160x128xf32, #tpu.memory_space<hbm>>
    %dma_wait3A_782 = arith.constant 0 : i32
    %dma_wait3A_783 = arith.constant 0 : i32
    %dma_wait3A_784 = tpu.memref_slice %arg6[%dma_wait3A_773, %dma_wait3A_782, %dma_wait3A_783] : memref<5x160x128xf32, #tpu.memory_space<vmem>> -> memref<1x160x128xf32, #tpu.memory_space<vmem>>
    %dma_wait3A_785 = tpu.memref_squeeze %dma_wait3A_784 : memref<1x160x128xf32, #tpu.memory_space<vmem>> -> memref<160x128xf32, #tpu.memory_space<vmem>>
    tpu.wait_dma2 semaphore(%arg8 : memref<!tpu.dma_semaphore, #tpu.memory_space<semaphore_mem>>) src(%dma_wait3A_785 : memref<160x128xf32, #tpu.memory_space<vmem>>) dst(%dma_wait3A_781 : memref<160x128xf32, #tpu.memory_space<hbm>>)
    %dma_start3A_786 = arith.constant 4 : i32
    %dma_start3A_787 = arith.constant 0 : i32
    %dma_start3A_788 = arith.constant 0 : i32
    %dma_start3A_789 = tpu.memref_slice %arg6[%dma_start3A_786, %dma_start3A_787, %dma_start3A_788] : memref<5x160x128xf32, #tpu.memory_space<vmem>> -> memref<1x160x128xf32, #tpu.memory_space<vmem>>
    %dma_start3A_790 = tpu.memref_squeeze %dma_start3A_789 : memref<1x160x128xf32, #tpu.memory_space<vmem>> -> memref<160x128xf32, #tpu.memory_space<vmem>>
    %dma_start3A_791 = arith.constant 3040 : i32
    %dma_start3A_792 = tpu.memref_slice %arg5[%dma_start3A_791] : memref<6400xi32, #tpu.memory_space<vmem>> -> memref<160xi32, #tpu.memory_space<vmem>>
    %dma_start3A_793 = arith.constant 0 : i32
    %dma_start3A_794 = arith.constant 0 : i32
    %dma_start3A_795 = tpu.memref_slice %arg3[%dma_start3A_793, %dma_start3A_794] : memref<100000x128xf32, #tpu.memory_space<hbm>> -> memref<100000x128xf32, #tpu.memory_space<hbm>>
    tpu.enqueue_indirect_dma source(%dma_start3A_795 : memref<100000x128xf32, #tpu.memory_space<hbm>>) target(%dma_start3A_790 : memref<160x128xf32, #tpu.memory_space<vmem>>) offsets(%dma_start3A_792 : memref<160xi32, #tpu.memory_space<vmem>>) semaphore(%arg7 : memref<!tpu.dma_semaphore, #tpu.memory_space<semaphore_mem>>)
    %dma_wait3A_796 = arith.constant 1 : i32
    %dma_wait3A_797 = arith.constant 0 : i32
    %dma_wait3A_798 = arith.constant 0 : i32
    %dma_wait3A_799 = tpu.memref_slice %arg6[%dma_wait3A_796, %dma_wait3A_797, %dma_wait3A_798] : memref<5x160x128xf32, #tpu.memory_space<vmem>> -> memref<1x160x128xf32, #tpu.memory_space<vmem>>
    %dma_wait3A_800 = tpu.memref_squeeze %dma_wait3A_799 : memref<1x160x128xf32, #tpu.memory_space<vmem>> -> memref<160x128xf32, #tpu.memory_space<vmem>>
    %dma_wait3A_801 = arith.constant 2560 : i32
    %dma_wait3A_802 = tpu.memref_slice %arg5[%dma_wait3A_801] : memref<6400xi32, #tpu.memory_space<vmem>> -> memref<160xi32, #tpu.memory_space<vmem>>
    %dma_wait3A_803 = arith.constant 0 : i32
    %dma_wait3A_804 = arith.constant 0 : i32
    %dma_wait3A_805 = tpu.memref_slice %arg3[%dma_wait3A_803, %dma_wait3A_804] : memref<100000x128xf32, #tpu.memory_space<hbm>> -> memref<100000x128xf32, #tpu.memory_space<hbm>>
    tpu.wait_indirect_dma semaphore(%arg7 : memref<!tpu.dma_semaphore, #tpu.memory_space<semaphore_mem>>) src(%dma_wait3A_805 : memref<100000x128xf32, #tpu.memory_space<hbm>>) dst(%dma_wait3A_800 : memref<160x128xf32, #tpu.memory_space<vmem>>)
    %add3A_806 = arith.constant 2560 : i32
    %add3A_807 = arith.addi %mul3A_2, %add3A_806 : i32
    %dma_start3A_808 = arith.constant 1 : i32
    %dma_start3A_809 = arith.constant 0 : i32
    %dma_start3A_810 = arith.constant 0 : i32
    %dma_start3A_811 = tpu.memref_slice %arg6[%dma_start3A_808, %dma_start3A_809, %dma_start3A_810] : memref<5x160x128xf32, #tpu.memory_space<vmem>> -> memref<1x160x128xf32, #tpu.memory_space<vmem>>
    %dma_start3A_812 = tpu.memref_squeeze %dma_start3A_811 : memref<1x160x128xf32, #tpu.memory_space<vmem>> -> memref<160x128xf32, #tpu.memory_space<vmem>>
    %dma_start3A_813 = arith.constant 0 : i32
    %dma_start3A_814 = tpu.memref_slice %arg4[%add3A_807, %dma_start3A_813] : memref<204800x128xf32, #tpu.memory_space<hbm>> -> memref<160x128xf32, #tpu.memory_space<hbm>>
    %dma_start3A_815 = arith.constant 0 : i32
    %dma_start3A_816 = tpu.memref_slice %arg4[%add3A_807, %dma_start3A_815] : memref<204800x128xf32, #tpu.memory_space<hbm>> -> memref<160x128xf32, #tpu.memory_space<hbm>>
    %dma_start3A_817 = arith.constant 0 : i32
    %dma_start3A_818 = arith.constant 0 : i32
    %dma_start3A_819 = tpu.memref_slice %arg6[%dma_start3A_808, %dma_start3A_817, %dma_start3A_818] : memref<5x160x128xf32, #tpu.memory_space<vmem>> -> memref<1x160x128xf32, #tpu.memory_space<vmem>>
    %dma_start3A_820 = tpu.memref_squeeze %dma_start3A_819 : memref<1x160x128xf32, #tpu.memory_space<vmem>> -> memref<160x128xf32, #tpu.memory_space<vmem>>
    tpu.enqueue_dma source(%dma_start3A_820 : memref<160x128xf32, #tpu.memory_space<vmem>>) target(%dma_start3A_816 : memref<160x128xf32, #tpu.memory_space<hbm>>) target_semaphore(%arg8 : memref<!tpu.dma_semaphore, #tpu.memory_space<semaphore_mem>>)
    %dma_wait3A_821 = arith.constant 0 : i32
    %dma_wait3A_822 = arith.constant 0 : i32
    %dma_wait3A_823 = arith.constant 0 : i32
    %dma_wait3A_824 = tpu.memref_slice %arg6[%dma_wait3A_821, %dma_wait3A_822, %dma_wait3A_823] : memref<5x160x128xf32, #tpu.memory_space<vmem>> -> memref<1x160x128xf32, #tpu.memory_space<vmem>>
    %dma_wait3A_825 = tpu.memref_squeeze %dma_wait3A_824 : memref<1x160x128xf32, #tpu.memory_space<vmem>> -> memref<160x128xf32, #tpu.memory_space<vmem>>
    %dma_wait3A_826 = arith.constant 0 : i32
    %dma_wait3A_827 = tpu.memref_slice %arg4[%add3A_759, %dma_wait3A_826] : memref<204800x128xf32, #tpu.memory_space<hbm>> -> memref<160x128xf32, #tpu.memory_space<hbm>>
    %dma_wait3A_828 = arith.constant 0 : i32
    %dma_wait3A_829 = tpu.memref_slice %arg4[%add3A_759, %dma_wait3A_828] : memref<204800x128xf32, #tpu.memory_space<hbm>> -> memref<160x128xf32, #tpu.memory_space<hbm>>
    %dma_wait3A_830 = arith.constant 0 : i32
    %dma_wait3A_831 = arith.constant 0 : i32
    %dma_wait3A_832 = tpu.memref_slice %arg6[%dma_wait3A_821, %dma_wait3A_830, %dma_wait3A_831] : memref<5x160x128xf32, #tpu.memory_space<vmem>> -> memref<1x160x128xf32, #tpu.memory_space<vmem>>
    %dma_wait3A_833 = tpu.memref_squeeze %dma_wait3A_832 : memref<1x160x128xf32, #tpu.memory_space<vmem>> -> memref<160x128xf32, #tpu.memory_space<vmem>>
    tpu.wait_dma2 semaphore(%arg8 : memref<!tpu.dma_semaphore, #tpu.memory_space<semaphore_mem>>) src(%dma_wait3A_833 : memref<160x128xf32, #tpu.memory_space<vmem>>) dst(%dma_wait3A_829 : memref<160x128xf32, #tpu.memory_space<hbm>>)
    %dma_start3A_834 = arith.constant 0 : i32
    %dma_start3A_835 = arith.constant 0 : i32
    %dma_start3A_836 = arith.constant 0 : i32
    %dma_start3A_837 = tpu.memref_slice %arg6[%dma_start3A_834, %dma_start3A_835, %dma_start3A_836] : memref<5x160x128xf32, #tpu.memory_space<vmem>> -> memref<1x160x128xf32, #tpu.memory_space<vmem>>
    %dma_start3A_838 = tpu.memref_squeeze %dma_start3A_837 : memref<1x160x128xf32, #tpu.memory_space<vmem>> -> memref<160x128xf32, #tpu.memory_space<vmem>>
    %dma_start3A_839 = arith.constant 3200 : i32
    %dma_start3A_840 = tpu.memref_slice %arg5[%dma_start3A_839] : memref<6400xi32, #tpu.memory_space<vmem>> -> memref<160xi32, #tpu.memory_space<vmem>>
    %dma_start3A_841 = arith.constant 0 : i32
    %dma_start3A_842 = arith.constant 0 : i32
    %dma_start3A_843 = tpu.memref_slice %arg3[%dma_start3A_841, %dma_start3A_842] : memref<100000x128xf32, #tpu.memory_space<hbm>> -> memref<100000x128xf32, #tpu.memory_space<hbm>>
    tpu.enqueue_indirect_dma source(%dma_start3A_843 : memref<100000x128xf32, #tpu.memory_space<hbm>>) target(%dma_start3A_838 : memref<160x128xf32, #tpu.memory_space<vmem>>) offsets(%dma_start3A_840 : memref<160xi32, #tpu.memory_space<vmem>>) semaphore(%arg7 : memref<!tpu.dma_semaphore, #tpu.memory_space<semaphore_mem>>)
    %dma_wait3A_844 = arith.constant 2 : i32
    %dma_wait3A_845 = arith.constant 0 : i32
    %dma_wait3A_846 = arith.constant 0 : i32
    %dma_wait3A_847 = tpu.memref_slice %arg6[%dma_wait3A_844, %dma_wait3A_845, %dma_wait3A_846] : memref<5x160x128xf32, #tpu.memory_space<vmem>> -> memref<1x160x128xf32, #tpu.memory_space<vmem>>
    %dma_wait3A_848 = tpu.memref_squeeze %dma_wait3A_847 : memref<1x160x128xf32, #tpu.memory_space<vmem>> -> memref<160x128xf32, #tpu.memory_space<vmem>>
    %dma_wait3A_849 = arith.constant 2720 : i32
    %dma_wait3A_850 = tpu.memref_slice %arg5[%dma_wait3A_849] : memref<6400xi32, #tpu.memory_space<vmem>> -> memref<160xi32, #tpu.memory_space<vmem>>
    %dma_wait3A_851 = arith.constant 0 : i32
    %dma_wait3A_852 = arith.constant 0 : i32
    %dma_wait3A_853 = tpu.memref_slice %arg3[%dma_wait3A_851, %dma_wait3A_852] : memref<100000x128xf32, #tpu.memory_space<hbm>> -> memref<100000x128xf32, #tpu.memory_space<hbm>>
    tpu.wait_indirect_dma semaphore(%arg7 : memref<!tpu.dma_semaphore, #tpu.memory_space<semaphore_mem>>) src(%dma_wait3A_853 : memref<100000x128xf32, #tpu.memory_space<hbm>>) dst(%dma_wait3A_848 : memref<160x128xf32, #tpu.memory_space<vmem>>)
    %add3A_854 = arith.constant 2720 : i32
    %add3A_855 = arith.addi %mul3A_2, %add3A_854 : i32
    %dma_start3A_856 = arith.constant 2 : i32
    %dma_start3A_857 = arith.constant 0 : i32
    %dma_start3A_858 = arith.constant 0 : i32
    %dma_start3A_859 = tpu.memref_slice %arg6[%dma_start3A_856, %dma_start3A_857, %dma_start3A_858] : memref<5x160x128xf32, #tpu.memory_space<vmem>> -> memref<1x160x128xf32, #tpu.memory_space<vmem>>
    %dma_start3A_860 = tpu.memref_squeeze %dma_start3A_859 : memref<1x160x128xf32, #tpu.memory_space<vmem>> -> memref<160x128xf32, #tpu.memory_space<vmem>>
    %dma_start3A_861 = arith.constant 0 : i32
    %dma_start3A_862 = tpu.memref_slice %arg4[%add3A_855, %dma_start3A_861] : memref<204800x128xf32, #tpu.memory_space<hbm>> -> memref<160x128xf32, #tpu.memory_space<hbm>>
    %dma_start3A_863 = arith.constant 0 : i32
    %dma_start3A_864 = tpu.memref_slice %arg4[%add3A_855, %dma_start3A_863] : memref<204800x128xf32, #tpu.memory_space<hbm>> -> memref<160x128xf32, #tpu.memory_space<hbm>>
    %dma_start3A_865 = arith.constant 0 : i32
    %dma_start3A_866 = arith.constant 0 : i32
    %dma_start3A_867 = tpu.memref_slice %arg6[%dma_start3A_856, %dma_start3A_865, %dma_start3A_866] : memref<5x160x128xf32, #tpu.memory_space<vmem>> -> memref<1x160x128xf32, #tpu.memory_space<vmem>>
    %dma_start3A_868 = tpu.memref_squeeze %dma_start3A_867 : memref<1x160x128xf32, #tpu.memory_space<vmem>> -> memref<160x128xf32, #tpu.memory_space<vmem>>
    tpu.enqueue_dma source(%dma_start3A_868 : memref<160x128xf32, #tpu.memory_space<vmem>>) target(%dma_start3A_864 : memref<160x128xf32, #tpu.memory_space<hbm>>) target_semaphore(%arg8 : memref<!tpu.dma_semaphore, #tpu.memory_space<semaphore_mem>>)
    %dma_wait3A_869 = arith.constant 1 : i32
    %dma_wait3A_870 = arith.constant 0 : i32
    %dma_wait3A_871 = arith.constant 0 : i32
    %dma_wait3A_872 = tpu.memref_slice %arg6[%dma_wait3A_869, %dma_wait3A_870, %dma_wait3A_871] : memref<5x160x128xf32, #tpu.memory_space<vmem>> -> memref<1x160x128xf32, #tpu.memory_space<vmem>>
    %dma_wait3A_873 = tpu.memref_squeeze %dma_wait3A_872 : memref<1x160x128xf32, #tpu.memory_space<vmem>> -> memref<160x128xf32, #tpu.memory_space<vmem>>
    %dma_wait3A_874 = arith.constant 0 : i32
    %dma_wait3A_875 = tpu.memref_slice %arg4[%add3A_807, %dma_wait3A_874] : memref<204800x128xf32, #tpu.memory_space<hbm>> -> memref<160x128xf32, #tpu.memory_space<hbm>>
    %dma_wait3A_876 = arith.constant 0 : i32
    %dma_wait3A_877 = tpu.memref_slice %arg4[%add3A_807, %dma_wait3A_876] : memref<204800x128xf32, #tpu.memory_space<hbm>> -> memref<160x128xf32, #tpu.memory_space<hbm>>
    %dma_wait3A_878 = arith.constant 0 : i32
    %dma_wait3A_879 = arith.constant 0 : i32
    %dma_wait3A_880 = tpu.memref_slice %arg6[%dma_wait3A_869, %dma_wait3A_878, %dma_wait3A_879] : memref<5x160x128xf32, #tpu.memory_space<vmem>> -> memref<1x160x128xf32, #tpu.memory_space<vmem>>
    %dma_wait3A_881 = tpu.memref_squeeze %dma_wait3A_880 : memref<1x160x128xf32, #tpu.memory_space<vmem>> -> memref<160x128xf32, #tpu.memory_space<vmem>>
    tpu.wait_dma2 semaphore(%arg8 : memref<!tpu.dma_semaphore, #tpu.memory_space<semaphore_mem>>) src(%dma_wait3A_881 : memref<160x128xf32, #tpu.memory_space<vmem>>) dst(%dma_wait3A_877 : memref<160x128xf32, #tpu.memory_space<hbm>>)
    %dma_start3A_882 = arith.constant 1 : i32
    %dma_start3A_883 = arith.constant 0 : i32
    %dma_start3A_884 = arith.constant 0 : i32
    %dma_start3A_885 = tpu.memref_slice %arg6[%dma_start3A_882, %dma_start3A_883, %dma_start3A_884] : memref<5x160x128xf32, #tpu.memory_space<vmem>> -> memref<1x160x128xf32, #tpu.memory_space<vmem>>
    %dma_start3A_886 = tpu.memref_squeeze %dma_start3A_885 : memref<1x160x128xf32, #tpu.memory_space<vmem>> -> memref<160x128xf32, #tpu.memory_space<vmem>>
    %dma_start3A_887 = arith.constant 3360 : i32
    %dma_start3A_888 = tpu.memref_slice %arg5[%dma_start3A_887] : memref<6400xi32, #tpu.memory_space<vmem>> -> memref<160xi32, #tpu.memory_space<vmem>>
    %dma_start3A_889 = arith.constant 0 : i32
    %dma_start3A_890 = arith.constant 0 : i32
    %dma_start3A_891 = tpu.memref_slice %arg3[%dma_start3A_889, %dma_start3A_890] : memref<100000x128xf32, #tpu.memory_space<hbm>> -> memref<100000x128xf32, #tpu.memory_space<hbm>>
    tpu.enqueue_indirect_dma source(%dma_start3A_891 : memref<100000x128xf32, #tpu.memory_space<hbm>>) target(%dma_start3A_886 : memref<160x128xf32, #tpu.memory_space<vmem>>) offsets(%dma_start3A_888 : memref<160xi32, #tpu.memory_space<vmem>>) semaphore(%arg7 : memref<!tpu.dma_semaphore, #tpu.memory_space<semaphore_mem>>)
    %dma_wait3A_892 = arith.constant 3 : i32
    %dma_wait3A_893 = arith.constant 0 : i32
    %dma_wait3A_894 = arith.constant 0 : i32
    %dma_wait3A_895 = tpu.memref_slice %arg6[%dma_wait3A_892, %dma_wait3A_893, %dma_wait3A_894] : memref<5x160x128xf32, #tpu.memory_space<vmem>> -> memref<1x160x128xf32, #tpu.memory_space<vmem>>
    %dma_wait3A_896 = tpu.memref_squeeze %dma_wait3A_895 : memref<1x160x128xf32, #tpu.memory_space<vmem>> -> memref<160x128xf32, #tpu.memory_space<vmem>>
    %dma_wait3A_897 = arith.constant 2880 : i32
    %dma_wait3A_898 = tpu.memref_slice %arg5[%dma_wait3A_897] : memref<6400xi32, #tpu.memory_space<vmem>> -> memref<160xi32, #tpu.memory_space<vmem>>
    %dma_wait3A_899 = arith.constant 0 : i32
    %dma_wait3A_900 = arith.constant 0 : i32
    %dma_wait3A_901 = tpu.memref_slice %arg3[%dma_wait3A_899, %dma_wait3A_900] : memref<100000x128xf32, #tpu.memory_space<hbm>> -> memref<100000x128xf32, #tpu.memory_space<hbm>>
    tpu.wait_indirect_dma semaphore(%arg7 : memref<!tpu.dma_semaphore, #tpu.memory_space<semaphore_mem>>) src(%dma_wait3A_901 : memref<100000x128xf32, #tpu.memory_space<hbm>>) dst(%dma_wait3A_896 : memref<160x128xf32, #tpu.memory_space<vmem>>)
    %add3A_902 = arith.constant 2880 : i32
    %add3A_903 = arith.addi %mul3A_2, %add3A_902 : i32
    %dma_start3A_904 = arith.constant 3 : i32
    %dma_start3A_905 = arith.constant 0 : i32
    %dma_start3A_906 = arith.constant 0 : i32
    %dma_start3A_907 = tpu.memref_slice %arg6[%dma_start3A_904, %dma_start3A_905, %dma_start3A_906] : memref<5x160x128xf32, #tpu.memory_space<vmem>> -> memref<1x160x128xf32, #tpu.memory_space<vmem>>
    %dma_start3A_908 = tpu.memref_squeeze %dma_start3A_907 : memref<1x160x128xf32, #tpu.memory_space<vmem>> -> memref<160x128xf32, #tpu.memory_space<vmem>>
    %dma_start3A_909 = arith.constant 0 : i32
    %dma_start3A_910 = tpu.memref_slice %arg4[%add3A_903, %dma_start3A_909] : memref<204800x128xf32, #tpu.memory_space<hbm>> -> memref<160x128xf32, #tpu.memory_space<hbm>>
    %dma_start3A_911 = arith.constant 0 : i32
    %dma_start3A_912 = tpu.memref_slice %arg4[%add3A_903, %dma_start3A_911] : memref<204800x128xf32, #tpu.memory_space<hbm>> -> memref<160x128xf32, #tpu.memory_space<hbm>>
    %dma_start3A_913 = arith.constant 0 : i32
    %dma_start3A_914 = arith.constant 0 : i32
    %dma_start3A_915 = tpu.memref_slice %arg6[%dma_start3A_904, %dma_start3A_913, %dma_start3A_914] : memref<5x160x128xf32, #tpu.memory_space<vmem>> -> memref<1x160x128xf32, #tpu.memory_space<vmem>>
    %dma_start3A_916 = tpu.memref_squeeze %dma_start3A_915 : memref<1x160x128xf32, #tpu.memory_space<vmem>> -> memref<160x128xf32, #tpu.memory_space<vmem>>
    tpu.enqueue_dma source(%dma_start3A_916 : memref<160x128xf32, #tpu.memory_space<vmem>>) target(%dma_start3A_912 : memref<160x128xf32, #tpu.memory_space<hbm>>) target_semaphore(%arg8 : memref<!tpu.dma_semaphore, #tpu.memory_space<semaphore_mem>>)
    %dma_wait3A_917 = arith.constant 2 : i32
    %dma_wait3A_918 = arith.constant 0 : i32
    %dma_wait3A_919 = arith.constant 0 : i32
    %dma_wait3A_920 = tpu.memref_slice %arg6[%dma_wait3A_917, %dma_wait3A_918, %dma_wait3A_919] : memref<5x160x128xf32, #tpu.memory_space<vmem>> -> memref<1x160x128xf32, #tpu.memory_space<vmem>>
    %dma_wait3A_921 = tpu.memref_squeeze %dma_wait3A_920 : memref<1x160x128xf32, #tpu.memory_space<vmem>> -> memref<160x128xf32, #tpu.memory_space<vmem>>
    %dma_wait3A_922 = arith.constant 0 : i32
    %dma_wait3A_923 = tpu.memref_slice %arg4[%add3A_855, %dma_wait3A_922] : memref<204800x128xf32, #tpu.memory_space<hbm>> -> memref<160x128xf32, #tpu.memory_space<hbm>>
    %dma_wait3A_924 = arith.constant 0 : i32
    %dma_wait3A_925 = tpu.memref_slice %arg4[%add3A_855, %dma_wait3A_924] : memref<204800x128xf32, #tpu.memory_space<hbm>> -> memref<160x128xf32, #tpu.memory_space<hbm>>
    %dma_wait3A_926 = arith.constant 0 : i32
    %dma_wait3A_927 = arith.constant 0 : i32
    %dma_wait3A_928 = tpu.memref_slice %arg6[%dma_wait3A_917, %dma_wait3A_926, %dma_wait3A_927] : memref<5x160x128xf32, #tpu.memory_space<vmem>> -> memref<1x160x128xf32, #tpu.memory_space<vmem>>
    %dma_wait3A_929 = tpu.memref_squeeze %dma_wait3A_928 : memref<1x160x128xf32, #tpu.memory_space<vmem>> -> memref<160x128xf32, #tpu.memory_space<vmem>>
    tpu.wait_dma2 semaphore(%arg8 : memref<!tpu.dma_semaphore, #tpu.memory_space<semaphore_mem>>) src(%dma_wait3A_929 : memref<160x128xf32, #tpu.memory_space<vmem>>) dst(%dma_wait3A_925 : memref<160x128xf32, #tpu.memory_space<hbm>>)
    %dma_start3A_930 = arith.constant 2 : i32
    %dma_start3A_931 = arith.constant 0 : i32
    %dma_start3A_932 = arith.constant 0 : i32
    %dma_start3A_933 = tpu.memref_slice %arg6[%dma_start3A_930, %dma_start3A_931, %dma_start3A_932] : memref<5x160x128xf32, #tpu.memory_space<vmem>> -> memref<1x160x128xf32, #tpu.memory_space<vmem>>
    %dma_start3A_934 = tpu.memref_squeeze %dma_start3A_933 : memref<1x160x128xf32, #tpu.memory_space<vmem>> -> memref<160x128xf32, #tpu.memory_space<vmem>>
    %dma_start3A_935 = arith.constant 3520 : i32
    %dma_start3A_936 = tpu.memref_slice %arg5[%dma_start3A_935] : memref<6400xi32, #tpu.memory_space<vmem>> -> memref<160xi32, #tpu.memory_space<vmem>>
    %dma_start3A_937 = arith.constant 0 : i32
    %dma_start3A_938 = arith.constant 0 : i32
    %dma_start3A_939 = tpu.memref_slice %arg3[%dma_start3A_937, %dma_start3A_938] : memref<100000x128xf32, #tpu.memory_space<hbm>> -> memref<100000x128xf32, #tpu.memory_space<hbm>>
    tpu.enqueue_indirect_dma source(%dma_start3A_939 : memref<100000x128xf32, #tpu.memory_space<hbm>>) target(%dma_start3A_934 : memref<160x128xf32, #tpu.memory_space<vmem>>) offsets(%dma_start3A_936 : memref<160xi32, #tpu.memory_space<vmem>>) semaphore(%arg7 : memref<!tpu.dma_semaphore, #tpu.memory_space<semaphore_mem>>)
    %dma_wait3A_940 = arith.constant 4 : i32
    %dma_wait3A_941 = arith.constant 0 : i32
    %dma_wait3A_942 = arith.constant 0 : i32
    %dma_wait3A_943 = tpu.memref_slice %arg6[%dma_wait3A_940, %dma_wait3A_941, %dma_wait3A_942] : memref<5x160x128xf32, #tpu.memory_space<vmem>> -> memref<1x160x128xf32, #tpu.memory_space<vmem>>
    %dma_wait3A_944 = tpu.memref_squeeze %dma_wait3A_943 : memref<1x160x128xf32, #tpu.memory_space<vmem>> -> memref<160x128xf32, #tpu.memory_space<vmem>>
    %dma_wait3A_945 = arith.constant 3040 : i32
    %dma_wait3A_946 = tpu.memref_slice %arg5[%dma_wait3A_945] : memref<6400xi32, #tpu.memory_space<vmem>> -> memref<160xi32, #tpu.memory_space<vmem>>
    %dma_wait3A_947 = arith.constant 0 : i32
    %dma_wait3A_948 = arith.constant 0 : i32
    %dma_wait3A_949 = tpu.memref_slice %arg3[%dma_wait3A_947, %dma_wait3A_948] : memref<100000x128xf32, #tpu.memory_space<hbm>> -> memref<100000x128xf32, #tpu.memory_space<hbm>>
    tpu.wait_indirect_dma semaphore(%arg7 : memref<!tpu.dma_semaphore, #tpu.memory_space<semaphore_mem>>) src(%dma_wait3A_949 : memref<100000x128xf32, #tpu.memory_space<hbm>>) dst(%dma_wait3A_944 : memref<160x128xf32, #tpu.memory_space<vmem>>)
    %add3A_950 = arith.constant 3040 : i32
    %add3A_951 = arith.addi %mul3A_2, %add3A_950 : i32
    %dma_start3A_952 = arith.constant 4 : i32
    %dma_start3A_953 = arith.constant 0 : i32
    %dma_start3A_954 = arith.constant 0 : i32
    %dma_start3A_955 = tpu.memref_slice %arg6[%dma_start3A_952, %dma_start3A_953, %dma_start3A_954] : memref<5x160x128xf32, #tpu.memory_space<vmem>> -> memref<1x160x128xf32, #tpu.memory_space<vmem>>
    %dma_start3A_956 = tpu.memref_squeeze %dma_start3A_955 : memref<1x160x128xf32, #tpu.memory_space<vmem>> -> memref<160x128xf32, #tpu.memory_space<vmem>>
    %dma_start3A_957 = arith.constant 0 : i32
    %dma_start3A_958 = tpu.memref_slice %arg4[%add3A_951, %dma_start3A_957] : memref<204800x128xf32, #tpu.memory_space<hbm>> -> memref<160x128xf32, #tpu.memory_space<hbm>>
    %dma_start3A_959 = arith.constant 0 : i32
    %dma_start3A_960 = tpu.memref_slice %arg4[%add3A_951, %dma_start3A_959] : memref<204800x128xf32, #tpu.memory_space<hbm>> -> memref<160x128xf32, #tpu.memory_space<hbm>>
    %dma_start3A_961 = arith.constant 0 : i32
    %dma_start3A_962 = arith.constant 0 : i32
    %dma_start3A_963 = tpu.memref_slice %arg6[%dma_start3A_952, %dma_start3A_961, %dma_start3A_962] : memref<5x160x128xf32, #tpu.memory_space<vmem>> -> memref<1x160x128xf32, #tpu.memory_space<vmem>>
    %dma_start3A_964 = tpu.memref_squeeze %dma_start3A_963 : memref<1x160x128xf32, #tpu.memory_space<vmem>> -> memref<160x128xf32, #tpu.memory_space<vmem>>
    tpu.enqueue_dma source(%dma_start3A_964 : memref<160x128xf32, #tpu.memory_space<vmem>>) target(%dma_start3A_960 : memref<160x128xf32, #tpu.memory_space<hbm>>) target_semaphore(%arg8 : memref<!tpu.dma_semaphore, #tpu.memory_space<semaphore_mem>>)
    %dma_wait3A_965 = arith.constant 3 : i32
    %dma_wait3A_966 = arith.constant 0 : i32
    %dma_wait3A_967 = arith.constant 0 : i32
    %dma_wait3A_968 = tpu.memref_slice %arg6[%dma_wait3A_965, %dma_wait3A_966, %dma_wait3A_967] : memref<5x160x128xf32, #tpu.memory_space<vmem>> -> memref<1x160x128xf32, #tpu.memory_space<vmem>>
    %dma_wait3A_969 = tpu.memref_squeeze %dma_wait3A_968 : memref<1x160x128xf32, #tpu.memory_space<vmem>> -> memref<160x128xf32, #tpu.memory_space<vmem>>
    %dma_wait3A_970 = arith.constant 0 : i32
    %dma_wait3A_971 = tpu.memref_slice %arg4[%add3A_903, %dma_wait3A_970] : memref<204800x128xf32, #tpu.memory_space<hbm>> -> memref<160x128xf32, #tpu.memory_space<hbm>>
    %dma_wait3A_972 = arith.constant 0 : i32
    %dma_wait3A_973 = tpu.memref_slice %arg4[%add3A_903, %dma_wait3A_972] : memref<204800x128xf32, #tpu.memory_space<hbm>> -> memref<160x128xf32, #tpu.memory_space<hbm>>
    %dma_wait3A_974 = arith.constant 0 : i32
    %dma_wait3A_975 = arith.constant 0 : i32
    %dma_wait3A_976 = tpu.memref_slice %arg6[%dma_wait3A_965, %dma_wait3A_974, %dma_wait3A_975] : memref<5x160x128xf32, #tpu.memory_space<vmem>> -> memref<1x160x128xf32, #tpu.memory_space<vmem>>
    %dma_wait3A_977 = tpu.memref_squeeze %dma_wait3A_976 : memref<1x160x128xf32, #tpu.memory_space<vmem>> -> memref<160x128xf32, #tpu.memory_space<vmem>>
    tpu.wait_dma2 semaphore(%arg8 : memref<!tpu.dma_semaphore, #tpu.memory_space<semaphore_mem>>) src(%dma_wait3A_977 : memref<160x128xf32, #tpu.memory_space<vmem>>) dst(%dma_wait3A_973 : memref<160x128xf32, #tpu.memory_space<hbm>>)
    %dma_start3A_978 = arith.constant 3 : i32
    %dma_start3A_979 = arith.constant 0 : i32
    %dma_start3A_980 = arith.constant 0 : i32
    %dma_start3A_981 = tpu.memref_slice %arg6[%dma_start3A_978, %dma_start3A_979, %dma_start3A_980] : memref<5x160x128xf32, #tpu.memory_space<vmem>> -> memref<1x160x128xf32, #tpu.memory_space<vmem>>
    %dma_start3A_982 = tpu.memref_squeeze %dma_start3A_981 : memref<1x160x128xf32, #tpu.memory_space<vmem>> -> memref<160x128xf32, #tpu.memory_space<vmem>>
    %dma_start3A_983 = arith.constant 3680 : i32
    %dma_start3A_984 = tpu.memref_slice %arg5[%dma_start3A_983] : memref<6400xi32, #tpu.memory_space<vmem>> -> memref<160xi32, #tpu.memory_space<vmem>>
    %dma_start3A_985 = arith.constant 0 : i32
    %dma_start3A_986 = arith.constant 0 : i32
    %dma_start3A_987 = tpu.memref_slice %arg3[%dma_start3A_985, %dma_start3A_986] : memref<100000x128xf32, #tpu.memory_space<hbm>> -> memref<100000x128xf32, #tpu.memory_space<hbm>>
    tpu.enqueue_indirect_dma source(%dma_start3A_987 : memref<100000x128xf32, #tpu.memory_space<hbm>>) target(%dma_start3A_982 : memref<160x128xf32, #tpu.memory_space<vmem>>) offsets(%dma_start3A_984 : memref<160xi32, #tpu.memory_space<vmem>>) semaphore(%arg7 : memref<!tpu.dma_semaphore, #tpu.memory_space<semaphore_mem>>)
    %dma_wait3A_988 = arith.constant 0 : i32
    %dma_wait3A_989 = arith.constant 0 : i32
    %dma_wait3A_990 = arith.constant 0 : i32
    %dma_wait3A_991 = tpu.memref_slice %arg6[%dma_wait3A_988, %dma_wait3A_989, %dma_wait3A_990] : memref<5x160x128xf32, #tpu.memory_space<vmem>> -> memref<1x160x128xf32, #tpu.memory_space<vmem>>
    %dma_wait3A_992 = tpu.memref_squeeze %dma_wait3A_991 : memref<1x160x128xf32, #tpu.memory_space<vmem>> -> memref<160x128xf32, #tpu.memory_space<vmem>>
    %dma_wait3A_993 = arith.constant 3200 : i32
    %dma_wait3A_994 = tpu.memref_slice %arg5[%dma_wait3A_993] : memref<6400xi32, #tpu.memory_space<vmem>> -> memref<160xi32, #tpu.memory_space<vmem>>
    %dma_wait3A_995 = arith.constant 0 : i32
    %dma_wait3A_996 = arith.constant 0 : i32
    %dma_wait3A_997 = tpu.memref_slice %arg3[%dma_wait3A_995, %dma_wait3A_996] : memref<100000x128xf32, #tpu.memory_space<hbm>> -> memref<100000x128xf32, #tpu.memory_space<hbm>>
    tpu.wait_indirect_dma semaphore(%arg7 : memref<!tpu.dma_semaphore, #tpu.memory_space<semaphore_mem>>) src(%dma_wait3A_997 : memref<100000x128xf32, #tpu.memory_space<hbm>>) dst(%dma_wait3A_992 : memref<160x128xf32, #tpu.memory_space<vmem>>)
    %add3A_998 = arith.constant 3200 : i32
    %add3A_999 = arith.addi %mul3A_2, %add3A_998 : i32
    %dma_start3A_1000 = arith.constant 0 : i32
    %dma_start3A_1001 = arith.constant 0 : i32
    %dma_start3A_1002 = arith.constant 0 : i32
    %dma_start3A_1003 = tpu.memref_slice %arg6[%dma_start3A_1000, %dma_start3A_1001, %dma_start3A_1002] : memref<5x160x128xf32, #tpu.memory_space<vmem>> -> memref<1x160x128xf32, #tpu.memory_space<vmem>>
    %dma_start3A_1004 = tpu.memref_squeeze %dma_start3A_1003 : memref<1x160x128xf32, #tpu.memory_space<vmem>> -> memref<160x128xf32, #tpu.memory_space<vmem>>
    %dma_start3A_1005 = arith.constant 0 : i32
    %dma_start3A_1006 = tpu.memref_slice %arg4[%add3A_999, %dma_start3A_1005] : memref<204800x128xf32, #tpu.memory_space<hbm>> -> memref<160x128xf32, #tpu.memory_space<hbm>>
    %dma_start3A_1007 = arith.constant 0 : i32
    %dma_start3A_1008 = tpu.memref_slice %arg4[%add3A_999, %dma_start3A_1007] : memref<204800x128xf32, #tpu.memory_space<hbm>> -> memref<160x128xf32, #tpu.memory_space<hbm>>
    %dma_start3A_1009 = arith.constant 0 : i32
    %dma_start3A_1010 = arith.constant 0 : i32
    %dma_start3A_1011 = tpu.memref_slice %arg6[%dma_start3A_1000, %dma_start3A_1009, %dma_start3A_1010] : memref<5x160x128xf32, #tpu.memory_space<vmem>> -> memref<1x160x128xf32, #tpu.memory_space<vmem>>
    %dma_start3A_1012 = tpu.memref_squeeze %dma_start3A_1011 : memref<1x160x128xf32, #tpu.memory_space<vmem>> -> memref<160x128xf32, #tpu.memory_space<vmem>>
    tpu.enqueue_dma source(%dma_start3A_1012 : memref<160x128xf32, #tpu.memory_space<vmem>>) target(%dma_start3A_1008 : memref<160x128xf32, #tpu.memory_space<hbm>>) target_semaphore(%arg8 : memref<!tpu.dma_semaphore, #tpu.memory_space<semaphore_mem>>)
    %dma_wait3A_1013 = arith.constant 4 : i32
    %dma_wait3A_1014 = arith.constant 0 : i32
    %dma_wait3A_1015 = arith.constant 0 : i32
    %dma_wait3A_1016 = tpu.memref_slice %arg6[%dma_wait3A_1013, %dma_wait3A_1014, %dma_wait3A_1015] : memref<5x160x128xf32, #tpu.memory_space<vmem>> -> memref<1x160x128xf32, #tpu.memory_space<vmem>>
    %dma_wait3A_1017 = tpu.memref_squeeze %dma_wait3A_1016 : memref<1x160x128xf32, #tpu.memory_space<vmem>> -> memref<160x128xf32, #tpu.memory_space<vmem>>
    %dma_wait3A_1018 = arith.constant 0 : i32
    %dma_wait3A_1019 = tpu.memref_slice %arg4[%add3A_951, %dma_wait3A_1018] : memref<204800x128xf32, #tpu.memory_space<hbm>> -> memref<160x128xf32, #tpu.memory_space<hbm>>
    %dma_wait3A_1020 = arith.constant 0 : i32
    %dma_wait3A_1021 = tpu.memref_slice %arg4[%add3A_951, %dma_wait3A_1020] : memref<204800x128xf32, #tpu.memory_space<hbm>> -> memref<160x128xf32, #tpu.memory_space<hbm>>
    %dma_wait3A_1022 = arith.constant 0 : i32
    %dma_wait3A_1023 = arith.constant 0 : i32
    %dma_wait3A_1024 = tpu.memref_slice %arg6[%dma_wait3A_1013, %dma_wait3A_1022, %dma_wait3A_1023] : memref<5x160x128xf32, #tpu.memory_space<vmem>> -> memref<1x160x128xf32, #tpu.memory_space<vmem>>
    %dma_wait3A_1025 = tpu.memref_squeeze %dma_wait3A_1024 : memref<1x160x128xf32, #tpu.memory_space<vmem>> -> memref<160x128xf32, #tpu.memory_space<vmem>>
    tpu.wait_dma2 semaphore(%arg8 : memref<!tpu.dma_semaphore, #tpu.memory_space<semaphore_mem>>) src(%dma_wait3A_1025 : memref<160x128xf32, #tpu.memory_space<vmem>>) dst(%dma_wait3A_1021 : memref<160x128xf32, #tpu.memory_space<hbm>>)
    %dma_start3A_1026 = arith.constant 4 : i32
    %dma_start3A_1027 = arith.constant 0 : i32
    %dma_start3A_1028 = arith.constant 0 : i32
    %dma_start3A_1029 = tpu.memref_slice %arg6[%dma_start3A_1026, %dma_start3A_1027, %dma_start3A_1028] : memref<5x160x128xf32, #tpu.memory_space<vmem>> -> memref<1x160x128xf32, #tpu.memory_space<vmem>>
    %dma_start3A_1030 = tpu.memref_squeeze %dma_start3A_1029 : memref<1x160x128xf32, #tpu.memory_space<vmem>> -> memref<160x128xf32, #tpu.memory_space<vmem>>
    %dma_start3A_1031 = arith.constant 3840 : i32
    %dma_start3A_1032 = tpu.memref_slice %arg5[%dma_start3A_1031] : memref<6400xi32, #tpu.memory_space<vmem>> -> memref<160xi32, #tpu.memory_space<vmem>>
    %dma_start3A_1033 = arith.constant 0 : i32
    %dma_start3A_1034 = arith.constant 0 : i32
    %dma_start3A_1035 = tpu.memref_slice %arg3[%dma_start3A_1033, %dma_start3A_1034] : memref<100000x128xf32, #tpu.memory_space<hbm>> -> memref<100000x128xf32, #tpu.memory_space<hbm>>
    tpu.enqueue_indirect_dma source(%dma_start3A_1035 : memref<100000x128xf32, #tpu.memory_space<hbm>>) target(%dma_start3A_1030 : memref<160x128xf32, #tpu.memory_space<vmem>>) offsets(%dma_start3A_1032 : memref<160xi32, #tpu.memory_space<vmem>>) semaphore(%arg7 : memref<!tpu.dma_semaphore, #tpu.memory_space<semaphore_mem>>)
    %dma_wait3A_1036 = arith.constant 1 : i32
    %dma_wait3A_1037 = arith.constant 0 : i32
    %dma_wait3A_1038 = arith.constant 0 : i32
    %dma_wait3A_1039 = tpu.memref_slice %arg6[%dma_wait3A_1036, %dma_wait3A_1037, %dma_wait3A_1038] : memref<5x160x128xf32, #tpu.memory_space<vmem>> -> memref<1x160x128xf32, #tpu.memory_space<vmem>>
    %dma_wait3A_1040 = tpu.memref_squeeze %dma_wait3A_1039 : memref<1x160x128xf32, #tpu.memory_space<vmem>> -> memref<160x128xf32, #tpu.memory_space<vmem>>
    %dma_wait3A_1041 = arith.constant 3360 : i32
    %dma_wait3A_1042 = tpu.memref_slice %arg5[%dma_wait3A_1041] : memref<6400xi32, #tpu.memory_space<vmem>> -> memref<160xi32, #tpu.memory_space<vmem>>
    %dma_wait3A_1043 = arith.constant 0 : i32
    %dma_wait3A_1044 = arith.constant 0 : i32
    %dma_wait3A_1045 = tpu.memref_slice %arg3[%dma_wait3A_1043, %dma_wait3A_1044] : memref<100000x128xf32, #tpu.memory_space<hbm>> -> memref<100000x128xf32, #tpu.memory_space<hbm>>
    tpu.wait_indirect_dma semaphore(%arg7 : memref<!tpu.dma_semaphore, #tpu.memory_space<semaphore_mem>>) src(%dma_wait3A_1045 : memref<100000x128xf32, #tpu.memory_space<hbm>>) dst(%dma_wait3A_1040 : memref<160x128xf32, #tpu.memory_space<vmem>>)
    %add3A_1046 = arith.constant 3360 : i32
    %add3A_1047 = arith.addi %mul3A_2, %add3A_1046 : i32
    %dma_start3A_1048 = arith.constant 1 : i32
    %dma_start3A_1049 = arith.constant 0 : i32
    %dma_start3A_1050 = arith.constant 0 : i32
    %dma_start3A_1051 = tpu.memref_slice %arg6[%dma_start3A_1048, %dma_start3A_1049, %dma_start3A_1050] : memref<5x160x128xf32, #tpu.memory_space<vmem>> -> memref<1x160x128xf32, #tpu.memory_space<vmem>>
    %dma_start3A_1052 = tpu.memref_squeeze %dma_start3A_1051 : memref<1x160x128xf32, #tpu.memory_space<vmem>> -> memref<160x128xf32, #tpu.memory_space<vmem>>
    %dma_start3A_1053 = arith.constant 0 : i32
    %dma_start3A_1054 = tpu.memref_slice %arg4[%add3A_1047, %dma_start3A_1053] : memref<204800x128xf32, #tpu.memory_space<hbm>> -> memref<160x128xf32, #tpu.memory_space<hbm>>
    %dma_start3A_1055 = arith.constant 0 : i32
    %dma_start3A_1056 = tpu.memref_slice %arg4[%add3A_1047, %dma_start3A_1055] : memref<204800x128xf32, #tpu.memory_space<hbm>> -> memref<160x128xf32, #tpu.memory_space<hbm>>
    %dma_start3A_1057 = arith.constant 0 : i32
    %dma_start3A_1058 = arith.constant 0 : i32
    %dma_start3A_1059 = tpu.memref_slice %arg6[%dma_start3A_1048, %dma_start3A_1057, %dma_start3A_1058] : memref<5x160x128xf32, #tpu.memory_space<vmem>> -> memref<1x160x128xf32, #tpu.memory_space<vmem>>
    %dma_start3A_1060 = tpu.memref_squeeze %dma_start3A_1059 : memref<1x160x128xf32, #tpu.memory_space<vmem>> -> memref<160x128xf32, #tpu.memory_space<vmem>>
    tpu.enqueue_dma source(%dma_start3A_1060 : memref<160x128xf32, #tpu.memory_space<vmem>>) target(%dma_start3A_1056 : memref<160x128xf32, #tpu.memory_space<hbm>>) target_semaphore(%arg8 : memref<!tpu.dma_semaphore, #tpu.memory_space<semaphore_mem>>)
    %dma_wait3A_1061 = arith.constant 0 : i32
    %dma_wait3A_1062 = arith.constant 0 : i32
    %dma_wait3A_1063 = arith.constant 0 : i32
    %dma_wait3A_1064 = tpu.memref_slice %arg6[%dma_wait3A_1061, %dma_wait3A_1062, %dma_wait3A_1063] : memref<5x160x128xf32, #tpu.memory_space<vmem>> -> memref<1x160x128xf32, #tpu.memory_space<vmem>>
    %dma_wait3A_1065 = tpu.memref_squeeze %dma_wait3A_1064 : memref<1x160x128xf32, #tpu.memory_space<vmem>> -> memref<160x128xf32, #tpu.memory_space<vmem>>
    %dma_wait3A_1066 = arith.constant 0 : i32
    %dma_wait3A_1067 = tpu.memref_slice %arg4[%add3A_999, %dma_wait3A_1066] : memref<204800x128xf32, #tpu.memory_space<hbm>> -> memref<160x128xf32, #tpu.memory_space<hbm>>
    %dma_wait3A_1068 = arith.constant 0 : i32
    %dma_wait3A_1069 = tpu.memref_slice %arg4[%add3A_999, %dma_wait3A_1068] : memref<204800x128xf32, #tpu.memory_space<hbm>> -> memref<160x128xf32, #tpu.memory_space<hbm>>
    %dma_wait3A_1070 = arith.constant 0 : i32
    %dma_wait3A_1071 = arith.constant 0 : i32
    %dma_wait3A_1072 = tpu.memref_slice %arg6[%dma_wait3A_1061, %dma_wait3A_1070, %dma_wait3A_1071] : memref<5x160x128xf32, #tpu.memory_space<vmem>> -> memref<1x160x128xf32, #tpu.memory_space<vmem>>
    %dma_wait3A_1073 = tpu.memref_squeeze %dma_wait3A_1072 : memref<1x160x128xf32, #tpu.memory_space<vmem>> -> memref<160x128xf32, #tpu.memory_space<vmem>>
    tpu.wait_dma2 semaphore(%arg8 : memref<!tpu.dma_semaphore, #tpu.memory_space<semaphore_mem>>) src(%dma_wait3A_1073 : memref<160x128xf32, #tpu.memory_space<vmem>>) dst(%dma_wait3A_1069 : memref<160x128xf32, #tpu.memory_space<hbm>>)
    %dma_start3A_1074 = arith.constant 0 : i32
    %dma_start3A_1075 = arith.constant 0 : i32
    %dma_start3A_1076 = arith.constant 0 : i32
    %dma_start3A_1077 = tpu.memref_slice %arg6[%dma_start3A_1074, %dma_start3A_1075, %dma_start3A_1076] : memref<5x160x128xf32, #tpu.memory_space<vmem>> -> memref<1x160x128xf32, #tpu.memory_space<vmem>>
    %dma_start3A_1078 = tpu.memref_squeeze %dma_start3A_1077 : memref<1x160x128xf32, #tpu.memory_space<vmem>> -> memref<160x128xf32, #tpu.memory_space<vmem>>
    %dma_start3A_1079 = arith.constant 4000 : i32
    %dma_start3A_1080 = tpu.memref_slice %arg5[%dma_start3A_1079] : memref<6400xi32, #tpu.memory_space<vmem>> -> memref<160xi32, #tpu.memory_space<vmem>>
    %dma_start3A_1081 = arith.constant 0 : i32
    %dma_start3A_1082 = arith.constant 0 : i32
    %dma_start3A_1083 = tpu.memref_slice %arg3[%dma_start3A_1081, %dma_start3A_1082] : memref<100000x128xf32, #tpu.memory_space<hbm>> -> memref<100000x128xf32, #tpu.memory_space<hbm>>
    tpu.enqueue_indirect_dma source(%dma_start3A_1083 : memref<100000x128xf32, #tpu.memory_space<hbm>>) target(%dma_start3A_1078 : memref<160x128xf32, #tpu.memory_space<vmem>>) offsets(%dma_start3A_1080 : memref<160xi32, #tpu.memory_space<vmem>>) semaphore(%arg7 : memref<!tpu.dma_semaphore, #tpu.memory_space<semaphore_mem>>)
    %dma_wait3A_1084 = arith.constant 2 : i32
    %dma_wait3A_1085 = arith.constant 0 : i32
    %dma_wait3A_1086 = arith.constant 0 : i32
    %dma_wait3A_1087 = tpu.memref_slice %arg6[%dma_wait3A_1084, %dma_wait3A_1085, %dma_wait3A_1086] : memref<5x160x128xf32, #tpu.memory_space<vmem>> -> memref<1x160x128xf32, #tpu.memory_space<vmem>>
    %dma_wait3A_1088 = tpu.memref_squeeze %dma_wait3A_1087 : memref<1x160x128xf32, #tpu.memory_space<vmem>> -> memref<160x128xf32, #tpu.memory_space<vmem>>
    %dma_wait3A_1089 = arith.constant 3520 : i32
    %dma_wait3A_1090 = tpu.memref_slice %arg5[%dma_wait3A_1089] : memref<6400xi32, #tpu.memory_space<vmem>> -> memref<160xi32, #tpu.memory_space<vmem>>
    %dma_wait3A_1091 = arith.constant 0 : i32
    %dma_wait3A_1092 = arith.constant 0 : i32
    %dma_wait3A_1093 = tpu.memref_slice %arg3[%dma_wait3A_1091, %dma_wait3A_1092] : memref<100000x128xf32, #tpu.memory_space<hbm>> -> memref<100000x128xf32, #tpu.memory_space<hbm>>
    tpu.wait_indirect_dma semaphore(%arg7 : memref<!tpu.dma_semaphore, #tpu.memory_space<semaphore_mem>>) src(%dma_wait3A_1093 : memref<100000x128xf32, #tpu.memory_space<hbm>>) dst(%dma_wait3A_1088 : memref<160x128xf32, #tpu.memory_space<vmem>>)
    %add3A_1094 = arith.constant 3520 : i32
    %add3A_1095 = arith.addi %mul3A_2, %add3A_1094 : i32
    %dma_start3A_1096 = arith.constant 2 : i32
    %dma_start3A_1097 = arith.constant 0 : i32
    %dma_start3A_1098 = arith.constant 0 : i32
    %dma_start3A_1099 = tpu.memref_slice %arg6[%dma_start3A_1096, %dma_start3A_1097, %dma_start3A_1098] : memref<5x160x128xf32, #tpu.memory_space<vmem>> -> memref<1x160x128xf32, #tpu.memory_space<vmem>>
    %dma_start3A_1100 = tpu.memref_squeeze %dma_start3A_1099 : memref<1x160x128xf32, #tpu.memory_space<vmem>> -> memref<160x128xf32, #tpu.memory_space<vmem>>
    %dma_start3A_1101 = arith.constant 0 : i32
    %dma_start3A_1102 = tpu.memref_slice %arg4[%add3A_1095, %dma_start3A_1101] : memref<204800x128xf32, #tpu.memory_space<hbm>> -> memref<160x128xf32, #tpu.memory_space<hbm>>
    %dma_start3A_1103 = arith.constant 0 : i32
    %dma_start3A_1104 = tpu.memref_slice %arg4[%add3A_1095, %dma_start3A_1103] : memref<204800x128xf32, #tpu.memory_space<hbm>> -> memref<160x128xf32, #tpu.memory_space<hbm>>
    %dma_start3A_1105 = arith.constant 0 : i32
    %dma_start3A_1106 = arith.constant 0 : i32
    %dma_start3A_1107 = tpu.memref_slice %arg6[%dma_start3A_1096, %dma_start3A_1105, %dma_start3A_1106] : memref<5x160x128xf32, #tpu.memory_space<vmem>> -> memref<1x160x128xf32, #tpu.memory_space<vmem>>
    %dma_start3A_1108 = tpu.memref_squeeze %dma_start3A_1107 : memref<1x160x128xf32, #tpu.memory_space<vmem>> -> memref<160x128xf32, #tpu.memory_space<vmem>>
    tpu.enqueue_dma source(%dma_start3A_1108 : memref<160x128xf32, #tpu.memory_space<vmem>>) target(%dma_start3A_1104 : memref<160x128xf32, #tpu.memory_space<hbm>>) target_semaphore(%arg8 : memref<!tpu.dma_semaphore, #tpu.memory_space<semaphore_mem>>)
    %dma_wait3A_1109 = arith.constant 1 : i32
    %dma_wait3A_1110 = arith.constant 0 : i32
    %dma_wait3A_1111 = arith.constant 0 : i32
    %dma_wait3A_1112 = tpu.memref_slice %arg6[%dma_wait3A_1109, %dma_wait3A_1110, %dma_wait3A_1111] : memref<5x160x128xf32, #tpu.memory_space<vmem>> -> memref<1x160x128xf32, #tpu.memory_space<vmem>>
    %dma_wait3A_1113 = tpu.memref_squeeze %dma_wait3A_1112 : memref<1x160x128xf32, #tpu.memory_space<vmem>> -> memref<160x128xf32, #tpu.memory_space<vmem>>
    %dma_wait3A_1114 = arith.constant 0 : i32
    %dma_wait3A_1115 = tpu.memref_slice %arg4[%add3A_1047, %dma_wait3A_1114] : memref<204800x128xf32, #tpu.memory_space<hbm>> -> memref<160x128xf32, #tpu.memory_space<hbm>>
    %dma_wait3A_1116 = arith.constant 0 : i32
    %dma_wait3A_1117 = tpu.memref_slice %arg4[%add3A_1047, %dma_wait3A_1116] : memref<204800x128xf32, #tpu.memory_space<hbm>> -> memref<160x128xf32, #tpu.memory_space<hbm>>
    %dma_wait3A_1118 = arith.constant 0 : i32
    %dma_wait3A_1119 = arith.constant 0 : i32
    %dma_wait3A_1120 = tpu.memref_slice %arg6[%dma_wait3A_1109, %dma_wait3A_1118, %dma_wait3A_1119] : memref<5x160x128xf32, #tpu.memory_space<vmem>> -> memref<1x160x128xf32, #tpu.memory_space<vmem>>
    %dma_wait3A_1121 = tpu.memref_squeeze %dma_wait3A_1120 : memref<1x160x128xf32, #tpu.memory_space<vmem>> -> memref<160x128xf32, #tpu.memory_space<vmem>>
    tpu.wait_dma2 semaphore(%arg8 : memref<!tpu.dma_semaphore, #tpu.memory_space<semaphore_mem>>) src(%dma_wait3A_1121 : memref<160x128xf32, #tpu.memory_space<vmem>>) dst(%dma_wait3A_1117 : memref<160x128xf32, #tpu.memory_space<hbm>>)
    %dma_start3A_1122 = arith.constant 1 : i32
    %dma_start3A_1123 = arith.constant 0 : i32
    %dma_start3A_1124 = arith.constant 0 : i32
    %dma_start3A_1125 = tpu.memref_slice %arg6[%dma_start3A_1122, %dma_start3A_1123, %dma_start3A_1124] : memref<5x160x128xf32, #tpu.memory_space<vmem>> -> memref<1x160x128xf32, #tpu.memory_space<vmem>>
    %dma_start3A_1126 = tpu.memref_squeeze %dma_start3A_1125 : memref<1x160x128xf32, #tpu.memory_space<vmem>> -> memref<160x128xf32, #tpu.memory_space<vmem>>
    %dma_start3A_1127 = arith.constant 4160 : i32
    %dma_start3A_1128 = tpu.memref_slice %arg5[%dma_start3A_1127] : memref<6400xi32, #tpu.memory_space<vmem>> -> memref<160xi32, #tpu.memory_space<vmem>>
    %dma_start3A_1129 = arith.constant 0 : i32
    %dma_start3A_1130 = arith.constant 0 : i32
    %dma_start3A_1131 = tpu.memref_slice %arg3[%dma_start3A_1129, %dma_start3A_1130] : memref<100000x128xf32, #tpu.memory_space<hbm>> -> memref<100000x128xf32, #tpu.memory_space<hbm>>
    tpu.enqueue_indirect_dma source(%dma_start3A_1131 : memref<100000x128xf32, #tpu.memory_space<hbm>>) target(%dma_start3A_1126 : memref<160x128xf32, #tpu.memory_space<vmem>>) offsets(%dma_start3A_1128 : memref<160xi32, #tpu.memory_space<vmem>>) semaphore(%arg7 : memref<!tpu.dma_semaphore, #tpu.memory_space<semaphore_mem>>)
    %dma_wait3A_1132 = arith.constant 3 : i32
    %dma_wait3A_1133 = arith.constant 0 : i32
    %dma_wait3A_1134 = arith.constant 0 : i32
    %dma_wait3A_1135 = tpu.memref_slice %arg6[%dma_wait3A_1132, %dma_wait3A_1133, %dma_wait3A_1134] : memref<5x160x128xf32, #tpu.memory_space<vmem>> -> memref<1x160x128xf32, #tpu.memory_space<vmem>>
    %dma_wait3A_1136 = tpu.memref_squeeze %dma_wait3A_1135 : memref<1x160x128xf32, #tpu.memory_space<vmem>> -> memref<160x128xf32, #tpu.memory_space<vmem>>
    %dma_wait3A_1137 = arith.constant 3680 : i32
    %dma_wait3A_1138 = tpu.memref_slice %arg5[%dma_wait3A_1137] : memref<6400xi32, #tpu.memory_space<vmem>> -> memref<160xi32, #tpu.memory_space<vmem>>
    %dma_wait3A_1139 = arith.constant 0 : i32
    %dma_wait3A_1140 = arith.constant 0 : i32
    %dma_wait3A_1141 = tpu.memref_slice %arg3[%dma_wait3A_1139, %dma_wait3A_1140] : memref<100000x128xf32, #tpu.memory_space<hbm>> -> memref<100000x128xf32, #tpu.memory_space<hbm>>
    tpu.wait_indirect_dma semaphore(%arg7 : memref<!tpu.dma_semaphore, #tpu.memory_space<semaphore_mem>>) src(%dma_wait3A_1141 : memref<100000x128xf32, #tpu.memory_space<hbm>>) dst(%dma_wait3A_1136 : memref<160x128xf32, #tpu.memory_space<vmem>>)
    %add3A_1142 = arith.constant 3680 : i32
    %add3A_1143 = arith.addi %mul3A_2, %add3A_1142 : i32
    %dma_start3A_1144 = arith.constant 3 : i32
    %dma_start3A_1145 = arith.constant 0 : i32
    %dma_start3A_1146 = arith.constant 0 : i32
    %dma_start3A_1147 = tpu.memref_slice %arg6[%dma_start3A_1144, %dma_start3A_1145, %dma_start3A_1146] : memref<5x160x128xf32, #tpu.memory_space<vmem>> -> memref<1x160x128xf32, #tpu.memory_space<vmem>>
    %dma_start3A_1148 = tpu.memref_squeeze %dma_start3A_1147 : memref<1x160x128xf32, #tpu.memory_space<vmem>> -> memref<160x128xf32, #tpu.memory_space<vmem>>
    %dma_start3A_1149 = arith.constant 0 : i32
    %dma_start3A_1150 = tpu.memref_slice %arg4[%add3A_1143, %dma_start3A_1149] : memref<204800x128xf32, #tpu.memory_space<hbm>> -> memref<160x128xf32, #tpu.memory_space<hbm>>
    %dma_start3A_1151 = arith.constant 0 : i32
    %dma_start3A_1152 = tpu.memref_slice %arg4[%add3A_1143, %dma_start3A_1151] : memref<204800x128xf32, #tpu.memory_space<hbm>> -> memref<160x128xf32, #tpu.memory_space<hbm>>
    %dma_start3A_1153 = arith.constant 0 : i32
    %dma_start3A_1154 = arith.constant 0 : i32
    %dma_start3A_1155 = tpu.memref_slice %arg6[%dma_start3A_1144, %dma_start3A_1153, %dma_start3A_1154] : memref<5x160x128xf32, #tpu.memory_space<vmem>> -> memref<1x160x128xf32, #tpu.memory_space<vmem>>
    %dma_start3A_1156 = tpu.memref_squeeze %dma_start3A_1155 : memref<1x160x128xf32, #tpu.memory_space<vmem>> -> memref<160x128xf32, #tpu.memory_space<vmem>>
    tpu.enqueue_dma source(%dma_start3A_1156 : memref<160x128xf32, #tpu.memory_space<vmem>>) target(%dma_start3A_1152 : memref<160x128xf32, #tpu.memory_space<hbm>>) target_semaphore(%arg8 : memref<!tpu.dma_semaphore, #tpu.memory_space<semaphore_mem>>)
    %dma_wait3A_1157 = arith.constant 2 : i32
    %dma_wait3A_1158 = arith.constant 0 : i32
    %dma_wait3A_1159 = arith.constant 0 : i32
    %dma_wait3A_1160 = tpu.memref_slice %arg6[%dma_wait3A_1157, %dma_wait3A_1158, %dma_wait3A_1159] : memref<5x160x128xf32, #tpu.memory_space<vmem>> -> memref<1x160x128xf32, #tpu.memory_space<vmem>>
    %dma_wait3A_1161 = tpu.memref_squeeze %dma_wait3A_1160 : memref<1x160x128xf32, #tpu.memory_space<vmem>> -> memref<160x128xf32, #tpu.memory_space<vmem>>
    %dma_wait3A_1162 = arith.constant 0 : i32
    %dma_wait3A_1163 = tpu.memref_slice %arg4[%add3A_1095, %dma_wait3A_1162] : memref<204800x128xf32, #tpu.memory_space<hbm>> -> memref<160x128xf32, #tpu.memory_space<hbm>>
    %dma_wait3A_1164 = arith.constant 0 : i32
    %dma_wait3A_1165 = tpu.memref_slice %arg4[%add3A_1095, %dma_wait3A_1164] : memref<204800x128xf32, #tpu.memory_space<hbm>> -> memref<160x128xf32, #tpu.memory_space<hbm>>
    %dma_wait3A_1166 = arith.constant 0 : i32
    %dma_wait3A_1167 = arith.constant 0 : i32
    %dma_wait3A_1168 = tpu.memref_slice %arg6[%dma_wait3A_1157, %dma_wait3A_1166, %dma_wait3A_1167] : memref<5x160x128xf32, #tpu.memory_space<vmem>> -> memref<1x160x128xf32, #tpu.memory_space<vmem>>
    %dma_wait3A_1169 = tpu.memref_squeeze %dma_wait3A_1168 : memref<1x160x128xf32, #tpu.memory_space<vmem>> -> memref<160x128xf32, #tpu.memory_space<vmem>>
    tpu.wait_dma2 semaphore(%arg8 : memref<!tpu.dma_semaphore, #tpu.memory_space<semaphore_mem>>) src(%dma_wait3A_1169 : memref<160x128xf32, #tpu.memory_space<vmem>>) dst(%dma_wait3A_1165 : memref<160x128xf32, #tpu.memory_space<hbm>>)
    %dma_start3A_1170 = arith.constant 2 : i32
    %dma_start3A_1171 = arith.constant 0 : i32
    %dma_start3A_1172 = arith.constant 0 : i32
    %dma_start3A_1173 = tpu.memref_slice %arg6[%dma_start3A_1170, %dma_start3A_1171, %dma_start3A_1172] : memref<5x160x128xf32, #tpu.memory_space<vmem>> -> memref<1x160x128xf32, #tpu.memory_space<vmem>>
    %dma_start3A_1174 = tpu.memref_squeeze %dma_start3A_1173 : memref<1x160x128xf32, #tpu.memory_space<vmem>> -> memref<160x128xf32, #tpu.memory_space<vmem>>
    %dma_start3A_1175 = arith.constant 4320 : i32
    %dma_start3A_1176 = tpu.memref_slice %arg5[%dma_start3A_1175] : memref<6400xi32, #tpu.memory_space<vmem>> -> memref<160xi32, #tpu.memory_space<vmem>>
    %dma_start3A_1177 = arith.constant 0 : i32
    %dma_start3A_1178 = arith.constant 0 : i32
    %dma_start3A_1179 = tpu.memref_slice %arg3[%dma_start3A_1177, %dma_start3A_1178] : memref<100000x128xf32, #tpu.memory_space<hbm>> -> memref<100000x128xf32, #tpu.memory_space<hbm>>
    tpu.enqueue_indirect_dma source(%dma_start3A_1179 : memref<100000x128xf32, #tpu.memory_space<hbm>>) target(%dma_start3A_1174 : memref<160x128xf32, #tpu.memory_space<vmem>>) offsets(%dma_start3A_1176 : memref<160xi32, #tpu.memory_space<vmem>>) semaphore(%arg7 : memref<!tpu.dma_semaphore, #tpu.memory_space<semaphore_mem>>)
    %dma_wait3A_1180 = arith.constant 4 : i32
    %dma_wait3A_1181 = arith.constant 0 : i32
    %dma_wait3A_1182 = arith.constant 0 : i32
    %dma_wait3A_1183 = tpu.memref_slice %arg6[%dma_wait3A_1180, %dma_wait3A_1181, %dma_wait3A_1182] : memref<5x160x128xf32, #tpu.memory_space<vmem>> -> memref<1x160x128xf32, #tpu.memory_space<vmem>>
    %dma_wait3A_1184 = tpu.memref_squeeze %dma_wait3A_1183 : memref<1x160x128xf32, #tpu.memory_space<vmem>> -> memref<160x128xf32, #tpu.memory_space<vmem>>
    %dma_wait3A_1185 = arith.constant 3840 : i32
    %dma_wait3A_1186 = tpu.memref_slice %arg5[%dma_wait3A_1185] : memref<6400xi32, #tpu.memory_space<vmem>> -> memref<160xi32, #tpu.memory_space<vmem>>
    %dma_wait3A_1187 = arith.constant 0 : i32
    %dma_wait3A_1188 = arith.constant 0 : i32
    %dma_wait3A_1189 = tpu.memref_slice %arg3[%dma_wait3A_1187, %dma_wait3A_1188] : memref<100000x128xf32, #tpu.memory_space<hbm>> -> memref<100000x128xf32, #tpu.memory_space<hbm>>
    tpu.wait_indirect_dma semaphore(%arg7 : memref<!tpu.dma_semaphore, #tpu.memory_space<semaphore_mem>>) src(%dma_wait3A_1189 : memref<100000x128xf32, #tpu.memory_space<hbm>>) dst(%dma_wait3A_1184 : memref<160x128xf32, #tpu.memory_space<vmem>>)
    %add3A_1190 = arith.constant 3840 : i32
    %add3A_1191 = arith.addi %mul3A_2, %add3A_1190 : i32
    %dma_start3A_1192 = arith.constant 4 : i32
    %dma_start3A_1193 = arith.constant 0 : i32
    %dma_start3A_1194 = arith.constant 0 : i32
    %dma_start3A_1195 = tpu.memref_slice %arg6[%dma_start3A_1192, %dma_start3A_1193, %dma_start3A_1194] : memref<5x160x128xf32, #tpu.memory_space<vmem>> -> memref<1x160x128xf32, #tpu.memory_space<vmem>>
    %dma_start3A_1196 = tpu.memref_squeeze %dma_start3A_1195 : memref<1x160x128xf32, #tpu.memory_space<vmem>> -> memref<160x128xf32, #tpu.memory_space<vmem>>
    %dma_start3A_1197 = arith.constant 0 : i32
    %dma_start3A_1198 = tpu.memref_slice %arg4[%add3A_1191, %dma_start3A_1197] : memref<204800x128xf32, #tpu.memory_space<hbm>> -> memref<160x128xf32, #tpu.memory_space<hbm>>
    %dma_start3A_1199 = arith.constant 0 : i32
    %dma_start3A_1200 = tpu.memref_slice %arg4[%add3A_1191, %dma_start3A_1199] : memref<204800x128xf32, #tpu.memory_space<hbm>> -> memref<160x128xf32, #tpu.memory_space<hbm>>
    %dma_start3A_1201 = arith.constant 0 : i32
    %dma_start3A_1202 = arith.constant 0 : i32
    %dma_start3A_1203 = tpu.memref_slice %arg6[%dma_start3A_1192, %dma_start3A_1201, %dma_start3A_1202] : memref<5x160x128xf32, #tpu.memory_space<vmem>> -> memref<1x160x128xf32, #tpu.memory_space<vmem>>
    %dma_start3A_1204 = tpu.memref_squeeze %dma_start3A_1203 : memref<1x160x128xf32, #tpu.memory_space<vmem>> -> memref<160x128xf32, #tpu.memory_space<vmem>>
    tpu.enqueue_dma source(%dma_start3A_1204 : memref<160x128xf32, #tpu.memory_space<vmem>>) target(%dma_start3A_1200 : memref<160x128xf32, #tpu.memory_space<hbm>>) target_semaphore(%arg8 : memref<!tpu.dma_semaphore, #tpu.memory_space<semaphore_mem>>)
    %dma_wait3A_1205 = arith.constant 3 : i32
    %dma_wait3A_1206 = arith.constant 0 : i32
    %dma_wait3A_1207 = arith.constant 0 : i32
    %dma_wait3A_1208 = tpu.memref_slice %arg6[%dma_wait3A_1205, %dma_wait3A_1206, %dma_wait3A_1207] : memref<5x160x128xf32, #tpu.memory_space<vmem>> -> memref<1x160x128xf32, #tpu.memory_space<vmem>>
    %dma_wait3A_1209 = tpu.memref_squeeze %dma_wait3A_1208 : memref<1x160x128xf32, #tpu.memory_space<vmem>> -> memref<160x128xf32, #tpu.memory_space<vmem>>
    %dma_wait3A_1210 = arith.constant 0 : i32
    %dma_wait3A_1211 = tpu.memref_slice %arg4[%add3A_1143, %dma_wait3A_1210] : memref<204800x128xf32, #tpu.memory_space<hbm>> -> memref<160x128xf32, #tpu.memory_space<hbm>>
    %dma_wait3A_1212 = arith.constant 0 : i32
    %dma_wait3A_1213 = tpu.memref_slice %arg4[%add3A_1143, %dma_wait3A_1212] : memref<204800x128xf32, #tpu.memory_space<hbm>> -> memref<160x128xf32, #tpu.memory_space<hbm>>
    %dma_wait3A_1214 = arith.constant 0 : i32
    %dma_wait3A_1215 = arith.constant 0 : i32
    %dma_wait3A_1216 = tpu.memref_slice %arg6[%dma_wait3A_1205, %dma_wait3A_1214, %dma_wait3A_1215] : memref<5x160x128xf32, #tpu.memory_space<vmem>> -> memref<1x160x128xf32, #tpu.memory_space<vmem>>
    %dma_wait3A_1217 = tpu.memref_squeeze %dma_wait3A_1216 : memref<1x160x128xf32, #tpu.memory_space<vmem>> -> memref<160x128xf32, #tpu.memory_space<vmem>>
    tpu.wait_dma2 semaphore(%arg8 : memref<!tpu.dma_semaphore, #tpu.memory_space<semaphore_mem>>) src(%dma_wait3A_1217 : memref<160x128xf32, #tpu.memory_space<vmem>>) dst(%dma_wait3A_1213 : memref<160x128xf32, #tpu.memory_space<hbm>>)
    %dma_start3A_1218 = arith.constant 3 : i32
    %dma_start3A_1219 = arith.constant 0 : i32
    %dma_start3A_1220 = arith.constant 0 : i32
    %dma_start3A_1221 = tpu.memref_slice %arg6[%dma_start3A_1218, %dma_start3A_1219, %dma_start3A_1220] : memref<5x160x128xf32, #tpu.memory_space<vmem>> -> memref<1x160x128xf32, #tpu.memory_space<vmem>>
    %dma_start3A_1222 = tpu.memref_squeeze %dma_start3A_1221 : memref<1x160x128xf32, #tpu.memory_space<vmem>> -> memref<160x128xf32, #tpu.memory_space<vmem>>
    %dma_start3A_1223 = arith.constant 4480 : i32
    %dma_start3A_1224 = tpu.memref_slice %arg5[%dma_start3A_1223] : memref<6400xi32, #tpu.memory_space<vmem>> -> memref<160xi32, #tpu.memory_space<vmem>>
    %dma_start3A_1225 = arith.constant 0 : i32
    %dma_start3A_1226 = arith.constant 0 : i32
    %dma_start3A_1227 = tpu.memref_slice %arg3[%dma_start3A_1225, %dma_start3A_1226] : memref<100000x128xf32, #tpu.memory_space<hbm>> -> memref<100000x128xf32, #tpu.memory_space<hbm>>
    tpu.enqueue_indirect_dma source(%dma_start3A_1227 : memref<100000x128xf32, #tpu.memory_space<hbm>>) target(%dma_start3A_1222 : memref<160x128xf32, #tpu.memory_space<vmem>>) offsets(%dma_start3A_1224 : memref<160xi32, #tpu.memory_space<vmem>>) semaphore(%arg7 : memref<!tpu.dma_semaphore, #tpu.memory_space<semaphore_mem>>)
    %dma_wait3A_1228 = arith.constant 0 : i32
    %dma_wait3A_1229 = arith.constant 0 : i32
    %dma_wait3A_1230 = arith.constant 0 : i32
    %dma_wait3A_1231 = tpu.memref_slice %arg6[%dma_wait3A_1228, %dma_wait3A_1229, %dma_wait3A_1230] : memref<5x160x128xf32, #tpu.memory_space<vmem>> -> memref<1x160x128xf32, #tpu.memory_space<vmem>>
    %dma_wait3A_1232 = tpu.memref_squeeze %dma_wait3A_1231 : memref<1x160x128xf32, #tpu.memory_space<vmem>> -> memref<160x128xf32, #tpu.memory_space<vmem>>
    %dma_wait3A_1233 = arith.constant 4000 : i32
    %dma_wait3A_1234 = tpu.memref_slice %arg5[%dma_wait3A_1233] : memref<6400xi32, #tpu.memory_space<vmem>> -> memref<160xi32, #tpu.memory_space<vmem>>
    %dma_wait3A_1235 = arith.constant 0 : i32
    %dma_wait3A_1236 = arith.constant 0 : i32
    %dma_wait3A_1237 = tpu.memref_slice %arg3[%dma_wait3A_1235, %dma_wait3A_1236] : memref<100000x128xf32, #tpu.memory_space<hbm>> -> memref<100000x128xf32, #tpu.memory_space<hbm>>
    tpu.wait_indirect_dma semaphore(%arg7 : memref<!tpu.dma_semaphore, #tpu.memory_space<semaphore_mem>>) src(%dma_wait3A_1237 : memref<100000x128xf32, #tpu.memory_space<hbm>>) dst(%dma_wait3A_1232 : memref<160x128xf32, #tpu.memory_space<vmem>>)
    %add3A_1238 = arith.constant 4000 : i32
    %add3A_1239 = arith.addi %mul3A_2, %add3A_1238 : i32
    %dma_start3A_1240 = arith.constant 0 : i32
    %dma_start3A_1241 = arith.constant 0 : i32
    %dma_start3A_1242 = arith.constant 0 : i32
    %dma_start3A_1243 = tpu.memref_slice %arg6[%dma_start3A_1240, %dma_start3A_1241, %dma_start3A_1242] : memref<5x160x128xf32, #tpu.memory_space<vmem>> -> memref<1x160x128xf32, #tpu.memory_space<vmem>>
    %dma_start3A_1244 = tpu.memref_squeeze %dma_start3A_1243 : memref<1x160x128xf32, #tpu.memory_space<vmem>> -> memref<160x128xf32, #tpu.memory_space<vmem>>
    %dma_start3A_1245 = arith.constant 0 : i32
    %dma_start3A_1246 = tpu.memref_slice %arg4[%add3A_1239, %dma_start3A_1245] : memref<204800x128xf32, #tpu.memory_space<hbm>> -> memref<160x128xf32, #tpu.memory_space<hbm>>
    %dma_start3A_1247 = arith.constant 0 : i32
    %dma_start3A_1248 = tpu.memref_slice %arg4[%add3A_1239, %dma_start3A_1247] : memref<204800x128xf32, #tpu.memory_space<hbm>> -> memref<160x128xf32, #tpu.memory_space<hbm>>
    %dma_start3A_1249 = arith.constant 0 : i32
    %dma_start3A_1250 = arith.constant 0 : i32
    %dma_start3A_1251 = tpu.memref_slice %arg6[%dma_start3A_1240, %dma_start3A_1249, %dma_start3A_1250] : memref<5x160x128xf32, #tpu.memory_space<vmem>> -> memref<1x160x128xf32, #tpu.memory_space<vmem>>
    %dma_start3A_1252 = tpu.memref_squeeze %dma_start3A_1251 : memref<1x160x128xf32, #tpu.memory_space<vmem>> -> memref<160x128xf32, #tpu.memory_space<vmem>>
    tpu.enqueue_dma source(%dma_start3A_1252 : memref<160x128xf32, #tpu.memory_space<vmem>>) target(%dma_start3A_1248 : memref<160x128xf32, #tpu.memory_space<hbm>>) target_semaphore(%arg8 : memref<!tpu.dma_semaphore, #tpu.memory_space<semaphore_mem>>)
    %dma_wait3A_1253 = arith.constant 4 : i32
    %dma_wait3A_1254 = arith.constant 0 : i32
    %dma_wait3A_1255 = arith.constant 0 : i32
    %dma_wait3A_1256 = tpu.memref_slice %arg6[%dma_wait3A_1253, %dma_wait3A_1254, %dma_wait3A_1255] : memref<5x160x128xf32, #tpu.memory_space<vmem>> -> memref<1x160x128xf32, #tpu.memory_space<vmem>>
    %dma_wait3A_1257 = tpu.memref_squeeze %dma_wait3A_1256 : memref<1x160x128xf32, #tpu.memory_space<vmem>> -> memref<160x128xf32, #tpu.memory_space<vmem>>
    %dma_wait3A_1258 = arith.constant 0 : i32
    %dma_wait3A_1259 = tpu.memref_slice %arg4[%add3A_1191, %dma_wait3A_1258] : memref<204800x128xf32, #tpu.memory_space<hbm>> -> memref<160x128xf32, #tpu.memory_space<hbm>>
    %dma_wait3A_1260 = arith.constant 0 : i32
    %dma_wait3A_1261 = tpu.memref_slice %arg4[%add3A_1191, %dma_wait3A_1260] : memref<204800x128xf32, #tpu.memory_space<hbm>> -> memref<160x128xf32, #tpu.memory_space<hbm>>
    %dma_wait3A_1262 = arith.constant 0 : i32
    %dma_wait3A_1263 = arith.constant 0 : i32
    %dma_wait3A_1264 = tpu.memref_slice %arg6[%dma_wait3A_1253, %dma_wait3A_1262, %dma_wait3A_1263] : memref<5x160x128xf32, #tpu.memory_space<vmem>> -> memref<1x160x128xf32, #tpu.memory_space<vmem>>
    %dma_wait3A_1265 = tpu.memref_squeeze %dma_wait3A_1264 : memref<1x160x128xf32, #tpu.memory_space<vmem>> -> memref<160x128xf32, #tpu.memory_space<vmem>>
    tpu.wait_dma2 semaphore(%arg8 : memref<!tpu.dma_semaphore, #tpu.memory_space<semaphore_mem>>) src(%dma_wait3A_1265 : memref<160x128xf32, #tpu.memory_space<vmem>>) dst(%dma_wait3A_1261 : memref<160x128xf32, #tpu.memory_space<hbm>>)
    %dma_start3A_1266 = arith.constant 4 : i32
    %dma_start3A_1267 = arith.constant 0 : i32
    %dma_start3A_1268 = arith.constant 0 : i32
    %dma_start3A_1269 = tpu.memref_slice %arg6[%dma_start3A_1266, %dma_start3A_1267, %dma_start3A_1268] : memref<5x160x128xf32, #tpu.memory_space<vmem>> -> memref<1x160x128xf32, #tpu.memory_space<vmem>>
    %dma_start3A_1270 = tpu.memref_squeeze %dma_start3A_1269 : memref<1x160x128xf32, #tpu.memory_space<vmem>> -> memref<160x128xf32, #tpu.memory_space<vmem>>
    %dma_start3A_1271 = arith.constant 4640 : i32
    %dma_start3A_1272 = tpu.memref_slice %arg5[%dma_start3A_1271] : memref<6400xi32, #tpu.memory_space<vmem>> -> memref<160xi32, #tpu.memory_space<vmem>>
    %dma_start3A_1273 = arith.constant 0 : i32
    %dma_start3A_1274 = arith.constant 0 : i32
    %dma_start3A_1275 = tpu.memref_slice %arg3[%dma_start3A_1273, %dma_start3A_1274] : memref<100000x128xf32, #tpu.memory_space<hbm>> -> memref<100000x128xf32, #tpu.memory_space<hbm>>
    tpu.enqueue_indirect_dma source(%dma_start3A_1275 : memref<100000x128xf32, #tpu.memory_space<hbm>>) target(%dma_start3A_1270 : memref<160x128xf32, #tpu.memory_space<vmem>>) offsets(%dma_start3A_1272 : memref<160xi32, #tpu.memory_space<vmem>>) semaphore(%arg7 : memref<!tpu.dma_semaphore, #tpu.memory_space<semaphore_mem>>)
    %dma_wait3A_1276 = arith.constant 1 : i32
    %dma_wait3A_1277 = arith.constant 0 : i32
    %dma_wait3A_1278 = arith.constant 0 : i32
    %dma_wait3A_1279 = tpu.memref_slice %arg6[%dma_wait3A_1276, %dma_wait3A_1277, %dma_wait3A_1278] : memref<5x160x128xf32, #tpu.memory_space<vmem>> -> memref<1x160x128xf32, #tpu.memory_space<vmem>>
    %dma_wait3A_1280 = tpu.memref_squeeze %dma_wait3A_1279 : memref<1x160x128xf32, #tpu.memory_space<vmem>> -> memref<160x128xf32, #tpu.memory_space<vmem>>
    %dma_wait3A_1281 = arith.constant 4160 : i32
    %dma_wait3A_1282 = tpu.memref_slice %arg5[%dma_wait3A_1281] : memref<6400xi32, #tpu.memory_space<vmem>> -> memref<160xi32, #tpu.memory_space<vmem>>
    %dma_wait3A_1283 = arith.constant 0 : i32
    %dma_wait3A_1284 = arith.constant 0 : i32
    %dma_wait3A_1285 = tpu.memref_slice %arg3[%dma_wait3A_1283, %dma_wait3A_1284] : memref<100000x128xf32, #tpu.memory_space<hbm>> -> memref<100000x128xf32, #tpu.memory_space<hbm>>
    tpu.wait_indirect_dma semaphore(%arg7 : memref<!tpu.dma_semaphore, #tpu.memory_space<semaphore_mem>>) src(%dma_wait3A_1285 : memref<100000x128xf32, #tpu.memory_space<hbm>>) dst(%dma_wait3A_1280 : memref<160x128xf32, #tpu.memory_space<vmem>>)
    %add3A_1286 = arith.constant 4160 : i32
    %add3A_1287 = arith.addi %mul3A_2, %add3A_1286 : i32
    %dma_start3A_1288 = arith.constant 1 : i32
    %dma_start3A_1289 = arith.constant 0 : i32
    %dma_start3A_1290 = arith.constant 0 : i32
    %dma_start3A_1291 = tpu.memref_slice %arg6[%dma_start3A_1288, %dma_start3A_1289, %dma_start3A_1290] : memref<5x160x128xf32, #tpu.memory_space<vmem>> -> memref<1x160x128xf32, #tpu.memory_space<vmem>>
    %dma_start3A_1292 = tpu.memref_squeeze %dma_start3A_1291 : memref<1x160x128xf32, #tpu.memory_space<vmem>> -> memref<160x128xf32, #tpu.memory_space<vmem>>
    %dma_start3A_1293 = arith.constant 0 : i32
    %dma_start3A_1294 = tpu.memref_slice %arg4[%add3A_1287, %dma_start3A_1293] : memref<204800x128xf32, #tpu.memory_space<hbm>> -> memref<160x128xf32, #tpu.memory_space<hbm>>
    %dma_start3A_1295 = arith.constant 0 : i32
    %dma_start3A_1296 = tpu.memref_slice %arg4[%add3A_1287, %dma_start3A_1295] : memref<204800x128xf32, #tpu.memory_space<hbm>> -> memref<160x128xf32, #tpu.memory_space<hbm>>
    %dma_start3A_1297 = arith.constant 0 : i32
    %dma_start3A_1298 = arith.constant 0 : i32
    %dma_start3A_1299 = tpu.memref_slice %arg6[%dma_start3A_1288, %dma_start3A_1297, %dma_start3A_1298] : memref<5x160x128xf32, #tpu.memory_space<vmem>> -> memref<1x160x128xf32, #tpu.memory_space<vmem>>
    %dma_start3A_1300 = tpu.memref_squeeze %dma_start3A_1299 : memref<1x160x128xf32, #tpu.memory_space<vmem>> -> memref<160x128xf32, #tpu.memory_space<vmem>>
    tpu.enqueue_dma source(%dma_start3A_1300 : memref<160x128xf32, #tpu.memory_space<vmem>>) target(%dma_start3A_1296 : memref<160x128xf32, #tpu.memory_space<hbm>>) target_semaphore(%arg8 : memref<!tpu.dma_semaphore, #tpu.memory_space<semaphore_mem>>)
    %dma_wait3A_1301 = arith.constant 0 : i32
    %dma_wait3A_1302 = arith.constant 0 : i32
    %dma_wait3A_1303 = arith.constant 0 : i32
    %dma_wait3A_1304 = tpu.memref_slice %arg6[%dma_wait3A_1301, %dma_wait3A_1302, %dma_wait3A_1303] : memref<5x160x128xf32, #tpu.memory_space<vmem>> -> memref<1x160x128xf32, #tpu.memory_space<vmem>>
    %dma_wait3A_1305 = tpu.memref_squeeze %dma_wait3A_1304 : memref<1x160x128xf32, #tpu.memory_space<vmem>> -> memref<160x128xf32, #tpu.memory_space<vmem>>
    %dma_wait3A_1306 = arith.constant 0 : i32
    %dma_wait3A_1307 = tpu.memref_slice %arg4[%add3A_1239, %dma_wait3A_1306] : memref<204800x128xf32, #tpu.memory_space<hbm>> -> memref<160x128xf32, #tpu.memory_space<hbm>>
    %dma_wait3A_1308 = arith.constant 0 : i32
    %dma_wait3A_1309 = tpu.memref_slice %arg4[%add3A_1239, %dma_wait3A_1308] : memref<204800x128xf32, #tpu.memory_space<hbm>> -> memref<160x128xf32, #tpu.memory_space<hbm>>
    %dma_wait3A_1310 = arith.constant 0 : i32
    %dma_wait3A_1311 = arith.constant 0 : i32
    %dma_wait3A_1312 = tpu.memref_slice %arg6[%dma_wait3A_1301, %dma_wait3A_1310, %dma_wait3A_1311] : memref<5x160x128xf32, #tpu.memory_space<vmem>> -> memref<1x160x128xf32, #tpu.memory_space<vmem>>
    %dma_wait3A_1313 = tpu.memref_squeeze %dma_wait3A_1312 : memref<1x160x128xf32, #tpu.memory_space<vmem>> -> memref<160x128xf32, #tpu.memory_space<vmem>>
    tpu.wait_dma2 semaphore(%arg8 : memref<!tpu.dma_semaphore, #tpu.memory_space<semaphore_mem>>) src(%dma_wait3A_1313 : memref<160x128xf32, #tpu.memory_space<vmem>>) dst(%dma_wait3A_1309 : memref<160x128xf32, #tpu.memory_space<hbm>>)
    %dma_start3A_1314 = arith.constant 0 : i32
    %dma_start3A_1315 = arith.constant 0 : i32
    %dma_start3A_1316 = arith.constant 0 : i32
    %dma_start3A_1317 = tpu.memref_slice %arg6[%dma_start3A_1314, %dma_start3A_1315, %dma_start3A_1316] : memref<5x160x128xf32, #tpu.memory_space<vmem>> -> memref<1x160x128xf32, #tpu.memory_space<vmem>>
    %dma_start3A_1318 = tpu.memref_squeeze %dma_start3A_1317 : memref<1x160x128xf32, #tpu.memory_space<vmem>> -> memref<160x128xf32, #tpu.memory_space<vmem>>
    %dma_start3A_1319 = arith.constant 4800 : i32
    %dma_start3A_1320 = tpu.memref_slice %arg5[%dma_start3A_1319] : memref<6400xi32, #tpu.memory_space<vmem>> -> memref<160xi32, #tpu.memory_space<vmem>>
    %dma_start3A_1321 = arith.constant 0 : i32
    %dma_start3A_1322 = arith.constant 0 : i32
    %dma_start3A_1323 = tpu.memref_slice %arg3[%dma_start3A_1321, %dma_start3A_1322] : memref<100000x128xf32, #tpu.memory_space<hbm>> -> memref<100000x128xf32, #tpu.memory_space<hbm>>
    tpu.enqueue_indirect_dma source(%dma_start3A_1323 : memref<100000x128xf32, #tpu.memory_space<hbm>>) target(%dma_start3A_1318 : memref<160x128xf32, #tpu.memory_space<vmem>>) offsets(%dma_start3A_1320 : memref<160xi32, #tpu.memory_space<vmem>>) semaphore(%arg7 : memref<!tpu.dma_semaphore, #tpu.memory_space<semaphore_mem>>)
    %dma_wait3A_1324 = arith.constant 2 : i32
    %dma_wait3A_1325 = arith.constant 0 : i32
    %dma_wait3A_1326 = arith.constant 0 : i32
    %dma_wait3A_1327 = tpu.memref_slice %arg6[%dma_wait3A_1324, %dma_wait3A_1325, %dma_wait3A_1326] : memref<5x160x128xf32, #tpu.memory_space<vmem>> -> memref<1x160x128xf32, #tpu.memory_space<vmem>>
    %dma_wait3A_1328 = tpu.memref_squeeze %dma_wait3A_1327 : memref<1x160x128xf32, #tpu.memory_space<vmem>> -> memref<160x128xf32, #tpu.memory_space<vmem>>
    %dma_wait3A_1329 = arith.constant 4320 : i32
    %dma_wait3A_1330 = tpu.memref_slice %arg5[%dma_wait3A_1329] : memref<6400xi32, #tpu.memory_space<vmem>> -> memref<160xi32, #tpu.memory_space<vmem>>
    %dma_wait3A_1331 = arith.constant 0 : i32
    %dma_wait3A_1332 = arith.constant 0 : i32
    %dma_wait3A_1333 = tpu.memref_slice %arg3[%dma_wait3A_1331, %dma_wait3A_1332] : memref<100000x128xf32, #tpu.memory_space<hbm>> -> memref<100000x128xf32, #tpu.memory_space<hbm>>
    tpu.wait_indirect_dma semaphore(%arg7 : memref<!tpu.dma_semaphore, #tpu.memory_space<semaphore_mem>>) src(%dma_wait3A_1333 : memref<100000x128xf32, #tpu.memory_space<hbm>>) dst(%dma_wait3A_1328 : memref<160x128xf32, #tpu.memory_space<vmem>>)
    %add3A_1334 = arith.constant 4320 : i32
    %add3A_1335 = arith.addi %mul3A_2, %add3A_1334 : i32
    %dma_start3A_1336 = arith.constant 2 : i32
    %dma_start3A_1337 = arith.constant 0 : i32
    %dma_start3A_1338 = arith.constant 0 : i32
    %dma_start3A_1339 = tpu.memref_slice %arg6[%dma_start3A_1336, %dma_start3A_1337, %dma_start3A_1338] : memref<5x160x128xf32, #tpu.memory_space<vmem>> -> memref<1x160x128xf32, #tpu.memory_space<vmem>>
    %dma_start3A_1340 = tpu.memref_squeeze %dma_start3A_1339 : memref<1x160x128xf32, #tpu.memory_space<vmem>> -> memref<160x128xf32, #tpu.memory_space<vmem>>
    %dma_start3A_1341 = arith.constant 0 : i32
    %dma_start3A_1342 = tpu.memref_slice %arg4[%add3A_1335, %dma_start3A_1341] : memref<204800x128xf32, #tpu.memory_space<hbm>> -> memref<160x128xf32, #tpu.memory_space<hbm>>
    %dma_start3A_1343 = arith.constant 0 : i32
    %dma_start3A_1344 = tpu.memref_slice %arg4[%add3A_1335, %dma_start3A_1343] : memref<204800x128xf32, #tpu.memory_space<hbm>> -> memref<160x128xf32, #tpu.memory_space<hbm>>
    %dma_start3A_1345 = arith.constant 0 : i32
    %dma_start3A_1346 = arith.constant 0 : i32
    %dma_start3A_1347 = tpu.memref_slice %arg6[%dma_start3A_1336, %dma_start3A_1345, %dma_start3A_1346] : memref<5x160x128xf32, #tpu.memory_space<vmem>> -> memref<1x160x128xf32, #tpu.memory_space<vmem>>
    %dma_start3A_1348 = tpu.memref_squeeze %dma_start3A_1347 : memref<1x160x128xf32, #tpu.memory_space<vmem>> -> memref<160x128xf32, #tpu.memory_space<vmem>>
    tpu.enqueue_dma source(%dma_start3A_1348 : memref<160x128xf32, #tpu.memory_space<vmem>>) target(%dma_start3A_1344 : memref<160x128xf32, #tpu.memory_space<hbm>>) target_semaphore(%arg8 : memref<!tpu.dma_semaphore, #tpu.memory_space<semaphore_mem>>)
    %dma_wait3A_1349 = arith.constant 1 : i32
    %dma_wait3A_1350 = arith.constant 0 : i32
    %dma_wait3A_1351 = arith.constant 0 : i32
    %dma_wait3A_1352 = tpu.memref_slice %arg6[%dma_wait3A_1349, %dma_wait3A_1350, %dma_wait3A_1351] : memref<5x160x128xf32, #tpu.memory_space<vmem>> -> memref<1x160x128xf32, #tpu.memory_space<vmem>>
    %dma_wait3A_1353 = tpu.memref_squeeze %dma_wait3A_1352 : memref<1x160x128xf32, #tpu.memory_space<vmem>> -> memref<160x128xf32, #tpu.memory_space<vmem>>
    %dma_wait3A_1354 = arith.constant 0 : i32
    %dma_wait3A_1355 = tpu.memref_slice %arg4[%add3A_1287, %dma_wait3A_1354] : memref<204800x128xf32, #tpu.memory_space<hbm>> -> memref<160x128xf32, #tpu.memory_space<hbm>>
    %dma_wait3A_1356 = arith.constant 0 : i32
    %dma_wait3A_1357 = tpu.memref_slice %arg4[%add3A_1287, %dma_wait3A_1356] : memref<204800x128xf32, #tpu.memory_space<hbm>> -> memref<160x128xf32, #tpu.memory_space<hbm>>
    %dma_wait3A_1358 = arith.constant 0 : i32
    %dma_wait3A_1359 = arith.constant 0 : i32
    %dma_wait3A_1360 = tpu.memref_slice %arg6[%dma_wait3A_1349, %dma_wait3A_1358, %dma_wait3A_1359] : memref<5x160x128xf32, #tpu.memory_space<vmem>> -> memref<1x160x128xf32, #tpu.memory_space<vmem>>
    %dma_wait3A_1361 = tpu.memref_squeeze %dma_wait3A_1360 : memref<1x160x128xf32, #tpu.memory_space<vmem>> -> memref<160x128xf32, #tpu.memory_space<vmem>>
    tpu.wait_dma2 semaphore(%arg8 : memref<!tpu.dma_semaphore, #tpu.memory_space<semaphore_mem>>) src(%dma_wait3A_1361 : memref<160x128xf32, #tpu.memory_space<vmem>>) dst(%dma_wait3A_1357 : memref<160x128xf32, #tpu.memory_space<hbm>>)
    %dma_start3A_1362 = arith.constant 1 : i32
    %dma_start3A_1363 = arith.constant 0 : i32
    %dma_start3A_1364 = arith.constant 0 : i32
    %dma_start3A_1365 = tpu.memref_slice %arg6[%dma_start3A_1362, %dma_start3A_1363, %dma_start3A_1364] : memref<5x160x128xf32, #tpu.memory_space<vmem>> -> memref<1x160x128xf32, #tpu.memory_space<vmem>>
    %dma_start3A_1366 = tpu.memref_squeeze %dma_start3A_1365 : memref<1x160x128xf32, #tpu.memory_space<vmem>> -> memref<160x128xf32, #tpu.memory_space<vmem>>
    %dma_start3A_1367 = arith.constant 4960 : i32
    %dma_start3A_1368 = tpu.memref_slice %arg5[%dma_start3A_1367] : memref<6400xi32, #tpu.memory_space<vmem>> -> memref<160xi32, #tpu.memory_space<vmem>>
    %dma_start3A_1369 = arith.constant 0 : i32
    %dma_start3A_1370 = arith.constant 0 : i32
    %dma_start3A_1371 = tpu.memref_slice %arg3[%dma_start3A_1369, %dma_start3A_1370] : memref<100000x128xf32, #tpu.memory_space<hbm>> -> memref<100000x128xf32, #tpu.memory_space<hbm>>
    tpu.enqueue_indirect_dma source(%dma_start3A_1371 : memref<100000x128xf32, #tpu.memory_space<hbm>>) target(%dma_start3A_1366 : memref<160x128xf32, #tpu.memory_space<vmem>>) offsets(%dma_start3A_1368 : memref<160xi32, #tpu.memory_space<vmem>>) semaphore(%arg7 : memref<!tpu.dma_semaphore, #tpu.memory_space<semaphore_mem>>)
    %dma_wait3A_1372 = arith.constant 3 : i32
    %dma_wait3A_1373 = arith.constant 0 : i32
    %dma_wait3A_1374 = arith.constant 0 : i32
    %dma_wait3A_1375 = tpu.memref_slice %arg6[%dma_wait3A_1372, %dma_wait3A_1373, %dma_wait3A_1374] : memref<5x160x128xf32, #tpu.memory_space<vmem>> -> memref<1x160x128xf32, #tpu.memory_space<vmem>>
    %dma_wait3A_1376 = tpu.memref_squeeze %dma_wait3A_1375 : memref<1x160x128xf32, #tpu.memory_space<vmem>> -> memref<160x128xf32, #tpu.memory_space<vmem>>
    %dma_wait3A_1377 = arith.constant 4480 : i32
    %dma_wait3A_1378 = tpu.memref_slice %arg5[%dma_wait3A_1377] : memref<6400xi32, #tpu.memory_space<vmem>> -> memref<160xi32, #tpu.memory_space<vmem>>
    %dma_wait3A_1379 = arith.constant 0 : i32
    %dma_wait3A_1380 = arith.constant 0 : i32
    %dma_wait3A_1381 = tpu.memref_slice %arg3[%dma_wait3A_1379, %dma_wait3A_1380] : memref<100000x128xf32, #tpu.memory_space<hbm>> -> memref<100000x128xf32, #tpu.memory_space<hbm>>
    tpu.wait_indirect_dma semaphore(%arg7 : memref<!tpu.dma_semaphore, #tpu.memory_space<semaphore_mem>>) src(%dma_wait3A_1381 : memref<100000x128xf32, #tpu.memory_space<hbm>>) dst(%dma_wait3A_1376 : memref<160x128xf32, #tpu.memory_space<vmem>>)
    %add3A_1382 = arith.constant 4480 : i32
    %add3A_1383 = arith.addi %mul3A_2, %add3A_1382 : i32
    %dma_start3A_1384 = arith.constant 3 : i32
    %dma_start3A_1385 = arith.constant 0 : i32
    %dma_start3A_1386 = arith.constant 0 : i32
    %dma_start3A_1387 = tpu.memref_slice %arg6[%dma_start3A_1384, %dma_start3A_1385, %dma_start3A_1386] : memref<5x160x128xf32, #tpu.memory_space<vmem>> -> memref<1x160x128xf32, #tpu.memory_space<vmem>>
    %dma_start3A_1388 = tpu.memref_squeeze %dma_start3A_1387 : memref<1x160x128xf32, #tpu.memory_space<vmem>> -> memref<160x128xf32, #tpu.memory_space<vmem>>
    %dma_start3A_1389 = arith.constant 0 : i32
    %dma_start3A_1390 = tpu.memref_slice %arg4[%add3A_1383, %dma_start3A_1389] : memref<204800x128xf32, #tpu.memory_space<hbm>> -> memref<160x128xf32, #tpu.memory_space<hbm>>
    %dma_start3A_1391 = arith.constant 0 : i32
    %dma_start3A_1392 = tpu.memref_slice %arg4[%add3A_1383, %dma_start3A_1391] : memref<204800x128xf32, #tpu.memory_space<hbm>> -> memref<160x128xf32, #tpu.memory_space<hbm>>
    %dma_start3A_1393 = arith.constant 0 : i32
    %dma_start3A_1394 = arith.constant 0 : i32
    %dma_start3A_1395 = tpu.memref_slice %arg6[%dma_start3A_1384, %dma_start3A_1393, %dma_start3A_1394] : memref<5x160x128xf32, #tpu.memory_space<vmem>> -> memref<1x160x128xf32, #tpu.memory_space<vmem>>
    %dma_start3A_1396 = tpu.memref_squeeze %dma_start3A_1395 : memref<1x160x128xf32, #tpu.memory_space<vmem>> -> memref<160x128xf32, #tpu.memory_space<vmem>>
    tpu.enqueue_dma source(%dma_start3A_1396 : memref<160x128xf32, #tpu.memory_space<vmem>>) target(%dma_start3A_1392 : memref<160x128xf32, #tpu.memory_space<hbm>>) target_semaphore(%arg8 : memref<!tpu.dma_semaphore, #tpu.memory_space<semaphore_mem>>)
    %dma_wait3A_1397 = arith.constant 2 : i32
    %dma_wait3A_1398 = arith.constant 0 : i32
    %dma_wait3A_1399 = arith.constant 0 : i32
    %dma_wait3A_1400 = tpu.memref_slice %arg6[%dma_wait3A_1397, %dma_wait3A_1398, %dma_wait3A_1399] : memref<5x160x128xf32, #tpu.memory_space<vmem>> -> memref<1x160x128xf32, #tpu.memory_space<vmem>>
    %dma_wait3A_1401 = tpu.memref_squeeze %dma_wait3A_1400 : memref<1x160x128xf32, #tpu.memory_space<vmem>> -> memref<160x128xf32, #tpu.memory_space<vmem>>
    %dma_wait3A_1402 = arith.constant 0 : i32
    %dma_wait3A_1403 = tpu.memref_slice %arg4[%add3A_1335, %dma_wait3A_1402] : memref<204800x128xf32, #tpu.memory_space<hbm>> -> memref<160x128xf32, #tpu.memory_space<hbm>>
    %dma_wait3A_1404 = arith.constant 0 : i32
    %dma_wait3A_1405 = tpu.memref_slice %arg4[%add3A_1335, %dma_wait3A_1404] : memref<204800x128xf32, #tpu.memory_space<hbm>> -> memref<160x128xf32, #tpu.memory_space<hbm>>
    %dma_wait3A_1406 = arith.constant 0 : i32
    %dma_wait3A_1407 = arith.constant 0 : i32
    %dma_wait3A_1408 = tpu.memref_slice %arg6[%dma_wait3A_1397, %dma_wait3A_1406, %dma_wait3A_1407] : memref<5x160x128xf32, #tpu.memory_space<vmem>> -> memref<1x160x128xf32, #tpu.memory_space<vmem>>
    %dma_wait3A_1409 = tpu.memref_squeeze %dma_wait3A_1408 : memref<1x160x128xf32, #tpu.memory_space<vmem>> -> memref<160x128xf32, #tpu.memory_space<vmem>>
    tpu.wait_dma2 semaphore(%arg8 : memref<!tpu.dma_semaphore, #tpu.memory_space<semaphore_mem>>) src(%dma_wait3A_1409 : memref<160x128xf32, #tpu.memory_space<vmem>>) dst(%dma_wait3A_1405 : memref<160x128xf32, #tpu.memory_space<hbm>>)
    %dma_start3A_1410 = arith.constant 2 : i32
    %dma_start3A_1411 = arith.constant 0 : i32
    %dma_start3A_1412 = arith.constant 0 : i32
    %dma_start3A_1413 = tpu.memref_slice %arg6[%dma_start3A_1410, %dma_start3A_1411, %dma_start3A_1412] : memref<5x160x128xf32, #tpu.memory_space<vmem>> -> memref<1x160x128xf32, #tpu.memory_space<vmem>>
    %dma_start3A_1414 = tpu.memref_squeeze %dma_start3A_1413 : memref<1x160x128xf32, #tpu.memory_space<vmem>> -> memref<160x128xf32, #tpu.memory_space<vmem>>
    %dma_start3A_1415 = arith.constant 5120 : i32
    %dma_start3A_1416 = tpu.memref_slice %arg5[%dma_start3A_1415] : memref<6400xi32, #tpu.memory_space<vmem>> -> memref<160xi32, #tpu.memory_space<vmem>>
    %dma_start3A_1417 = arith.constant 0 : i32
    %dma_start3A_1418 = arith.constant 0 : i32
    %dma_start3A_1419 = tpu.memref_slice %arg3[%dma_start3A_1417, %dma_start3A_1418] : memref<100000x128xf32, #tpu.memory_space<hbm>> -> memref<100000x128xf32, #tpu.memory_space<hbm>>
    tpu.enqueue_indirect_dma source(%dma_start3A_1419 : memref<100000x128xf32, #tpu.memory_space<hbm>>) target(%dma_start3A_1414 : memref<160x128xf32, #tpu.memory_space<vmem>>) offsets(%dma_start3A_1416 : memref<160xi32, #tpu.memory_space<vmem>>) semaphore(%arg7 : memref<!tpu.dma_semaphore, #tpu.memory_space<semaphore_mem>>)
    %dma_wait3A_1420 = arith.constant 4 : i32
    %dma_wait3A_1421 = arith.constant 0 : i32
    %dma_wait3A_1422 = arith.constant 0 : i32
    %dma_wait3A_1423 = tpu.memref_slice %arg6[%dma_wait3A_1420, %dma_wait3A_1421, %dma_wait3A_1422] : memref<5x160x128xf32, #tpu.memory_space<vmem>> -> memref<1x160x128xf32, #tpu.memory_space<vmem>>
    %dma_wait3A_1424 = tpu.memref_squeeze %dma_wait3A_1423 : memref<1x160x128xf32, #tpu.memory_space<vmem>> -> memref<160x128xf32, #tpu.memory_space<vmem>>
    %dma_wait3A_1425 = arith.constant 4640 : i32
    %dma_wait3A_1426 = tpu.memref_slice %arg5[%dma_wait3A_1425] : memref<6400xi32, #tpu.memory_space<vmem>> -> memref<160xi32, #tpu.memory_space<vmem>>
    %dma_wait3A_1427 = arith.constant 0 : i32
    %dma_wait3A_1428 = arith.constant 0 : i32
    %dma_wait3A_1429 = tpu.memref_slice %arg3[%dma_wait3A_1427, %dma_wait3A_1428] : memref<100000x128xf32, #tpu.memory_space<hbm>> -> memref<100000x128xf32, #tpu.memory_space<hbm>>
    tpu.wait_indirect_dma semaphore(%arg7 : memref<!tpu.dma_semaphore, #tpu.memory_space<semaphore_mem>>) src(%dma_wait3A_1429 : memref<100000x128xf32, #tpu.memory_space<hbm>>) dst(%dma_wait3A_1424 : memref<160x128xf32, #tpu.memory_space<vmem>>)
    %add3A_1430 = arith.constant 4640 : i32
    %add3A_1431 = arith.addi %mul3A_2, %add3A_1430 : i32
    %dma_start3A_1432 = arith.constant 4 : i32
    %dma_start3A_1433 = arith.constant 0 : i32
    %dma_start3A_1434 = arith.constant 0 : i32
    %dma_start3A_1435 = tpu.memref_slice %arg6[%dma_start3A_1432, %dma_start3A_1433, %dma_start3A_1434] : memref<5x160x128xf32, #tpu.memory_space<vmem>> -> memref<1x160x128xf32, #tpu.memory_space<vmem>>
    %dma_start3A_1436 = tpu.memref_squeeze %dma_start3A_1435 : memref<1x160x128xf32, #tpu.memory_space<vmem>> -> memref<160x128xf32, #tpu.memory_space<vmem>>
    %dma_start3A_1437 = arith.constant 0 : i32
    %dma_start3A_1438 = tpu.memref_slice %arg4[%add3A_1431, %dma_start3A_1437] : memref<204800x128xf32, #tpu.memory_space<hbm>> -> memref<160x128xf32, #tpu.memory_space<hbm>>
    %dma_start3A_1439 = arith.constant 0 : i32
    %dma_start3A_1440 = tpu.memref_slice %arg4[%add3A_1431, %dma_start3A_1439] : memref<204800x128xf32, #tpu.memory_space<hbm>> -> memref<160x128xf32, #tpu.memory_space<hbm>>
    %dma_start3A_1441 = arith.constant 0 : i32
    %dma_start3A_1442 = arith.constant 0 : i32
    %dma_start3A_1443 = tpu.memref_slice %arg6[%dma_start3A_1432, %dma_start3A_1441, %dma_start3A_1442] : memref<5x160x128xf32, #tpu.memory_space<vmem>> -> memref<1x160x128xf32, #tpu.memory_space<vmem>>
    %dma_start3A_1444 = tpu.memref_squeeze %dma_start3A_1443 : memref<1x160x128xf32, #tpu.memory_space<vmem>> -> memref<160x128xf32, #tpu.memory_space<vmem>>
    tpu.enqueue_dma source(%dma_start3A_1444 : memref<160x128xf32, #tpu.memory_space<vmem>>) target(%dma_start3A_1440 : memref<160x128xf32, #tpu.memory_space<hbm>>) target_semaphore(%arg8 : memref<!tpu.dma_semaphore, #tpu.memory_space<semaphore_mem>>)
    %dma_wait3A_1445 = arith.constant 3 : i32
    %dma_wait3A_1446 = arith.constant 0 : i32
    %dma_wait3A_1447 = arith.constant 0 : i32
    %dma_wait3A_1448 = tpu.memref_slice %arg6[%dma_wait3A_1445, %dma_wait3A_1446, %dma_wait3A_1447] : memref<5x160x128xf32, #tpu.memory_space<vmem>> -> memref<1x160x128xf32, #tpu.memory_space<vmem>>
    %dma_wait3A_1449 = tpu.memref_squeeze %dma_wait3A_1448 : memref<1x160x128xf32, #tpu.memory_space<vmem>> -> memref<160x128xf32, #tpu.memory_space<vmem>>
    %dma_wait3A_1450 = arith.constant 0 : i32
    %dma_wait3A_1451 = tpu.memref_slice %arg4[%add3A_1383, %dma_wait3A_1450] : memref<204800x128xf32, #tpu.memory_space<hbm>> -> memref<160x128xf32, #tpu.memory_space<hbm>>
    %dma_wait3A_1452 = arith.constant 0 : i32
    %dma_wait3A_1453 = tpu.memref_slice %arg4[%add3A_1383, %dma_wait3A_1452] : memref<204800x128xf32, #tpu.memory_space<hbm>> -> memref<160x128xf32, #tpu.memory_space<hbm>>
    %dma_wait3A_1454 = arith.constant 0 : i32
    %dma_wait3A_1455 = arith.constant 0 : i32
    %dma_wait3A_1456 = tpu.memref_slice %arg6[%dma_wait3A_1445, %dma_wait3A_1454, %dma_wait3A_1455] : memref<5x160x128xf32, #tpu.memory_space<vmem>> -> memref<1x160x128xf32, #tpu.memory_space<vmem>>
    %dma_wait3A_1457 = tpu.memref_squeeze %dma_wait3A_1456 : memref<1x160x128xf32, #tpu.memory_space<vmem>> -> memref<160x128xf32, #tpu.memory_space<vmem>>
    tpu.wait_dma2 semaphore(%arg8 : memref<!tpu.dma_semaphore, #tpu.memory_space<semaphore_mem>>) src(%dma_wait3A_1457 : memref<160x128xf32, #tpu.memory_space<vmem>>) dst(%dma_wait3A_1453 : memref<160x128xf32, #tpu.memory_space<hbm>>)
    %dma_start3A_1458 = arith.constant 3 : i32
    %dma_start3A_1459 = arith.constant 0 : i32
    %dma_start3A_1460 = arith.constant 0 : i32
    %dma_start3A_1461 = tpu.memref_slice %arg6[%dma_start3A_1458, %dma_start3A_1459, %dma_start3A_1460] : memref<5x160x128xf32, #tpu.memory_space<vmem>> -> memref<1x160x128xf32, #tpu.memory_space<vmem>>
    %dma_start3A_1462 = tpu.memref_squeeze %dma_start3A_1461 : memref<1x160x128xf32, #tpu.memory_space<vmem>> -> memref<160x128xf32, #tpu.memory_space<vmem>>
    %dma_start3A_1463 = arith.constant 5280 : i32
    %dma_start3A_1464 = tpu.memref_slice %arg5[%dma_start3A_1463] : memref<6400xi32, #tpu.memory_space<vmem>> -> memref<160xi32, #tpu.memory_space<vmem>>
    %dma_start3A_1465 = arith.constant 0 : i32
    %dma_start3A_1466 = arith.constant 0 : i32
    %dma_start3A_1467 = tpu.memref_slice %arg3[%dma_start3A_1465, %dma_start3A_1466] : memref<100000x128xf32, #tpu.memory_space<hbm>> -> memref<100000x128xf32, #tpu.memory_space<hbm>>
    tpu.enqueue_indirect_dma source(%dma_start3A_1467 : memref<100000x128xf32, #tpu.memory_space<hbm>>) target(%dma_start3A_1462 : memref<160x128xf32, #tpu.memory_space<vmem>>) offsets(%dma_start3A_1464 : memref<160xi32, #tpu.memory_space<vmem>>) semaphore(%arg7 : memref<!tpu.dma_semaphore, #tpu.memory_space<semaphore_mem>>)
    %dma_wait3A_1468 = arith.constant 0 : i32
    %dma_wait3A_1469 = arith.constant 0 : i32
    %dma_wait3A_1470 = arith.constant 0 : i32
    %dma_wait3A_1471 = tpu.memref_slice %arg6[%dma_wait3A_1468, %dma_wait3A_1469, %dma_wait3A_1470] : memref<5x160x128xf32, #tpu.memory_space<vmem>> -> memref<1x160x128xf32, #tpu.memory_space<vmem>>
    %dma_wait3A_1472 = tpu.memref_squeeze %dma_wait3A_1471 : memref<1x160x128xf32, #tpu.memory_space<vmem>> -> memref<160x128xf32, #tpu.memory_space<vmem>>
    %dma_wait3A_1473 = arith.constant 4800 : i32
    %dma_wait3A_1474 = tpu.memref_slice %arg5[%dma_wait3A_1473] : memref<6400xi32, #tpu.memory_space<vmem>> -> memref<160xi32, #tpu.memory_space<vmem>>
    %dma_wait3A_1475 = arith.constant 0 : i32
    %dma_wait3A_1476 = arith.constant 0 : i32
    %dma_wait3A_1477 = tpu.memref_slice %arg3[%dma_wait3A_1475, %dma_wait3A_1476] : memref<100000x128xf32, #tpu.memory_space<hbm>> -> memref<100000x128xf32, #tpu.memory_space<hbm>>
    tpu.wait_indirect_dma semaphore(%arg7 : memref<!tpu.dma_semaphore, #tpu.memory_space<semaphore_mem>>) src(%dma_wait3A_1477 : memref<100000x128xf32, #tpu.memory_space<hbm>>) dst(%dma_wait3A_1472 : memref<160x128xf32, #tpu.memory_space<vmem>>)
    %add3A_1478 = arith.constant 4800 : i32
    %add3A_1479 = arith.addi %mul3A_2, %add3A_1478 : i32
    %dma_start3A_1480 = arith.constant 0 : i32
    %dma_start3A_1481 = arith.constant 0 : i32
    %dma_start3A_1482 = arith.constant 0 : i32
    %dma_start3A_1483 = tpu.memref_slice %arg6[%dma_start3A_1480, %dma_start3A_1481, %dma_start3A_1482] : memref<5x160x128xf32, #tpu.memory_space<vmem>> -> memref<1x160x128xf32, #tpu.memory_space<vmem>>
    %dma_start3A_1484 = tpu.memref_squeeze %dma_start3A_1483 : memref<1x160x128xf32, #tpu.memory_space<vmem>> -> memref<160x128xf32, #tpu.memory_space<vmem>>
    %dma_start3A_1485 = arith.constant 0 : i32
    %dma_start3A_1486 = tpu.memref_slice %arg4[%add3A_1479, %dma_start3A_1485] : memref<204800x128xf32, #tpu.memory_space<hbm>> -> memref<160x128xf32, #tpu.memory_space<hbm>>
    %dma_start3A_1487 = arith.constant 0 : i32
    %dma_start3A_1488 = tpu.memref_slice %arg4[%add3A_1479, %dma_start3A_1487] : memref<204800x128xf32, #tpu.memory_space<hbm>> -> memref<160x128xf32, #tpu.memory_space<hbm>>
    %dma_start3A_1489 = arith.constant 0 : i32
    %dma_start3A_1490 = arith.constant 0 : i32
    %dma_start3A_1491 = tpu.memref_slice %arg6[%dma_start3A_1480, %dma_start3A_1489, %dma_start3A_1490] : memref<5x160x128xf32, #tpu.memory_space<vmem>> -> memref<1x160x128xf32, #tpu.memory_space<vmem>>
    %dma_start3A_1492 = tpu.memref_squeeze %dma_start3A_1491 : memref<1x160x128xf32, #tpu.memory_space<vmem>> -> memref<160x128xf32, #tpu.memory_space<vmem>>
    tpu.enqueue_dma source(%dma_start3A_1492 : memref<160x128xf32, #tpu.memory_space<vmem>>) target(%dma_start3A_1488 : memref<160x128xf32, #tpu.memory_space<hbm>>) target_semaphore(%arg8 : memref<!tpu.dma_semaphore, #tpu.memory_space<semaphore_mem>>)
    %dma_wait3A_1493 = arith.constant 4 : i32
    %dma_wait3A_1494 = arith.constant 0 : i32
    %dma_wait3A_1495 = arith.constant 0 : i32
    %dma_wait3A_1496 = tpu.memref_slice %arg6[%dma_wait3A_1493, %dma_wait3A_1494, %dma_wait3A_1495] : memref<5x160x128xf32, #tpu.memory_space<vmem>> -> memref<1x160x128xf32, #tpu.memory_space<vmem>>
    %dma_wait3A_1497 = tpu.memref_squeeze %dma_wait3A_1496 : memref<1x160x128xf32, #tpu.memory_space<vmem>> -> memref<160x128xf32, #tpu.memory_space<vmem>>
    %dma_wait3A_1498 = arith.constant 0 : i32
    %dma_wait3A_1499 = tpu.memref_slice %arg4[%add3A_1431, %dma_wait3A_1498] : memref<204800x128xf32, #tpu.memory_space<hbm>> -> memref<160x128xf32, #tpu.memory_space<hbm>>
    %dma_wait3A_1500 = arith.constant 0 : i32
    %dma_wait3A_1501 = tpu.memref_slice %arg4[%add3A_1431, %dma_wait3A_1500] : memref<204800x128xf32, #tpu.memory_space<hbm>> -> memref<160x128xf32, #tpu.memory_space<hbm>>
    %dma_wait3A_1502 = arith.constant 0 : i32
    %dma_wait3A_1503 = arith.constant 0 : i32
    %dma_wait3A_1504 = tpu.memref_slice %arg6[%dma_wait3A_1493, %dma_wait3A_1502, %dma_wait3A_1503] : memref<5x160x128xf32, #tpu.memory_space<vmem>> -> memref<1x160x128xf32, #tpu.memory_space<vmem>>
    %dma_wait3A_1505 = tpu.memref_squeeze %dma_wait3A_1504 : memref<1x160x128xf32, #tpu.memory_space<vmem>> -> memref<160x128xf32, #tpu.memory_space<vmem>>
    tpu.wait_dma2 semaphore(%arg8 : memref<!tpu.dma_semaphore, #tpu.memory_space<semaphore_mem>>) src(%dma_wait3A_1505 : memref<160x128xf32, #tpu.memory_space<vmem>>) dst(%dma_wait3A_1501 : memref<160x128xf32, #tpu.memory_space<hbm>>)
    %dma_start3A_1506 = arith.constant 4 : i32
    %dma_start3A_1507 = arith.constant 0 : i32
    %dma_start3A_1508 = arith.constant 0 : i32
    %dma_start3A_1509 = tpu.memref_slice %arg6[%dma_start3A_1506, %dma_start3A_1507, %dma_start3A_1508] : memref<5x160x128xf32, #tpu.memory_space<vmem>> -> memref<1x160x128xf32, #tpu.memory_space<vmem>>
    %dma_start3A_1510 = tpu.memref_squeeze %dma_start3A_1509 : memref<1x160x128xf32, #tpu.memory_space<vmem>> -> memref<160x128xf32, #tpu.memory_space<vmem>>
    %dma_start3A_1511 = arith.constant 5440 : i32
    %dma_start3A_1512 = tpu.memref_slice %arg5[%dma_start3A_1511] : memref<6400xi32, #tpu.memory_space<vmem>> -> memref<160xi32, #tpu.memory_space<vmem>>
    %dma_start3A_1513 = arith.constant 0 : i32
    %dma_start3A_1514 = arith.constant 0 : i32
    %dma_start3A_1515 = tpu.memref_slice %arg3[%dma_start3A_1513, %dma_start3A_1514] : memref<100000x128xf32, #tpu.memory_space<hbm>> -> memref<100000x128xf32, #tpu.memory_space<hbm>>
    tpu.enqueue_indirect_dma source(%dma_start3A_1515 : memref<100000x128xf32, #tpu.memory_space<hbm>>) target(%dma_start3A_1510 : memref<160x128xf32, #tpu.memory_space<vmem>>) offsets(%dma_start3A_1512 : memref<160xi32, #tpu.memory_space<vmem>>) semaphore(%arg7 : memref<!tpu.dma_semaphore, #tpu.memory_space<semaphore_mem>>)
    %dma_wait3A_1516 = arith.constant 1 : i32
    %dma_wait3A_1517 = arith.constant 0 : i32
    %dma_wait3A_1518 = arith.constant 0 : i32
    %dma_wait3A_1519 = tpu.memref_slice %arg6[%dma_wait3A_1516, %dma_wait3A_1517, %dma_wait3A_1518] : memref<5x160x128xf32, #tpu.memory_space<vmem>> -> memref<1x160x128xf32, #tpu.memory_space<vmem>>
    %dma_wait3A_1520 = tpu.memref_squeeze %dma_wait3A_1519 : memref<1x160x128xf32, #tpu.memory_space<vmem>> -> memref<160x128xf32, #tpu.memory_space<vmem>>
    %dma_wait3A_1521 = arith.constant 4960 : i32
    %dma_wait3A_1522 = tpu.memref_slice %arg5[%dma_wait3A_1521] : memref<6400xi32, #tpu.memory_space<vmem>> -> memref<160xi32, #tpu.memory_space<vmem>>
    %dma_wait3A_1523 = arith.constant 0 : i32
    %dma_wait3A_1524 = arith.constant 0 : i32
    %dma_wait3A_1525 = tpu.memref_slice %arg3[%dma_wait3A_1523, %dma_wait3A_1524] : memref<100000x128xf32, #tpu.memory_space<hbm>> -> memref<100000x128xf32, #tpu.memory_space<hbm>>
    tpu.wait_indirect_dma semaphore(%arg7 : memref<!tpu.dma_semaphore, #tpu.memory_space<semaphore_mem>>) src(%dma_wait3A_1525 : memref<100000x128xf32, #tpu.memory_space<hbm>>) dst(%dma_wait3A_1520 : memref<160x128xf32, #tpu.memory_space<vmem>>)
    %add3A_1526 = arith.constant 4960 : i32
    %add3A_1527 = arith.addi %mul3A_2, %add3A_1526 : i32
    %dma_start3A_1528 = arith.constant 1 : i32
    %dma_start3A_1529 = arith.constant 0 : i32
    %dma_start3A_1530 = arith.constant 0 : i32
    %dma_start3A_1531 = tpu.memref_slice %arg6[%dma_start3A_1528, %dma_start3A_1529, %dma_start3A_1530] : memref<5x160x128xf32, #tpu.memory_space<vmem>> -> memref<1x160x128xf32, #tpu.memory_space<vmem>>
    %dma_start3A_1532 = tpu.memref_squeeze %dma_start3A_1531 : memref<1x160x128xf32, #tpu.memory_space<vmem>> -> memref<160x128xf32, #tpu.memory_space<vmem>>
    %dma_start3A_1533 = arith.constant 0 : i32
    %dma_start3A_1534 = tpu.memref_slice %arg4[%add3A_1527, %dma_start3A_1533] : memref<204800x128xf32, #tpu.memory_space<hbm>> -> memref<160x128xf32, #tpu.memory_space<hbm>>
    %dma_start3A_1535 = arith.constant 0 : i32
    %dma_start3A_1536 = tpu.memref_slice %arg4[%add3A_1527, %dma_start3A_1535] : memref<204800x128xf32, #tpu.memory_space<hbm>> -> memref<160x128xf32, #tpu.memory_space<hbm>>
    %dma_start3A_1537 = arith.constant 0 : i32
    %dma_start3A_1538 = arith.constant 0 : i32
    %dma_start3A_1539 = tpu.memref_slice %arg6[%dma_start3A_1528, %dma_start3A_1537, %dma_start3A_1538] : memref<5x160x128xf32, #tpu.memory_space<vmem>> -> memref<1x160x128xf32, #tpu.memory_space<vmem>>
    %dma_start3A_1540 = tpu.memref_squeeze %dma_start3A_1539 : memref<1x160x128xf32, #tpu.memory_space<vmem>> -> memref<160x128xf32, #tpu.memory_space<vmem>>
    tpu.enqueue_dma source(%dma_start3A_1540 : memref<160x128xf32, #tpu.memory_space<vmem>>) target(%dma_start3A_1536 : memref<160x128xf32, #tpu.memory_space<hbm>>) target_semaphore(%arg8 : memref<!tpu.dma_semaphore, #tpu.memory_space<semaphore_mem>>)
    %dma_wait3A_1541 = arith.constant 0 : i32
    %dma_wait3A_1542 = arith.constant 0 : i32
    %dma_wait3A_1543 = arith.constant 0 : i32
    %dma_wait3A_1544 = tpu.memref_slice %arg6[%dma_wait3A_1541, %dma_wait3A_1542, %dma_wait3A_1543] : memref<5x160x128xf32, #tpu.memory_space<vmem>> -> memref<1x160x128xf32, #tpu.memory_space<vmem>>
    %dma_wait3A_1545 = tpu.memref_squeeze %dma_wait3A_1544 : memref<1x160x128xf32, #tpu.memory_space<vmem>> -> memref<160x128xf32, #tpu.memory_space<vmem>>
    %dma_wait3A_1546 = arith.constant 0 : i32
    %dma_wait3A_1547 = tpu.memref_slice %arg4[%add3A_1479, %dma_wait3A_1546] : memref<204800x128xf32, #tpu.memory_space<hbm>> -> memref<160x128xf32, #tpu.memory_space<hbm>>
    %dma_wait3A_1548 = arith.constant 0 : i32
    %dma_wait3A_1549 = tpu.memref_slice %arg4[%add3A_1479, %dma_wait3A_1548] : memref<204800x128xf32, #tpu.memory_space<hbm>> -> memref<160x128xf32, #tpu.memory_space<hbm>>
    %dma_wait3A_1550 = arith.constant 0 : i32
    %dma_wait3A_1551 = arith.constant 0 : i32
    %dma_wait3A_1552 = tpu.memref_slice %arg6[%dma_wait3A_1541, %dma_wait3A_1550, %dma_wait3A_1551] : memref<5x160x128xf32, #tpu.memory_space<vmem>> -> memref<1x160x128xf32, #tpu.memory_space<vmem>>
    %dma_wait3A_1553 = tpu.memref_squeeze %dma_wait3A_1552 : memref<1x160x128xf32, #tpu.memory_space<vmem>> -> memref<160x128xf32, #tpu.memory_space<vmem>>
    tpu.wait_dma2 semaphore(%arg8 : memref<!tpu.dma_semaphore, #tpu.memory_space<semaphore_mem>>) src(%dma_wait3A_1553 : memref<160x128xf32, #tpu.memory_space<vmem>>) dst(%dma_wait3A_1549 : memref<160x128xf32, #tpu.memory_space<hbm>>)
    %dma_start3A_1554 = arith.constant 0 : i32
    %dma_start3A_1555 = arith.constant 0 : i32
    %dma_start3A_1556 = arith.constant 0 : i32
    %dma_start3A_1557 = tpu.memref_slice %arg6[%dma_start3A_1554, %dma_start3A_1555, %dma_start3A_1556] : memref<5x160x128xf32, #tpu.memory_space<vmem>> -> memref<1x160x128xf32, #tpu.memory_space<vmem>>
    %dma_start3A_1558 = tpu.memref_squeeze %dma_start3A_1557 : memref<1x160x128xf32, #tpu.memory_space<vmem>> -> memref<160x128xf32, #tpu.memory_space<vmem>>
    %dma_start3A_1559 = arith.constant 5600 : i32
    %dma_start3A_1560 = tpu.memref_slice %arg5[%dma_start3A_1559] : memref<6400xi32, #tpu.memory_space<vmem>> -> memref<160xi32, #tpu.memory_space<vmem>>
    %dma_start3A_1561 = arith.constant 0 : i32
    %dma_start3A_1562 = arith.constant 0 : i32
    %dma_start3A_1563 = tpu.memref_slice %arg3[%dma_start3A_1561, %dma_start3A_1562] : memref<100000x128xf32, #tpu.memory_space<hbm>> -> memref<100000x128xf32, #tpu.memory_space<hbm>>
    tpu.enqueue_indirect_dma source(%dma_start3A_1563 : memref<100000x128xf32, #tpu.memory_space<hbm>>) target(%dma_start3A_1558 : memref<160x128xf32, #tpu.memory_space<vmem>>) offsets(%dma_start3A_1560 : memref<160xi32, #tpu.memory_space<vmem>>) semaphore(%arg7 : memref<!tpu.dma_semaphore, #tpu.memory_space<semaphore_mem>>)
    %dma_wait3A_1564 = arith.constant 2 : i32
    %dma_wait3A_1565 = arith.constant 0 : i32
    %dma_wait3A_1566 = arith.constant 0 : i32
    %dma_wait3A_1567 = tpu.memref_slice %arg6[%dma_wait3A_1564, %dma_wait3A_1565, %dma_wait3A_1566] : memref<5x160x128xf32, #tpu.memory_space<vmem>> -> memref<1x160x128xf32, #tpu.memory_space<vmem>>
    %dma_wait3A_1568 = tpu.memref_squeeze %dma_wait3A_1567 : memref<1x160x128xf32, #tpu.memory_space<vmem>> -> memref<160x128xf32, #tpu.memory_space<vmem>>
    %dma_wait3A_1569 = arith.constant 5120 : i32
    %dma_wait3A_1570 = tpu.memref_slice %arg5[%dma_wait3A_1569] : memref<6400xi32, #tpu.memory_space<vmem>> -> memref<160xi32, #tpu.memory_space<vmem>>
    %dma_wait3A_1571 = arith.constant 0 : i32
    %dma_wait3A_1572 = arith.constant 0 : i32
    %dma_wait3A_1573 = tpu.memref_slice %arg3[%dma_wait3A_1571, %dma_wait3A_1572] : memref<100000x128xf32, #tpu.memory_space<hbm>> -> memref<100000x128xf32, #tpu.memory_space<hbm>>
    tpu.wait_indirect_dma semaphore(%arg7 : memref<!tpu.dma_semaphore, #tpu.memory_space<semaphore_mem>>) src(%dma_wait3A_1573 : memref<100000x128xf32, #tpu.memory_space<hbm>>) dst(%dma_wait3A_1568 : memref<160x128xf32, #tpu.memory_space<vmem>>)
    %add3A_1574 = arith.constant 5120 : i32
    %add3A_1575 = arith.addi %mul3A_2, %add3A_1574 : i32
    %dma_start3A_1576 = arith.constant 2 : i32
    %dma_start3A_1577 = arith.constant 0 : i32
    %dma_start3A_1578 = arith.constant 0 : i32
    %dma_start3A_1579 = tpu.memref_slice %arg6[%dma_start3A_1576, %dma_start3A_1577, %dma_start3A_1578] : memref<5x160x128xf32, #tpu.memory_space<vmem>> -> memref<1x160x128xf32, #tpu.memory_space<vmem>>
    %dma_start3A_1580 = tpu.memref_squeeze %dma_start3A_1579 : memref<1x160x128xf32, #tpu.memory_space<vmem>> -> memref<160x128xf32, #tpu.memory_space<vmem>>
    %dma_start3A_1581 = arith.constant 0 : i32
    %dma_start3A_1582 = tpu.memref_slice %arg4[%add3A_1575, %dma_start3A_1581] : memref<204800x128xf32, #tpu.memory_space<hbm>> -> memref<160x128xf32, #tpu.memory_space<hbm>>
    %dma_start3A_1583 = arith.constant 0 : i32
    %dma_start3A_1584 = tpu.memref_slice %arg4[%add3A_1575, %dma_start3A_1583] : memref<204800x128xf32, #tpu.memory_space<hbm>> -> memref<160x128xf32, #tpu.memory_space<hbm>>
    %dma_start3A_1585 = arith.constant 0 : i32
    %dma_start3A_1586 = arith.constant 0 : i32
    %dma_start3A_1587 = tpu.memref_slice %arg6[%dma_start3A_1576, %dma_start3A_1585, %dma_start3A_1586] : memref<5x160x128xf32, #tpu.memory_space<vmem>> -> memref<1x160x128xf32, #tpu.memory_space<vmem>>
    %dma_start3A_1588 = tpu.memref_squeeze %dma_start3A_1587 : memref<1x160x128xf32, #tpu.memory_space<vmem>> -> memref<160x128xf32, #tpu.memory_space<vmem>>
    tpu.enqueue_dma source(%dma_start3A_1588 : memref<160x128xf32, #tpu.memory_space<vmem>>) target(%dma_start3A_1584 : memref<160x128xf32, #tpu.memory_space<hbm>>) target_semaphore(%arg8 : memref<!tpu.dma_semaphore, #tpu.memory_space<semaphore_mem>>)
    %dma_wait3A_1589 = arith.constant 1 : i32
    %dma_wait3A_1590 = arith.constant 0 : i32
    %dma_wait3A_1591 = arith.constant 0 : i32
    %dma_wait3A_1592 = tpu.memref_slice %arg6[%dma_wait3A_1589, %dma_wait3A_1590, %dma_wait3A_1591] : memref<5x160x128xf32, #tpu.memory_space<vmem>> -> memref<1x160x128xf32, #tpu.memory_space<vmem>>
    %dma_wait3A_1593 = tpu.memref_squeeze %dma_wait3A_1592 : memref<1x160x128xf32, #tpu.memory_space<vmem>> -> memref<160x128xf32, #tpu.memory_space<vmem>>
    %dma_wait3A_1594 = arith.constant 0 : i32
    %dma_wait3A_1595 = tpu.memref_slice %arg4[%add3A_1527, %dma_wait3A_1594] : memref<204800x128xf32, #tpu.memory_space<hbm>> -> memref<160x128xf32, #tpu.memory_space<hbm>>
    %dma_wait3A_1596 = arith.constant 0 : i32
    %dma_wait3A_1597 = tpu.memref_slice %arg4[%add3A_1527, %dma_wait3A_1596] : memref<204800x128xf32, #tpu.memory_space<hbm>> -> memref<160x128xf32, #tpu.memory_space<hbm>>
    %dma_wait3A_1598 = arith.constant 0 : i32
    %dma_wait3A_1599 = arith.constant 0 : i32
    %dma_wait3A_1600 = tpu.memref_slice %arg6[%dma_wait3A_1589, %dma_wait3A_1598, %dma_wait3A_1599] : memref<5x160x128xf32, #tpu.memory_space<vmem>> -> memref<1x160x128xf32, #tpu.memory_space<vmem>>
    %dma_wait3A_1601 = tpu.memref_squeeze %dma_wait3A_1600 : memref<1x160x128xf32, #tpu.memory_space<vmem>> -> memref<160x128xf32, #tpu.memory_space<vmem>>
    tpu.wait_dma2 semaphore(%arg8 : memref<!tpu.dma_semaphore, #tpu.memory_space<semaphore_mem>>) src(%dma_wait3A_1601 : memref<160x128xf32, #tpu.memory_space<vmem>>) dst(%dma_wait3A_1597 : memref<160x128xf32, #tpu.memory_space<hbm>>)
    %dma_start3A_1602 = arith.constant 1 : i32
    %dma_start3A_1603 = arith.constant 0 : i32
    %dma_start3A_1604 = arith.constant 0 : i32
    %dma_start3A_1605 = tpu.memref_slice %arg6[%dma_start3A_1602, %dma_start3A_1603, %dma_start3A_1604] : memref<5x160x128xf32, #tpu.memory_space<vmem>> -> memref<1x160x128xf32, #tpu.memory_space<vmem>>
    %dma_start3A_1606 = tpu.memref_squeeze %dma_start3A_1605 : memref<1x160x128xf32, #tpu.memory_space<vmem>> -> memref<160x128xf32, #tpu.memory_space<vmem>>
    %dma_start3A_1607 = arith.constant 5760 : i32
    %dma_start3A_1608 = tpu.memref_slice %arg5[%dma_start3A_1607] : memref<6400xi32, #tpu.memory_space<vmem>> -> memref<160xi32, #tpu.memory_space<vmem>>
    %dma_start3A_1609 = arith.constant 0 : i32
    %dma_start3A_1610 = arith.constant 0 : i32
    %dma_start3A_1611 = tpu.memref_slice %arg3[%dma_start3A_1609, %dma_start3A_1610] : memref<100000x128xf32, #tpu.memory_space<hbm>> -> memref<100000x128xf32, #tpu.memory_space<hbm>>
    tpu.enqueue_indirect_dma source(%dma_start3A_1611 : memref<100000x128xf32, #tpu.memory_space<hbm>>) target(%dma_start3A_1606 : memref<160x128xf32, #tpu.memory_space<vmem>>) offsets(%dma_start3A_1608 : memref<160xi32, #tpu.memory_space<vmem>>) semaphore(%arg7 : memref<!tpu.dma_semaphore, #tpu.memory_space<semaphore_mem>>)
    %dma_wait3A_1612 = arith.constant 3 : i32
    %dma_wait3A_1613 = arith.constant 0 : i32
    %dma_wait3A_1614 = arith.constant 0 : i32
    %dma_wait3A_1615 = tpu.memref_slice %arg6[%dma_wait3A_1612, %dma_wait3A_1613, %dma_wait3A_1614] : memref<5x160x128xf32, #tpu.memory_space<vmem>> -> memref<1x160x128xf32, #tpu.memory_space<vmem>>
    %dma_wait3A_1616 = tpu.memref_squeeze %dma_wait3A_1615 : memref<1x160x128xf32, #tpu.memory_space<vmem>> -> memref<160x128xf32, #tpu.memory_space<vmem>>
    %dma_wait3A_1617 = arith.constant 5280 : i32
    %dma_wait3A_1618 = tpu.memref_slice %arg5[%dma_wait3A_1617] : memref<6400xi32, #tpu.memory_space<vmem>> -> memref<160xi32, #tpu.memory_space<vmem>>
    %dma_wait3A_1619 = arith.constant 0 : i32
    %dma_wait3A_1620 = arith.constant 0 : i32
    %dma_wait3A_1621 = tpu.memref_slice %arg3[%dma_wait3A_1619, %dma_wait3A_1620] : memref<100000x128xf32, #tpu.memory_space<hbm>> -> memref<100000x128xf32, #tpu.memory_space<hbm>>
    tpu.wait_indirect_dma semaphore(%arg7 : memref<!tpu.dma_semaphore, #tpu.memory_space<semaphore_mem>>) src(%dma_wait3A_1621 : memref<100000x128xf32, #tpu.memory_space<hbm>>) dst(%dma_wait3A_1616 : memref<160x128xf32, #tpu.memory_space<vmem>>)
    %add3A_1622 = arith.constant 5280 : i32
    %add3A_1623 = arith.addi %mul3A_2, %add3A_1622 : i32
    %dma_start3A_1624 = arith.constant 3 : i32
    %dma_start3A_1625 = arith.constant 0 : i32
    %dma_start3A_1626 = arith.constant 0 : i32
    %dma_start3A_1627 = tpu.memref_slice %arg6[%dma_start3A_1624, %dma_start3A_1625, %dma_start3A_1626] : memref<5x160x128xf32, #tpu.memory_space<vmem>> -> memref<1x160x128xf32, #tpu.memory_space<vmem>>
    %dma_start3A_1628 = tpu.memref_squeeze %dma_start3A_1627 : memref<1x160x128xf32, #tpu.memory_space<vmem>> -> memref<160x128xf32, #tpu.memory_space<vmem>>
    %dma_start3A_1629 = arith.constant 0 : i32
    %dma_start3A_1630 = tpu.memref_slice %arg4[%add3A_1623, %dma_start3A_1629] : memref<204800x128xf32, #tpu.memory_space<hbm>> -> memref<160x128xf32, #tpu.memory_space<hbm>>
    %dma_start3A_1631 = arith.constant 0 : i32
    %dma_start3A_1632 = tpu.memref_slice %arg4[%add3A_1623, %dma_start3A_1631] : memref<204800x128xf32, #tpu.memory_space<hbm>> -> memref<160x128xf32, #tpu.memory_space<hbm>>
    %dma_start3A_1633 = arith.constant 0 : i32
    %dma_start3A_1634 = arith.constant 0 : i32
    %dma_start3A_1635 = tpu.memref_slice %arg6[%dma_start3A_1624, %dma_start3A_1633, %dma_start3A_1634] : memref<5x160x128xf32, #tpu.memory_space<vmem>> -> memref<1x160x128xf32, #tpu.memory_space<vmem>>
    %dma_start3A_1636 = tpu.memref_squeeze %dma_start3A_1635 : memref<1x160x128xf32, #tpu.memory_space<vmem>> -> memref<160x128xf32, #tpu.memory_space<vmem>>
    tpu.enqueue_dma source(%dma_start3A_1636 : memref<160x128xf32, #tpu.memory_space<vmem>>) target(%dma_start3A_1632 : memref<160x128xf32, #tpu.memory_space<hbm>>) target_semaphore(%arg8 : memref<!tpu.dma_semaphore, #tpu.memory_space<semaphore_mem>>)
    %dma_wait3A_1637 = arith.constant 2 : i32
    %dma_wait3A_1638 = arith.constant 0 : i32
    %dma_wait3A_1639 = arith.constant 0 : i32
    %dma_wait3A_1640 = tpu.memref_slice %arg6[%dma_wait3A_1637, %dma_wait3A_1638, %dma_wait3A_1639] : memref<5x160x128xf32, #tpu.memory_space<vmem>> -> memref<1x160x128xf32, #tpu.memory_space<vmem>>
    %dma_wait3A_1641 = tpu.memref_squeeze %dma_wait3A_1640 : memref<1x160x128xf32, #tpu.memory_space<vmem>> -> memref<160x128xf32, #tpu.memory_space<vmem>>
    %dma_wait3A_1642 = arith.constant 0 : i32
    %dma_wait3A_1643 = tpu.memref_slice %arg4[%add3A_1575, %dma_wait3A_1642] : memref<204800x128xf32, #tpu.memory_space<hbm>> -> memref<160x128xf32, #tpu.memory_space<hbm>>
    %dma_wait3A_1644 = arith.constant 0 : i32
    %dma_wait3A_1645 = tpu.memref_slice %arg4[%add3A_1575, %dma_wait3A_1644] : memref<204800x128xf32, #tpu.memory_space<hbm>> -> memref<160x128xf32, #tpu.memory_space<hbm>>
    %dma_wait3A_1646 = arith.constant 0 : i32
    %dma_wait3A_1647 = arith.constant 0 : i32
    %dma_wait3A_1648 = tpu.memref_slice %arg6[%dma_wait3A_1637, %dma_wait3A_1646, %dma_wait3A_1647] : memref<5x160x128xf32, #tpu.memory_space<vmem>> -> memref<1x160x128xf32, #tpu.memory_space<vmem>>
    %dma_wait3A_1649 = tpu.memref_squeeze %dma_wait3A_1648 : memref<1x160x128xf32, #tpu.memory_space<vmem>> -> memref<160x128xf32, #tpu.memory_space<vmem>>
    tpu.wait_dma2 semaphore(%arg8 : memref<!tpu.dma_semaphore, #tpu.memory_space<semaphore_mem>>) src(%dma_wait3A_1649 : memref<160x128xf32, #tpu.memory_space<vmem>>) dst(%dma_wait3A_1645 : memref<160x128xf32, #tpu.memory_space<hbm>>)
    %dma_start3A_1650 = arith.constant 2 : i32
    %dma_start3A_1651 = arith.constant 0 : i32
    %dma_start3A_1652 = arith.constant 0 : i32
    %dma_start3A_1653 = tpu.memref_slice %arg6[%dma_start3A_1650, %dma_start3A_1651, %dma_start3A_1652] : memref<5x160x128xf32, #tpu.memory_space<vmem>> -> memref<1x160x128xf32, #tpu.memory_space<vmem>>
    %dma_start3A_1654 = tpu.memref_squeeze %dma_start3A_1653 : memref<1x160x128xf32, #tpu.memory_space<vmem>> -> memref<160x128xf32, #tpu.memory_space<vmem>>
    %dma_start3A_1655 = arith.constant 5920 : i32
    %dma_start3A_1656 = tpu.memref_slice %arg5[%dma_start3A_1655] : memref<6400xi32, #tpu.memory_space<vmem>> -> memref<160xi32, #tpu.memory_space<vmem>>
    %dma_start3A_1657 = arith.constant 0 : i32
    %dma_start3A_1658 = arith.constant 0 : i32
    %dma_start3A_1659 = tpu.memref_slice %arg3[%dma_start3A_1657, %dma_start3A_1658] : memref<100000x128xf32, #tpu.memory_space<hbm>> -> memref<100000x128xf32, #tpu.memory_space<hbm>>
    tpu.enqueue_indirect_dma source(%dma_start3A_1659 : memref<100000x128xf32, #tpu.memory_space<hbm>>) target(%dma_start3A_1654 : memref<160x128xf32, #tpu.memory_space<vmem>>) offsets(%dma_start3A_1656 : memref<160xi32, #tpu.memory_space<vmem>>) semaphore(%arg7 : memref<!tpu.dma_semaphore, #tpu.memory_space<semaphore_mem>>)
    %dma_wait3A_1660 = arith.constant 4 : i32
    %dma_wait3A_1661 = arith.constant 0 : i32
    %dma_wait3A_1662 = arith.constant 0 : i32
    %dma_wait3A_1663 = tpu.memref_slice %arg6[%dma_wait3A_1660, %dma_wait3A_1661, %dma_wait3A_1662] : memref<5x160x128xf32, #tpu.memory_space<vmem>> -> memref<1x160x128xf32, #tpu.memory_space<vmem>>
    %dma_wait3A_1664 = tpu.memref_squeeze %dma_wait3A_1663 : memref<1x160x128xf32, #tpu.memory_space<vmem>> -> memref<160x128xf32, #tpu.memory_space<vmem>>
    %dma_wait3A_1665 = arith.constant 5440 : i32
    %dma_wait3A_1666 = tpu.memref_slice %arg5[%dma_wait3A_1665] : memref<6400xi32, #tpu.memory_space<vmem>> -> memref<160xi32, #tpu.memory_space<vmem>>
    %dma_wait3A_1667 = arith.constant 0 : i32
    %dma_wait3A_1668 = arith.constant 0 : i32
    %dma_wait3A_1669 = tpu.memref_slice %arg3[%dma_wait3A_1667, %dma_wait3A_1668] : memref<100000x128xf32, #tpu.memory_space<hbm>> -> memref<100000x128xf32, #tpu.memory_space<hbm>>
    tpu.wait_indirect_dma semaphore(%arg7 : memref<!tpu.dma_semaphore, #tpu.memory_space<semaphore_mem>>) src(%dma_wait3A_1669 : memref<100000x128xf32, #tpu.memory_space<hbm>>) dst(%dma_wait3A_1664 : memref<160x128xf32, #tpu.memory_space<vmem>>)
    %add3A_1670 = arith.constant 5440 : i32
    %add3A_1671 = arith.addi %mul3A_2, %add3A_1670 : i32
    %dma_start3A_1672 = arith.constant 4 : i32
    %dma_start3A_1673 = arith.constant 0 : i32
    %dma_start3A_1674 = arith.constant 0 : i32
    %dma_start3A_1675 = tpu.memref_slice %arg6[%dma_start3A_1672, %dma_start3A_1673, %dma_start3A_1674] : memref<5x160x128xf32, #tpu.memory_space<vmem>> -> memref<1x160x128xf32, #tpu.memory_space<vmem>>
    %dma_start3A_1676 = tpu.memref_squeeze %dma_start3A_1675 : memref<1x160x128xf32, #tpu.memory_space<vmem>> -> memref<160x128xf32, #tpu.memory_space<vmem>>
    %dma_start3A_1677 = arith.constant 0 : i32
    %dma_start3A_1678 = tpu.memref_slice %arg4[%add3A_1671, %dma_start3A_1677] : memref<204800x128xf32, #tpu.memory_space<hbm>> -> memref<160x128xf32, #tpu.memory_space<hbm>>
    %dma_start3A_1679 = arith.constant 0 : i32
    %dma_start3A_1680 = tpu.memref_slice %arg4[%add3A_1671, %dma_start3A_1679] : memref<204800x128xf32, #tpu.memory_space<hbm>> -> memref<160x128xf32, #tpu.memory_space<hbm>>
    %dma_start3A_1681 = arith.constant 0 : i32
    %dma_start3A_1682 = arith.constant 0 : i32
    %dma_start3A_1683 = tpu.memref_slice %arg6[%dma_start3A_1672, %dma_start3A_1681, %dma_start3A_1682] : memref<5x160x128xf32, #tpu.memory_space<vmem>> -> memref<1x160x128xf32, #tpu.memory_space<vmem>>
    %dma_start3A_1684 = tpu.memref_squeeze %dma_start3A_1683 : memref<1x160x128xf32, #tpu.memory_space<vmem>> -> memref<160x128xf32, #tpu.memory_space<vmem>>
    tpu.enqueue_dma source(%dma_start3A_1684 : memref<160x128xf32, #tpu.memory_space<vmem>>) target(%dma_start3A_1680 : memref<160x128xf32, #tpu.memory_space<hbm>>) target_semaphore(%arg8 : memref<!tpu.dma_semaphore, #tpu.memory_space<semaphore_mem>>)
    %dma_wait3A_1685 = arith.constant 3 : i32
    %dma_wait3A_1686 = arith.constant 0 : i32
    %dma_wait3A_1687 = arith.constant 0 : i32
    %dma_wait3A_1688 = tpu.memref_slice %arg6[%dma_wait3A_1685, %dma_wait3A_1686, %dma_wait3A_1687] : memref<5x160x128xf32, #tpu.memory_space<vmem>> -> memref<1x160x128xf32, #tpu.memory_space<vmem>>
    %dma_wait3A_1689 = tpu.memref_squeeze %dma_wait3A_1688 : memref<1x160x128xf32, #tpu.memory_space<vmem>> -> memref<160x128xf32, #tpu.memory_space<vmem>>
    %dma_wait3A_1690 = arith.constant 0 : i32
    %dma_wait3A_1691 = tpu.memref_slice %arg4[%add3A_1623, %dma_wait3A_1690] : memref<204800x128xf32, #tpu.memory_space<hbm>> -> memref<160x128xf32, #tpu.memory_space<hbm>>
    %dma_wait3A_1692 = arith.constant 0 : i32
    %dma_wait3A_1693 = tpu.memref_slice %arg4[%add3A_1623, %dma_wait3A_1692] : memref<204800x128xf32, #tpu.memory_space<hbm>> -> memref<160x128xf32, #tpu.memory_space<hbm>>
    %dma_wait3A_1694 = arith.constant 0 : i32
    %dma_wait3A_1695 = arith.constant 0 : i32
    %dma_wait3A_1696 = tpu.memref_slice %arg6[%dma_wait3A_1685, %dma_wait3A_1694, %dma_wait3A_1695] : memref<5x160x128xf32, #tpu.memory_space<vmem>> -> memref<1x160x128xf32, #tpu.memory_space<vmem>>
    %dma_wait3A_1697 = tpu.memref_squeeze %dma_wait3A_1696 : memref<1x160x128xf32, #tpu.memory_space<vmem>> -> memref<160x128xf32, #tpu.memory_space<vmem>>
    tpu.wait_dma2 semaphore(%arg8 : memref<!tpu.dma_semaphore, #tpu.memory_space<semaphore_mem>>) src(%dma_wait3A_1697 : memref<160x128xf32, #tpu.memory_space<vmem>>) dst(%dma_wait3A_1693 : memref<160x128xf32, #tpu.memory_space<hbm>>)
    %dma_start3A_1698 = arith.constant 3 : i32
    %dma_start3A_1699 = arith.constant 0 : i32
    %dma_start3A_1700 = arith.constant 0 : i32
    %dma_start3A_1701 = tpu.memref_slice %arg6[%dma_start3A_1698, %dma_start3A_1699, %dma_start3A_1700] : memref<5x160x128xf32, #tpu.memory_space<vmem>> -> memref<1x160x128xf32, #tpu.memory_space<vmem>>
    %dma_start3A_1702 = tpu.memref_squeeze %dma_start3A_1701 : memref<1x160x128xf32, #tpu.memory_space<vmem>> -> memref<160x128xf32, #tpu.memory_space<vmem>>
    %dma_start3A_1703 = arith.constant 6080 : i32
    %dma_start3A_1704 = tpu.memref_slice %arg5[%dma_start3A_1703] : memref<6400xi32, #tpu.memory_space<vmem>> -> memref<160xi32, #tpu.memory_space<vmem>>
    %dma_start3A_1705 = arith.constant 0 : i32
    %dma_start3A_1706 = arith.constant 0 : i32
    %dma_start3A_1707 = tpu.memref_slice %arg3[%dma_start3A_1705, %dma_start3A_1706] : memref<100000x128xf32, #tpu.memory_space<hbm>> -> memref<100000x128xf32, #tpu.memory_space<hbm>>
    tpu.enqueue_indirect_dma source(%dma_start3A_1707 : memref<100000x128xf32, #tpu.memory_space<hbm>>) target(%dma_start3A_1702 : memref<160x128xf32, #tpu.memory_space<vmem>>) offsets(%dma_start3A_1704 : memref<160xi32, #tpu.memory_space<vmem>>) semaphore(%arg7 : memref<!tpu.dma_semaphore, #tpu.memory_space<semaphore_mem>>)
    %dma_wait3A_1708 = arith.constant 0 : i32
    %dma_wait3A_1709 = arith.constant 0 : i32
    %dma_wait3A_1710 = arith.constant 0 : i32
    %dma_wait3A_1711 = tpu.memref_slice %arg6[%dma_wait3A_1708, %dma_wait3A_1709, %dma_wait3A_1710] : memref<5x160x128xf32, #tpu.memory_space<vmem>> -> memref<1x160x128xf32, #tpu.memory_space<vmem>>
    %dma_wait3A_1712 = tpu.memref_squeeze %dma_wait3A_1711 : memref<1x160x128xf32, #tpu.memory_space<vmem>> -> memref<160x128xf32, #tpu.memory_space<vmem>>
    %dma_wait3A_1713 = arith.constant 5600 : i32
    %dma_wait3A_1714 = tpu.memref_slice %arg5[%dma_wait3A_1713] : memref<6400xi32, #tpu.memory_space<vmem>> -> memref<160xi32, #tpu.memory_space<vmem>>
    %dma_wait3A_1715 = arith.constant 0 : i32
    %dma_wait3A_1716 = arith.constant 0 : i32
    %dma_wait3A_1717 = tpu.memref_slice %arg3[%dma_wait3A_1715, %dma_wait3A_1716] : memref<100000x128xf32, #tpu.memory_space<hbm>> -> memref<100000x128xf32, #tpu.memory_space<hbm>>
    tpu.wait_indirect_dma semaphore(%arg7 : memref<!tpu.dma_semaphore, #tpu.memory_space<semaphore_mem>>) src(%dma_wait3A_1717 : memref<100000x128xf32, #tpu.memory_space<hbm>>) dst(%dma_wait3A_1712 : memref<160x128xf32, #tpu.memory_space<vmem>>)
    %add3A_1718 = arith.constant 5600 : i32
    %add3A_1719 = arith.addi %mul3A_2, %add3A_1718 : i32
    %dma_start3A_1720 = arith.constant 0 : i32
    %dma_start3A_1721 = arith.constant 0 : i32
    %dma_start3A_1722 = arith.constant 0 : i32
    %dma_start3A_1723 = tpu.memref_slice %arg6[%dma_start3A_1720, %dma_start3A_1721, %dma_start3A_1722] : memref<5x160x128xf32, #tpu.memory_space<vmem>> -> memref<1x160x128xf32, #tpu.memory_space<vmem>>
    %dma_start3A_1724 = tpu.memref_squeeze %dma_start3A_1723 : memref<1x160x128xf32, #tpu.memory_space<vmem>> -> memref<160x128xf32, #tpu.memory_space<vmem>>
    %dma_start3A_1725 = arith.constant 0 : i32
    %dma_start3A_1726 = tpu.memref_slice %arg4[%add3A_1719, %dma_start3A_1725] : memref<204800x128xf32, #tpu.memory_space<hbm>> -> memref<160x128xf32, #tpu.memory_space<hbm>>
    %dma_start3A_1727 = arith.constant 0 : i32
    %dma_start3A_1728 = tpu.memref_slice %arg4[%add3A_1719, %dma_start3A_1727] : memref<204800x128xf32, #tpu.memory_space<hbm>> -> memref<160x128xf32, #tpu.memory_space<hbm>>
    %dma_start3A_1729 = arith.constant 0 : i32
    %dma_start3A_1730 = arith.constant 0 : i32
    %dma_start3A_1731 = tpu.memref_slice %arg6[%dma_start3A_1720, %dma_start3A_1729, %dma_start3A_1730] : memref<5x160x128xf32, #tpu.memory_space<vmem>> -> memref<1x160x128xf32, #tpu.memory_space<vmem>>
    %dma_start3A_1732 = tpu.memref_squeeze %dma_start3A_1731 : memref<1x160x128xf32, #tpu.memory_space<vmem>> -> memref<160x128xf32, #tpu.memory_space<vmem>>
    tpu.enqueue_dma source(%dma_start3A_1732 : memref<160x128xf32, #tpu.memory_space<vmem>>) target(%dma_start3A_1728 : memref<160x128xf32, #tpu.memory_space<hbm>>) target_semaphore(%arg8 : memref<!tpu.dma_semaphore, #tpu.memory_space<semaphore_mem>>)
    %dma_wait3A_1733 = arith.constant 4 : i32
    %dma_wait3A_1734 = arith.constant 0 : i32
    %dma_wait3A_1735 = arith.constant 0 : i32
    %dma_wait3A_1736 = tpu.memref_slice %arg6[%dma_wait3A_1733, %dma_wait3A_1734, %dma_wait3A_1735] : memref<5x160x128xf32, #tpu.memory_space<vmem>> -> memref<1x160x128xf32, #tpu.memory_space<vmem>>
    %dma_wait3A_1737 = tpu.memref_squeeze %dma_wait3A_1736 : memref<1x160x128xf32, #tpu.memory_space<vmem>> -> memref<160x128xf32, #tpu.memory_space<vmem>>
    %dma_wait3A_1738 = arith.constant 0 : i32
    %dma_wait3A_1739 = tpu.memref_slice %arg4[%add3A_1671, %dma_wait3A_1738] : memref<204800x128xf32, #tpu.memory_space<hbm>> -> memref<160x128xf32, #tpu.memory_space<hbm>>
    %dma_wait3A_1740 = arith.constant 0 : i32
    %dma_wait3A_1741 = tpu.memref_slice %arg4[%add3A_1671, %dma_wait3A_1740] : memref<204800x128xf32, #tpu.memory_space<hbm>> -> memref<160x128xf32, #tpu.memory_space<hbm>>
    %dma_wait3A_1742 = arith.constant 0 : i32
    %dma_wait3A_1743 = arith.constant 0 : i32
    %dma_wait3A_1744 = tpu.memref_slice %arg6[%dma_wait3A_1733, %dma_wait3A_1742, %dma_wait3A_1743] : memref<5x160x128xf32, #tpu.memory_space<vmem>> -> memref<1x160x128xf32, #tpu.memory_space<vmem>>
    %dma_wait3A_1745 = tpu.memref_squeeze %dma_wait3A_1744 : memref<1x160x128xf32, #tpu.memory_space<vmem>> -> memref<160x128xf32, #tpu.memory_space<vmem>>
    tpu.wait_dma2 semaphore(%arg8 : memref<!tpu.dma_semaphore, #tpu.memory_space<semaphore_mem>>) src(%dma_wait3A_1745 : memref<160x128xf32, #tpu.memory_space<vmem>>) dst(%dma_wait3A_1741 : memref<160x128xf32, #tpu.memory_space<hbm>>)
    %dma_start3A_1746 = arith.constant 4 : i32
    %dma_start3A_1747 = arith.constant 0 : i32
    %dma_start3A_1748 = arith.constant 0 : i32
    %dma_start3A_1749 = tpu.memref_slice %arg6[%dma_start3A_1746, %dma_start3A_1747, %dma_start3A_1748] : memref<5x160x128xf32, #tpu.memory_space<vmem>> -> memref<1x160x128xf32, #tpu.memory_space<vmem>>
    %dma_start3A_1750 = tpu.memref_squeeze %dma_start3A_1749 : memref<1x160x128xf32, #tpu.memory_space<vmem>> -> memref<160x128xf32, #tpu.memory_space<vmem>>
    %dma_start3A_1751 = arith.constant 6240 : i32
    %dma_start3A_1752 = tpu.memref_slice %arg5[%dma_start3A_1751] : memref<6400xi32, #tpu.memory_space<vmem>> -> memref<160xi32, #tpu.memory_space<vmem>>
    %dma_start3A_1753 = arith.constant 0 : i32
    %dma_start3A_1754 = arith.constant 0 : i32
    %dma_start3A_1755 = tpu.memref_slice %arg3[%dma_start3A_1753, %dma_start3A_1754] : memref<100000x128xf32, #tpu.memory_space<hbm>> -> memref<100000x128xf32, #tpu.memory_space<hbm>>
    tpu.enqueue_indirect_dma source(%dma_start3A_1755 : memref<100000x128xf32, #tpu.memory_space<hbm>>) target(%dma_start3A_1750 : memref<160x128xf32, #tpu.memory_space<vmem>>) offsets(%dma_start3A_1752 : memref<160xi32, #tpu.memory_space<vmem>>) semaphore(%arg7 : memref<!tpu.dma_semaphore, #tpu.memory_space<semaphore_mem>>)
    %dma_wait3A_1756 = arith.constant 1 : i32
    %dma_wait3A_1757 = arith.constant 0 : i32
    %dma_wait3A_1758 = arith.constant 0 : i32
    %dma_wait3A_1759 = tpu.memref_slice %arg6[%dma_wait3A_1756, %dma_wait3A_1757, %dma_wait3A_1758] : memref<5x160x128xf32, #tpu.memory_space<vmem>> -> memref<1x160x128xf32, #tpu.memory_space<vmem>>
    %dma_wait3A_1760 = tpu.memref_squeeze %dma_wait3A_1759 : memref<1x160x128xf32, #tpu.memory_space<vmem>> -> memref<160x128xf32, #tpu.memory_space<vmem>>
    %dma_wait3A_1761 = arith.constant 5760 : i32
    %dma_wait3A_1762 = tpu.memref_slice %arg5[%dma_wait3A_1761] : memref<6400xi32, #tpu.memory_space<vmem>> -> memref<160xi32, #tpu.memory_space<vmem>>
    %dma_wait3A_1763 = arith.constant 0 : i32
    %dma_wait3A_1764 = arith.constant 0 : i32
    %dma_wait3A_1765 = tpu.memref_slice %arg3[%dma_wait3A_1763, %dma_wait3A_1764] : memref<100000x128xf32, #tpu.memory_space<hbm>> -> memref<100000x128xf32, #tpu.memory_space<hbm>>
    tpu.wait_indirect_dma semaphore(%arg7 : memref<!tpu.dma_semaphore, #tpu.memory_space<semaphore_mem>>) src(%dma_wait3A_1765 : memref<100000x128xf32, #tpu.memory_space<hbm>>) dst(%dma_wait3A_1760 : memref<160x128xf32, #tpu.memory_space<vmem>>)
    %add3A_1766 = arith.constant 5760 : i32
    %add3A_1767 = arith.addi %mul3A_2, %add3A_1766 : i32
    %dma_start3A_1768 = arith.constant 1 : i32
    %dma_start3A_1769 = arith.constant 0 : i32
    %dma_start3A_1770 = arith.constant 0 : i32
    %dma_start3A_1771 = tpu.memref_slice %arg6[%dma_start3A_1768, %dma_start3A_1769, %dma_start3A_1770] : memref<5x160x128xf32, #tpu.memory_space<vmem>> -> memref<1x160x128xf32, #tpu.memory_space<vmem>>
    %dma_start3A_1772 = tpu.memref_squeeze %dma_start3A_1771 : memref<1x160x128xf32, #tpu.memory_space<vmem>> -> memref<160x128xf32, #tpu.memory_space<vmem>>
    %dma_start3A_1773 = arith.constant 0 : i32
    %dma_start3A_1774 = tpu.memref_slice %arg4[%add3A_1767, %dma_start3A_1773] : memref<204800x128xf32, #tpu.memory_space<hbm>> -> memref<160x128xf32, #tpu.memory_space<hbm>>
    %dma_start3A_1775 = arith.constant 0 : i32
    %dma_start3A_1776 = tpu.memref_slice %arg4[%add3A_1767, %dma_start3A_1775] : memref<204800x128xf32, #tpu.memory_space<hbm>> -> memref<160x128xf32, #tpu.memory_space<hbm>>
    %dma_start3A_1777 = arith.constant 0 : i32
    %dma_start3A_1778 = arith.constant 0 : i32
    %dma_start3A_1779 = tpu.memref_slice %arg6[%dma_start3A_1768, %dma_start3A_1777, %dma_start3A_1778] : memref<5x160x128xf32, #tpu.memory_space<vmem>> -> memref<1x160x128xf32, #tpu.memory_space<vmem>>
    %dma_start3A_1780 = tpu.memref_squeeze %dma_start3A_1779 : memref<1x160x128xf32, #tpu.memory_space<vmem>> -> memref<160x128xf32, #tpu.memory_space<vmem>>
    tpu.enqueue_dma source(%dma_start3A_1780 : memref<160x128xf32, #tpu.memory_space<vmem>>) target(%dma_start3A_1776 : memref<160x128xf32, #tpu.memory_space<hbm>>) target_semaphore(%arg8 : memref<!tpu.dma_semaphore, #tpu.memory_space<semaphore_mem>>)
    %dma_wait3A_1781 = arith.constant 2 : i32
    %dma_wait3A_1782 = arith.constant 0 : i32
    %dma_wait3A_1783 = arith.constant 0 : i32
    %dma_wait3A_1784 = tpu.memref_slice %arg6[%dma_wait3A_1781, %dma_wait3A_1782, %dma_wait3A_1783] : memref<5x160x128xf32, #tpu.memory_space<vmem>> -> memref<1x160x128xf32, #tpu.memory_space<vmem>>
    %dma_wait3A_1785 = tpu.memref_squeeze %dma_wait3A_1784 : memref<1x160x128xf32, #tpu.memory_space<vmem>> -> memref<160x128xf32, #tpu.memory_space<vmem>>
    %dma_wait3A_1786 = arith.constant 5920 : i32
    %dma_wait3A_1787 = tpu.memref_slice %arg5[%dma_wait3A_1786] : memref<6400xi32, #tpu.memory_space<vmem>> -> memref<160xi32, #tpu.memory_space<vmem>>
    %dma_wait3A_1788 = arith.constant 0 : i32
    %dma_wait3A_1789 = arith.constant 0 : i32
    %dma_wait3A_1790 = tpu.memref_slice %arg3[%dma_wait3A_1788, %dma_wait3A_1789] : memref<100000x128xf32, #tpu.memory_space<hbm>> -> memref<100000x128xf32, #tpu.memory_space<hbm>>
    tpu.wait_indirect_dma semaphore(%arg7 : memref<!tpu.dma_semaphore, #tpu.memory_space<semaphore_mem>>) src(%dma_wait3A_1790 : memref<100000x128xf32, #tpu.memory_space<hbm>>) dst(%dma_wait3A_1785 : memref<160x128xf32, #tpu.memory_space<vmem>>)
    %add3A_1791 = arith.constant 5920 : i32
    %add3A_1792 = arith.addi %mul3A_2, %add3A_1791 : i32
    %dma_start3A_1793 = arith.constant 2 : i32
    %dma_start3A_1794 = arith.constant 0 : i32
    %dma_start3A_1795 = arith.constant 0 : i32
    %dma_start3A_1796 = tpu.memref_slice %arg6[%dma_start3A_1793, %dma_start3A_1794, %dma_start3A_1795] : memref<5x160x128xf32, #tpu.memory_space<vmem>> -> memref<1x160x128xf32, #tpu.memory_space<vmem>>
    %dma_start3A_1797 = tpu.memref_squeeze %dma_start3A_1796 : memref<1x160x128xf32, #tpu.memory_space<vmem>> -> memref<160x128xf32, #tpu.memory_space<vmem>>
    %dma_start3A_1798 = arith.constant 0 : i32
    %dma_start3A_1799 = tpu.memref_slice %arg4[%add3A_1792, %dma_start3A_1798] : memref<204800x128xf32, #tpu.memory_space<hbm>> -> memref<160x128xf32, #tpu.memory_space<hbm>>
    %dma_start3A_1800 = arith.constant 0 : i32
    %dma_start3A_1801 = tpu.memref_slice %arg4[%add3A_1792, %dma_start3A_1800] : memref<204800x128xf32, #tpu.memory_space<hbm>> -> memref<160x128xf32, #tpu.memory_space<hbm>>
    %dma_start3A_1802 = arith.constant 0 : i32
    %dma_start3A_1803 = arith.constant 0 : i32
    %dma_start3A_1804 = tpu.memref_slice %arg6[%dma_start3A_1793, %dma_start3A_1802, %dma_start3A_1803] : memref<5x160x128xf32, #tpu.memory_space<vmem>> -> memref<1x160x128xf32, #tpu.memory_space<vmem>>
    %dma_start3A_1805 = tpu.memref_squeeze %dma_start3A_1804 : memref<1x160x128xf32, #tpu.memory_space<vmem>> -> memref<160x128xf32, #tpu.memory_space<vmem>>
    tpu.enqueue_dma source(%dma_start3A_1805 : memref<160x128xf32, #tpu.memory_space<vmem>>) target(%dma_start3A_1801 : memref<160x128xf32, #tpu.memory_space<hbm>>) target_semaphore(%arg8 : memref<!tpu.dma_semaphore, #tpu.memory_space<semaphore_mem>>)
    %dma_wait3A_1806 = arith.constant 3 : i32
    %dma_wait3A_1807 = arith.constant 0 : i32
    %dma_wait3A_1808 = arith.constant 0 : i32
    %dma_wait3A_1809 = tpu.memref_slice %arg6[%dma_wait3A_1806, %dma_wait3A_1807, %dma_wait3A_1808] : memref<5x160x128xf32, #tpu.memory_space<vmem>> -> memref<1x160x128xf32, #tpu.memory_space<vmem>>
    %dma_wait3A_1810 = tpu.memref_squeeze %dma_wait3A_1809 : memref<1x160x128xf32, #tpu.memory_space<vmem>> -> memref<160x128xf32, #tpu.memory_space<vmem>>
    %dma_wait3A_1811 = arith.constant 6080 : i32
    %dma_wait3A_1812 = tpu.memref_slice %arg5[%dma_wait3A_1811] : memref<6400xi32, #tpu.memory_space<vmem>> -> memref<160xi32, #tpu.memory_space<vmem>>
    %dma_wait3A_1813 = arith.constant 0 : i32
    %dma_wait3A_1814 = arith.constant 0 : i32
    %dma_wait3A_1815 = tpu.memref_slice %arg3[%dma_wait3A_1813, %dma_wait3A_1814] : memref<100000x128xf32, #tpu.memory_space<hbm>> -> memref<100000x128xf32, #tpu.memory_space<hbm>>
    tpu.wait_indirect_dma semaphore(%arg7 : memref<!tpu.dma_semaphore, #tpu.memory_space<semaphore_mem>>) src(%dma_wait3A_1815 : memref<100000x128xf32, #tpu.memory_space<hbm>>) dst(%dma_wait3A_1810 : memref<160x128xf32, #tpu.memory_space<vmem>>)
    %add3A_1816 = arith.constant 6080 : i32
    %add3A_1817 = arith.addi %mul3A_2, %add3A_1816 : i32
    %dma_start3A_1818 = arith.constant 3 : i32
    %dma_start3A_1819 = arith.constant 0 : i32
    %dma_start3A_1820 = arith.constant 0 : i32
    %dma_start3A_1821 = tpu.memref_slice %arg6[%dma_start3A_1818, %dma_start3A_1819, %dma_start3A_1820] : memref<5x160x128xf32, #tpu.memory_space<vmem>> -> memref<1x160x128xf32, #tpu.memory_space<vmem>>
    %dma_start3A_1822 = tpu.memref_squeeze %dma_start3A_1821 : memref<1x160x128xf32, #tpu.memory_space<vmem>> -> memref<160x128xf32, #tpu.memory_space<vmem>>
    %dma_start3A_1823 = arith.constant 0 : i32
    %dma_start3A_1824 = tpu.memref_slice %arg4[%add3A_1817, %dma_start3A_1823] : memref<204800x128xf32, #tpu.memory_space<hbm>> -> memref<160x128xf32, #tpu.memory_space<hbm>>
    %dma_start3A_1825 = arith.constant 0 : i32
    %dma_start3A_1826 = tpu.memref_slice %arg4[%add3A_1817, %dma_start3A_1825] : memref<204800x128xf32, #tpu.memory_space<hbm>> -> memref<160x128xf32, #tpu.memory_space<hbm>>
    %dma_start3A_1827 = arith.constant 0 : i32
    %dma_start3A_1828 = arith.constant 0 : i32
    %dma_start3A_1829 = tpu.memref_slice %arg6[%dma_start3A_1818, %dma_start3A_1827, %dma_start3A_1828] : memref<5x160x128xf32, #tpu.memory_space<vmem>> -> memref<1x160x128xf32, #tpu.memory_space<vmem>>
    %dma_start3A_1830 = tpu.memref_squeeze %dma_start3A_1829 : memref<1x160x128xf32, #tpu.memory_space<vmem>> -> memref<160x128xf32, #tpu.memory_space<vmem>>
    tpu.enqueue_dma source(%dma_start3A_1830 : memref<160x128xf32, #tpu.memory_space<vmem>>) target(%dma_start3A_1826 : memref<160x128xf32, #tpu.memory_space<hbm>>) target_semaphore(%arg8 : memref<!tpu.dma_semaphore, #tpu.memory_space<semaphore_mem>>)
    %dma_wait3A_1831 = arith.constant 4 : i32
    %dma_wait3A_1832 = arith.constant 0 : i32
    %dma_wait3A_1833 = arith.constant 0 : i32
    %dma_wait3A_1834 = tpu.memref_slice %arg6[%dma_wait3A_1831, %dma_wait3A_1832, %dma_wait3A_1833] : memref<5x160x128xf32, #tpu.memory_space<vmem>> -> memref<1x160x128xf32, #tpu.memory_space<vmem>>
    %dma_wait3A_1835 = tpu.memref_squeeze %dma_wait3A_1834 : memref<1x160x128xf32, #tpu.memory_space<vmem>> -> memref<160x128xf32, #tpu.memory_space<vmem>>
    %dma_wait3A_1836 = arith.constant 6240 : i32
    %dma_wait3A_1837 = tpu.memref_slice %arg5[%dma_wait3A_1836] : memref<6400xi32, #tpu.memory_space<vmem>> -> memref<160xi32, #tpu.memory_space<vmem>>
    %dma_wait3A_1838 = arith.constant 0 : i32
    %dma_wait3A_1839 = arith.constant 0 : i32
    %dma_wait3A_1840 = tpu.memref_slice %arg3[%dma_wait3A_1838, %dma_wait3A_1839] : memref<100000x128xf32, #tpu.memory_space<hbm>> -> memref<100000x128xf32, #tpu.memory_space<hbm>>
    tpu.wait_indirect_dma semaphore(%arg7 : memref<!tpu.dma_semaphore, #tpu.memory_space<semaphore_mem>>) src(%dma_wait3A_1840 : memref<100000x128xf32, #tpu.memory_space<hbm>>) dst(%dma_wait3A_1835 : memref<160x128xf32, #tpu.memory_space<vmem>>)
    %add3A_1841 = arith.constant 6240 : i32
    %add3A_1842 = arith.addi %mul3A_2, %add3A_1841 : i32
    %dma_start3A_1843 = arith.constant 4 : i32
    %dma_start3A_1844 = arith.constant 0 : i32
    %dma_start3A_1845 = arith.constant 0 : i32
    %dma_start3A_1846 = tpu.memref_slice %arg6[%dma_start3A_1843, %dma_start3A_1844, %dma_start3A_1845] : memref<5x160x128xf32, #tpu.memory_space<vmem>> -> memref<1x160x128xf32, #tpu.memory_space<vmem>>
    %dma_start3A_1847 = tpu.memref_squeeze %dma_start3A_1846 : memref<1x160x128xf32, #tpu.memory_space<vmem>> -> memref<160x128xf32, #tpu.memory_space<vmem>>
    %dma_start3A_1848 = arith.constant 0 : i32
    %dma_start3A_1849 = tpu.memref_slice %arg4[%add3A_1842, %dma_start3A_1848] : memref<204800x128xf32, #tpu.memory_space<hbm>> -> memref<160x128xf32, #tpu.memory_space<hbm>>
    %dma_start3A_1850 = arith.constant 0 : i32
    %dma_start3A_1851 = tpu.memref_slice %arg4[%add3A_1842, %dma_start3A_1850] : memref<204800x128xf32, #tpu.memory_space<hbm>> -> memref<160x128xf32, #tpu.memory_space<hbm>>
    %dma_start3A_1852 = arith.constant 0 : i32
    %dma_start3A_1853 = arith.constant 0 : i32
    %dma_start3A_1854 = tpu.memref_slice %arg6[%dma_start3A_1843, %dma_start3A_1852, %dma_start3A_1853] : memref<5x160x128xf32, #tpu.memory_space<vmem>> -> memref<1x160x128xf32, #tpu.memory_space<vmem>>
    %dma_start3A_1855 = tpu.memref_squeeze %dma_start3A_1854 : memref<1x160x128xf32, #tpu.memory_space<vmem>> -> memref<160x128xf32, #tpu.memory_space<vmem>>
    tpu.enqueue_dma source(%dma_start3A_1855 : memref<160x128xf32, #tpu.memory_space<vmem>>) target(%dma_start3A_1851 : memref<160x128xf32, #tpu.memory_space<hbm>>) target_semaphore(%arg8 : memref<!tpu.dma_semaphore, #tpu.memory_space<semaphore_mem>>)
    %dma_wait3A_1856 = arith.constant 0 : i32
    %dma_wait3A_1857 = arith.constant 0 : i32
    %dma_wait3A_1858 = arith.constant 0 : i32
    %dma_wait3A_1859 = tpu.memref_slice %arg6[%dma_wait3A_1856, %dma_wait3A_1857, %dma_wait3A_1858] : memref<5x160x128xf32, #tpu.memory_space<vmem>> -> memref<1x160x128xf32, #tpu.memory_space<vmem>>
    %dma_wait3A_1860 = tpu.memref_squeeze %dma_wait3A_1859 : memref<1x160x128xf32, #tpu.memory_space<vmem>> -> memref<160x128xf32, #tpu.memory_space<vmem>>
    %dma_wait3A_1861 = arith.constant 0 : i32
    %dma_wait3A_1862 = tpu.memref_slice %arg4[%add3A_1719, %dma_wait3A_1861] : memref<204800x128xf32, #tpu.memory_space<hbm>> -> memref<160x128xf32, #tpu.memory_space<hbm>>
    %dma_wait3A_1863 = arith.constant 0 : i32
    %dma_wait3A_1864 = tpu.memref_slice %arg4[%add3A_1719, %dma_wait3A_1863] : memref<204800x128xf32, #tpu.memory_space<hbm>> -> memref<160x128xf32, #tpu.memory_space<hbm>>
    %dma_wait3A_1865 = arith.constant 0 : i32
    %dma_wait3A_1866 = arith.constant 0 : i32
    %dma_wait3A_1867 = tpu.memref_slice %arg6[%dma_wait3A_1856, %dma_wait3A_1865, %dma_wait3A_1866] : memref<5x160x128xf32, #tpu.memory_space<vmem>> -> memref<1x160x128xf32, #tpu.memory_space<vmem>>
    %dma_wait3A_1868 = tpu.memref_squeeze %dma_wait3A_1867 : memref<1x160x128xf32, #tpu.memory_space<vmem>> -> memref<160x128xf32, #tpu.memory_space<vmem>>
    tpu.wait_dma2 semaphore(%arg8 : memref<!tpu.dma_semaphore, #tpu.memory_space<semaphore_mem>>) src(%dma_wait3A_1868 : memref<160x128xf32, #tpu.memory_space<vmem>>) dst(%dma_wait3A_1864 : memref<160x128xf32, #tpu.memory_space<hbm>>)
    %dma_wait3A_1869 = arith.constant 1 : i32
    %dma_wait3A_1870 = arith.constant 0 : i32
    %dma_wait3A_1871 = arith.constant 0 : i32
    %dma_wait3A_1872 = tpu.memref_slice %arg6[%dma_wait3A_1869, %dma_wait3A_1870, %dma_wait3A_1871] : memref<5x160x128xf32, #tpu.memory_space<vmem>> -> memref<1x160x128xf32, #tpu.memory_space<vmem>>
    %dma_wait3A_1873 = tpu.memref_squeeze %dma_wait3A_1872 : memref<1x160x128xf32, #tpu.memory_space<vmem>> -> memref<160x128xf32, #tpu.memory_space<vmem>>
    %dma_wait3A_1874 = arith.constant 0 : i32
    %dma_wait3A_1875 = tpu.memref_slice %arg4[%add3A_1767, %dma_wait3A_1874] : memref<204800x128xf32, #tpu.memory_space<hbm>> -> memref<160x128xf32, #tpu.memory_space<hbm>>
    %dma_wait3A_1876 = arith.constant 0 : i32
    %dma_wait3A_1877 = tpu.memref_slice %arg4[%add3A_1767, %dma_wait3A_1876] : memref<204800x128xf32, #tpu.memory_space<hbm>> -> memref<160x128xf32, #tpu.memory_space<hbm>>
    %dma_wait3A_1878 = arith.constant 0 : i32
    %dma_wait3A_1879 = arith.constant 0 : i32
    %dma_wait3A_1880 = tpu.memref_slice %arg6[%dma_wait3A_1869, %dma_wait3A_1878, %dma_wait3A_1879] : memref<5x160x128xf32, #tpu.memory_space<vmem>> -> memref<1x160x128xf32, #tpu.memory_space<vmem>>
    %dma_wait3A_1881 = tpu.memref_squeeze %dma_wait3A_1880 : memref<1x160x128xf32, #tpu.memory_space<vmem>> -> memref<160x128xf32, #tpu.memory_space<vmem>>
    tpu.wait_dma2 semaphore(%arg8 : memref<!tpu.dma_semaphore, #tpu.memory_space<semaphore_mem>>) src(%dma_wait3A_1881 : memref<160x128xf32, #tpu.memory_space<vmem>>) dst(%dma_wait3A_1877 : memref<160x128xf32, #tpu.memory_space<hbm>>)
    %dma_wait3A_1882 = arith.constant 2 : i32
    %dma_wait3A_1883 = arith.constant 0 : i32
    %dma_wait3A_1884 = arith.constant 0 : i32
    %dma_wait3A_1885 = tpu.memref_slice %arg6[%dma_wait3A_1882, %dma_wait3A_1883, %dma_wait3A_1884] : memref<5x160x128xf32, #tpu.memory_space<vmem>> -> memref<1x160x128xf32, #tpu.memory_space<vmem>>
    %dma_wait3A_1886 = tpu.memref_squeeze %dma_wait3A_1885 : memref<1x160x128xf32, #tpu.memory_space<vmem>> -> memref<160x128xf32, #tpu.memory_space<vmem>>
    %dma_wait3A_1887 = arith.constant 0 : i32
    %dma_wait3A_1888 = tpu.memref_slice %arg4[%add3A_1792, %dma_wait3A_1887] : memref<204800x128xf32, #tpu.memory_space<hbm>> -> memref<160x128xf32, #tpu.memory_space<hbm>>
    %dma_wait3A_1889 = arith.constant 0 : i32
    %dma_wait3A_1890 = tpu.memref_slice %arg4[%add3A_1792, %dma_wait3A_1889] : memref<204800x128xf32, #tpu.memory_space<hbm>> -> memref<160x128xf32, #tpu.memory_space<hbm>>
    %dma_wait3A_1891 = arith.constant 0 : i32
    %dma_wait3A_1892 = arith.constant 0 : i32
    %dma_wait3A_1893 = tpu.memref_slice %arg6[%dma_wait3A_1882, %dma_wait3A_1891, %dma_wait3A_1892] : memref<5x160x128xf32, #tpu.memory_space<vmem>> -> memref<1x160x128xf32, #tpu.memory_space<vmem>>
    %dma_wait3A_1894 = tpu.memref_squeeze %dma_wait3A_1893 : memref<1x160x128xf32, #tpu.memory_space<vmem>> -> memref<160x128xf32, #tpu.memory_space<vmem>>
    tpu.wait_dma2 semaphore(%arg8 : memref<!tpu.dma_semaphore, #tpu.memory_space<semaphore_mem>>) src(%dma_wait3A_1894 : memref<160x128xf32, #tpu.memory_space<vmem>>) dst(%dma_wait3A_1890 : memref<160x128xf32, #tpu.memory_space<hbm>>)
    %dma_wait3A_1895 = arith.constant 3 : i32
    %dma_wait3A_1896 = arith.constant 0 : i32
    %dma_wait3A_1897 = arith.constant 0 : i32
    %dma_wait3A_1898 = tpu.memref_slice %arg6[%dma_wait3A_1895, %dma_wait3A_1896, %dma_wait3A_1897] : memref<5x160x128xf32, #tpu.memory_space<vmem>> -> memref<1x160x128xf32, #tpu.memory_space<vmem>>
    %dma_wait3A_1899 = tpu.memref_squeeze %dma_wait3A_1898 : memref<1x160x128xf32, #tpu.memory_space<vmem>> -> memref<160x128xf32, #tpu.memory_space<vmem>>
    %dma_wait3A_1900 = arith.constant 0 : i32
    %dma_wait3A_1901 = tpu.memref_slice %arg4[%add3A_1817, %dma_wait3A_1900] : memref<204800x128xf32, #tpu.memory_space<hbm>> -> memref<160x128xf32, #tpu.memory_space<hbm>>
    %dma_wait3A_1902 = arith.constant 0 : i32
    %dma_wait3A_1903 = tpu.memref_slice %arg4[%add3A_1817, %dma_wait3A_1902] : memref<204800x128xf32, #tpu.memory_space<hbm>> -> memref<160x128xf32, #tpu.memory_space<hbm>>
    %dma_wait3A_1904 = arith.constant 0 : i32
    %dma_wait3A_1905 = arith.constant 0 : i32
    %dma_wait3A_1906 = tpu.memref_slice %arg6[%dma_wait3A_1895, %dma_wait3A_1904, %dma_wait3A_1905] : memref<5x160x128xf32, #tpu.memory_space<vmem>> -> memref<1x160x128xf32, #tpu.memory_space<vmem>>
    %dma_wait3A_1907 = tpu.memref_squeeze %dma_wait3A_1906 : memref<1x160x128xf32, #tpu.memory_space<vmem>> -> memref<160x128xf32, #tpu.memory_space<vmem>>
    tpu.wait_dma2 semaphore(%arg8 : memref<!tpu.dma_semaphore, #tpu.memory_space<semaphore_mem>>) src(%dma_wait3A_1907 : memref<160x128xf32, #tpu.memory_space<vmem>>) dst(%dma_wait3A_1903 : memref<160x128xf32, #tpu.memory_space<hbm>>)
    %dma_wait3A_1908 = arith.constant 4 : i32
    %dma_wait3A_1909 = arith.constant 0 : i32
    %dma_wait3A_1910 = arith.constant 0 : i32
    %dma_wait3A_1911 = tpu.memref_slice %arg6[%dma_wait3A_1908, %dma_wait3A_1909, %dma_wait3A_1910] : memref<5x160x128xf32, #tpu.memory_space<vmem>> -> memref<1x160x128xf32, #tpu.memory_space<vmem>>
    %dma_wait3A_1912 = tpu.memref_squeeze %dma_wait3A_1911 : memref<1x160x128xf32, #tpu.memory_space<vmem>> -> memref<160x128xf32, #tpu.memory_space<vmem>>
    %dma_wait3A_1913 = arith.constant 0 : i32
    %dma_wait3A_1914 = tpu.memref_slice %arg4[%add3A_1842, %dma_wait3A_1913] : memref<204800x128xf32, #tpu.memory_space<hbm>> -> memref<160x128xf32, #tpu.memory_space<hbm>>
    %dma_wait3A_1915 = arith.constant 0 : i32
    %dma_wait3A_1916 = tpu.memref_slice %arg4[%add3A_1842, %dma_wait3A_1915] : memref<204800x128xf32, #tpu.memory_space<hbm>> -> memref<160x128xf32, #tpu.memory_space<hbm>>
    %dma_wait3A_1917 = arith.constant 0 : i32
    %dma_wait3A_1918 = arith.constant 0 : i32
    %dma_wait3A_1919 = tpu.memref_slice %arg6[%dma_wait3A_1908, %dma_wait3A_1917, %dma_wait3A_1918] : memref<5x160x128xf32, #tpu.memory_space<vmem>> -> memref<1x160x128xf32, #tpu.memory_space<vmem>>
    %dma_wait3A_1920 = tpu.memref_squeeze %dma_wait3A_1919 : memref<1x160x128xf32, #tpu.memory_space<vmem>> -> memref<160x128xf32, #tpu.memory_space<vmem>>
    tpu.wait_dma2 semaphore(%arg8 : memref<!tpu.dma_semaphore, #tpu.memory_space<semaphore_mem>>) src(%dma_wait3A_1920 : memref<160x128xf32, #tpu.memory_space<vmem>>) dst(%dma_wait3A_1916 : memref<160x128xf32, #tpu.memory_space<hbm>>)
    return
  }
}

</mosaic_0001>

<sc_bundles>
// kernel: kernel.3.cloned.1.call-start
scs
__scs_entry_jumppad:
0x0: {  	(pc) =	sbr.rel $0x88, $3  }
0x1: {  	(tag) =	ssettag $0x0;
	lr =	simm.s32 $0x1  }
0x2: {  	[smem:$0x3F9F] =	sst lr;
	_ =	strace $0xD0000000  }
0x3: {  	_ = 	snop  }
0x4: {  	_ = 	snop  }
0x5: {  	_ = 	snop  }
0x6: {  	_ = 	snop  }
0x7: {  	_ = 	snop  }
__scs_overlays_trampoline_lowered:
0x8: {  	[smem:$0x3FAE] =	sst s0  }
0x9: {  	[smem:$0x3FAF] =	sst s1  }
0xa: {  	[smem:$0x3FB0] =	sst s2  }
0xb: {  	[smem:$0x3FB1] =	sst s3  }
0xc: {  	[smem:$0x3FB2] =	sst s4  }
0xd: {  	[smem:$0x3FB3] =	sst s5  }
0xe: {  	[smem:$0x3FB4] =	sst s6  }
0xf: {  	[smem:$0x3FB5] =	sst s7  }
0x10: {  	[smem:$0x3FB6] =	sst s8  }
0x11: {  	[smem:$0x3FB7] =	sst s9;
	s0 =	simm.s32 @!p0 $0x0  }
0x12: {  	s1 =	sld [smem:$0x3F9D];
	s0 =	simm.s32 @p0 $0x1  }
0x13: {  	[smem:$0x3FB8] =	sst s0;
	s0 =	simm.s32 @!p1 $0x0  }
0x14: {  	s2 =	sld [smem:$0x3F9C];
	s0 =	simm.s32 @p1 $0x1  }
0x15: {  	[smem:$0x3FB9] =	sst s0;
	s0 =	simm.s32 @!p2 $0x0  }
0x16: {  	s3 =	sld [smem:$0x3FDB];
	s0 =	simm.s32 @p2 $0x1  }
0x17: {  	s4 =	simm.s32 $0x1BF5;
	[smem:$0x3FBB] =	sst s0  }
0x18: {  	s0 =	sld [smem:$0x3F9E];
	_ =	swait.ge [sflag:s4], $0x0  }
0x19: {  	s7 =	sld [smem:$0x3F9F]  }
0x1a: {  	s8 =	sadd.s32 $0xFFFFE003, lr  }
0x1b: {  	s9 =	sadd.s32 $0xFFFFFEF7, lr;
	s5 =	simm.s32 $0xFFFFFFFF;
	p2 =	slt.u32 s8, $0xFFFFF086  }
0x1c: {  	p1 =	slt.u32 s9, $0xF7A;
	s5 =	simm.s32 @!p2 $0x0  }
0x1d: {  	s5 =	simm.s32 @p1 $0x1;
	p0 =	seq.s32 s7, s2  }
0x1e: {  	s7 =	smul.u32 @!p0 $0xF7A, s2;
	p2 =	seq.s32 @!p0 s5, $0x0  }
0x1f: {  	s9 =	smul.u32 $0xF7A, s1;
	s8 =	simm.s32 @!p0 $0x1BF5;
	p2 =	por !p2, p0  }
0x20: {  	[sflag:s8] =	ssyncset.s32 @!p0 $0xFFFFF086;
	s6 =	sadd.s32 @!p0 s3, s7;
	s7 =	simm.s32 @!p0 $0x108  }
0x21: {  	s3 =	sadd.s32 s3, s9;
	s6 =	sadd.s32 @!p0 $0x88, s6;
	s7 =	simm.s32 @p2 $0x1082  }
0x22: {  	[simem:s7], [sflag:s8] =	dma.local @!p0 [hbm:s6], $0xF7A  }
0x23: {  	s9 =	sor.u32 $0xD0000000, s2;
	s6 =	simm.s32 $0x108;
	_ =	swait.ge @!p0 [sflag:s8], $0x0  }
0x24: {  	s3 =	sadd.s32 $0x88, s3;
	s6 =	simm.s32 @!p1 $0x1082;
	[sflag:s4] =	ssyncset.s32 $0xFFFFF086  }
0x25: {  	[simem:s6], [sflag:s4] =	dma.local [hbm:s3], $0xF7A  }
0x26: {  	[smem:$0x3F9F] =	sst s1;
	(tag) =	ssettag s2;
	_ =	strace s9  }
0x27: {  	s1 =	sld [smem:$0x3FAF]  }
0x28: {  	s2 =	sld [smem:$0x3FB0]  }
0x29: {  	s4 =	sld [smem:$0x3FB2]  }
0x2a: {  	p0 =	seq.s32 s5, $0x0;
	s5 =	sld [smem:$0x3FB3]  }
0x2b: {  	s6 =	sld [smem:$0x3FB4]  }
0x2c: {  	s7 =	sld [smem:$0x3FB5]  }
0x2d: {  	s3 =	simm.s32 $0x108;
	s8 =	sld [smem:$0x3FB6]  }
0x2e: {  	s3 =	simm.s32 @!p0 $0x1082;
	s9 =	sld [smem:$0x3FB7]  }
0x2f: {  	lr =	sadd.s32 s0, s3;
	s0 =	sld [smem:$0x3FAE]  }
0x30: {  	s3 =	sld [smem:$0x3FB1]  }
0x31: {  	[smem:$0x3FBA] =	sst s10  }
0x32: {  	s10 =	sld [smem:$0x3FB8];
	_ =	sdelay $0x3  }
0x33: {  	p0 =	seq.s32 s10, $0x1;
	s10 =	sld [smem:$0x3FBA];
	_ =	sdelay $0x3  }
0x34: {  	[smem:$0x3FBA] =	sst s10  }
0x35: {  	s10 =	sld [smem:$0x3FB9];
	_ =	sdelay $0x3  }
0x36: {  	p1 =	seq.s32 s10, $0x1;
	s10 =	sld [smem:$0x3FBA];
	_ =	sdelay $0x3  }
0x37: {  	[smem:$0x3FBA] =	sst s10  }
0x38: {  	s10 =	sld [smem:$0x3FBB]  }
0x39: {  	_ = 	snop;
	(pc) =	sbr.ind lr, $3  }
0x3a: {  	_ = 	snop  }
0x3b: {  	_ = 	snop  }
0x3c: {  	p2 =	seq.s32 s10, $0x1;
	s10 =	sld [smem:$0x3FBA]  }
0x3d: {  	_ =	shalt  }
0x3e: {  	_ =	shalt  }
0x3f: {  	_ =	shalt  }
0x40: {  	_ =	shalt  }
0x41: {  	_ =	shalt  }
0x42: {  	_ =	shalt  }
0x43: {  	_ =	shalt  }
0x44: {  	_ =	shalt  }
0x45: {  	_ =	shalt  }
0x46: {  	_ =	shalt  }
0x47: {  	_ =	shalt  }
0x48: {  	_ =	shalt  }
0x49: {  	_ =	shalt  }
0x4a: {  	_ =	shalt  }
0x4b: {  	_ =	shalt  }
0x4c: {  	_ =	shalt  }
0x4d: {  	_ =	shalt  }
0x4e: {  	_ =	shalt  }
0x4f: {  	_ =	shalt  }
0x50: {  	_ =	shalt  }
0x51: {  	_ =	shalt  }
0x52: {  	_ =	shalt  }
0x53: {  	_ =	shalt  }
0x54: {  	_ =	shalt  }
0x55: {  	_ =	shalt  }
0x56: {  	_ =	shalt  }
0x57: {  	_ =	shalt  }
0x58: {  	_ =	shalt  }
0x59: {  	_ =	shalt  }
0x5a: {  	_ =	shalt  }
0x5b: {  	_ =	shalt  }
0x5c: {  	_ =	shalt  }
0x5d: {  	_ =	shalt  }
0x5e: {  	_ =	shalt  }
0x5f: {  	_ =	shalt  }
0x60: {  	_ =	shalt  }
0x61: {  	_ =	shalt  }
0x62: {  	_ =	shalt  }
0x63: {  	_ =	shalt  }
0x64: {  	_ =	shalt  }
0x65: {  	_ =	shalt  }
0x66: {  	_ =	shalt  }
0x67: {  	_ =	shalt  }
0x68: {  	_ =	shalt  }
0x69: {  	_ =	shalt  }
0x6a: {  	_ =	shalt  }
0x6b: {  	_ =	shalt  }
0x6c: {  	_ =	shalt  }
0x6d: {  	_ =	shalt  }
0x6e: {  	_ =	shalt  }
0x6f: {  	_ =	shalt  }
0x70: {  	_ =	shalt  }
0x71: {  	_ =	shalt  }
0x72: {  	_ =	shalt  }
0x73: {  	_ =	shalt  }
0x74: {  	_ =	shalt  }
0x75: {  	_ =	shalt  }
0x76: {  	_ =	shalt  }
0x77: {  	_ =	shalt  }
0x78: {  	_ =	shalt  }
0x79: {  	_ =	shalt  }
0x7a: {  	_ =	shalt  }
0x7b: {  	_ =	shalt  }
0x7c: {  	_ =	shalt  }
0x7d: {  	_ =	shalt  }
0x7e: {  	_ =	shalt  }
0x7f: {  	_ =	shalt  }
0x80: {  	_ =	shalt  }
0x81: {  	_ =	shalt  }
0x82: {  	_ =	shalt  }
0x83: {  	_ =	shalt  }
0x84: {  	_ =	shalt  }
0x85: {  	_ =	shalt  }
0x86: {  	_ =	shalt  }
0x87: {  	_ =	shalt  }
.Lfunc_end0:
.L_simem_size_0:
called_computation_lowered:
.L_overlay_start_0:
0x88: {  	s2 =	sld [smem:$0x3FD9]  }
0x89: {  	s3 =	sld [smem:$0x3FFE];
	_ =	sdelay $0x1  }
0x8a: {  	s1 =	srdreg.scid  }
0x8b: {  	s0 =	sand.u32 $0x1, s1  }
0x8c: {  	s17 =	sshll.u32 s0, $0xA;
	s2 =	sadd.s32 s3, s2  }
0x8d: {  	s2 =	sadd.s32 s2, s17  }
0x8e: {  	[smem:$0x3FC6] =	sst s2  }
0x8f: {  	_ = 	snop  }
0x90: {  	s2 =	sld [smem:$0x3FC8]  }
0x91: {  	s18 =	sld [smem:$0x3FD0];
	(tm) =	ssettm $0x1  }
0x92: {  	s4 =	sld [smem:$0x3FFB];
	_ =	sdelay $0x3  }
0x93: {  	_ =	strace s4  }
0x94: {  	s4 =	sld [smem:$0x3FFC];
	_ =	sdelay $0x3  }
0x95: {  	_ =	strace s4  }
0x96: {  	s4 =	sld [smem:$0x3FFD];
	_ =	sdelay $0x3  }
0x97: {  	_ =	strace s4  }
0x98: {  	_ =	strace $0x8FFFFFFF  }
0x99: {  	s19 =	sld [smem:$0x3FDB];
	_ =	sdelay $0x1  }
0x9a: {  	s5 =	simm.s32 $_scs_section_size  }
0x9b: {  	s6 =	simm.s32 $_size__tile_overlayer_lowered;
	s7 =	simm.s32 $_tile_overlayer_lowered  }
0x9c: {  	s22 =	simm.s32 $0x1BFF;
	s21 =	sshll.u32 s7, $0x1;
	s4 =	sadd.s32 s5, s19  }
0x9d: {  	s8 =	simm.s32 $0x0;
	s20 =	sshll.u32 s6, $0x1;
	s6 =	sadd.s32 s21, s4  }
0x9e: {  	[timem:s8], [sflag:s22] =	dma.local [hbm:s6], s20  }
0x9f: {  	_ =	swait.ge [sflag:s22], s20  }
0xa0: {  	s5 =	ssub.s32 $0x0, s20;
	[sflag:s22] =	ssyncset.done $0x0  }
0xa1: {  	[sflag:s22] =	ssyncadd.s32 s5;
	_ =	sdelay $0x1  }
0xa2: {  	s23 =	simm.s32 $0x1B8B  }
0xa3: {  	_ =	swait.ge [sflag:s23], $0x1  }
0xa4: {  	[sflag:s23] =	ssyncset.done $0x0  }
0xa5: {  	s25 =	simm.s32 $0x1B8E;
	s24 =	sld [smem:$0x3FFE];
	[sflag:s23] =	ssyncadd.s32 $0xFFFFFFFF  }
0xa6: {  	s26 =	simm.s32 $execute0_lowered;
	[smem:$0x3FD2] =	sst s25  }
0xa7: {  	s6 =	sshll.u32 s26, $0x1;
	_ =	strace $0x80000046;
	[dreg:$0x1] =	wrdreg $0xFFFFFFFF  }
0xa8: {  	s28 =	simm.s32 $_size_execute0_lowered;
	s4 =	sadd.s32 s4, s6;
	[dreg:$0x0] =	wrdreg $0x0  }
0xa9: {  	s6 =	sshll.u32 s28, $0x1;
	[dreg:$0x2] =	wrdreg s4  }
0xaa: {  	[dreg:$0x3] =	wrdreg s6  }
0xab: {  	[dreg:$0x4] =	wrdreg $0xC0  }
0xac: {  	_ =	task [dreg:s8], $0x5FFFF  }
0xad: {  	[dreg:$0x1] =	wrdreg $0xFFFFFFFF  }
0xae: {  	[dreg:$0x0] =	wrdreg $0x60  }
0xaf: {  	[dreg:$0x2] =	wrdreg s24  }
0xb0: {  	[dreg:$0x3] =	wrdreg s2  }
0xb1: {  	[dreg:$0x4] =	wrdreg s18  }
0xb2: {  	[dreg:$0x5] =	wrdreg $0x9  }
0xb3: {  	_ =	task.clear_ibuf [dreg:s8], $0x6FFFF;
	_ =	strace $0x90000046  }
0xb4: {  	s29 =	simm.s32 $0x9;
	_ =	strace $0x80000048  }
0xb5: {  	_ =	swait.ge [sflag:s29], $0x1  }
0xb6: {  	[sflag:s29] =	ssyncadd.s32 $0xFFFFFFFF  }
0xb7: {  	_ =	strace $0x90000048  }
0xb8: {  	_ =	sfence  }
0xb9: {  	s30 =	sld [smem:$0x0];
	_ =	sdelay $0x2  }
0xba: {  	s31 =	sshll.u32 s1, $0xD;
	s1 =	sshrl.u32 s1, $0x2  }
0xbb: {  	s3 =	sand.u32 $0x4000, s31;
	s1 =	sadd.s32 s1, s30  }
0xbc: {  	s0 =	sor.u32 s3, s0;
	s1 =	sshll.u32 s1, $0x11  }
0xbd: {  	s0 =	sor.u32 s1, s0  }
0xbe: {  	s0 =	sadd.s32 $0x8F2B, s0  }
0xbf: {  	[sflag:s0] =	ssyncadd.remote.s32 $0x1  }
0xc0: {  	_ =	sfence.sel $0xFFFF  }
0xc1: {  	[dreg:$0x0] =	wrdreg $0xFFFFFFFF;
	(pc) =	sbr.abs _section_cstart, $3  }
0xc2: {  	[dreg:$0x1] =	wrdreg $0xFFFFFFFF  }
0xc3: {  	_ =	task.clear_ibuf [dreg:s8], $0x2FFFF;
	_ =	strace $0x9FFFFFFF  }
0xc4: {  	(tm) =	ssettm $0x7FFFFFFF  }
0xc5: {  	_ =	shalt  }
tec
execute0_lowered:
.L_overlay_start_1:
0x0: {  	(tag) =	ssettag $0x1  }
0x1: {  	s0 =	srdreg.scid;
	s12 =	stileid.u32  }
0x2: {  	s1 =	sand.u32 $0x1, s0;
	s8 =	sshll.u32 s12, $0x1  }
0x3: {  	s0 =	sor.u32 s1, s8  }
0x4: {  	s4 =	rddreg [dreg:$0x0];
	s6 =	smul.u32 $0x320, s0  }
0x5: {  	s3 =	rddreg [dreg:$0x1];
	s2 =	simm.s32 $0x0;
	s7 =	smul.u32 $0x19000, s0  }
0x6: {  	[smem:$0x7FF] =	sst s2;
	s0 =	smul.u32 $0xC8000, s0  }
0x7: {  	s5 =	rddreg [dreg:$0x2];
	_ =	strace $0x80000047;
	s4 =	sadd.s32 s6, s4  }
0x8: {  	s30 =	sadd.s32 s5, s7;
	s0 =	sshrl.u32 s0, $0x3;
	s4 =	sadd.s32 $0x400, s4  }
0x9: {  	s9 =	sadd.s32 $0xA00, s30;
	[dreg:$0x4] =	wrdreg s4;
	s4 =	sadd.s32 s5, s0  }
0xa: {  	[dreg:$0x5] =	wrdreg s9;
	s0 =	sadd.s32 $0x1400, s4  }
0xb: {  	s10 =	sadd.s32 $0x1E00, s4;
	[dreg:$0x6] =	wrdreg s0  }
0xc: {  	s11 =	sadd.s32 $0x2800, s4;
	[dreg:$0x7] =	wrdreg s10  }
0xd: {  	s13 =	sadd.s32 $0x3200, s4;
	[dreg:$0x8] =	wrdreg s11  }
0xe: {  	s14 =	sadd.s32 $0x3C00, s4;
	[dreg:$0x9] =	wrdreg s13  }
0xf: {  	s15 =	sadd.s32 $0x4600, s4;
	[dreg:$0xa] =	wrdreg s14  }
0x10: {  	s16 =	sadd.s32 $0x5000, s4;
	[dreg:$0xb] =	wrdreg s15  }
0x11: {  	s17 =	sadd.s32 $0x5A00, s4;
	[dreg:$0xc] =	wrdreg s16  }
0x12: {  	s18 =	sadd.s32 $0x6400, s4;
	[dreg:$0xd] =	wrdreg s17  }
0x13: {  	s19 =	sadd.s32 $0x6E00, s4;
	[dreg:$0xe] =	wrdreg s18  }
0x14: {  	s20 =	sadd.s32 $0x7800, s4;
	[dreg:$0xf] =	wrdreg s19  }
0x15: {  	s21 =	sadd.s32 $0x8200, s4;
	[dreg:$0x10] =	wrdreg s20  }
0x16: {  	s22 =	sadd.s32 $0x8C00, s4;
	[dreg:$0x11] =	wrdreg s21  }
0x17: {  	s23 =	sadd.s32 $0x9600, s4;
	[dreg:$0x12] =	wrdreg s22  }
0x18: {  	s24 =	sadd.s32 $0xA000, s4;
	[dreg:$0x13] =	wrdreg s23  }
0x19: {  	s25 =	sadd.s32 $0xAA00, s4;
	[dreg:$0x14] =	wrdreg s24  }
0x1a: {  	s26 =	sadd.s32 $0xB400, s4;
	[dreg:$0x15] =	wrdreg s25  }
0x1b: {  	s5 =	sadd.s32 $0xBE00, s4;
	[dreg:$0x16] =	wrdreg s26  }
0x1c: {  	s6 =	sadd.s32 $0xC800, s4;
	[dreg:$0x17] =	wrdreg s5  }
0x1d: {  	s7 =	sadd.s32 $0xD200, s4;
	[dreg:$0x18] =	wrdreg s6  }
0x1e: {  	s8 =	sadd.s32 $0xDC00, s4;
	[dreg:$0x19] =	wrdreg s7  }
0x1f: {  	s9 =	sadd.s32 $0xE600, s4;
	[dreg:$0x1a] =	wrdreg s8  }
0x20: {  	[dreg:$0x1b] =	wrdreg s9  }
0x21: {  	s10 =	sadd.s32 $0xF000, s4;
	s0 =	rddreg [dreg:$0x4]  }
0x22: {  	s11 =	sadd.s32 $0xFA00, s4;
	[dreg:$0x1c] =	wrdreg s10  }
0x23: {  	s13 =	sadd.s32 $0x10400, s4;
	[dreg:$0x1d] =	wrdreg s11  }
0x24: {  	s14 =	sadd.s32 $0x10E00, s4;
	[dreg:$0x1e] =	wrdreg s13  }
0x25: {  	s15 =	sadd.s32 $0x11800, s4;
	[dreg:$0x1f] =	wrdreg s14  }
0x26: {  	s16 =	sadd.s32 $0x12200, s4;
	[smem:$0x7DD] =	sst s15  }
0x27: {  	s17 =	sadd.s32 $0x12C00, s4;
	[smem:$0x7DE] =	sst s16  }
0x28: {  	s18 =	sadd.s32 $0x13600, s4;
	[smem:$0x7DF] =	sst s17  }
0x29: {  	s19 =	sadd.s32 $0x14000, s4;
	[smem:$0x7E0] =	sst s18  }
0x2a: {  	s20 =	sadd.s32 $0x14A00, s4;
	[smem:$0x7E1] =	sst s19  }
0x2b: {  	s21 =	sadd.s32 $0x15400, s4;
	[smem:$0x7E2] =	sst s20  }
0x2c: {  	s22 =	sadd.s32 $0x15E00, s4;
	[smem:$0x7E3] =	sst s21  }
0x2d: {  	s23 =	sadd.s32 $0x16800, s4;
	[smem:$0x7E4] =	sst s22  }
0x2e: {  	s24 =	sadd.s32 $0x17200, s4;
	[smem:$0x7E5] =	sst s23  }
0x2f: {  	s25 =	sadd.s32 $0x17C00, s4;
	[smem:$0x7E6] =	sst s24  }
0x30: {  	s26 =	sadd.s32 $0x18600, s4;
	[smem:$0x7E7] =	sst s25  }
0x31: {  	s4 =	simm.s32 $0x140;
	[smem:$0x7E8] =	sst s26  }
0x32: {  	s5 =	simm.s32 $0x1E0;
	[smem:$0x7E9] =	sst s4  }
0x33: {  	s6 =	simm.s32 $0x280;
	[smem:$0x7EA] =	sst s5  }
0x34: {  	s7 =	simm.s32 $0x320;
	[smem:$0x7EB] =	sst s6  }
0x35: {  	s8 =	simm.s32 $0x3C0;
	[smem:$0x7EC] =	sst s7  }
0x36: {  	s31 =	simm.s32 $0x3;
	s9 =	simm.s32 $0x460;
	[smem:$0x7ED] =	sst s8  }
0x37: {  	s29 =	simm.s32 $0xF00;
	[smem:$0x7EE] =	sst s9;
	s10 =	simm.s32 $0x500  }
0x38: {  	s28 =	simm.s32 $0xFA0;
	s11 =	simm.s32 $0x5A0;
	[smem:$0x7EF] =	sst s10  }
0x39: {  	p0 =	por $0x0, $0x0;
	s13 =	simm.s32 $0x640;
	[smem:$0x7F0] =	sst s11  }
0x3a: {  	s1 =	ssub.s32 $0x2, s1;
	s14 =	simm.s32 $0x6E0;
	[smem:$0x7F1] =	sst s13  }
0x3b: {  	s15 =	simm.s32 $0x780;
	s16 =	sshrl.u32 s1, $0x1;
	[smem:$0x7F2] =	sst s14  }
0x3c: {  	s17 =	simm.s32 $0x820;
	s18 =	simm.s32 $0x8C0;
	[smem:$0x7F3] =	sst s15  }
0x3d: {  	s19 =	simm.s32 $0x960;
	s20 =	simm.s32 $0xA00;
	[smem:$0x7F4] =	sst s17  }
0x3e: {  	s9 =	simm.s32 $0xA0;
	s21 =	simm.s32 $0xAA0;
	[smem:$0x7F5] =	sst s18  }
0x3f: {  	s22 =	simm.s32 $0xB40;
	s23 =	simm.s32 $0xBE0;
	[smem:$0x7F6] =	sst s19  }
0x40: {  	s8 =	simm.s32 $0xB900;
	s24 =	simm.s32 $0xC80;
	[smem:$0x7F7] =	sst s20  }
0x41: {  	s6 =	simm.s32 $0x10900;
	s25 =	simm.s32 $0xD20;
	[smem:$0x7F8] =	sst s21  }
0x42: {  	s5 =	simm.s32 $0x1;
	s26 =	simm.s32 $0xDC0;
	[smem:$0x7F9] =	sst s22  }
0x43: {  	s7 =	simm.s32 $0x15900;
	s4 =	simm.s32 $0x2;
	[smem:$0x7FA] =	sst s23  }
0x44: {  	s1 =	ssub.s32 s1, s16;
	s11 =	simm.s32 $0x1900;
	[smem:$0x7FB] =	sst s24  }
0x45: {  	s10 =	simm.s32 $0x6900;
	[smem:$0x7FC] =	sst s25;
	s1 =	smax.u32 s1, $0x1  }
0x46: {  	[smem:$0x7FD] =	sst s26;
	s26 =	simm.s32 $0x1040;
	p1 =	sne.s32 s1, $0x1  }
.Ltmp0:
0x47: {  	s25 =	simm.s32 $0x10E0;
	s24 =	simm.s32 $0x1180;
	(pc) =	sbr.rel @!p1 .LBB2_1-.Ltmp0, $4  }
0x48: {  	s23 =	simm.s32 $0x1220;
	s22 =	simm.s32 $0x12C0;
	s21 =	simm.s32 $0x1360  }
0x49: {  	s20 =	simm.s32 $0x1400;
	s19 =	simm.s32 $0x14A0;
	s18 =	simm.s32 $0x1540  }
0x4a: {  	s17 =	simm.s32 $0x15E0;
	s16 =	simm.s32 $0x1680;
	s15 =	simm.s32 $0x1720  }
0x4b: {  	s14 =	simm.s32 $0x17C0;
	s13 =	simm.s32 $0x1860;
	s1 =	sadd.s32 $0xFFFFFFFF, s1  }
0x4c: {  	[tilespmem:s2], [sflag:$0x3] =	stream.linear.gather [hbm4b:s0+s2], $0x1900, $0x38;
	[tilespmem:$0x1A900] =	vst v63  }
0x4d: {  	_ =	swait.ge [sflag:s31], $0x1900  }
0x4e: {  	[sflag:s31] =	ssyncset.done $0x0  }
0x4f: {  	[sflag:s31] =	ssyncadd.s32 $0xFFFFE700  }
0x50: {  	[tilespmem:s11], [sflag:$0x1] =	stream.indirect.gather [hbm4b:s3+s9], $0x80, s2, s9, $0xb8;
	[tilespmem:$0x1A900] =	vst v63  }
0x51: {  	s0 =	sld [smem:$0x7E9]  }
0x52: {  	[tilespmem:s10], [sflag:$0x1] =	stream.indirect.gather [hbm4b:s3+s9], $0x80, s9, s9, $0xb8;
	[tilespmem:$0x1A900] =	vst v63  }
0x53: {  	s12 =	smov.u32 s1;
	s1 =	sld [smem:$0x7EA]  }
0x54: {  	[tilespmem:s8], [sflag:$0x1] =	stream.indirect.gather [hbm4b:s3+s9], $0x80, s0, s9, $0xb8;
	[tilespmem:$0x1A900] =	vst v63  }
0x55: {  	_ = 	snop  }
0x56: {  	[tilespmem:s6], [sflag:$0x1] =	stream.indirect.gather [hbm4b:s3+s9], $0x80, s1, s9, $0xb8;
	[tilespmem:$0x1A900] =	vst v63  }
0x57: {  	_ =	swait.ge [sflag:s5], $0x5000  }
0x58: {  	[sflag:s5] =	ssyncset.done $0x0  }
0x59: {  	s1 =	sld [smem:$0x7EB];
	[sflag:s5] =	ssyncadd.s32 $0xFFFFB000  }
0x5a: {  	[hbm4b:s30+s2] =	stream.linear.scatter [tilespmem:s11], [sflag:$0x2], $0x5000, $0x38;
	[tilespmem:$0x1A900] =	vst v63  }
0x5b: {  	_ = 	snop  }
0x5c: {  	[tilespmem:s7], [sflag:$0x1] =	stream.indirect.gather [hbm4b:s3+s9], $0x80, s1, s9, $0xb8;
	[tilespmem:$0x1A900] =	vst v63  }
0x5d: {  	_ =	swait.ge [sflag:s5], $0x5000  }
0x5e: {  	[sflag:s5] =	ssyncset.done $0x0  }
0x5f: {  	s1 =	rddreg [dreg:$0x5];
	[sflag:s5] =	ssyncadd.s32 $0xFFFFB000  }
0x60: {  	[hbm4b:s1+s2] =	stream.linear.scatter [tilespmem:s10], [sflag:$0x2], $0x5000, $0x38;
	[tilespmem:$0x1A900] =	vst v63  }
0x61: {  	_ =	swait.ge [sflag:s4], $0x5000  }
0x62: {  	s1 =	sld [smem:$0x7EC]  }
0x63: {  	[sflag:s4] =	ssyncset.done $0x0  }
0x64: {  	[sflag:s4] =	ssyncadd.s32 $0xFFFFB000  }
0x65: {  	[tilespmem:s11], [sflag:$0x1] =	stream.indirect.gather [hbm4b:s3+s9], $0x80, s1, s9, $0xb8;
	[tilespmem:$0x1A900] =	vst v63  }
0x66: {  	_ =	swait.ge [sflag:s5], $0x5000  }
0x67: {  	[sflag:s5] =	ssyncset.done $0x0  }
0x68: {  	s1 =	rddreg [dreg:$0x6];
	[sflag:s5] =	ssyncadd.s32 $0xFFFFB000  }
0x69: {  	[hbm4b:s1+s2] =	stream.linear.scatter [tilespmem:s8], [sflag:$0x2], $0x5000, $0x38;
	[tilespmem:$0x1A900] =	vst v63  }
0x6a: {  	_ =	swait.ge [sflag:s4], $0x5000  }
0x6b: {  	s1 =	sld [smem:$0x7ED]  }
0x6c: {  	[sflag:s4] =	ssyncset.done $0x0  }
0x6d: {  	[sflag:s4] =	ssyncadd.s32 $0xFFFFB000  }
0x6e: {  	[tilespmem:s10], [sflag:$0x1] =	stream.indirect.gather [hbm4b:s3+s9], $0x80, s1, s9, $0xb8;
	[tilespmem:$0x1A900] =	vst v63  }
0x6f: {  	_ =	swait.ge [sflag:s5], $0x5000  }
0x70: {  	[sflag:s5] =	ssyncset.done $0x0  }
0x71: {  	s1 =	rddreg [dreg:$0x7];
	[sflag:s5] =	ssyncadd.s32 $0xFFFFB000  }
0x72: {  	[hbm4b:s1+s2] =	stream.linear.scatter [tilespmem:s6], [sflag:$0x2], $0x5000, $0x38;
	[tilespmem:$0x1A900] =	vst v63  }
0x73: {  	_ =	swait.ge [sflag:s4], $0x5000  }
0x74: {  	s1 =	sld [smem:$0x7EE]  }
0x75: {  	[sflag:s4] =	ssyncset.done $0x0  }
0x76: {  	[sflag:s4] =	ssyncadd.s32 $0xFFFFB000  }
0x77: {  	[tilespmem:s8], [sflag:$0x1] =	stream.indirect.gather [hbm4b:s3+s9], $0x80, s1, s9, $0xb8;
	[tilespmem:$0x1A900] =	vst v63  }
0x78: {  	_ =	swait.ge [sflag:s5], $0x5000  }
0x79: {  	[sflag:s5] =	ssyncset.done $0x0  }
0x7a: {  	s1 =	rddreg [dreg:$0x8];
	[sflag:s5] =	ssyncadd.s32 $0xFFFFB000  }
0x7b: {  	[hbm4b:s1+s2] =	stream.linear.scatter [tilespmem:s7], [sflag:$0x2], $0x5000, $0x38;
	[tilespmem:$0x1A900] =	vst v63  }
0x7c: {  	_ =	swait.ge [sflag:s4], $0x5000  }
0x7d: {  	s1 =	sld [smem:$0x7EF]  }
0x7e: {  	[sflag:s4] =	ssyncset.done $0x0  }
0x7f: {  	[sflag:s4] =	ssyncadd.s32 $0xFFFFB000  }
0x80: {  	[tilespmem:s6], [sflag:$0x1] =	stream.indirect.gather [hbm4b:s3+s9], $0x80, s1, s9, $0xb8;
	[tilespmem:$0x1A900] =	vst v63  }
0x81: {  	_ =	swait.ge [sflag:s5], $0x5000  }
0x82: {  	[sflag:s5] =	ssyncset.done $0x0  }
0x83: {  	s1 =	rddreg [dreg:$0x9];
	[sflag:s5] =	ssyncadd.s32 $0xFFFFB000  }
0x84: {  	[hbm4b:s1+s2] =	stream.linear.scatter [tilespmem:s11], [sflag:$0x2], $0x5000, $0x38;
	[tilespmem:$0x1A900] =	vst v63  }
0x85: {  	_ =	swait.ge [sflag:s4], $0x5000  }
0x86: {  	s1 =	sld [smem:$0x7F0]  }
0x87: {  	[sflag:s4] =	ssyncset.done $0x0  }
0x88: {  	[sflag:s4] =	ssyncadd.s32 $0xFFFFB000  }
0x89: {  	[tilespmem:s7], [sflag:$0x1] =	stream.indirect.gather [hbm4b:s3+s9], $0x80, s1, s9, $0xb8;
	[tilespmem:$0x1A900] =	vst v63  }
0x8a: {  	_ =	swait.ge [sflag:s5], $0x5000  }
0x8b: {  	[sflag:s5] =	ssyncset.done $0x0  }
0x8c: {  	s1 =	rddreg [dreg:$0xa];
	[sflag:s5] =	ssyncadd.s32 $0xFFFFB000  }
0x8d: {  	[hbm4b:s1+s2] =	stream.linear.scatter [tilespmem:s10], [sflag:$0x2], $0x5000, $0x38;
	[tilespmem:$0x1A900] =	vst v63  }
0x8e: {  	_ =	swait.ge [sflag:s4], $0x5000  }
0x8f: {  	s1 =	sld [smem:$0x7F1]  }
0x90: {  	[sflag:s4] =	ssyncset.done $0x0  }
0x91: {  	[sflag:s4] =	ssyncadd.s32 $0xFFFFB000  }
0x92: {  	[tilespmem:s11], [sflag:$0x1] =	stream.indirect.gather [hbm4b:s3+s9], $0x80, s1, s9, $0xb8;
	[tilespmem:$0x1A900] =	vst v63  }
0x93: {  	_ =	swait.ge [sflag:s5], $0x5000  }
0x94: {  	[sflag:s5] =	ssyncset.done $0x0  }
0x95: {  	s1 =	rddreg [dreg:$0xb];
	[sflag:s5] =	ssyncadd.s32 $0xFFFFB000  }
0x96: {  	[hbm4b:s1+s2] =	stream.linear.scatter [tilespmem:s8], [sflag:$0x2], $0x5000, $0x38;
	[tilespmem:$0x1A900] =	vst v63  }
0x97: {  	_ =	swait.ge [sflag:s4], $0x5000  }
0x98: {  	s1 =	sld [smem:$0x7F2]  }
0x99: {  	[sflag:s4] =	ssyncset.done $0x0  }
0x9a: {  	[sflag:s4] =	ssyncadd.s32 $0xFFFFB000  }
0x9b: {  	[tilespmem:s10], [sflag:$0x1] =	stream.indirect.gather [hbm4b:s3+s9], $0x80, s1, s9, $0xb8;
	[tilespmem:$0x1A900] =	vst v63  }
0x9c: {  	_ =	swait.ge [sflag:s5], $0x5000  }
0x9d: {  	[sflag:s5] =	ssyncset.done $0x0  }
0x9e: {  	s1 =	rddreg [dreg:$0xc];
	[sflag:s5] =	ssyncadd.s32 $0xFFFFB000  }
0x9f: {  	[hbm4b:s1+s2] =	stream.linear.scatter [tilespmem:s6], [sflag:$0x2], $0x5000, $0x38;
	[tilespmem:$0x1A900] =	vst v63  }
0xa0: {  	_ =	swait.ge [sflag:s4], $0x5000  }
0xa1: {  	s1 =	sld [smem:$0x7F3]  }
0xa2: {  	[sflag:s4] =	ssyncset.done $0x0  }
0xa3: {  	[sflag:s4] =	ssyncadd.s32 $0xFFFFB000  }
0xa4: {  	[tilespmem:s8], [sflag:$0x1] =	stream.indirect.gather [hbm4b:s3+s9], $0x80, s1, s9, $0xb8;
	[tilespmem:$0x1A900] =	vst v63  }
0xa5: {  	_ =	swait.ge [sflag:s5], $0x5000  }
0xa6: {  	[sflag:s5] =	ssyncset.done $0x0  }
0xa7: {  	s1 =	rddreg [dreg:$0xd];
	[sflag:s5] =	ssyncadd.s32 $0xFFFFB000  }
0xa8: {  	[hbm4b:s1+s2] =	stream.linear.scatter [tilespmem:s7], [sflag:$0x2], $0x5000, $0x38;
	[tilespmem:$0x1A900] =	vst v63  }
0xa9: {  	_ =	swait.ge [sflag:s4], $0x5000  }
0xaa: {  	s1 =	sld [smem:$0x7F4]  }
0xab: {  	[sflag:s4] =	ssyncset.done $0x0  }
0xac: {  	[sflag:s4] =	ssyncadd.s32 $0xFFFFB000  }
0xad: {  	[tilespmem:s6], [sflag:$0x1] =	stream.indirect.gather [hbm4b:s3+s9], $0x80, s1, s9, $0xb8;
	[tilespmem:$0x1A900] =	vst v63  }
0xae: {  	_ =	swait.ge [sflag:s5], $0x5000  }
0xaf: {  	[sflag:s5] =	ssyncset.done $0x0  }
0xb0: {  	s1 =	rddreg [dreg:$0xe];
	[sflag:s5] =	ssyncadd.s32 $0xFFFFB000  }
0xb1: {  	[hbm4b:s1+s2] =	stream.linear.scatter [tilespmem:s11], [sflag:$0x2], $0x5000, $0x38;
	[tilespmem:$0x1A900] =	vst v63  }
0xb2: {  	_ =	swait.ge [sflag:s4], $0x5000  }
0xb3: {  	s1 =	sld [smem:$0x7F5]  }
0xb4: {  	[sflag:s4] =	ssyncset.done $0x0  }
0xb5: {  	[sflag:s4] =	ssyncadd.s32 $0xFFFFB000  }
0xb6: {  	[tilespmem:s7], [sflag:$0x1] =	stream.indirect.gather [hbm4b:s3+s9], $0x80, s1, s9, $0xb8;
	[tilespmem:$0x1A900] =	vst v63  }
0xb7: {  	_ =	swait.ge [sflag:s5], $0x5000  }
0xb8: {  	[sflag:s5] =	ssyncset.done $0x0  }
0xb9: {  	s1 =	rddreg [dreg:$0xf];
	[sflag:s5] =	ssyncadd.s32 $0xFFFFB000  }
0xba: {  	[hbm4b:s1+s2] =	stream.linear.scatter [tilespmem:s10], [sflag:$0x2], $0x5000, $0x38;
	[tilespmem:$0x1A900] =	vst v63  }
0xbb: {  	_ =	swait.ge [sflag:s4], $0x5000  }
0xbc: {  	s1 =	sld [smem:$0x7F6]  }
0xbd: {  	[sflag:s4] =	ssyncset.done $0x0  }
0xbe: {  	[sflag:s4] =	ssyncadd.s32 $0xFFFFB000  }
0xbf: {  	[tilespmem:s11], [sflag:$0x1] =	stream.indirect.gather [hbm4b:s3+s9], $0x80, s1, s9, $0xb8;
	[tilespmem:$0x1A900] =	vst v63  }
0xc0: {  	_ =	swait.ge [sflag:s5], $0x5000  }
0xc1: {  	[sflag:s5] =	ssyncset.done $0x0  }
0xc2: {  	s1 =	rddreg [dreg:$0x10];
	[sflag:s5] =	ssyncadd.s32 $0xFFFFB000  }
0xc3: {  	[hbm4b:s1+s2] =	stream.linear.scatter [tilespmem:s8], [sflag:$0x2], $0x5000, $0x38;
	[tilespmem:$0x1A900] =	vst v63  }
0xc4: {  	_ =	swait.ge [sflag:s4], $0x5000  }
0xc5: {  	s1 =	sld [smem:$0x7F7]  }
0xc6: {  	[sflag:s4] =	ssyncset.done $0x0  }
0xc7: {  	[sflag:s4] =	ssyncadd.s32 $0xFFFFB000  }
0xc8: {  	[tilespmem:s10], [sflag:$0x1] =	stream.indirect.gather [hbm4b:s3+s9], $0x80, s1, s9, $0xb8;
	[tilespmem:$0x1A900] =	vst v63  }
0xc9: {  	_ =	swait.ge [sflag:s5], $0x5000  }
0xca: {  	[sflag:s5] =	ssyncset.done $0x0  }
0xcb: {  	s1 =	rddreg [dreg:$0x11];
	[sflag:s5] =	ssyncadd.s32 $0xFFFFB000  }
0xcc: {  	[hbm4b:s1+s2] =	stream.linear.scatter [tilespmem:s6], [sflag:$0x2], $0x5000, $0x38;
	[tilespmem:$0x1A900] =	vst v63  }
0xcd: {  	_ =	swait.ge [sflag:s4], $0x5000  }
0xce: {  	s1 =	sld [smem:$0x7F8]  }
0xcf: {  	[sflag:s4] =	ssyncset.done $0x0  }
0xd0: {  	[sflag:s4] =	ssyncadd.s32 $0xFFFFB000  }
0xd1: {  	[tilespmem:s8], [sflag:$0x1] =	stream.indirect.gather [hbm4b:s3+s9], $0x80, s1, s9, $0xb8;
	[tilespmem:$0x1A900] =	vst v63  }
0xd2: {  	_ =	swait.ge [sflag:s5], $0x5000  }
0xd3: {  	[sflag:s5] =	ssyncset.done $0x0  }
0xd4: {  	s1 =	rddreg [dreg:$0x12];
	[sflag:s5] =	ssyncadd.s32 $0xFFFFB000  }
0xd5: {  	[hbm4b:s1+s2] =	stream.linear.scatter [tilespmem:s7], [sflag:$0x2], $0x5000, $0x38;
	[tilespmem:$0x1A900] =	vst v63  }
0xd6: {  	_ =	swait.ge [sflag:s4], $0x5000  }
0xd7: {  	s1 =	sld [smem:$0x7F9]  }
0xd8: {  	[sflag:s4] =	ssyncset.done $0x0  }
0xd9: {  	[sflag:s4] =	ssyncadd.s32 $0xFFFFB000  }
0xda: {  	[tilespmem:s6], [sflag:$0x1] =	stream.indirect.gather [hbm4b:s3+s9], $0x80, s1, s9, $0xb8;
	[tilespmem:$0x1A900] =	vst v63  }
0xdb: {  	_ =	swait.ge [sflag:s5], $0x5000  }
0xdc: {  	[sflag:s5] =	ssyncset.done $0x0  }
0xdd: {  	s1 =	rddreg [dreg:$0x13];
	[sflag:s5] =	ssyncadd.s32 $0xFFFFB000  }
0xde: {  	[hbm4b:s1+s2] =	stream.linear.scatter [tilespmem:s11], [sflag:$0x2], $0x5000, $0x38;
	[tilespmem:$0x1A900] =	vst v63  }
0xdf: {  	_ =	swait.ge [sflag:s4], $0x5000  }
0xe0: {  	s1 =	sld [smem:$0x7FA]  }
0xe1: {  	[sflag:s4] =	ssyncset.done $0x0  }
0xe2: {  	[sflag:s4] =	ssyncadd.s32 $0xFFFFB000  }
0xe3: {  	[tilespmem:s7], [sflag:$0x1] =	stream.indirect.gather [hbm4b:s3+s9], $0x80, s1, s9, $0xb8;
	[tilespmem:$0x1A900] =	vst v63  }
0xe4: {  	_ =	swait.ge [sflag:s5], $0x5000  }
0xe5: {  	[sflag:s5] =	ssyncset.done $0x0  }
0xe6: {  	s1 =	rddreg [dreg:$0x14];
	[sflag:s5] =	ssyncadd.s32 $0xFFFFB000  }
0xe7: {  	[hbm4b:s1+s2] =	stream.linear.scatter [tilespmem:s10], [sflag:$0x2], $0x5000, $0x38;
	[tilespmem:$0x1A900] =	vst v63  }
0xe8: {  	_ =	swait.ge [sflag:s4], $0x5000  }
0xe9: {  	s1 =	sld [smem:$0x7FB]  }
0xea: {  	[sflag:s4] =	ssyncset.done $0x0  }
0xeb: {  	[sflag:s4] =	ssyncadd.s32 $0xFFFFB000  }
0xec: {  	[tilespmem:s11], [sflag:$0x1] =	stream.indirect.gather [hbm4b:s3+s9], $0x80, s1, s9, $0xb8;
	[tilespmem:$0x1A900] =	vst v63  }
0xed: {  	_ =	swait.ge [sflag:s5], $0x5000  }
0xee: {  	[sflag:s5] =	ssyncset.done $0x0  }
0xef: {  	s1 =	rddreg [dreg:$0x15];
	[sflag:s5] =	ssyncadd.s32 $0xFFFFB000  }
0xf0: {  	[hbm4b:s1+s2] =	stream.linear.scatter [tilespmem:s8], [sflag:$0x2], $0x5000, $0x38;
	[tilespmem:$0x1A900] =	vst v63  }
0xf1: {  	_ =	swait.ge [sflag:s4], $0x5000  }
0xf2: {  	s1 =	sld [smem:$0x7FC]  }
0xf3: {  	[sflag:s4] =	ssyncset.done $0x0  }
0xf4: {  	[sflag:s4] =	ssyncadd.s32 $0xFFFFB000  }
0xf5: {  	[tilespmem:s10], [sflag:$0x1] =	stream.indirect.gather [hbm4b:s3+s9], $0x80, s1, s9, $0xb8;
	[tilespmem:$0x1A900] =	vst v63  }
0xf6: {  	_ =	swait.ge [sflag:s5], $0x5000  }
0xf7: {  	[sflag:s5] =	ssyncset.done $0x0  }
0xf8: {  	s1 =	rddreg [dreg:$0x16];
	[sflag:s5] =	ssyncadd.s32 $0xFFFFB000  }
0xf9: {  	[hbm4b:s1+s2] =	stream.linear.scatter [tilespmem:s6], [sflag:$0x2], $0x5000, $0x38;
	[tilespmem:$0x1A900] =	vst v63  }
0xfa: {  	_ =	swait.ge [sflag:s4], $0x5000  }
0xfb: {  	s1 =	sld [smem:$0x7FD]  }
0xfc: {  	[sflag:s4] =	ssyncset.done $0x0  }
0xfd: {  	[sflag:s4] =	ssyncadd.s32 $0xFFFFB000  }
0xfe: {  	[tilespmem:s8], [sflag:$0x1] =	stream.indirect.gather [hbm4b:s3+s9], $0x80, s1, s9, $0xb8;
	[tilespmem:$0x1A900] =	vst v63  }
0xff: {  	_ =	swait.ge [sflag:s5], $0x5000  }
0x100: {  	[sflag:s5] =	ssyncset.done $0x0  }
0x101: {  	s1 =	rddreg [dreg:$0x17];
	[sflag:s5] =	ssyncadd.s32 $0xFFFFB000  }
0x102: {  	[hbm4b:s1+s2] =	stream.linear.scatter [tilespmem:s7], [sflag:$0x2], $0x5000, $0x38;
	[tilespmem:$0x1A900] =	vst v63  }
0x103: {  	_ =	swait.ge [sflag:s4], $0x5000  }
0x104: {  	[sflag:s4] =	ssyncset.done $0x0  }
0x105: {  	s1 =	simm.s32 $0xE60;
	[sflag:s4] =	ssyncadd.s32 $0xFFFFB000  }
0x106: {  	[tilespmem:s6], [sflag:$0x1] =	stream.indirect.gather [hbm4b:s3+s9], $0x80, s1, s9, $0xb8;
	[tilespmem:$0x1A900] =	vst v63  }
0x107: {  	_ =	swait.ge [sflag:s5], $0x5000  }
0x108: {  	[sflag:s5] =	ssyncset.done $0x0  }
0x109: {  	s1 =	rddreg [dreg:$0x18];
	[sflag:s5] =	ssyncadd.s32 $0xFFFFB000  }
0x10a: {  	[hbm4b:s1+s2] =	stream.linear.scatter [tilespmem:s11], [sflag:$0x2], $0x5000, $0x38;
	[tilespmem:$0x1A900] =	vst v63  }
0x10b: {  	_ =	swait.ge [sflag:s4], $0x5000  }
0x10c: {  	[sflag:s4] =	ssyncset.done $0x0  }
0x10d: {  	[sflag:s4] =	ssyncadd.s32 $0xFFFFB000  }
0x10e: {  	[tilespmem:s7], [sflag:$0x1] =	stream.indirect.gather [hbm4b:s3+s9], $0x80, s29, s9, $0xb8;
	[tilespmem:$0x1A900] =	vst v63  }
0x10f: {  	_ =	swait.ge [sflag:s5], $0x5000  }
0x110: {  	[sflag:s5] =	ssyncset.done $0x0  }
0x111: {  	s1 =	rddreg [dreg:$0x19];
	[sflag:s5] =	ssyncadd.s32 $0xFFFFB000  }
0x112: {  	[hbm4b:s1+s2] =	stream.linear.scatter [tilespmem:s10], [sflag:$0x2], $0x5000, $0x38;
	[tilespmem:$0x1A900] =	vst v63  }
0x113: {  	_ =	swait.ge [sflag:s4], $0x5000  }
0x114: {  	[sflag:s4] =	ssyncset.done $0x0  }
0x115: {  	[sflag:s4] =	ssyncadd.s32 $0xFFFFB000  }
0x116: {  	[tilespmem:s11], [sflag:$0x1] =	stream.indirect.gather [hbm4b:s3+s9], $0x80, s28, s9, $0xb8;
	[tilespmem:$0x1A900] =	vst v63  }
0x117: {  	_ =	swait.ge [sflag:s5], $0x5000  }
0x118: {  	[sflag:s5] =	ssyncset.done $0x0  }
0x119: {  	s1 =	rddreg [dreg:$0x1a];
	[sflag:s5] =	ssyncadd.s32 $0xFFFFB000  }
0x11a: {  	[hbm4b:s1+s2] =	stream.linear.scatter [tilespmem:s8], [sflag:$0x2], $0x5000, $0x38;
	[tilespmem:$0x1A900] =	vst v63  }
0x11b: {  	_ =	swait.ge [sflag:s4], $0x5000  }
0x11c: {  	[sflag:s4] =	ssyncset.done $0x0  }
0x11d: {  	[sflag:s4] =	ssyncadd.s32 $0xFFFFB000  }
0x11e: {  	[tilespmem:s10], [sflag:$0x1] =	stream.indirect.gather [hbm4b:s3+s9], $0x80, s26, s9, $0xb8;
	[tilespmem:$0x1A900] =	vst v63  }
0x11f: {  	_ =	swait.ge [sflag:s5], $0x5000  }
0x120: {  	[sflag:s5] =	ssyncset.done $0x0  }
0x121: {  	s1 =	rddreg [dreg:$0x1b];
	[sflag:s5] =	ssyncadd.s32 $0xFFFFB000  }
0x122: {  	[hbm4b:s1+s2] =	stream.linear.scatter [tilespmem:s6], [sflag:$0x2], $0x5000, $0x38;
	[tilespmem:$0x1A900] =	vst v63  }
0x123: {  	_ =	swait.ge [sflag:s4], $0x5000  }
0x124: {  	[sflag:s4] =	ssyncset.done $0x0  }
0x125: {  	[sflag:s4] =	ssyncadd.s32 $0xFFFFB000  }
0x126: {  	[tilespmem:s8], [sflag:$0x1] =	stream.indirect.gather [hbm4b:s3+s9], $0x80, s25, s9, $0xb8;
	[tilespmem:$0x1A900] =	vst v63  }
0x127: {  	_ =	swait.ge [sflag:s5], $0x5000  }
0x128: {  	[sflag:s5] =	ssyncset.done $0x0  }
0x129: {  	s1 =	rddreg [dreg:$0x1c];
	[sflag:s5] =	ssyncadd.s32 $0xFFFFB000  }
0x12a: {  	[hbm4b:s1+s2] =	stream.linear.scatter [tilespmem:s7], [sflag:$0x2], $0x5000, $0x38;
	[tilespmem:$0x1A900] =	vst v63  }
0x12b: {  	_ =	swait.ge [sflag:s4], $0x5000  }
0x12c: {  	[sflag:s4] =	ssyncset.done $0x0  }
0x12d: {  	[sflag:s4] =	ssyncadd.s32 $0xFFFFB000  }
0x12e: {  	[tilespmem:s6], [sflag:$0x1] =	stream.indirect.gather [hbm4b:s3+s9], $0x80, s24, s9, $0xb8;
	[tilespmem:$0x1A900] =	vst v63  }
0x12f: {  	_ =	swait.ge [sflag:s5], $0x5000  }
0x130: {  	[sflag:s5] =	ssyncset.done $0x0  }
0x131: {  	s1 =	rddreg [dreg:$0x1d];
	[sflag:s5] =	ssyncadd.s32 $0xFFFFB000  }
0x132: {  	[hbm4b:s1+s2] =	stream.linear.scatter [tilespmem:s11], [sflag:$0x2], $0x5000, $0x38;
	[tilespmem:$0x1A900] =	vst v63  }
0x133: {  	_ =	swait.ge [sflag:s4], $0x5000  }
0x134: {  	[sflag:s4] =	ssyncset.done $0x0  }
0x135: {  	[sflag:s4] =	ssyncadd.s32 $0xFFFFB000  }
0x136: {  	[tilespmem:s7], [sflag:$0x1] =	stream.indirect.gather [hbm4b:s3+s9], $0x80, s23, s9, $0xb8;
	[tilespmem:$0x1A900] =	vst v63  }
0x137: {  	_ =	swait.ge [sflag:s5], $0x5000  }
0x138: {  	[sflag:s5] =	ssyncset.done $0x0  }
0x139: {  	s1 =	rddreg [dreg:$0x1e];
	[sflag:s5] =	ssyncadd.s32 $0xFFFFB000  }
0x13a: {  	[hbm4b:s1+s2] =	stream.linear.scatter [tilespmem:s10], [sflag:$0x2], $0x5000, $0x38;
	[tilespmem:$0x1A900] =	vst v63  }
0x13b: {  	_ =	swait.ge [sflag:s4], $0x5000  }
0x13c: {  	[sflag:s4] =	ssyncset.done $0x0  }
0x13d: {  	[sflag:s4] =	ssyncadd.s32 $0xFFFFB000  }
0x13e: {  	[tilespmem:s11], [sflag:$0x1] =	stream.indirect.gather [hbm4b:s3+s9], $0x80, s22, s9, $0xb8;
	[tilespmem:$0x1A900] =	vst v63  }
0x13f: {  	_ =	swait.ge [sflag:s5], $0x5000  }
0x140: {  	[sflag:s5] =	ssyncset.done $0x0  }
0x141: {  	s1 =	rddreg [dreg:$0x1f];
	[sflag:s5] =	ssyncadd.s32 $0xFFFFB000  }
0x142: {  	[hbm4b:s1+s2] =	stream.linear.scatter [tilespmem:s8], [sflag:$0x2], $0x5000, $0x38;
	[tilespmem:$0x1A900] =	vst v63  }
0x143: {  	_ =	swait.ge [sflag:s4], $0x5000  }
0x144: {  	[sflag:s4] =	ssyncset.done $0x0  }
0x145: {  	[sflag:s4] =	ssyncadd.s32 $0xFFFFB000  }
0x146: {  	[tilespmem:s10], [sflag:$0x1] =	stream.indirect.gather [hbm4b:s3+s9], $0x80, s21, s9, $0xb8;
	[tilespmem:$0x1A900] =	vst v63  }
0x147: {  	_ =	swait.ge [sflag:s5], $0x5000  }
0x148: {  	s1 =	sld [smem:$0x7DD]  }
0x149: {  	[sflag:s5] =	ssyncset.done $0x0  }
0x14a: {  	[sflag:s5] =	ssyncadd.s32 $0xFFFFB000  }
0x14b: {  	[hbm4b:s1+s2] =	stream.linear.scatter [tilespmem:s6], [sflag:$0x2], $0x5000, $0x38;
	[tilespmem:$0x1A900] =	vst v63  }
0x14c: {  	_ =	swait.ge [sflag:s4], $0x5000  }
0x14d: {  	[sflag:s4] =	ssyncset.done $0x0  }
0x14e: {  	[sflag:s4] =	ssyncadd.s32 $0xFFFFB000  }
0x14f: {  	[tilespmem:s8], [sflag:$0x1] =	stream.indirect.gather [hbm4b:s3+s9], $0x80, s20, s9, $0xb8;
	[tilespmem:$0x1A900] =	vst v63  }
0x150: {  	_ =	swait.ge [sflag:s5], $0x5000  }
0x151: {  	s1 =	sld [smem:$0x7DE]  }
0x152: {  	[sflag:s5] =	ssyncset.done $0x0  }
0x153: {  	[sflag:s5] =	ssyncadd.s32 $0xFFFFB000  }
0x154: {  	[hbm4b:s1+s2] =	stream.linear.scatter [tilespmem:s7], [sflag:$0x2], $0x5000, $0x38;
	[tilespmem:$0x1A900] =	vst v63  }
0x155: {  	_ =	swait.ge [sflag:s4], $0x5000  }
0x156: {  	[sflag:s4] =	ssyncset.done $0x0  }
0x157: {  	[sflag:s4] =	ssyncadd.s32 $0xFFFFB000  }
0x158: {  	[tilespmem:s6], [sflag:$0x1] =	stream.indirect.gather [hbm4b:s3+s9], $0x80, s19, s9, $0xb8;
	[tilespmem:$0x1A900] =	vst v63  }
0x159: {  	_ =	swait.ge [sflag:s5], $0x5000  }
0x15a: {  	s1 =	sld [smem:$0x7DF]  }
0x15b: {  	[sflag:s5] =	ssyncset.done $0x0  }
0x15c: {  	[sflag:s5] =	ssyncadd.s32 $0xFFFFB000  }
0x15d: {  	[hbm4b:s1+s2] =	stream.linear.scatter [tilespmem:s11], [sflag:$0x2], $0x5000, $0x38;
	[tilespmem:$0x1A900] =	vst v63  }
0x15e: {  	_ =	swait.ge [sflag:s4], $0x5000  }
0x15f: {  	[sflag:s4] =	ssyncset.done $0x0  }
0x160: {  	[sflag:s4] =	ssyncadd.s32 $0xFFFFB000  }
0x161: {  	[tilespmem:s7], [sflag:$0x1] =	stream.indirect.gather [hbm4b:s3+s9], $0x80, s18, s9, $0xb8;
	[tilespmem:$0x1A900] =	vst v63  }
0x162: {  	_ =	swait.ge [sflag:s5], $0x5000  }
0x163: {  	s1 =	sld [smem:$0x7E0]  }
0x164: {  	[sflag:s5] =	ssyncset.done $0x0  }
0x165: {  	[sflag:s5] =	ssyncadd.s32 $0xFFFFB000  }
0x166: {  	[hbm4b:s1+s2] =	stream.linear.scatter [tilespmem:s10], [sflag:$0x2], $0x5000, $0x38;
	[tilespmem:$0x1A900] =	vst v63  }
0x167: {  	_ =	swait.ge [sflag:s4], $0x5000  }
0x168: {  	[sflag:s4] =	ssyncset.done $0x0  }
0x169: {  	[sflag:s4] =	ssyncadd.s32 $0xFFFFB000  }
0x16a: {  	[tilespmem:s11], [sflag:$0x1] =	stream.indirect.gather [hbm4b:s3+s9], $0x80, s17, s9, $0xb8;
	[tilespmem:$0x1A900] =	vst v63  }
0x16b: {  	_ =	swait.ge [sflag:s5], $0x5000  }
0x16c: {  	s1 =	sld [smem:$0x7E1]  }
0x16d: {  	[sflag:s5] =	ssyncset.done $0x0  }
0x16e: {  	[sflag:s5] =	ssyncadd.s32 $0xFFFFB000  }
0x16f: {  	[hbm4b:s1+s2] =	stream.linear.scatter [tilespmem:s8], [sflag:$0x2], $0x5000, $0x38;
	[tilespmem:$0x1A900] =	vst v63  }
0x170: {  	_ =	swait.ge [sflag:s4], $0x5000  }
0x171: {  	[sflag:s4] =	ssyncset.done $0x0  }
0x172: {  	[sflag:s4] =	ssyncadd.s32 $0xFFFFB000  }
0x173: {  	[tilespmem:s10], [sflag:$0x1] =	stream.indirect.gather [hbm4b:s3+s9], $0x80, s16, s9, $0xb8;
	[tilespmem:$0x1A900] =	vst v63  }
0x174: {  	_ =	swait.ge [sflag:s5], $0x5000  }
0x175: {  	s1 =	sld [smem:$0x7E2]  }
0x176: {  	[sflag:s5] =	ssyncset.done $0x0  }
0x177: {  	[sflag:s5] =	ssyncadd.s32 $0xFFFFB000  }
0x178: {  	[hbm4b:s1+s2] =	stream.linear.scatter [tilespmem:s6], [sflag:$0x2], $0x5000, $0x38;
	[tilespmem:$0x1A900] =	vst v63  }
0x179: {  	_ =	swait.ge [sflag:s4], $0x5000  }
0x17a: {  	[sflag:s4] =	ssyncset.done $0x0  }
0x17b: {  	[sflag:s4] =	ssyncadd.s32 $0xFFFFB000  }
0x17c: {  	[tilespmem:s8], [sflag:$0x1] =	stream.indirect.gather [hbm4b:s3+s9], $0x80, s15, s9, $0xb8;
	[tilespmem:$0x1A900] =	vst v63  }
0x17d: {  	_ =	swait.ge [sflag:s5], $0x5000  }
0x17e: {  	s1 =	sld [smem:$0x7E3]  }
0x17f: {  	[sflag:s5] =	ssyncset.done $0x0  }
0x180: {  	[sflag:s5] =	ssyncadd.s32 $0xFFFFB000  }
0x181: {  	[hbm4b:s1+s2] =	stream.linear.scatter [tilespmem:s7], [sflag:$0x2], $0x5000, $0x38;
	[tilespmem:$0x1A900] =	vst v63  }
0x182: {  	_ =	swait.ge [sflag:s4], $0x5000  }
0x183: {  	[sflag:s4] =	ssyncset.done $0x0  }
0x184: {  	[sflag:s4] =	ssyncadd.s32 $0xFFFFB000  }
0x185: {  	[tilespmem:s6], [sflag:$0x1] =	stream.indirect.gather [hbm4b:s3+s9], $0x80, s14, s9, $0xb8;
	[tilespmem:$0x1A900] =	vst v63  }
0x186: {  	_ =	swait.ge [sflag:s5], $0x5000  }
0x187: {  	s1 =	sld [smem:$0x7E4]  }
0x188: {  	[sflag:s5] =	ssyncset.done $0x0  }
0x189: {  	[sflag:s5] =	ssyncadd.s32 $0xFFFFB000  }
0x18a: {  	[hbm4b:s1+s2] =	stream.linear.scatter [tilespmem:s11], [sflag:$0x2], $0x5000, $0x38;
	[tilespmem:$0x1A900] =	vst v63  }
0x18b: {  	_ =	swait.ge [sflag:s4], $0x5000  }
0x18c: {  	[sflag:s4] =	ssyncset.done $0x0  }
0x18d: {  	[sflag:s4] =	ssyncadd.s32 $0xFFFFB000  }
0x18e: {  	[tilespmem:s7], [sflag:$0x1] =	stream.indirect.gather [hbm4b:s3+s9], $0x80, s13, s9, $0xb8;
	[tilespmem:$0x1A900] =	vst v63  }
0x18f: {  	_ =	swait.ge [sflag:s5], $0x5000  }
0x190: {  	s1 =	sld [smem:$0x7E5]  }
0x191: {  	[sflag:s5] =	ssyncset.done $0x0  }
0x192: {  	[sflag:s5] =	ssyncadd.s32 $0xFFFFB000  }
0x193: {  	[hbm4b:s1+s2] =	stream.linear.scatter [tilespmem:s10], [sflag:$0x2], $0x5000, $0x38;
	[tilespmem:$0x1A900] =	vst v63  }
0x194: {  	_ =	swait.ge [sflag:s5], $0x5000  }
0x195: {  	s1 =	sld [smem:$0x7E6]  }
0x196: {  	[sflag:s5] =	ssyncset.done $0x0  }
0x197: {  	[sflag:s5] =	ssyncadd.s32 $0xFFFFB000  }
0x198: {  	[hbm4b:s1+s2] =	stream.linear.scatter [tilespmem:s8], [sflag:$0x2], $0x5000, $0x38;
	[tilespmem:$0x1A900] =	vst v63  }
0x199: {  	_ =	swait.ge [sflag:s5], $0x5000  }
0x19a: {  	s1 =	sld [smem:$0x7E7]  }
0x19b: {  	[sflag:s5] =	ssyncset.done $0x0  }
0x19c: {  	[sflag:s5] =	ssyncadd.s32 $0xFFFFB000  }
0x19d: {  	[hbm4b:s1+s2] =	stream.linear.scatter [tilespmem:s6], [sflag:$0x2], $0x5000, $0x38;
	[tilespmem:$0x1A900] =	vst v63  }
0x19e: {  	_ =	swait.ge [sflag:s5], $0x5000  }
0x19f: {  	s1 =	sld [smem:$0x7E8]  }
0x1a0: {  	[sflag:s5] =	ssyncset.done $0x0  }
0x1a1: {  	[sflag:s5] =	ssyncadd.s32 $0xFFFFB000  }
0x1a2: {  	[hbm4b:s1+s2] =	stream.linear.scatter [tilespmem:s7], [sflag:$0x2], $0x5000, $0x38;
	[tilespmem:$0x1A900] =	vst v63  }
0x1a3: {  	_ =	swait.ge [sflag:s4], $0x5000  }
0x1a4: {  	[sflag:s4] =	ssyncset.done $0x0  }
0x1a5: {  	[sflag:s4] =	ssyncadd.s32 $0xFFFFB000  }
0x1a6: {  	_ =	swait.ge [sflag:s4], $0x5000  }
0x1a7: {  	[sflag:s4] =	ssyncset.done $0x0  }
0x1a8: {  	[sflag:s4] =	ssyncadd.s32 $0xFFFFB000  }
0x1a9: {  	_ =	swait.ge [sflag:s4], $0x5000  }
0x1aa: {  	[sflag:s4] =	ssyncset.done $0x0  }
0x1ab: {  	p1 =	sne.s32 s12, $0x1;
	[sflag:s4] =	ssyncadd.s32 $0xFFFFB000  }
.Ltmp1:
0x1ac: {  	_ =	swait.ge [sflag:s4], $0x5000;
	(pc) =	sbr.rel @!p1 .LBB2_3-.Ltmp1, $4  }
0x1ad: {  	[sflag:s4] =	ssyncset.done $0x0  }
0x1ae: {  	[sflag:s4] =	ssyncadd.s32 $0xFFFFB000  }
0x1af: {  	p0 =	por $0x1, $0x1;
	_ =	swait.ge [sflag:s4], $0x5000  }
0x1b0: {  	s1 =	sadd.s32 $0xFFFFFFFF, s12;
	s0 =	rddreg [dreg:$0x4];
	[sflag:s4] =	ssyncset.done $0x0  }
.LBB2_4:
0x1b1: {  	[sflag:s4] =	ssyncadd.s32 $0xFFFFB000  }
0x1b2: {  	[tilespmem:s2], [sflag:$0x3] =	stream.linear.gather [hbm4b:s0+s2], $0x1900, $0x38;
	[tilespmem:$0x1A900] =	vst v63  }
0x1b3: {  	_ =	swait.ge [sflag:s31], $0x1900  }
0x1b4: {  	[sflag:s31] =	ssyncset.done $0x0  }
0x1b5: {  	[sflag:s31] =	ssyncadd.s32 $0xFFFFE700  }
0x1b6: {  	[tilespmem:s11], [sflag:$0x1] =	stream.indirect.gather [hbm4b:s3+s9], $0x80, s2, s9, $0xb8;
	[tilespmem:$0x1A900] =	vst v63  }
0x1b7: {  	s0 =	sld [smem:$0x7E9]  }
0x1b8: {  	[tilespmem:s10], [sflag:$0x1] =	stream.indirect.gather [hbm4b:s3+s9], $0x80, s9, s9, $0xb8;
	[tilespmem:$0x1A900] =	vst v63  }
0x1b9: {  	s12 =	sld [smem:$0x7EA]  }
0x1ba: {  	[tilespmem:s8], [sflag:$0x1] =	stream.indirect.gather [hbm4b:s3+s9], $0x80, s0, s9, $0xb8;
	[tilespmem:$0x1A900] =	vst v63  }
0x1bb: {  	_ = 	snop  }
0x1bc: {  	[tilespmem:s6], [sflag:$0x1] =	stream.indirect.gather [hbm4b:s3+s9], $0x80, s12, s9, $0xb8;
	[tilespmem:$0x1A900] =	vst v63  }
0x1bd: {  	_ =	swait.ge [sflag:s5], $0x5000  }
0x1be: {  	[sflag:s5] =	ssyncset.done $0x0  }
0x1bf: {  	s12 =	sld [smem:$0x7EB];
	[sflag:s5] =	ssyncadd.s32 $0xFFFFB000  }
0x1c0: {  	[hbm4b:s30+s2] =	stream.linear.scatter [tilespmem:s11], [sflag:$0x2], $0x5000, $0x38;
	[tilespmem:$0x1A900] =	vst v63  }
0x1c1: {  	_ = 	snop  }
0x1c2: {  	[tilespmem:s7], [sflag:$0x1] =	stream.indirect.gather [hbm4b:s3+s9], $0x80, s12, s9, $0xb8;
	[tilespmem:$0x1A900] =	vst v63  }
0x1c3: {  	_ =	swait.ge [sflag:s5], $0x5000  }
0x1c4: {  	[sflag:s5] =	ssyncset.done $0x0  }
0x1c5: {  	s12 =	rddreg [dreg:$0x5];
	[sflag:s5] =	ssyncadd.s32 $0xFFFFB000  }
0x1c6: {  	[hbm4b:s12+s2] =	stream.linear.scatter [tilespmem:s10], [sflag:$0x2], $0x5000, $0x38;
	[tilespmem:$0x1A900] =	vst v63  }
0x1c7: {  	_ =	swait.ge [sflag:s4], $0x5000  }
0x1c8: {  	s12 =	sld [smem:$0x7EC]  }
0x1c9: {  	[sflag:s4] =	ssyncset.done $0x0  }
0x1ca: {  	[sflag:s4] =	ssyncadd.s32 $0xFFFFB000  }
0x1cb: {  	[tilespmem:s11], [sflag:$0x1] =	stream.indirect.gather [hbm4b:s3+s9], $0x80, s12, s9, $0xb8;
	[tilespmem:$0x1A900] =	vst v63  }
0x1cc: {  	_ =	swait.ge [sflag:s5], $0x5000  }
0x1cd: {  	[sflag:s5] =	ssyncset.done $0x0  }
0x1ce: {  	s12 =	rddreg [dreg:$0x6];
	[sflag:s5] =	ssyncadd.s32 $0xFFFFB000  }
0x1cf: {  	[hbm4b:s12+s2] =	stream.linear.scatter [tilespmem:s8], [sflag:$0x2], $0x5000, $0x38;
	[tilespmem:$0x1A900] =	vst v63  }
0x1d0: {  	_ =	swait.ge [sflag:s4], $0x5000  }
0x1d1: {  	s12 =	sld [smem:$0x7ED]  }
0x1d2: {  	[sflag:s4] =	ssyncset.done $0x0  }
0x1d3: {  	[sflag:s4] =	ssyncadd.s32 $0xFFFFB000  }
0x1d4: {  	[tilespmem:s10], [sflag:$0x1] =	stream.indirect.gather [hbm4b:s3+s9], $0x80, s12, s9, $0xb8;
	[tilespmem:$0x1A900] =	vst v63  }
0x1d5: {  	_ =	swait.ge [sflag:s5], $0x5000  }
0x1d6: {  	[sflag:s5] =	ssyncset.done $0x0  }
0x1d7: {  	s12 =	rddreg [dreg:$0x7];
	[sflag:s5] =	ssyncadd.s32 $0xFFFFB000  }
0x1d8: {  	[hbm4b:s12+s2] =	stream.linear.scatter [tilespmem:s6], [sflag:$0x2], $0x5000, $0x38;
	[tilespmem:$0x1A900] =	vst v63  }
0x1d9: {  	_ =	swait.ge [sflag:s4], $0x5000  }
0x1da: {  	s12 =	sld [smem:$0x7EE]  }
0x1db: {  	[sflag:s4] =	ssyncset.done $0x0  }
0x1dc: {  	[sflag:s4] =	ssyncadd.s32 $0xFFFFB000  }
0x1dd: {  	[tilespmem:s8], [sflag:$0x1] =	stream.indirect.gather [hbm4b:s3+s9], $0x80, s12, s9, $0xb8;
	[tilespmem:$0x1A900] =	vst v63  }
0x1de: {  	_ =	swait.ge [sflag:s5], $0x5000  }
0x1df: {  	[sflag:s5] =	ssyncset.done $0x0  }
0x1e0: {  	s12 =	rddreg [dreg:$0x8];
	[sflag:s5] =	ssyncadd.s32 $0xFFFFB000  }
0x1e1: {  	[hbm4b:s12+s2] =	stream.linear.scatter [tilespmem:s7], [sflag:$0x2], $0x5000, $0x38;
	[tilespmem:$0x1A900] =	vst v63  }
0x1e2: {  	_ =	swait.ge [sflag:s4], $0x5000  }
0x1e3: {  	s12 =	sld [smem:$0x7EF]  }
0x1e4: {  	[sflag:s4] =	ssyncset.done $0x0  }
0x1e5: {  	[sflag:s4] =	ssyncadd.s32 $0xFFFFB000  }
0x1e6: {  	[tilespmem:s6], [sflag:$0x1] =	stream.indirect.gather [hbm4b:s3+s9], $0x80, s12, s9, $0xb8;
	[tilespmem:$0x1A900] =	vst v63  }
0x1e7: {  	_ =	swait.ge [sflag:s5], $0x5000  }
0x1e8: {  	[sflag:s5] =	ssyncset.done $0x0  }
0x1e9: {  	s12 =	rddreg [dreg:$0x9];
	[sflag:s5] =	ssyncadd.s32 $0xFFFFB000  }
0x1ea: {  	[hbm4b:s12+s2] =	stream.linear.scatter [tilespmem:s11], [sflag:$0x2], $0x5000, $0x38;
	[tilespmem:$0x1A900] =	vst v63  }
0x1eb: {  	_ =	swait.ge [sflag:s4], $0x5000  }
0x1ec: {  	s12 =	sld [smem:$0x7F0]  }
0x1ed: {  	[sflag:s4] =	ssyncset.done $0x0  }
0x1ee: {  	[sflag:s4] =	ssyncadd.s32 $0xFFFFB000  }
0x1ef: {  	[tilespmem:s7], [sflag:$0x1] =	stream.indirect.gather [hbm4b:s3+s9], $0x80, s12, s9, $0xb8;
	[tilespmem:$0x1A900] =	vst v63  }
0x1f0: {  	_ =	swait.ge [sflag:s5], $0x5000  }
0x1f1: {  	[sflag:s5] =	ssyncset.done $0x0  }
0x1f2: {  	s12 =	rddreg [dreg:$0xa];
	[sflag:s5] =	ssyncadd.s32 $0xFFFFB000  }
0x1f3: {  	[hbm4b:s12+s2] =	stream.linear.scatter [tilespmem:s10], [sflag:$0x2], $0x5000, $0x38;
	[tilespmem:$0x1A900] =	vst v63  }
0x1f4: {  	_ =	swait.ge [sflag:s4], $0x5000  }
0x1f5: {  	s12 =	sld [smem:$0x7F1]  }
0x1f6: {  	[sflag:s4] =	ssyncset.done $0x0  }
0x1f7: {  	[sflag:s4] =	ssyncadd.s32 $0xFFFFB000  }
0x1f8: {  	[tilespmem:s11], [sflag:$0x1] =	stream.indirect.gather [hbm4b:s3+s9], $0x80, s12, s9, $0xb8;
	[tilespmem:$0x1A900] =	vst v63  }
0x1f9: {  	_ =	swait.ge [sflag:s5], $0x5000  }
0x1fa: {  	[sflag:s5] =	ssyncset.done $0x0  }
0x1fb: {  	s12 =	rddreg [dreg:$0xb];
	[sflag:s5] =	ssyncadd.s32 $0xFFFFB000  }
0x1fc: {  	[hbm4b:s12+s2] =	stream.linear.scatter [tilespmem:s8], [sflag:$0x2], $0x5000, $0x38;
	[tilespmem:$0x1A900] =	vst v63  }
0x1fd: {  	_ =	swait.ge [sflag:s4], $0x5000  }
0x1fe: {  	s12 =	sld [smem:$0x7F2]  }
0x1ff: {  	[sflag:s4] =	ssyncset.done $0x0  }
0x200: {  	[sflag:s4] =	ssyncadd.s32 $0xFFFFB000  }
0x201: {  	[tilespmem:s10], [sflag:$0x1] =	stream.indirect.gather [hbm4b:s3+s9], $0x80, s12, s9, $0xb8;
	[tilespmem:$0x1A900] =	vst v63  }
0x202: {  	_ =	swait.ge [sflag:s5], $0x5000  }
0x203: {  	[sflag:s5] =	ssyncset.done $0x0  }
0x204: {  	s12 =	rddreg [dreg:$0xc];
	[sflag:s5] =	ssyncadd.s32 $0xFFFFB000  }
0x205: {  	[hbm4b:s12+s2] =	stream.linear.scatter [tilespmem:s6], [sflag:$0x2], $0x5000, $0x38;
	[tilespmem:$0x1A900] =	vst v63  }
0x206: {  	_ =	swait.ge [sflag:s4], $0x5000  }
0x207: {  	s12 =	sld [smem:$0x7F3]  }
0x208: {  	[sflag:s4] =	ssyncset.done $0x0  }
0x209: {  	[sflag:s4] =	ssyncadd.s32 $0xFFFFB000  }
0x20a: {  	[tilespmem:s8], [sflag:$0x1] =	stream.indirect.gather [hbm4b:s3+s9], $0x80, s12, s9, $0xb8;
	[tilespmem:$0x1A900] =	vst v63  }
0x20b: {  	_ =	swait.ge [sflag:s5], $0x5000  }
0x20c: {  	[sflag:s5] =	ssyncset.done $0x0  }
0x20d: {  	s12 =	rddreg [dreg:$0xd];
	[sflag:s5] =	ssyncadd.s32 $0xFFFFB000  }
0x20e: {  	[hbm4b:s12+s2] =	stream.linear.scatter [tilespmem:s7], [sflag:$0x2], $0x5000, $0x38;
	[tilespmem:$0x1A900] =	vst v63  }
0x20f: {  	_ =	swait.ge [sflag:s4], $0x5000  }
0x210: {  	s12 =	sld [smem:$0x7F4]  }
0x211: {  	[sflag:s4] =	ssyncset.done $0x0  }
0x212: {  	[sflag:s4] =	ssyncadd.s32 $0xFFFFB000  }
0x213: {  	[tilespmem:s6], [sflag:$0x1] =	stream.indirect.gather [hbm4b:s3+s9], $0x80, s12, s9, $0xb8;
	[tilespmem:$0x1A900] =	vst v63  }
0x214: {  	_ =	swait.ge [sflag:s5], $0x5000  }
0x215: {  	[sflag:s5] =	ssyncset.done $0x0  }
0x216: {  	s12 =	rddreg [dreg:$0xe];
	[sflag:s5] =	ssyncadd.s32 $0xFFFFB000  }
0x217: {  	[hbm4b:s12+s2] =	stream.linear.scatter [tilespmem:s11], [sflag:$0x2], $0x5000, $0x38;
	[tilespmem:$0x1A900] =	vst v63  }
0x218: {  	_ =	swait.ge [sflag:s4], $0x5000  }
0x219: {  	s12 =	sld [smem:$0x7F5]  }
0x21a: {  	[sflag:s4] =	ssyncset.done $0x0  }
0x21b: {  	[sflag:s4] =	ssyncadd.s32 $0xFFFFB000  }
0x21c: {  	[tilespmem:s7], [sflag:$0x1] =	stream.indirect.gather [hbm4b:s3+s9], $0x80, s12, s9, $0xb8;
	[tilespmem:$0x1A900] =	vst v63  }
0x21d: {  	_ =	swait.ge [sflag:s5], $0x5000  }
0x21e: {  	[sflag:s5] =	ssyncset.done $0x0  }
0x21f: {  	s12 =	rddreg [dreg:$0xf];
	[sflag:s5] =	ssyncadd.s32 $0xFFFFB000  }
0x220: {  	[hbm4b:s12+s2] =	stream.linear.scatter [tilespmem:s10], [sflag:$0x2], $0x5000, $0x38;
	[tilespmem:$0x1A900] =	vst v63  }
0x221: {  	_ =	swait.ge [sflag:s4], $0x5000  }
0x222: {  	s12 =	sld [smem:$0x7F6]  }
0x223: {  	[sflag:s4] =	ssyncset.done $0x0  }
0x224: {  	[sflag:s4] =	ssyncadd.s32 $0xFFFFB000  }
0x225: {  	[tilespmem:s11], [sflag:$0x1] =	stream.indirect.gather [hbm4b:s3+s9], $0x80, s12, s9, $0xb8;
	[tilespmem:$0x1A900] =	vst v63  }
0x226: {  	_ =	swait.ge [sflag:s5], $0x5000  }
0x227: {  	[sflag:s5] =	ssyncset.done $0x0  }
0x228: {  	s12 =	rddreg [dreg:$0x10];
	[sflag:s5] =	ssyncadd.s32 $0xFFFFB000  }
0x229: {  	[hbm4b:s12+s2] =	stream.linear.scatter [tilespmem:s8], [sflag:$0x2], $0x5000, $0x38;
	[tilespmem:$0x1A900] =	vst v63  }
0x22a: {  	_ =	swait.ge [sflag:s4], $0x5000  }
0x22b: {  	s12 =	sld [smem:$0x7F7]  }
0x22c: {  	[sflag:s4] =	ssyncset.done $0x0  }
0x22d: {  	[sflag:s4] =	ssyncadd.s32 $0xFFFFB000  }
0x22e: {  	[tilespmem:s10], [sflag:$0x1] =	stream.indirect.gather [hbm4b:s3+s9], $0x80, s12, s9, $0xb8;
	[tilespmem:$0x1A900] =	vst v63  }
0x22f: {  	_ =	swait.ge [sflag:s5], $0x5000  }
0x230: {  	[sflag:s5] =	ssyncset.done $0x0  }
0x231: {  	s12 =	rddreg [dreg:$0x11];
	[sflag:s5] =	ssyncadd.s32 $0xFFFFB000  }
0x232: {  	[hbm4b:s12+s2] =	stream.linear.scatter [tilespmem:s6], [sflag:$0x2], $0x5000, $0x38;
	[tilespmem:$0x1A900] =	vst v63  }
0x233: {  	_ =	swait.ge [sflag:s4], $0x5000  }
0x234: {  	s12 =	sld [smem:$0x7F8]  }
0x235: {  	[sflag:s4] =	ssyncset.done $0x0  }
0x236: {  	[sflag:s4] =	ssyncadd.s32 $0xFFFFB000  }
0x237: {  	[tilespmem:s8], [sflag:$0x1] =	stream.indirect.gather [hbm4b:s3+s9], $0x80, s12, s9, $0xb8;
	[tilespmem:$0x1A900] =	vst v63  }
0x238: {  	_ =	swait.ge [sflag:s5], $0x5000  }
0x239: {  	[sflag:s5] =	ssyncset.done $0x0  }
0x23a: {  	s12 =	rddreg [dreg:$0x12];
	[sflag:s5] =	ssyncadd.s32 $0xFFFFB000  }
0x23b: {  	[hbm4b:s12+s2] =	stream.linear.scatter [tilespmem:s7], [sflag:$0x2], $0x5000, $0x38;
	[tilespmem:$0x1A900] =	vst v63  }
0x23c: {  	_ =	swait.ge [sflag:s4], $0x5000  }
0x23d: {  	s12 =	sld [smem:$0x7F9]  }
0x23e: {  	[sflag:s4] =	ssyncset.done $0x0  }
0x23f: {  	[sflag:s4] =	ssyncadd.s32 $0xFFFFB000  }
0x240: {  	[tilespmem:s6], [sflag:$0x1] =	stream.indirect.gather [hbm4b:s3+s9], $0x80, s12, s9, $0xb8;
	[tilespmem:$0x1A900] =	vst v63  }
0x241: {  	_ =	swait.ge [sflag:s5], $0x5000  }
0x242: {  	[sflag:s5] =	ssyncset.done $0x0  }
0x243: {  	s12 =	rddreg [dreg:$0x13];
	[sflag:s5] =	ssyncadd.s32 $0xFFFFB000  }
0x244: {  	[hbm4b:s12+s2] =	stream.linear.scatter [tilespmem:s11], [sflag:$0x2], $0x5000, $0x38;
	[tilespmem:$0x1A900] =	vst v63  }
0x245: {  	_ =	swait.ge [sflag:s4], $0x5000  }
0x246: {  	s12 =	sld [smem:$0x7FA]  }
0x247: {  	[sflag:s4] =	ssyncset.done $0x0  }
0x248: {  	[sflag:s4] =	ssyncadd.s32 $0xFFFFB000  }
0x249: {  	[tilespmem:s7], [sflag:$0x1] =	stream.indirect.gather [hbm4b:s3+s9], $0x80, s12, s9, $0xb8;
	[tilespmem:$0x1A900] =	vst v63  }
0x24a: {  	_ =	swait.ge [sflag:s5], $0x5000  }
0x24b: {  	[sflag:s5] =	ssyncset.done $0x0  }
0x24c: {  	s12 =	rddreg [dreg:$0x14];
	[sflag:s5] =	ssyncadd.s32 $0xFFFFB000  }
0x24d: {  	[hbm4b:s12+s2] =	stream.linear.scatter [tilespmem:s10], [sflag:$0x2], $0x5000, $0x38;
	[tilespmem:$0x1A900] =	vst v63  }
0x24e: {  	_ =	swait.ge [sflag:s4], $0x5000  }
0x24f: {  	s12 =	sld [smem:$0x7FB]  }
0x250: {  	[sflag:s4] =	ssyncset.done $0x0  }
0x251: {  	[sflag:s4] =	ssyncadd.s32 $0xFFFFB000  }
0x252: {  	[tilespmem:s11], [sflag:$0x1] =	stream.indirect.gather [hbm4b:s3+s9], $0x80, s12, s9, $0xb8;
	[tilespmem:$0x1A900] =	vst v63  }
0x253: {  	_ =	swait.ge [sflag:s5], $0x5000  }
0x254: {  	[sflag:s5] =	ssyncset.done $0x0  }
0x255: {  	s12 =	rddreg [dreg:$0x15];
	[sflag:s5] =	ssyncadd.s32 $0xFFFFB000  }
0x256: {  	[hbm4b:s12+s2] =	stream.linear.scatter [tilespmem:s8], [sflag:$0x2], $0x5000, $0x38;
	[tilespmem:$0x1A900] =	vst v63  }
0x257: {  	_ =	swait.ge [sflag:s4], $0x5000  }
0x258: {  	s12 =	sld [smem:$0x7FC]  }
0x259: {  	[sflag:s4] =	ssyncset.done $0x0  }
0x25a: {  	[sflag:s4] =	ssyncadd.s32 $0xFFFFB000  }
0x25b: {  	[tilespmem:s10], [sflag:$0x1] =	stream.indirect.gather [hbm4b:s3+s9], $0x80, s12, s9, $0xb8;
	[tilespmem:$0x1A900] =	vst v63  }
0x25c: {  	_ =	swait.ge [sflag:s5], $0x5000  }
0x25d: {  	[sflag:s5] =	ssyncset.done $0x0  }
0x25e: {  	s12 =	rddreg [dreg:$0x16];
	[sflag:s5] =	ssyncadd.s32 $0xFFFFB000  }
0x25f: {  	[hbm4b:s12+s2] =	stream.linear.scatter [tilespmem:s6], [sflag:$0x2], $0x5000, $0x38;
	[tilespmem:$0x1A900] =	vst v63  }
0x260: {  	_ =	swait.ge [sflag:s4], $0x5000  }
0x261: {  	s12 =	sld [smem:$0x7FD]  }
0x262: {  	[sflag:s4] =	ssyncset.done $0x0  }
0x263: {  	[sflag:s4] =	ssyncadd.s32 $0xFFFFB000  }
0x264: {  	[tilespmem:s8], [sflag:$0x1] =	stream.indirect.gather [hbm4b:s3+s9], $0x80, s12, s9, $0xb8;
	[tilespmem:$0x1A900] =	vst v63  }
0x265: {  	_ =	swait.ge [sflag:s5], $0x5000  }
0x266: {  	[sflag:s5] =	ssyncset.done $0x0  }
0x267: {  	s12 =	rddreg [dreg:$0x17];
	[sflag:s5] =	ssyncadd.s32 $0xFFFFB000  }
0x268: {  	[hbm4b:s12+s2] =	stream.linear.scatter [tilespmem:s7], [sflag:$0x2], $0x5000, $0x38;
	[tilespmem:$0x1A900] =	vst v63  }
0x269: {  	_ =	swait.ge [sflag:s4], $0x5000  }
0x26a: {  	[sflag:s4] =	ssyncset.done $0x0  }
0x26b: {  	s12 =	simm.s32 $0xE60;
	[sflag:s4] =	ssyncadd.s32 $0xFFFFB000  }
0x26c: {  	[tilespmem:s6], [sflag:$0x1] =	stream.indirect.gather [hbm4b:s3+s9], $0x80, s12, s9, $0xb8;
	[tilespmem:$0x1A900] =	vst v63  }
0x26d: {  	_ =	swait.ge [sflag:s5], $0x5000  }
0x26e: {  	[sflag:s5] =	ssyncset.done $0x0  }
0x26f: {  	s12 =	rddreg [dreg:$0x18];
	[sflag:s5] =	ssyncadd.s32 $0xFFFFB000  }
0x270: {  	[hbm4b:s12+s2] =	stream.linear.scatter [tilespmem:s11], [sflag:$0x2], $0x5000, $0x38;
	[tilespmem:$0x1A900] =	vst v63  }
0x271: {  	_ =	swait.ge [sflag:s4], $0x5000  }
0x272: {  	[sflag:s4] =	ssyncset.done $0x0  }
0x273: {  	[sflag:s4] =	ssyncadd.s32 $0xFFFFB000  }
0x274: {  	[tilespmem:s7], [sflag:$0x1] =	stream.indirect.gather [hbm4b:s3+s9], $0x80, s29, s9, $0xb8;
	[tilespmem:$0x1A900] =	vst v63  }
0x275: {  	_ =	swait.ge [sflag:s5], $0x5000  }
0x276: {  	[sflag:s5] =	ssyncset.done $0x0  }
0x277: {  	s12 =	rddreg [dreg:$0x19];
	[sflag:s5] =	ssyncadd.s32 $0xFFFFB000  }
0x278: {  	[hbm4b:s12+s2] =	stream.linear.scatter [tilespmem:s10], [sflag:$0x2], $0x5000, $0x38;
	[tilespmem:$0x1A900] =	vst v63  }
0x279: {  	_ =	swait.ge [sflag:s4], $0x5000  }
0x27a: {  	[sflag:s4] =	ssyncset.done $0x0  }
0x27b: {  	[sflag:s4] =	ssyncadd.s32 $0xFFFFB000  }
0x27c: {  	[tilespmem:s11], [sflag:$0x1] =	stream.indirect.gather [hbm4b:s3+s9], $0x80, s28, s9, $0xb8;
	[tilespmem:$0x1A900] =	vst v63  }
0x27d: {  	_ =	swait.ge [sflag:s5], $0x5000  }
0x27e: {  	[sflag:s5] =	ssyncset.done $0x0  }
0x27f: {  	s12 =	rddreg [dreg:$0x1a];
	[sflag:s5] =	ssyncadd.s32 $0xFFFFB000  }
0x280: {  	[hbm4b:s12+s2] =	stream.linear.scatter [tilespmem:s8], [sflag:$0x2], $0x5000, $0x38;
	[tilespmem:$0x1A900] =	vst v63  }
0x281: {  	_ =	swait.ge [sflag:s4], $0x5000  }
0x282: {  	[sflag:s4] =	ssyncset.done $0x0  }
0x283: {  	[sflag:s4] =	ssyncadd.s32 $0xFFFFB000  }
0x284: {  	[tilespmem:s10], [sflag:$0x1] =	stream.indirect.gather [hbm4b:s3+s9], $0x80, s26, s9, $0xb8;
	[tilespmem:$0x1A900] =	vst v63  }
0x285: {  	_ =	swait.ge [sflag:s5], $0x5000  }
0x286: {  	[sflag:s5] =	ssyncset.done $0x0  }
0x287: {  	s12 =	rddreg [dreg:$0x1b];
	[sflag:s5] =	ssyncadd.s32 $0xFFFFB000  }
0x288: {  	[hbm4b:s12+s2] =	stream.linear.scatter [tilespmem:s6], [sflag:$0x2], $0x5000, $0x38;
	[tilespmem:$0x1A900] =	vst v63  }
0x289: {  	_ =	swait.ge [sflag:s4], $0x5000  }
0x28a: {  	[sflag:s4] =	ssyncset.done $0x0  }
0x28b: {  	[sflag:s4] =	ssyncadd.s32 $0xFFFFB000  }
0x28c: {  	[tilespmem:s8], [sflag:$0x1] =	stream.indirect.gather [hbm4b:s3+s9], $0x80, s25, s9, $0xb8;
	[tilespmem:$0x1A900] =	vst v63  }
0x28d: {  	_ =	swait.ge [sflag:s5], $0x5000  }
0x28e: {  	[sflag:s5] =	ssyncset.done $0x0  }
0x28f: {  	s12 =	rddreg [dreg:$0x1c];
	[sflag:s5] =	ssyncadd.s32 $0xFFFFB000  }
0x290: {  	[hbm4b:s12+s2] =	stream.linear.scatter [tilespmem:s7], [sflag:$0x2], $0x5000, $0x38;
	[tilespmem:$0x1A900] =	vst v63  }
0x291: {  	_ =	swait.ge [sflag:s4], $0x5000  }
0x292: {  	[sflag:s4] =	ssyncset.done $0x0  }
0x293: {  	[sflag:s4] =	ssyncadd.s32 $0xFFFFB000  }
0x294: {  	[tilespmem:s6], [sflag:$0x1] =	stream.indirect.gather [hbm4b:s3+s9], $0x80, s24, s9, $0xb8;
	[tilespmem:$0x1A900] =	vst v63  }
0x295: {  	_ =	swait.ge [sflag:s5], $0x5000  }
0x296: {  	[sflag:s5] =	ssyncset.done $0x0  }
0x297: {  	s12 =	rddreg [dreg:$0x1d];
	[sflag:s5] =	ssyncadd.s32 $0xFFFFB000  }
0x298: {  	[hbm4b:s12+s2] =	stream.linear.scatter [tilespmem:s11], [sflag:$0x2], $0x5000, $0x38;
	[tilespmem:$0x1A900] =	vst v63  }
0x299: {  	_ =	swait.ge [sflag:s4], $0x5000  }
0x29a: {  	[sflag:s4] =	ssyncset.done $0x0  }
0x29b: {  	[sflag:s4] =	ssyncadd.s32 $0xFFFFB000  }
0x29c: {  	[tilespmem:s7], [sflag:$0x1] =	stream.indirect.gather [hbm4b:s3+s9], $0x80, s23, s9, $0xb8;
	[tilespmem:$0x1A900] =	vst v63  }
0x29d: {  	_ =	swait.ge [sflag:s5], $0x5000  }
0x29e: {  	[sflag:s5] =	ssyncset.done $0x0  }
0x29f: {  	s12 =	rddreg [dreg:$0x1e];
	[sflag:s5] =	ssyncadd.s32 $0xFFFFB000  }
0x2a0: {  	[hbm4b:s12+s2] =	stream.linear.scatter [tilespmem:s10], [sflag:$0x2], $0x5000, $0x38;
	[tilespmem:$0x1A900] =	vst v63  }
0x2a1: {  	_ =	swait.ge [sflag:s4], $0x5000  }
0x2a2: {  	[sflag:s4] =	ssyncset.done $0x0  }
0x2a3: {  	[sflag:s4] =	ssyncadd.s32 $0xFFFFB000  }
0x2a4: {  	[tilespmem:s11], [sflag:$0x1] =	stream.indirect.gather [hbm4b:s3+s9], $0x80, s22, s9, $0xb8;
	[tilespmem:$0x1A900] =	vst v63  }
0x2a5: {  	_ =	swait.ge [sflag:s5], $0x5000  }
0x2a6: {  	[sflag:s5] =	ssyncset.done $0x0  }
0x2a7: {  	s12 =	rddreg [dreg:$0x1f];
	[sflag:s5] =	ssyncadd.s32 $0xFFFFB000  }
0x2a8: {  	[hbm4b:s12+s2] =	stream.linear.scatter [tilespmem:s8], [sflag:$0x2], $0x5000, $0x38;
	[tilespmem:$0x1A900] =	vst v63  }
0x2a9: {  	_ =	swait.ge [sflag:s4], $0x5000  }
0x2aa: {  	[sflag:s4] =	ssyncset.done $0x0  }
0x2ab: {  	[sflag:s4] =	ssyncadd.s32 $0xFFFFB000  }
0x2ac: {  	[tilespmem:s10], [sflag:$0x1] =	stream.indirect.gather [hbm4b:s3+s9], $0x80, s21, s9, $0xb8;
	[tilespmem:$0x1A900] =	vst v63  }
0x2ad: {  	_ =	swait.ge [sflag:s5], $0x5000  }
0x2ae: {  	s12 =	sld [smem:$0x7DD]  }
0x2af: {  	[sflag:s5] =	ssyncset.done $0x0  }
0x2b0: {  	[sflag:s5] =	ssyncadd.s32 $0xFFFFB000  }
0x2b1: {  	[hbm4b:s12+s2] =	stream.linear.scatter [tilespmem:s6], [sflag:$0x2], $0x5000, $0x38;
	[tilespmem:$0x1A900] =	vst v63  }
0x2b2: {  	_ =	swait.ge [sflag:s4], $0x5000  }
0x2b3: {  	[sflag:s4] =	ssyncset.done $0x0  }
0x2b4: {  	[sflag:s4] =	ssyncadd.s32 $0xFFFFB000  }
0x2b5: {  	[tilespmem:s8], [sflag:$0x1] =	stream.indirect.gather [hbm4b:s3+s9], $0x80, s20, s9, $0xb8;
	[tilespmem:$0x1A900] =	vst v63  }
0x2b6: {  	_ =	swait.ge [sflag:s5], $0x5000  }
0x2b7: {  	s12 =	sld [smem:$0x7DE]  }
0x2b8: {  	[sflag:s5] =	ssyncset.done $0x0  }
0x2b9: {  	[sflag:s5] =	ssyncadd.s32 $0xFFFFB000  }
0x2ba: {  	[hbm4b:s12+s2] =	stream.linear.scatter [tilespmem:s7], [sflag:$0x2], $0x5000, $0x38;
	[tilespmem:$0x1A900] =	vst v63  }
0x2bb: {  	_ =	swait.ge [sflag:s4], $0x5000  }
0x2bc: {  	[sflag:s4] =	ssyncset.done $0x0  }
0x2bd: {  	[sflag:s4] =	ssyncadd.s32 $0xFFFFB000  }
0x2be: {  	[tilespmem:s6], [sflag:$0x1] =	stream.indirect.gather [hbm4b:s3+s9], $0x80, s19, s9, $0xb8;
	[tilespmem:$0x1A900] =	vst v63  }
0x2bf: {  	_ =	swait.ge [sflag:s5], $0x5000  }
0x2c0: {  	s12 =	sld [smem:$0x7DF]  }
0x2c1: {  	[sflag:s5] =	ssyncset.done $0x0  }
0x2c2: {  	[sflag:s5] =	ssyncadd.s32 $0xFFFFB000  }
0x2c3: {  	[hbm4b:s12+s2] =	stream.linear.scatter [tilespmem:s11], [sflag:$0x2], $0x5000, $0x38;
	[tilespmem:$0x1A900] =	vst v63  }
0x2c4: {  	_ =	swait.ge [sflag:s4], $0x5000  }
0x2c5: {  	[sflag:s4] =	ssyncset.done $0x0  }
0x2c6: {  	[sflag:s4] =	ssyncadd.s32 $0xFFFFB000  }
0x2c7: {  	[tilespmem:s7], [sflag:$0x1] =	stream.indirect.gather [hbm4b:s3+s9], $0x80, s18, s9, $0xb8;
	[tilespmem:$0x1A900] =	vst v63  }
0x2c8: {  	_ =	swait.ge [sflag:s5], $0x5000  }
0x2c9: {  	s12 =	sld [smem:$0x7E0]  }
0x2ca: {  	[sflag:s5] =	ssyncset.done $0x0  }
0x2cb: {  	[sflag:s5] =	ssyncadd.s32 $0xFFFFB000  }
0x2cc: {  	[hbm4b:s12+s2] =	stream.linear.scatter [tilespmem:s10], [sflag:$0x2], $0x5000, $0x38;
	[tilespmem:$0x1A900] =	vst v63  }
0x2cd: {  	_ =	swait.ge [sflag:s4], $0x5000  }
0x2ce: {  	[sflag:s4] =	ssyncset.done $0x0  }
0x2cf: {  	[sflag:s4] =	ssyncadd.s32 $0xFFFFB000  }
0x2d0: {  	[tilespmem:s11], [sflag:$0x1] =	stream.indirect.gather [hbm4b:s3+s9], $0x80, s17, s9, $0xb8;
	[tilespmem:$0x1A900] =	vst v63  }
0x2d1: {  	_ =	swait.ge [sflag:s5], $0x5000  }
0x2d2: {  	s12 =	sld [smem:$0x7E1]  }
0x2d3: {  	[sflag:s5] =	ssyncset.done $0x0  }
0x2d4: {  	[sflag:s5] =	ssyncadd.s32 $0xFFFFB000  }
0x2d5: {  	[hbm4b:s12+s2] =	stream.linear.scatter [tilespmem:s8], [sflag:$0x2], $0x5000, $0x38;
	[tilespmem:$0x1A900] =	vst v63  }
0x2d6: {  	_ =	swait.ge [sflag:s4], $0x5000  }
0x2d7: {  	[sflag:s4] =	ssyncset.done $0x0  }
0x2d8: {  	[sflag:s4] =	ssyncadd.s32 $0xFFFFB000  }
0x2d9: {  	[tilespmem:s10], [sflag:$0x1] =	stream.indirect.gather [hbm4b:s3+s9], $0x80, s16, s9, $0xb8;
	[tilespmem:$0x1A900] =	vst v63  }
0x2da: {  	_ =	swait.ge [sflag:s5], $0x5000  }
0x2db: {  	s12 =	sld [smem:$0x7E2]  }
0x2dc: {  	[sflag:s5] =	ssyncset.done $0x0  }
0x2dd: {  	[sflag:s5] =	ssyncadd.s32 $0xFFFFB000  }
0x2de: {  	[hbm4b:s12+s2] =	stream.linear.scatter [tilespmem:s6], [sflag:$0x2], $0x5000, $0x38;
	[tilespmem:$0x1A900] =	vst v63  }
0x2df: {  	_ =	swait.ge [sflag:s4], $0x5000  }
0x2e0: {  	[sflag:s4] =	ssyncset.done $0x0  }
0x2e1: {  	[sflag:s4] =	ssyncadd.s32 $0xFFFFB000  }
0x2e2: {  	[tilespmem:s8], [sflag:$0x1] =	stream.indirect.gather [hbm4b:s3+s9], $0x80, s15, s9, $0xb8;
	[tilespmem:$0x1A900] =	vst v63  }
0x2e3: {  	_ =	swait.ge [sflag:s5], $0x5000  }
0x2e4: {  	s12 =	sld [smem:$0x7E3]  }
0x2e5: {  	[sflag:s5] =	ssyncset.done $0x0  }
0x2e6: {  	[sflag:s5] =	ssyncadd.s32 $0xFFFFB000  }
0x2e7: {  	[hbm4b:s12+s2] =	stream.linear.scatter [tilespmem:s7], [sflag:$0x2], $0x5000, $0x38;
	[tilespmem:$0x1A900] =	vst v63  }
0x2e8: {  	_ =	swait.ge [sflag:s4], $0x5000  }
0x2e9: {  	[sflag:s4] =	ssyncset.done $0x0  }
0x2ea: {  	[sflag:s4] =	ssyncadd.s32 $0xFFFFB000  }
0x2eb: {  	[tilespmem:s6], [sflag:$0x1] =	stream.indirect.gather [hbm4b:s3+s9], $0x80, s14, s9, $0xb8;
	[tilespmem:$0x1A900] =	vst v63  }
0x2ec: {  	_ =	swait.ge [sflag:s5], $0x5000  }
0x2ed: {  	s12 =	sld [smem:$0x7E4]  }
0x2ee: {  	[sflag:s5] =	ssyncset.done $0x0  }
0x2ef: {  	[sflag:s5] =	ssyncadd.s32 $0xFFFFB000  }
0x2f0: {  	[hbm4b:s12+s2] =	stream.linear.scatter [tilespmem:s11], [sflag:$0x2], $0x5000, $0x38;
	[tilespmem:$0x1A900] =	vst v63  }
0x2f1: {  	_ =	swait.ge [sflag:s4], $0x5000  }
0x2f2: {  	[sflag:s4] =	ssyncset.done $0x0  }
0x2f3: {  	[sflag:s4] =	ssyncadd.s32 $0xFFFFB000  }
0x2f4: {  	[tilespmem:s7], [sflag:$0x1] =	stream.indirect.gather [hbm4b:s3+s9], $0x80, s13, s9, $0xb8;
	[tilespmem:$0x1A900] =	vst v63  }
0x2f5: {  	_ =	swait.ge [sflag:s5], $0x5000  }
0x2f6: {  	s12 =	sld [smem:$0x7E5]  }
0x2f7: {  	[sflag:s5] =	ssyncset.done $0x0  }
0x2f8: {  	[sflag:s5] =	ssyncadd.s32 $0xFFFFB000  }
0x2f9: {  	[hbm4b:s12+s2] =	stream.linear.scatter [tilespmem:s10], [sflag:$0x2], $0x5000, $0x38;
	[tilespmem:$0x1A900] =	vst v63  }
0x2fa: {  	_ =	swait.ge [sflag:s5], $0x5000  }
0x2fb: {  	s12 =	sld [smem:$0x7E6]  }
0x2fc: {  	[sflag:s5] =	ssyncset.done $0x0  }
0x2fd: {  	[sflag:s5] =	ssyncadd.s32 $0xFFFFB000  }
0x2fe: {  	[hbm4b:s12+s2] =	stream.linear.scatter [tilespmem:s8], [sflag:$0x2], $0x5000, $0x38;
	[tilespmem:$0x1A900] =	vst v63  }
0x2ff: {  	_ =	swait.ge [sflag:s5], $0x5000  }
0x300: {  	s12 =	sld [smem:$0x7E7]  }
0x301: {  	[sflag:s5] =	ssyncset.done $0x0  }
0x302: {  	[sflag:s5] =	ssyncadd.s32 $0xFFFFB000  }
0x303: {  	[hbm4b:s12+s2] =	stream.linear.scatter [tilespmem:s6], [sflag:$0x2], $0x5000, $0x38;
	[tilespmem:$0x1A900] =	vst v63  }
0x304: {  	_ =	swait.ge [sflag:s5], $0x5000  }
0x305: {  	s12 =	sld [smem:$0x7E8]  }
0x306: {  	[sflag:s5] =	ssyncset.done $0x0  }
0x307: {  	[sflag:s5] =	ssyncadd.s32 $0xFFFFB000  }
0x308: {  	[hbm4b:s12+s2] =	stream.linear.scatter [tilespmem:s7], [sflag:$0x2], $0x5000, $0x38;
	[tilespmem:$0x1A900] =	vst v63  }
0x309: {  	_ =	swait.ge [sflag:s4], $0x5000  }
0x30a: {  	[sflag:s4] =	ssyncset.done $0x0  }
0x30b: {  	[sflag:s4] =	ssyncadd.s32 $0xFFFFB000  }
0x30c: {  	_ =	swait.ge [sflag:s4], $0x5000  }
0x30d: {  	[sflag:s4] =	ssyncset.done $0x0  }
0x30e: {  	[sflag:s4] =	ssyncadd.s32 $0xFFFFB000  }
0x30f: {  	_ =	swait.ge [sflag:s4], $0x5000  }
0x310: {  	[sflag:s4] =	ssyncset.done $0x0  }
0x311: {  	p1 =	sne.s32 s1, $0x1;
	[sflag:s4] =	ssyncadd.s32 $0xFFFFB000  }
.Ltmp2:
0x312: {  	_ =	swait.ge [sflag:s4], $0x5000;
	(pc) =	sbr.rel @p1 .LBB2_4-.Ltmp2, $4  }
0x313: {  	[sflag:s4] =	ssyncset.done $0x0  }
0x314: {  	[sflag:s4] =	ssyncadd.s32 $0xFFFFB000  }
0x315: {  	_ =	swait.ge [sflag:s4], $0x5000  }
0x316: {  	s1 =	sadd.s32 $0xFFFFFFFF, s1;
	s0 =	rddreg [dreg:$0x4];
	[sflag:s4] =	ssyncset.done $0x0  }
0x317: {  	s13 =	simm.s32 $0xE60;
	s29 =	simm.s32 $0xF00  }
0x318: {  	s28 =	simm.s32 $0xFA0;
	s26 =	simm.s32 $0x1040;
	s25 =	simm.s32 $0x10E0  }
0x319: {  	s24 =	simm.s32 $0x1180;
	s23 =	simm.s32 $0x1220;
	s22 =	simm.s32 $0x12C0  }
0x31a: {  	s21 =	simm.s32 $0x1360;
	s20 =	simm.s32 $0x1400;
	s19 =	simm.s32 $0x14A0  }
0x31b: {  	s18 =	simm.s32 $0x1540;
	s17 =	simm.s32 $0x15E0;
	s16 =	simm.s32 $0x1680  }
0x31c: {  	s15 =	simm.s32 $0x1720;
	s14 =	simm.s32 $0x17C0;
	s12 =	stileid.u32  }
.LBB2_6:
0x31d: {  	[sflag:s4] =	ssyncadd.s32 @p0 $0xFFFFB000  }
0x31e: {  	[tilespmem:s2], [sflag:$0x3] =	stream.linear.gather [hbm4b:s0+s2], $0x1900, $0x38;
	[tilespmem:$0x1A900] =	vst v63  }
0x31f: {  	_ =	swait.ge [sflag:s31], $0x1900  }
0x320: {  	[sflag:s31] =	ssyncset.done $0x0  }
0x321: {  	[sflag:s31] =	ssyncadd.s32 $0xFFFFE700  }
0x322: {  	[tilespmem:s11], [sflag:$0x1] =	stream.indirect.gather [hbm4b:s3+s9], $0x80, s2, s9, $0xb8;
	[tilespmem:$0x1A900] =	vst v63  }
0x323: {  	s31 =	sld [smem:$0x7E9]  }
0x324: {  	[tilespmem:s10], [sflag:$0x1] =	stream.indirect.gather [hbm4b:s3+s9], $0x80, s9, s9, $0xb8;
	[tilespmem:$0x1A900] =	vst v63  }
0x325: {  	s1 =	sld [smem:$0x7EA]  }
0x326: {  	[tilespmem:s8], [sflag:$0x1] =	stream.indirect.gather [hbm4b:s3+s9], $0x80, s31, s9, $0xb8;
	[tilespmem:$0x1A900] =	vst v63  }
0x327: {  	_ = 	snop  }
0x328: {  	[tilespmem:s6], [sflag:$0x1] =	stream.indirect.gather [hbm4b:s3+s9], $0x80, s1, s9, $0xb8;
	[tilespmem:$0x1A900] =	vst v63  }
0x329: {  	_ =	swait.ge [sflag:s5], $0x5000  }
0x32a: {  	[sflag:s5] =	ssyncset.done $0x0  }
0x32b: {  	s1 =	sld [smem:$0x7EB];
	[sflag:s5] =	ssyncadd.s32 $0xFFFFB000  }
0x32c: {  	[hbm4b:s30+s2] =	stream.linear.scatter [tilespmem:s11], [sflag:$0x2], $0x5000, $0x38;
	[tilespmem:$0x1A900] =	vst v63  }
0x32d: {  	_ = 	snop  }
0x32e: {  	[tilespmem:s7], [sflag:$0x1] =	stream.indirect.gather [hbm4b:s3+s9], $0x80, s1, s9, $0xb8;
	[tilespmem:$0x1A900] =	vst v63  }
0x32f: {  	_ =	swait.ge [sflag:s5], $0x5000  }
0x330: {  	[sflag:s5] =	ssyncset.done $0x0  }
0x331: {  	s30 =	rddreg [dreg:$0x5];
	[sflag:s5] =	ssyncadd.s32 $0xFFFFB000  }
0x332: {  	[hbm4b:s30+s2] =	stream.linear.scatter [tilespmem:s10], [sflag:$0x2], $0x5000, $0x38;
	[tilespmem:$0x1A900] =	vst v63  }
0x333: {  	_ =	swait.ge [sflag:s4], $0x5000  }
0x334: {  	s31 =	sld [smem:$0x7EC]  }
0x335: {  	[sflag:s4] =	ssyncset.done $0x0  }
0x336: {  	[sflag:s4] =	ssyncadd.s32 $0xFFFFB000  }
0x337: {  	[tilespmem:s11], [sflag:$0x1] =	stream.indirect.gather [hbm4b:s3+s9], $0x80, s31, s9, $0xb8;
	[tilespmem:$0x1A900] =	vst v63  }
0x338: {  	_ =	swait.ge [sflag:s5], $0x5000  }
0x339: {  	[sflag:s5] =	ssyncset.done $0x0  }
0x33a: {  	s1 =	rddreg [dreg:$0x6];
	[sflag:s5] =	ssyncadd.s32 $0xFFFFB000  }
0x33b: {  	[hbm4b:s1+s2] =	stream.linear.scatter [tilespmem:s8], [sflag:$0x2], $0x5000, $0x38;
	[tilespmem:$0x1A900] =	vst v63  }
0x33c: {  	_ =	swait.ge [sflag:s4], $0x5000  }
0x33d: {  	s30 =	sld [smem:$0x7ED]  }
0x33e: {  	[sflag:s4] =	ssyncset.done $0x0  }
0x33f: {  	[sflag:s4] =	ssyncadd.s32 $0xFFFFB000  }
0x340: {  	[tilespmem:s10], [sflag:$0x1] =	stream.indirect.gather [hbm4b:s3+s9], $0x80, s30, s9, $0xb8;
	[tilespmem:$0x1A900] =	vst v63  }
0x341: {  	_ =	swait.ge [sflag:s5], $0x5000  }
0x342: {  	[sflag:s5] =	ssyncset.done $0x0  }
0x343: {  	s31 =	rddreg [dreg:$0x7];
	[sflag:s5] =	ssyncadd.s32 $0xFFFFB000  }
0x344: {  	[hbm4b:s31+s2] =	stream.linear.scatter [tilespmem:s6], [sflag:$0x2], $0x5000, $0x38;
	[tilespmem:$0x1A900] =	vst v63  }
0x345: {  	_ =	swait.ge [sflag:s4], $0x5000  }
0x346: {  	s1 =	sld [smem:$0x7EE]  }
0x347: {  	[sflag:s4] =	ssyncset.done $0x0  }
0x348: {  	[sflag:s4] =	ssyncadd.s32 $0xFFFFB000  }
0x349: {  	[tilespmem:s8], [sflag:$0x1] =	stream.indirect.gather [hbm4b:s3+s9], $0x80, s1, s9, $0xb8;
	[tilespmem:$0x1A900] =	vst v63  }
0x34a: {  	_ =	swait.ge [sflag:s5], $0x5000  }
0x34b: {  	[sflag:s5] =	ssyncset.done $0x0  }
0x34c: {  	s30 =	rddreg [dreg:$0x8];
	[sflag:s5] =	ssyncadd.s32 $0xFFFFB000  }
0x34d: {  	[hbm4b:s30+s2] =	stream.linear.scatter [tilespmem:s7], [sflag:$0x2], $0x5000, $0x38;
	[tilespmem:$0x1A900] =	vst v63  }
0x34e: {  	_ =	swait.ge [sflag:s4], $0x5000  }
0x34f: {  	s31 =	sld [smem:$0x7EF]  }
0x350: {  	[sflag:s4] =	ssyncset.done $0x0  }
0x351: {  	[sflag:s4] =	ssyncadd.s32 $0xFFFFB000  }
0x352: {  	[tilespmem:s6], [sflag:$0x1] =	stream.indirect.gather [hbm4b:s3+s9], $0x80, s31, s9, $0xb8;
	[tilespmem:$0x1A900] =	vst v63  }
0x353: {  	_ =	swait.ge [sflag:s5], $0x5000  }
0x354: {  	[sflag:s5] =	ssyncset.done $0x0  }
0x355: {  	s1 =	rddreg [dreg:$0x9];
	[sflag:s5] =	ssyncadd.s32 $0xFFFFB000  }
0x356: {  	[hbm4b:s1+s2] =	stream.linear.scatter [tilespmem:s11], [sflag:$0x2], $0x5000, $0x38;
	[tilespmem:$0x1A900] =	vst v63  }
0x357: {  	_ =	swait.ge [sflag:s4], $0x5000  }
0x358: {  	s30 =	sld [smem:$0x7F0]  }
0x359: {  	[sflag:s4] =	ssyncset.done $0x0  }
0x35a: {  	[sflag:s4] =	ssyncadd.s32 $0xFFFFB000  }
0x35b: {  	[tilespmem:s7], [sflag:$0x1] =	stream.indirect.gather [hbm4b:s3+s9], $0x80, s30, s9, $0xb8;
	[tilespmem:$0x1A900] =	vst v63  }
0x35c: {  	_ =	swait.ge [sflag:s5], $0x5000  }
0x35d: {  	[sflag:s5] =	ssyncset.done $0x0  }
0x35e: {  	s31 =	rddreg [dreg:$0xa];
	[sflag:s5] =	ssyncadd.s32 $0xFFFFB000  }
0x35f: {  	[hbm4b:s31+s2] =	stream.linear.scatter [tilespmem:s10], [sflag:$0x2], $0x5000, $0x38;
	[tilespmem:$0x1A900] =	vst v63  }
0x360: {  	_ =	swait.ge [sflag:s4], $0x5000  }
0x361: {  	s1 =	sld [smem:$0x7F1]  }
0x362: {  	[sflag:s4] =	ssyncset.done $0x0  }
0x363: {  	[sflag:s4] =	ssyncadd.s32 $0xFFFFB000  }
0x364: {  	[tilespmem:s11], [sflag:$0x1] =	stream.indirect.gather [hbm4b:s3+s9], $0x80, s1, s9, $0xb8;
	[tilespmem:$0x1A900] =	vst v63  }
0x365: {  	_ =	swait.ge [sflag:s5], $0x5000  }
0x366: {  	[sflag:s5] =	ssyncset.done $0x0  }
0x367: {  	s30 =	rddreg [dreg:$0xb];
	[sflag:s5] =	ssyncadd.s32 $0xFFFFB000  }
0x368: {  	[hbm4b:s30+s2] =	stream.linear.scatter [tilespmem:s8], [sflag:$0x2], $0x5000, $0x38;
	[tilespmem:$0x1A900] =	vst v63  }
0x369: {  	_ =	swait.ge [sflag:s4], $0x5000  }
0x36a: {  	s31 =	sld [smem:$0x7F2]  }
0x36b: {  	[sflag:s4] =	ssyncset.done $0x0  }
0x36c: {  	[sflag:s4] =	ssyncadd.s32 $0xFFFFB000  }
0x36d: {  	[tilespmem:s10], [sflag:$0x1] =	stream.indirect.gather [hbm4b:s3+s9], $0x80, s31, s9, $0xb8;
	[tilespmem:$0x1A900] =	vst v63  }
0x36e: {  	_ =	swait.ge [sflag:s5], $0x5000  }
0x36f: {  	[sflag:s5] =	ssyncset.done $0x0  }
0x370: {  	s1 =	rddreg [dreg:$0xc];
	[sflag:s5] =	ssyncadd.s32 $0xFFFFB000  }
0x371: {  	[hbm4b:s1+s2] =	stream.linear.scatter [tilespmem:s6], [sflag:$0x2], $0x5000, $0x38;
	[tilespmem:$0x1A900] =	vst v63  }
0x372: {  	_ =	swait.ge [sflag:s4], $0x5000  }
0x373: {  	s30 =	sld [smem:$0x7F3]  }
0x374: {  	[sflag:s4] =	ssyncset.done $0x0  }
0x375: {  	[sflag:s4] =	ssyncadd.s32 $0xFFFFB000  }
0x376: {  	[tilespmem:s8], [sflag:$0x1] =	stream.indirect.gather [hbm4b:s3+s9], $0x80, s30, s9, $0xb8;
	[tilespmem:$0x1A900] =	vst v63  }
0x377: {  	_ =	swait.ge [sflag:s5], $0x5000  }
0x378: {  	[sflag:s5] =	ssyncset.done $0x0  }
0x379: {  	s31 =	rddreg [dreg:$0xd];
	[sflag:s5] =	ssyncadd.s32 $0xFFFFB000  }
0x37a: {  	[hbm4b:s31+s2] =	stream.linear.scatter [tilespmem:s7], [sflag:$0x2], $0x5000, $0x38;
	[tilespmem:$0x1A900] =	vst v63  }
0x37b: {  	_ =	swait.ge [sflag:s4], $0x5000  }
0x37c: {  	s1 =	sld [smem:$0x7F4]  }
0x37d: {  	[sflag:s4] =	ssyncset.done $0x0  }
0x37e: {  	[sflag:s4] =	ssyncadd.s32 $0xFFFFB000  }
0x37f: {  	[tilespmem:s6], [sflag:$0x1] =	stream.indirect.gather [hbm4b:s3+s9], $0x80, s1, s9, $0xb8;
	[tilespmem:$0x1A900] =	vst v63  }
0x380: {  	_ =	swait.ge [sflag:s5], $0x5000  }
0x381: {  	[sflag:s5] =	ssyncset.done $0x0  }
0x382: {  	s30 =	rddreg [dreg:$0xe];
	[sflag:s5] =	ssyncadd.s32 $0xFFFFB000  }
0x383: {  	[hbm4b:s30+s2] =	stream.linear.scatter [tilespmem:s11], [sflag:$0x2], $0x5000, $0x38;
	[tilespmem:$0x1A900] =	vst v63  }
0x384: {  	_ =	swait.ge [sflag:s4], $0x5000  }
0x385: {  	s31 =	sld [smem:$0x7F5]  }
0x386: {  	[sflag:s4] =	ssyncset.done $0x0  }
0x387: {  	[sflag:s4] =	ssyncadd.s32 $0xFFFFB000  }
0x388: {  	[tilespmem:s7], [sflag:$0x1] =	stream.indirect.gather [hbm4b:s3+s9], $0x80, s31, s9, $0xb8;
	[tilespmem:$0x1A900] =	vst v63  }
0x389: {  	_ =	swait.ge [sflag:s5], $0x5000  }
0x38a: {  	[sflag:s5] =	ssyncset.done $0x0  }
0x38b: {  	s1 =	rddreg [dreg:$0xf];
	[sflag:s5] =	ssyncadd.s32 $0xFFFFB000  }
0x38c: {  	[hbm4b:s1+s2] =	stream.linear.scatter [tilespmem:s10], [sflag:$0x2], $0x5000, $0x38;
	[tilespmem:$0x1A900] =	vst v63  }
0x38d: {  	_ =	swait.ge [sflag:s4], $0x5000  }
0x38e: {  	s30 =	sld [smem:$0x7F6]  }
0x38f: {  	[sflag:s4] =	ssyncset.done $0x0  }
0x390: {  	[sflag:s4] =	ssyncadd.s32 $0xFFFFB000  }
0x391: {  	[tilespmem:s11], [sflag:$0x1] =	stream.indirect.gather [hbm4b:s3+s9], $0x80, s30, s9, $0xb8;
	[tilespmem:$0x1A900] =	vst v63  }
0x392: {  	_ =	swait.ge [sflag:s5], $0x5000  }
0x393: {  	[sflag:s5] =	ssyncset.done $0x0  }
0x394: {  	s31 =	rddreg [dreg:$0x10];
	[sflag:s5] =	ssyncadd.s32 $0xFFFFB000  }
0x395: {  	[hbm4b:s31+s2] =	stream.linear.scatter [tilespmem:s8], [sflag:$0x2], $0x5000, $0x38;
	[tilespmem:$0x1A900] =	vst v63  }
0x396: {  	_ =	swait.ge [sflag:s4], $0x5000  }
0x397: {  	s1 =	sld [smem:$0x7F7]  }
0x398: {  	[sflag:s4] =	ssyncset.done $0x0  }
0x399: {  	[sflag:s4] =	ssyncadd.s32 $0xFFFFB000  }
0x39a: {  	[tilespmem:s10], [sflag:$0x1] =	stream.indirect.gather [hbm4b:s3+s9], $0x80, s1, s9, $0xb8;
	[tilespmem:$0x1A900] =	vst v63  }
0x39b: {  	_ =	swait.ge [sflag:s5], $0x5000  }
0x39c: {  	[sflag:s5] =	ssyncset.done $0x0  }
0x39d: {  	s30 =	rddreg [dreg:$0x11];
	[sflag:s5] =	ssyncadd.s32 $0xFFFFB000  }
0x39e: {  	[hbm4b:s30+s2] =	stream.linear.scatter [tilespmem:s6], [sflag:$0x2], $0x5000, $0x38;
	[tilespmem:$0x1A900] =	vst v63  }
0x39f: {  	_ =	swait.ge [sflag:s4], $0x5000  }
0x3a0: {  	s31 =	sld [smem:$0x7F8]  }
0x3a1: {  	[sflag:s4] =	ssyncset.done $0x0  }
0x3a2: {  	[sflag:s4] =	ssyncadd.s32 $0xFFFFB000  }
0x3a3: {  	[tilespmem:s8], [sflag:$0x1] =	stream.indirect.gather [hbm4b:s3+s9], $0x80, s31, s9, $0xb8;
	[tilespmem:$0x1A900] =	vst v63  }
0x3a4: {  	_ =	swait.ge [sflag:s5], $0x5000  }
0x3a5: {  	[sflag:s5] =	ssyncset.done $0x0  }
0x3a6: {  	s1 =	rddreg [dreg:$0x12];
	[sflag:s5] =	ssyncadd.s32 $0xFFFFB000  }
0x3a7: {  	[hbm4b:s1+s2] =	stream.linear.scatter [tilespmem:s7], [sflag:$0x2], $0x5000, $0x38;
	[tilespmem:$0x1A900] =	vst v63  }
0x3a8: {  	_ =	swait.ge [sflag:s4], $0x5000  }
0x3a9: {  	s30 =	sld [smem:$0x7F9]  }
0x3aa: {  	[sflag:s4] =	ssyncset.done $0x0  }
0x3ab: {  	[sflag:s4] =	ssyncadd.s32 $0xFFFFB000  }
0x3ac: {  	[tilespmem:s6], [sflag:$0x1] =	stream.indirect.gather [hbm4b:s3+s9], $0x80, s30, s9, $0xb8;
	[tilespmem:$0x1A900] =	vst v63  }
0x3ad: {  	_ =	swait.ge [sflag:s5], $0x5000  }
0x3ae: {  	[sflag:s5] =	ssyncset.done $0x0  }
0x3af: {  	s31 =	rddreg [dreg:$0x13];
	[sflag:s5] =	ssyncadd.s32 $0xFFFFB000  }
0x3b0: {  	[hbm4b:s31+s2] =	stream.linear.scatter [tilespmem:s11], [sflag:$0x2], $0x5000, $0x38;
	[tilespmem:$0x1A900] =	vst v63  }
0x3b1: {  	_ =	swait.ge [sflag:s4], $0x5000  }
0x3b2: {  	s1 =	sld [smem:$0x7FA]  }
0x3b3: {  	[sflag:s4] =	ssyncset.done $0x0  }
0x3b4: {  	[sflag:s4] =	ssyncadd.s32 $0xFFFFB000  }
0x3b5: {  	[tilespmem:s7], [sflag:$0x1] =	stream.indirect.gather [hbm4b:s3+s9], $0x80, s1, s9, $0xb8;
	[tilespmem:$0x1A900] =	vst v63  }
0x3b6: {  	_ =	swait.ge [sflag:s5], $0x5000  }
0x3b7: {  	[sflag:s5] =	ssyncset.done $0x0  }
0x3b8: {  	s30 =	rddreg [dreg:$0x14];
	[sflag:s5] =	ssyncadd.s32 $0xFFFFB000  }
0x3b9: {  	[hbm4b:s30+s2] =	stream.linear.scatter [tilespmem:s10], [sflag:$0x2], $0x5000, $0x38;
	[tilespmem:$0x1A900] =	vst v63  }
0x3ba: {  	_ =	swait.ge [sflag:s4], $0x5000  }
0x3bb: {  	s31 =	sld [smem:$0x7FB]  }
0x3bc: {  	[sflag:s4] =	ssyncset.done $0x0  }
0x3bd: {  	[sflag:s4] =	ssyncadd.s32 $0xFFFFB000  }
0x3be: {  	[tilespmem:s11], [sflag:$0x1] =	stream.indirect.gather [hbm4b:s3+s9], $0x80, s31, s9, $0xb8;
	[tilespmem:$0x1A900] =	vst v63  }
0x3bf: {  	_ =	swait.ge [sflag:s5], $0x5000  }
0x3c0: {  	[sflag:s5] =	ssyncset.done $0x0  }
0x3c1: {  	s1 =	rddreg [dreg:$0x15];
	[sflag:s5] =	ssyncadd.s32 $0xFFFFB000  }
0x3c2: {  	[hbm4b:s1+s2] =	stream.linear.scatter [tilespmem:s8], [sflag:$0x2], $0x5000, $0x38;
	[tilespmem:$0x1A900] =	vst v63  }
0x3c3: {  	_ =	swait.ge [sflag:s4], $0x5000  }
0x3c4: {  	s30 =	sld [smem:$0x7FC]  }
0x3c5: {  	[sflag:s4] =	ssyncset.done $0x0  }
0x3c6: {  	[sflag:s4] =	ssyncadd.s32 $0xFFFFB000  }
0x3c7: {  	[tilespmem:s10], [sflag:$0x1] =	stream.indirect.gather [hbm4b:s3+s9], $0x80, s30, s9, $0xb8;
	[tilespmem:$0x1A900] =	vst v63  }
0x3c8: {  	_ =	swait.ge [sflag:s5], $0x5000  }
0x3c9: {  	[sflag:s5] =	ssyncset.done $0x0  }
0x3ca: {  	s31 =	rddreg [dreg:$0x16];
	[sflag:s5] =	ssyncadd.s32 $0xFFFFB000  }
0x3cb: {  	[hbm4b:s31+s2] =	stream.linear.scatter [tilespmem:s6], [sflag:$0x2], $0x5000, $0x38;
	[tilespmem:$0x1A900] =	vst v63  }
0x3cc: {  	_ =	swait.ge [sflag:s4], $0x5000  }
0x3cd: {  	s1 =	sld [smem:$0x7FD]  }
0x3ce: {  	[sflag:s4] =	ssyncset.done $0x0  }
0x3cf: {  	[sflag:s4] =	ssyncadd.s32 $0xFFFFB000  }
0x3d0: {  	[tilespmem:s8], [sflag:$0x1] =	stream.indirect.gather [hbm4b:s3+s9], $0x80, s1, s9, $0xb8;
	[tilespmem:$0x1A900] =	vst v63  }
0x3d1: {  	_ =	swait.ge [sflag:s5], $0x5000  }
0x3d2: {  	[sflag:s5] =	ssyncset.done $0x0  }
0x3d3: {  	s30 =	rddreg [dreg:$0x17];
	[sflag:s5] =	ssyncadd.s32 $0xFFFFB000  }
0x3d4: {  	[hbm4b:s30+s2] =	stream.linear.scatter [tilespmem:s7], [sflag:$0x2], $0x5000, $0x38;
	[tilespmem:$0x1A900] =	vst v63  }
0x3d5: {  	_ =	swait.ge [sflag:s4], $0x5000  }
0x3d6: {  	[sflag:s4] =	ssyncset.done $0x0  }
0x3d7: {  	[sflag:s4] =	ssyncadd.s32 $0xFFFFB000  }
0x3d8: {  	[tilespmem:s6], [sflag:$0x1] =	stream.indirect.gather [hbm4b:s3+s9], $0x80, s13, s9, $0xb8;
	[tilespmem:$0x1A900] =	vst v63  }
0x3d9: {  	_ =	swait.ge [sflag:s5], $0x5000  }
0x3da: {  	[sflag:s5] =	ssyncset.done $0x0  }
0x3db: {  	s31 =	rddreg [dreg:$0x18];
	[sflag:s5] =	ssyncadd.s32 $0xFFFFB000  }
0x3dc: {  	[hbm4b:s31+s2] =	stream.linear.scatter [tilespmem:s11], [sflag:$0x2], $0x5000, $0x38;
	[tilespmem:$0x1A900] =	vst v63  }
0x3dd: {  	_ =	swait.ge [sflag:s4], $0x5000  }
0x3de: {  	[sflag:s4] =	ssyncset.done $0x0  }
0x3df: {  	[sflag:s4] =	ssyncadd.s32 $0xFFFFB000  }
0x3e0: {  	[tilespmem:s7], [sflag:$0x1] =	stream.indirect.gather [hbm4b:s3+s9], $0x80, s29, s9, $0xb8;
	[tilespmem:$0x1A900] =	vst v63  }
0x3e1: {  	_ =	swait.ge [sflag:s5], $0x5000  }
0x3e2: {  	[sflag:s5] =	ssyncset.done $0x0  }
0x3e3: {  	s1 =	rddreg [dreg:$0x19];
	[sflag:s5] =	ssyncadd.s32 $0xFFFFB000  }
0x3e4: {  	[hbm4b:s1+s2] =	stream.linear.scatter [tilespmem:s10], [sflag:$0x2], $0x5000, $0x38;
	[tilespmem:$0x1A900] =	vst v63  }
0x3e5: {  	_ =	swait.ge [sflag:s4], $0x5000  }
0x3e6: {  	[sflag:s4] =	ssyncset.done $0x0  }
0x3e7: {  	[sflag:s4] =	ssyncadd.s32 $0xFFFFB000  }
0x3e8: {  	[tilespmem:s11], [sflag:$0x1] =	stream.indirect.gather [hbm4b:s3+s9], $0x80, s28, s9, $0xb8;
	[tilespmem:$0x1A900] =	vst v63  }
0x3e9: {  	_ =	swait.ge [sflag:s5], $0x5000  }
0x3ea: {  	[sflag:s5] =	ssyncset.done $0x0  }
0x3eb: {  	s13 =	rddreg [dreg:$0x1a];
	[sflag:s5] =	ssyncadd.s32 $0xFFFFB000  }
0x3ec: {  	[hbm4b:s13+s2] =	stream.linear.scatter [tilespmem:s8], [sflag:$0x2], $0x5000, $0x38;
	[tilespmem:$0x1A900] =	vst v63  }
0x3ed: {  	_ =	swait.ge [sflag:s4], $0x5000  }
0x3ee: {  	[sflag:s4] =	ssyncset.done $0x0  }
0x3ef: {  	[sflag:s4] =	ssyncadd.s32 $0xFFFFB000  }
0x3f0: {  	[tilespmem:s10], [sflag:$0x1] =	stream.indirect.gather [hbm4b:s3+s9], $0x80, s26, s9, $0xb8;
	[tilespmem:$0x1A900] =	vst v63  }
0x3f1: {  	_ =	swait.ge [sflag:s5], $0x5000  }
0x3f2: {  	[sflag:s5] =	ssyncset.done $0x0  }
0x3f3: {  	s26 =	rddreg [dreg:$0x1b];
	[sflag:s5] =	ssyncadd.s32 $0xFFFFB000  }
0x3f4: {  	[hbm4b:s26+s2] =	stream.linear.scatter [tilespmem:s6], [sflag:$0x2], $0x5000, $0x38;
	[tilespmem:$0x1A900] =	vst v63  }
0x3f5: {  	_ =	swait.ge [sflag:s4], $0x5000  }
0x3f6: {  	[sflag:s4] =	ssyncset.done $0x0  }
0x3f7: {  	[sflag:s4] =	ssyncadd.s32 $0xFFFFB000  }
0x3f8: {  	[tilespmem:s8], [sflag:$0x1] =	stream.indirect.gather [hbm4b:s3+s9], $0x80, s25, s9, $0xb8;
	[tilespmem:$0x1A900] =	vst v63  }
0x3f9: {  	_ =	swait.ge [sflag:s5], $0x5000  }
0x3fa: {  	[sflag:s5] =	ssyncset.done $0x0  }
0x3fb: {  	s28 =	rddreg [dreg:$0x1c];
	[sflag:s5] =	ssyncadd.s32 $0xFFFFB000  }
0x3fc: {  	[hbm4b:s28+s2] =	stream.linear.scatter [tilespmem:s7], [sflag:$0x2], $0x5000, $0x38;
	[tilespmem:$0x1A900] =	vst v63  }
0x3fd: {  	_ =	swait.ge [sflag:s4], $0x5000  }
0x3fe: {  	[sflag:s4] =	ssyncset.done $0x0  }
0x3ff: {  	[sflag:s4] =	ssyncadd.s32 $0xFFFFB000  }
0x400: {  	[tilespmem:s6], [sflag:$0x1] =	stream.indirect.gather [hbm4b:s3+s9], $0x80, s24, s9, $0xb8;
	[tilespmem:$0x1A900] =	vst v63  }
0x401: {  	_ =	swait.ge [sflag:s5], $0x5000  }
0x402: {  	[sflag:s5] =	ssyncset.done $0x0  }
0x403: {  	s29 =	rddreg [dreg:$0x1d];
	[sflag:s5] =	ssyncadd.s32 $0xFFFFB000  }
0x404: {  	[hbm4b:s29+s2] =	stream.linear.scatter [tilespmem:s11], [sflag:$0x2], $0x5000, $0x38;
	[tilespmem:$0x1A900] =	vst v63  }
0x405: {  	_ =	swait.ge [sflag:s4], $0x5000  }
0x406: {  	[sflag:s4] =	ssyncset.done $0x0  }
0x407: {  	[sflag:s4] =	ssyncadd.s32 $0xFFFFB000  }
0x408: {  	[tilespmem:s7], [sflag:$0x1] =	stream.indirect.gather [hbm4b:s3+s9], $0x80, s23, s9, $0xb8;
	[tilespmem:$0x1A900] =	vst v63  }
0x409: {  	_ =	swait.ge [sflag:s5], $0x5000  }
0x40a: {  	[sflag:s5] =	ssyncset.done $0x0  }
0x40b: {  	s30 =	rddreg [dreg:$0x1e];
	[sflag:s5] =	ssyncadd.s32 $0xFFFFB000  }
0x40c: {  	[hbm4b:s30+s2] =	stream.linear.scatter [tilespmem:s10], [sflag:$0x2], $0x5000, $0x38;
	[tilespmem:$0x1A900] =	vst v63  }
0x40d: {  	_ =	swait.ge [sflag:s4], $0x5000  }
0x40e: {  	[sflag:s4] =	ssyncset.done $0x0  }
0x40f: {  	[sflag:s4] =	ssyncadd.s32 $0xFFFFB000  }
0x410: {  	[tilespmem:s11], [sflag:$0x1] =	stream.indirect.gather [hbm4b:s3+s9], $0x80, s22, s9, $0xb8;
	[tilespmem:$0x1A900] =	vst v63  }
0x411: {  	_ =	swait.ge [sflag:s5], $0x5000  }
0x412: {  	[sflag:s5] =	ssyncset.done $0x0  }
0x413: {  	s31 =	rddreg [dreg:$0x1f];
	[sflag:s5] =	ssyncadd.s32 $0xFFFFB000  }
0x414: {  	[hbm4b:s31+s2] =	stream.linear.scatter [tilespmem:s8], [sflag:$0x2], $0x5000, $0x38;
	[tilespmem:$0x1A900] =	vst v63  }
0x415: {  	_ =	swait.ge [sflag:s4], $0x5000  }
0x416: {  	[sflag:s4] =	ssyncset.done $0x0  }
0x417: {  	[sflag:s4] =	ssyncadd.s32 $0xFFFFB000  }
0x418: {  	[tilespmem:s10], [sflag:$0x1] =	stream.indirect.gather [hbm4b:s3+s9], $0x80, s21, s9, $0xb8;
	[tilespmem:$0x1A900] =	vst v63  }
0x419: {  	_ =	swait.ge [sflag:s5], $0x5000  }
0x41a: {  	s1 =	sld [smem:$0x7DD]  }
0x41b: {  	[sflag:s5] =	ssyncset.done $0x0  }
0x41c: {  	[sflag:s5] =	ssyncadd.s32 $0xFFFFB000  }
0x41d: {  	[hbm4b:s1+s2] =	stream.linear.scatter [tilespmem:s6], [sflag:$0x2], $0x5000, $0x38;
	[tilespmem:$0x1A900] =	vst v63  }
0x41e: {  	_ =	swait.ge [sflag:s4], $0x5000  }
0x41f: {  	[sflag:s4] =	ssyncset.done $0x0  }
0x420: {  	[sflag:s4] =	ssyncadd.s32 $0xFFFFB000  }
0x421: {  	[tilespmem:s8], [sflag:$0x1] =	stream.indirect.gather [hbm4b:s3+s9], $0x80, s20, s9, $0xb8;
	[tilespmem:$0x1A900] =	vst v63  }
0x422: {  	_ =	swait.ge [sflag:s5], $0x5000  }
0x423: {  	s13 =	sld [smem:$0x7DE]  }
0x424: {  	[sflag:s5] =	ssyncset.done $0x0  }
0x425: {  	[sflag:s5] =	ssyncadd.s32 $0xFFFFB000  }
0x426: {  	[hbm4b:s13+s2] =	stream.linear.scatter [tilespmem:s7], [sflag:$0x2], $0x5000, $0x38;
	[tilespmem:$0x1A900] =	vst v63  }
0x427: {  	_ =	swait.ge [sflag:s4], $0x5000  }
0x428: {  	[sflag:s4] =	ssyncset.done $0x0  }
0x429: {  	[sflag:s4] =	ssyncadd.s32 $0xFFFFB000  }
0x42a: {  	[tilespmem:s6], [sflag:$0x1] =	stream.indirect.gather [hbm4b:s3+s9], $0x80, s19, s9, $0xb8;
	[tilespmem:$0x1A900] =	vst v63  }
0x42b: {  	_ =	swait.ge [sflag:s5], $0x5000  }
0x42c: {  	s20 =	sld [smem:$0x7DF]  }
0x42d: {  	[sflag:s5] =	ssyncset.done $0x0  }
0x42e: {  	[sflag:s5] =	ssyncadd.s32 $0xFFFFB000  }
0x42f: {  	[hbm4b:s20+s2] =	stream.linear.scatter [tilespmem:s11], [sflag:$0x2], $0x5000, $0x38;
	[tilespmem:$0x1A900] =	vst v63  }
0x430: {  	_ =	swait.ge [sflag:s4], $0x5000  }
0x431: {  	[sflag:s4] =	ssyncset.done $0x0  }
0x432: {  	[sflag:s4] =	ssyncadd.s32 $0xFFFFB000  }
0x433: {  	[tilespmem:s7], [sflag:$0x1] =	stream.indirect.gather [hbm4b:s3+s9], $0x80, s18, s9, $0xb8;
	[tilespmem:$0x1A900] =	vst v63  }
0x434: {  	_ =	swait.ge [sflag:s5], $0x5000  }
0x435: {  	s21 =	sld [smem:$0x7E0]  }
0x436: {  	[sflag:s5] =	ssyncset.done $0x0  }
0x437: {  	[sflag:s5] =	ssyncadd.s32 $0xFFFFB000  }
0x438: {  	[hbm4b:s21+s2] =	stream.linear.scatter [tilespmem:s10], [sflag:$0x2], $0x5000, $0x38;
	[tilespmem:$0x1A900] =	vst v63  }
0x439: {  	_ =	swait.ge [sflag:s4], $0x5000  }
0x43a: {  	[sflag:s4] =	ssyncset.done $0x0  }
0x43b: {  	[sflag:s4] =	ssyncadd.s32 $0xFFFFB000  }
0x43c: {  	[tilespmem:s11], [sflag:$0x1] =	stream.indirect.gather [hbm4b:s3+s9], $0x80, s17, s9, $0xb8;
	[tilespmem:$0x1A900] =	vst v63  }
0x43d: {  	_ =	swait.ge [sflag:s5], $0x5000  }
0x43e: {  	s22 =	sld [smem:$0x7E1]  }
0x43f: {  	[sflag:s5] =	ssyncset.done $0x0  }
0x440: {  	[sflag:s5] =	ssyncadd.s32 $0xFFFFB000  }
0x441: {  	[hbm4b:s22+s2] =	stream.linear.scatter [tilespmem:s8], [sflag:$0x2], $0x5000, $0x38;
	[tilespmem:$0x1A900] =	vst v63  }
0x442: {  	_ =	swait.ge [sflag:s4], $0x5000  }
0x443: {  	[sflag:s4] =	ssyncset.done $0x0  }
0x444: {  	[sflag:s4] =	ssyncadd.s32 $0xFFFFB000  }
0x445: {  	[tilespmem:s10], [sflag:$0x1] =	stream.indirect.gather [hbm4b:s3+s9], $0x80, s16, s9, $0xb8;
	[tilespmem:$0x1A900] =	vst v63  }
0x446: {  	_ =	swait.ge [sflag:s5], $0x5000  }
0x447: {  	s23 =	sld [smem:$0x7E2]  }
0x448: {  	[sflag:s5] =	ssyncset.done $0x0  }
0x449: {  	[sflag:s5] =	ssyncadd.s32 $0xFFFFB000  }
0x44a: {  	[hbm4b:s23+s2] =	stream.linear.scatter [tilespmem:s6], [sflag:$0x2], $0x5000, $0x38;
	[tilespmem:$0x1A900] =	vst v63  }
0x44b: {  	_ =	swait.ge [sflag:s4], $0x5000  }
0x44c: {  	[sflag:s4] =	ssyncset.done $0x0  }
0x44d: {  	[sflag:s4] =	ssyncadd.s32 $0xFFFFB000  }
0x44e: {  	[tilespmem:s8], [sflag:$0x1] =	stream.indirect.gather [hbm4b:s3+s9], $0x80, s15, s9, $0xb8;
	[tilespmem:$0x1A900] =	vst v63  }
0x44f: {  	_ =	swait.ge [sflag:s5], $0x5000  }
0x450: {  	s24 =	sld [smem:$0x7E3]  }
0x451: {  	[sflag:s5] =	ssyncset.done $0x0  }
0x452: {  	[sflag:s5] =	ssyncadd.s32 $0xFFFFB000  }
0x453: {  	[hbm4b:s24+s2] =	stream.linear.scatter [tilespmem:s7], [sflag:$0x2], $0x5000, $0x38;
	[tilespmem:$0x1A900] =	vst v63  }
0x454: {  	_ =	swait.ge [sflag:s4], $0x5000  }
0x455: {  	[sflag:s4] =	ssyncset.done $0x0  }
0x456: {  	[sflag:s4] =	ssyncadd.s32 $0xFFFFB000  }
0x457: {  	[tilespmem:s6], [sflag:$0x1] =	stream.indirect.gather [hbm4b:s3+s9], $0x80, s14, s9, $0xb8;
	[tilespmem:$0x1A900] =	vst v63  }
0x458: {  	_ =	swait.ge [sflag:s5], $0x5000  }
0x459: {  	s25 =	sld [smem:$0x7E4]  }
0x45a: {  	[sflag:s5] =	ssyncset.done $0x0  }
0x45b: {  	[sflag:s5] =	ssyncadd.s32 $0xFFFFB000  }
0x45c: {  	[hbm4b:s25+s2] =	stream.linear.scatter [tilespmem:s11], [sflag:$0x2], $0x5000, $0x38;
	[tilespmem:$0x1A900] =	vst v63  }
0x45d: {  	_ =	swait.ge [sflag:s4], $0x5000  }
0x45e: {  	[sflag:s4] =	ssyncset.done $0x0  }
0x45f: {  	s26 =	simm.s32 $0x1860;
	[sflag:s4] =	ssyncadd.s32 $0xFFFFB000  }
0x460: {  	[tilespmem:s7], [sflag:$0x1] =	stream.indirect.gather [hbm4b:s3+s9], $0x80, s26, s9, $0xb8;
	[tilespmem:$0x1A900] =	vst v63  }
0x461: {  	_ =	swait.ge [sflag:s5], $0x5000  }
0x462: {  	s28 =	sld [smem:$0x7E5]  }
0x463: {  	[sflag:s5] =	ssyncset.done $0x0  }
0x464: {  	[sflag:s5] =	ssyncadd.s32 $0xFFFFB000  }
0x465: {  	[hbm4b:s28+s2] =	stream.linear.scatter [tilespmem:s10], [sflag:$0x2], $0x5000, $0x38;
	[tilespmem:$0x1A900] =	vst v63  }
0x466: {  	_ =	swait.ge [sflag:s5], $0x5000  }
0x467: {  	s29 =	sld [smem:$0x7E6]  }
0x468: {  	[sflag:s5] =	ssyncset.done $0x0  }
0x469: {  	[sflag:s5] =	ssyncadd.s32 $0xFFFFB000  }
0x46a: {  	[hbm4b:s29+s2] =	stream.linear.scatter [tilespmem:s8], [sflag:$0x2], $0x5000, $0x38;
	[tilespmem:$0x1A900] =	vst v63  }
0x46b: {  	_ =	swait.ge [sflag:s5], $0x5000  }
0x46c: {  	s30 =	sld [smem:$0x7E7]  }
0x46d: {  	[sflag:s5] =	ssyncset.done $0x0  }
0x46e: {  	[sflag:s5] =	ssyncadd.s32 $0xFFFFB000  }
0x46f: {  	[hbm4b:s30+s2] =	stream.linear.scatter [tilespmem:s6], [sflag:$0x2], $0x5000, $0x38;
	[tilespmem:$0x1A900] =	vst v63  }
0x470: {  	_ =	swait.ge [sflag:s5], $0x5000  }
0x471: {  	s31 =	sld [smem:$0x7E8]  }
0x472: {  	[sflag:s5] =	ssyncset.done $0x0  }
0x473: {  	[sflag:s5] =	ssyncadd.s32 $0xFFFFB000  }
0x474: {  	[hbm4b:s31+s2] =	stream.linear.scatter [tilespmem:s7], [sflag:$0x2], $0x5000, $0x38;
	[tilespmem:$0x1A900] =	vst v63  }
0x475: {  	_ =	swait.ge [sflag:s4], $0x5000  }
0x476: {  	[sflag:s4] =	ssyncset.done $0x0  }
0x477: {  	[sflag:s4] =	ssyncadd.s32 $0xFFFFB000  }
0x478: {  	_ =	swait.ge [sflag:s4], $0x5000  }
0x479: {  	[sflag:s4] =	ssyncset.done $0x0  }
0x47a: {  	[sflag:s4] =	ssyncadd.s32 $0xFFFFB000  }
0x47b: {  	_ =	swait.ge [sflag:s4], $0x5000  }
0x47c: {  	[sflag:s4] =	ssyncset.done $0x0  }
0x47d: {  	[sflag:s4] =	ssyncadd.s32 $0xFFFFB000  }
0x47e: {  	_ =	swait.ge [sflag:s4], $0x5000  }
0x47f: {  	[sflag:s4] =	ssyncset.done $0x0  }
0x480: {  	[sflag:s4] =	ssyncadd.s32 $0xFFFFB000  }
0x481: {  	_ =	swait.ge [sflag:s4], $0x5000  }
0x482: {  	[sflag:s4] =	ssyncset.done $0x0  }
0x483: {  	[sflag:s4] =	ssyncadd.s32 $0xFFFFB000  }
0x484: {  	_ =	sfence.sel $0x180000  }
0x485: {  	[bflag:$0x0] =	sbarrier.arrive $0xFFFF  }
0x486: {  	_ =	strace $0x90000047  }
0x487: {  	[bflag:$0x2] =	sbarrier.arrive $0xFFFF  }
0x488: {  	p0 =	sne.s32 s12, $0x0;
	s0 =	rddreg [dreg:$0x3]  }
0x489: {  	s0 =	sadd.s32 @!p0 $0x100000, s0  }
0x48a: {  	[sflag:s0] =	ssyncadd.tile.s32 @!p0 $0x1;
	_ =	shalt  }
.LBB2_1:
0x48b: {  	s13 =	simm.s32 $0xE60;
	s29 =	simm.s32 $0xF00  }
.Ltmp3:
0x48c: {  	s28 =	simm.s32 $0xFA0;
	s26 =	simm.s32 $0x1040;
	(pc) =	sbr.rel .LBB2_6-.Ltmp3, $4  }
0x48d: {  	s25 =	simm.s32 $0x10E0;
	s24 =	simm.s32 $0x1180;
	s23 =	simm.s32 $0x1220  }
0x48e: {  	s22 =	simm.s32 $0x12C0;
	s21 =	simm.s32 $0x1360;
	s20 =	simm.s32 $0x1400  }
0x48f: {  	s19 =	simm.s32 $0x14A0;
	s18 =	simm.s32 $0x1540;
	s17 =	simm.s32 $0x15E0  }
0x490: {  	s16 =	simm.s32 $0x1680;
	s15 =	simm.s32 $0x1720;
	s14 =	simm.s32 $0x17C0  }
.LBB2_3:
0x491: {  	s13 =	simm.s32 $0xE60;
	s29 =	simm.s32 $0xF00;
	s28 =	simm.s32 $0xFA0  }
.Ltmp4:
0x492: {  	s26 =	simm.s32 $0x1040;
	s25 =	simm.s32 $0x10E0;
	(pc) =	sbr.rel .LBB2_6-.Ltmp4, $4  }
0x493: {  	s24 =	simm.s32 $0x1180;
	s23 =	simm.s32 $0x1220;
	s22 =	simm.s32 $0x12C0  }
0x494: {  	s21 =	simm.s32 $0x1360;
	s20 =	simm.s32 $0x1400;
	s19 =	simm.s32 $0x14A0  }
0x495: {  	s18 =	simm.s32 $0x1540;
	s17 =	simm.s32 $0x15E0;
	s16 =	simm.s32 $0x1680  }
0x496: {  	s15 =	simm.s32 $0x1720;
	s14 =	simm.s32 $0x17C0;
	s12 =	stileid.u32  }
.Lfunc_end2:
_tile_overlayer_lowered:
.L_overlay_start_2:
0x497: {  	(tag) =	ssettag $0x2  }
0x498: {  	s0 =	rddreg [dreg:$0x0];
	s2 =	stileid.u32  }
0x499: {  	s1 =	rddreg [dreg:$0x1];
	p0 =	sne.s32 s2, $0x0  }
0x49a: {  	s3 =	rddreg [dreg:$0x2];
	[bflag:$0x3] =	sbarrier.arrive $0xFFFF;
	s2 =	simm.s32 @!p0 $0x1C03  }
0x49b: {  	[timem:s3], [sflag:s2] =	dma.local @!p0 [hbm:s0], s1  }
0x49c: {  	s0 =	simm.s32 @!p0 $0x3  }
0x49d: {  	_ =	swait.ge @!p0 [sflag:s0], s1  }
0x49e: {  	s1 =	ssub.s32 @!p0 $0x0, s1;
	[sflag:s0] =	ssyncset.done @!p0 $0x0  }
0x49f: {  	[sflag:s0] =	ssyncadd.s32 @!p0 s1  }
0x4a0: {  	[bflag:$0x3] =	sbarrier.arrive $0xFFFF  }
0x4a1: {  	_ =	shalt  }

</sc_bundles>
